<compile_context>
chip_gen: v7x
topology: tpu7x:2x2x1
jax: 0.10.2.dev20260603
libtpu: 0.0.44.dev20260713+nightly
codegen_flags: <defaults>
</compile_context>

<pallas_src>
import functools

import jax
import jax.numpy as jnp
from jax import lax
from jax.experimental import pallas as pl
from jax.experimental.pallas import tpu as pltpu
from jax.experimental.pallas import tpu_sc as plsc

_N = 10000
_D = 128
_E = 320000
_NC = 2
_NS = 16
_NW = _NC * _NS
_CH = 120
_NCH = 84
_EPAD = _NW * _NCH * _CH
_GB = 3
_IS = 6
_NP = 10240
_RPT = _NP // _NS


def _spmm_sc(epk, mat, zeros):
    mesh = plsc.VectorSubcoreMesh(core_axis_name="c", subcore_axis_name="s",
                                  num_cores=_NC, num_subcores=_NS)

    @functools.partial(
        pl.kernel,
        out_type=jax.ShapeDtypeStruct((_NC * _NP, _D), jnp.float32),
        mesh=mesh,
        scratch_types=(
            [pltpu.VMEM((3, _CH), jnp.int32) for _ in range(_IS)]
            + [pltpu.VMEM((_CH, _D), jnp.float32) for _ in range(_GB)]
            + [pltpu.VMEM_SHARED((_NP, _D), jnp.float32)]
            + [pltpu.SemaphoreType.DMA for _ in range(_IS + 2 * _GB)]
        ),
        compiler_params=pltpu.CompilerParams(needs_layout_passes=False),
    )
    def k(epk_h, mat_h, z_h, out_h, *sc):
        ibufs = sc[:_IS]
        gbufs = sc[_IS:_IS + _GB]
        acc = sc[_IS + _GB]
        isems = sc[_IS + _GB + 1:_IS + _GB + 1 + _IS]
        gsems = sc[_IS + _GB + 1 + _IS:_IS + _GB + 1 + _IS + _GB]
        ssems = sc[_IS + _GB + 1 + _IS + _GB:]
        c = lax.axis_index("c")
        s = lax.axis_index("s")
        wid = s * _NC + c
        pltpu.sync_copy(z_h, acc.at[pl.ds(s * _RPT, _RPT)])
        plsc.subcore_barrier()

        def fire_stage(ch, m):
            pltpu.async_copy(epk_h.at[wid, ch], ibufs[m], isems[m])

        def fire_gather(ch, m, b):
            pltpu.make_async_copy(epk_h.at[wid, ch], ibufs[m], isems[m]).wait()
            pltpu.async_copy(mat_h.at[ibufs[m].at[0]], gbufs[b], gsems[b])

        def scale(m, b):
            @plsc.parallel_loop(0, _CH, unroll=4)
            def _(e):
                wvec = plsc.bitcast(
                    plsc.load_gather(
                        ibufs[m],
                        [jnp.full((16,), 2, jnp.int32),
                         jnp.broadcast_to(e, (16,)).astype(jnp.int32)],
                    ),
                    jnp.float32,
                )
                for dd in range(_D // 16):
                    sl = pl.ds(dd * 16, 16)
                    gbufs[b][e, sl] = gbufs[b][e, sl] * wvec

        for m in range(_IS - 1):
            fire_stage(m, m)
        for b in range(_GB - 1):
            fire_gather(b, b, b)

        _NSTEP = _NCH // _IS
        _LAST = _NSTEP - 1

        def step(i, carry):
            for kk in range(_IS):
                m = kk
                b = kk % _GB
                bp = (b + _GB - 1) % _GB
                mp = (kk + _IS - 1) % _IS
                pltpu.make_async_copy(mat_h.at[ibufs[m].at[0]], gbufs[b],
                                      gsems[b]).wait()
                scale(m, b)
                pltpu.async_copy(gbufs[b], acc.at[ibufs[m].at[1]], ssems[b],
                                 add=True)

                def wait_prev():
                    pltpu.make_async_copy(gbufs[bp], acc.at[ibufs[mp].at[1]],
                                          ssems[bp]).wait()

                def stage_next():
                    fire_stage(_IS * i + kk + _IS - 1, mp)

                def gather_next():
                    fire_gather(_IS * i + kk + _GB - 1,
                                (kk + _GB - 1) % _IS, bp)

                if kk == 0:
                    @pl.when(i > 0)
                    def _():
                        wait_prev()
                    gather_next()
                    stage_next()
                elif kk <= _IS - _GB:
                    wait_prev()
                    gather_next()
                    @pl.when(i < _LAST)
                    def _():
                        stage_next()
                else:
                    wait_prev()
                    @pl.when(i < _LAST)
                    def _():
                        gather_next()
                        stage_next()
            return carry

        lax.fori_loop(0, _NSTEP, step, 0)
        pltpu.make_async_copy(gbufs[(_NCH - 1) % _GB],
                              acc.at[ibufs[(_NCH - 1) % _IS].at[1]],
                              ssems[(_NCH - 1) % _GB]).wait()
        plsc.subcore_barrier()
        pltpu.sync_copy(acc.at[pl.ds(s * _RPT, _RPT)],
                        out_h.at[pl.ds(c * _NP + s * _RPT, _RPT)])

    return k(epk, mat, zeros)


_BR = 1000


def _tc_mid(ax2, Wg1, bg1, Wg2):
    def body(a0_r, a1_r, Wg1_r, bg1_r, Wg2_r, o_r):
        ax = a0_r[...] + a1_r[...]
        g = jnp.dot(ax, Wg1_r[...], preferred_element_type=jnp.float32) + bg1_r[...]
        g = jnp.where(g >= 0, g, 0.25 * g)
        o_r[...] = jnp.dot(g, Wg2_r[...], preferred_element_type=jnp.float32)

    grid = (_N // _BR,)
    return pl.pallas_call(
        body,
        grid=grid,
        in_specs=[
            pl.BlockSpec((_BR, _D), lambda i: (i, 0)),
            pl.BlockSpec((_BR, _D), lambda i: (i, 0)),
            pl.BlockSpec(Wg1.shape, lambda i: (0, 0)),
            pl.BlockSpec((1, bg1.shape[0]), lambda i: (0, 0)),
            pl.BlockSpec(Wg2.shape, lambda i: (0, 0)),
        ],
        out_specs=pl.BlockSpec((_BR, _D), lambda i: (i, 0)),
        out_shape=jax.ShapeDtypeStruct((_N, _D), jnp.float32),
    )(ax2[:_N], ax2[_NP:_NP + _N], Wg1, bg1[None, :], Wg2)


def _tc_fuse(x, W1, b1, W2, b2, Wz, bz, ah2, bg2, A1, A2, ba1, w_diff, b_diff):
    def body(x_r, W1_r, b1_r, W2_r, b2_r, Wz_r, bz_r, h0_r, h1_r, bg2_r,
             A1_r, A2_r, ba1_r, wd_r, bd_r, f_r, zae_r, zg_r):
        z1 = jnp.dot(x_r[...], W1_r[...], preferred_element_type=jnp.float32) + b1_r[...]
        z1 = jnp.where(z1 >= 0, z1, 0.2 * z1)
        z2 = jnp.dot(z1, W2_r[...], preferred_element_type=jnp.float32) + b2_r[...]
        z2 = jnp.where(z2 >= 0, z2, 0.2 * z2)
        zae = jnp.dot(z2, Wz_r[...], preferred_element_type=jnp.float32) + bz_r[...]
        zae_r[...] = zae
        zgcn = h0_r[...] + h1_r[...] + bg2_r[...]
        zgcn = jnp.where(zgcn >= 0, zgcn, 0.25 * zgcn)
        zg_r[...] = zgcn
        t = jnp.tanh(
            jnp.dot(zae, A1_r[...], preferred_element_type=jnp.float32)
            + jnp.dot(zgcn, A2_r[...], preferred_element_type=jnp.float32)
            + ba1_r[...]
        )
        d = jnp.sum(t * wd_r[...], axis=1, keepdims=True) + bd_r[...]
        a0 = 1.0 / (1.0 + jnp.exp(-d))
        f_r[...] = a0 * zae + (1.0 - a0) * zgcn

    grid = (_N // _BR,)
    return pl.pallas_call(
        body,
        grid=grid,
        in_specs=[
            pl.BlockSpec((_BR, _D), lambda i: (i, 0)),
            pl.BlockSpec(W1.shape, lambda i: (0, 0)),
            pl.BlockSpec((1, b1.shape[0]), lambda i: (0, 0)),
            pl.BlockSpec(W2.shape, lambda i: (0, 0)),
            pl.BlockSpec((1, b2.shape[0]), lambda i: (0, 0)),
            pl.BlockSpec(Wz.shape, lambda i: (0, 0)),
            pl.BlockSpec((1, bz.shape[0]), lambda i: (0, 0)),
            pl.BlockSpec((_BR, _D), lambda i: (i, 0)),
            pl.BlockSpec((_BR, _D), lambda i: (i, 0)),
            pl.BlockSpec((1, _D), lambda i: (0, 0)),
            pl.BlockSpec((_D, _D), lambda i: (0, 0)),
            pl.BlockSpec((_D, _D), lambda i: (0, 0)),
            pl.BlockSpec((1, _D), lambda i: (0, 0)),
            pl.BlockSpec((1, _D), lambda i: (0, 0)),
            pl.BlockSpec((1, 1), lambda i: (0, 0)),
        ],
        out_specs=[
            pl.BlockSpec((_BR, _D), lambda i: (i, 0)),
            pl.BlockSpec((_BR, _D), lambda i: (i, 0)),
            pl.BlockSpec((_BR, _D), lambda i: (i, 0)),
        ],
        out_shape=[
            jax.ShapeDtypeStruct((_N, _D), jnp.float32),
            jax.ShapeDtypeStruct((_N, _D), jnp.float32),
            jax.ShapeDtypeStruct((_N, _D), jnp.float32),
        ],
    )(x, W1, b1[None, :], W2, b2[None, :], Wz, bz[None, :],
      ah2[:_N], ah2[_NP:_NP + _N], bg2[None, :], A1, A2, ba1[None, :],
      w_diff[None, :], b_diff)


def kernel(x, edge_index, edge_weight,
           W_enc1, b_enc1, W_enc2, b_enc2, W_z, b_z,
           W_gc1, b_gc1, W_gc2, b_gc2,
           W_att1, b_att1, W_att2, b_att2):
    row = edge_index[0].astype(jnp.int32)
    col = edge_index[1].astype(jnp.int32)
    w = edge_weight.astype(jnp.float32)
    pad = _EPAD - _E
    rowr = jnp.pad(row, (0, pad)).reshape(_NW, _NCH, _CH)
    colr = jnp.pad(col, (0, pad)).reshape(_NW, _NCH, _CH)
    wr = jax.lax.bitcast_convert_type(
        jnp.pad(w, (0, pad)).reshape(_NW, _NCH, _CH), jnp.int32)
    epk = jnp.stack([colr, rowr, wr], axis=2)
    zeros = jnp.zeros((_RPT, _D), jnp.float32)

    ax2 = _spmm_sc(epk, x, zeros)
    h = _tc_mid(ax2, W_gc1, b_gc1, W_gc2)
    ah2 = _spmm_sc(epk, h, zeros)

    A1 = W_att1[:_D]
    A2 = W_att1[_D:]
    w_diff = W_att2[:, 0] - W_att2[:, 1]
    b_diff = (b_att2[0] - b_att2[1]).reshape(1, 1)
    fused, z_ae, z_gcn = _tc_fuse(x, W_enc1, b_enc1, W_enc2, b_enc2, W_z, b_z,
                                  ah2, b_gc2, A1, A2, b_att1, w_diff, b_diff)
    return (fused, z_ae, z_gcn)

# --- scband reference (transcript-rebuilt; emitter-appended) ---
"""Pipeline reference for scband-model1-47442208751692 (READ-ONLY COPY).

The authoritative reference and input builder live on the scoring server;
editing this copy changes nothing except your own understanding.
"""

import jax, jax.numpy as jnp
import numpy as np

N = 10000
E = 320000
D = 128
H1 = 512
H2 = 256
G1 = 512
Z = 128


def _glorot(k, shape):
    fan_in, fan_out = shape
    s = np.sqrt(2.0 / (fan_in + fan_out)).astype(np.float32)
    return jax.random.normal(k, shape, dtype=jnp.float32) * s


def setup_inputs(seed: int = 0) -> dict:
    key = jax.random.key(seed)
    ks = jax.random.split(key, 20)
    x = jax.random.normal(ks[0], (N, D), dtype=jnp.float32)
    edge_index = jax.random.randint(ks[1], (2, E), 0, N, dtype=jnp.int32).astype(jnp.int64)
    edge_weight = jax.random.uniform(ks[2], (E,), dtype=jnp.float32)
    return {
        'x': x,
        'edge_index': edge_index,
        'edge_weight': edge_weight,
        'W_enc1': _glorot(ks[3], (D, H1)),  'b_enc1': jnp.zeros((H1,), jnp.float32),
        'W_enc2': _glorot(ks[4], (H1, H2)), 'b_enc2': jnp.zeros((H2,), jnp.float32),
        'W_z':    _glorot(ks[5], (H2, Z)),  'b_z':    jnp.zeros((Z,), jnp.float32),
        'W_gc1':  _glorot(ks[6], (D, G1)),  'b_gc1':  jnp.zeros((G1,), jnp.float32),
        'W_gc2':  _glorot(ks[7], (G1, Z)),  'b_gc2':  jnp.zeros((Z,), jnp.float32),
        'W_att1': _glorot(ks[8], (2 * Z, Z)), 'b_att1': jnp.zeros((Z,), jnp.float32),
        'W_att2': _glorot(ks[9], (Z, 2)),     'b_att2': jnp.zeros((2,), jnp.float32),
    }


def _leaky(v, slope):
    return jnp.where(v >= 0, v, slope * v)


def _spmm(edge_index, edge_weight, mat):
    # torch.sparse.mm(adj, support): out[row] += adj[row, col] * support[col]
    row = edge_index[0]
    col = edge_index[1]
    return jax.ops.segment_sum(edge_weight[:, None] * jnp.take(mat, col, axis=0), row, num_segments=mat.shape[0])


def reference(x, edge_index, edge_weight,
              W_enc1, b_enc1, W_enc2, b_enc2, W_z, b_z,
              W_gc1, b_gc1, W_gc2, b_gc2,
              W_att1, b_att1, W_att2, b_att2):
    # AE encoder branch
    z = _leaky(x @ W_enc1 + b_enc1, 0.2)
    z = _leaky(z @ W_enc2 + b_enc2, 0.2)
    z_ae = z @ W_z + b_z
    # GCN branch (dropout=0.0 / eval mode)
    g = _spmm(edge_index, edge_weight, x @ W_gc1) + b_gc1
    g = _leaky(g, 0.25)
    g = _spmm(edge_index, edge_weight, g @ W_gc2) + b_gc2
    z_gcn = _leaky(g, 0.25)
    # Attention fusion (feature_num = 2: one omic -> [ae, gcn])
    combined = jnp.concatenate([z_ae, z_gcn], axis=1)
    att = jax.nn.softmax(jnp.tanh(combined @ W_att1 + b_att1) @ W_att2 + b_att2, axis=-1)
    fused = att[:, 0:1] * z_ae + att[:, 1:2] * z_gcn
    return (fused, z_ae, z_gcn)

if __name__ == "__main__":
    import jax
    _d = setup_inputs()
    print(jax.jit(kernel)(*tuple(_d.values())))

</pallas_src>

<mosaic_0001>
#map = affine_map<(d0, d1) -> (0, 0, 0, 0)>
#map1 = affine_map<(d0, d1) -> (0, 0)>
module attributes {stable_mosaic.version = 14 : i64} {
  func.func @k(%arg0: i32, %arg1: i32, %arg2: memref<32x84x3x120xi32, #tpu.memory_space<hbm>>, %arg3: memref<10000x128xf32, #tpu.memory_space<hbm>>, %arg4: memref<640x128xf32, #tpu.memory_space<hbm>>, %arg5: memref<20480x128xf32, #tpu.memory_space<hbm>>, %arg6: memref<3x120xi32, #tpu.memory_space<vmem>>, %arg7: memref<3x120xi32, #tpu.memory_space<vmem>>, %arg8: memref<3x120xi32, #tpu.memory_space<vmem>>, %arg9: memref<3x120xi32, #tpu.memory_space<vmem>>, %arg10: memref<3x120xi32, #tpu.memory_space<vmem>>, %arg11: memref<3x120xi32, #tpu.memory_space<vmem>>, %arg12: memref<120x128xf32, #tpu.memory_space<vmem>>, %arg13: memref<120x128xf32, #tpu.memory_space<vmem>>, %arg14: memref<120x128xf32, #tpu.memory_space<vmem>>, %arg15: memref<10240x128xf32, #tpu.memory_space<vmem_shared>>, %arg16: memref<!tpu.dma_semaphore, #tpu.memory_space<semaphore_mem>>, %arg17: memref<!tpu.dma_semaphore, #tpu.memory_space<semaphore_mem>>, %arg18: memref<!tpu.dma_semaphore, #tpu.memory_space<semaphore_mem>>, %arg19: memref<!tpu.dma_semaphore, #tpu.memory_space<semaphore_mem>>, %arg20: memref<!tpu.dma_semaphore, #tpu.memory_space<semaphore_mem>>, %arg21: memref<!tpu.dma_semaphore, #tpu.memory_space<semaphore_mem>>, %arg22: memref<!tpu.dma_semaphore, #tpu.memory_space<semaphore_mem>>, %arg23: memref<!tpu.dma_semaphore, #tpu.memory_space<semaphore_mem>>, %arg24: memref<!tpu.dma_semaphore, #tpu.memory_space<semaphore_mem>>, %arg25: memref<!tpu.dma_semaphore, #tpu.memory_space<semaphore_mem>>, %arg26: memref<!tpu.dma_semaphore, #tpu.memory_space<semaphore_mem>>, %arg27: memref<!tpu.dma_semaphore, #tpu.memory_space<semaphore_mem>>) attributes {dimension_semantics = [#tpu.dimension_semantics<core_parallel>, #tpu.dimension_semantics<subcore_parallel>], iteration_bounds = array<i64: 2, 16>, scalar_prefetch = 0 : i64, scratch_operands = 22 : i64, tpu.core_type = #tpu.core_type<sc_vector_subcore>, window_params = [{transform_indices = #map}, {transform_indices = #map1}, {transform_indices = #map1}, {transform_indices = #map1}]} {
    %mul3A = arith.constant 2 : i32
    %mul3A_0 = arith.muli %arg1, %mul3A : i32
    %add3A = arith.addi %mul3A_0, %arg0 : i32
    %mul3A_1 = arith.constant 640 : i32
    %mul3A_2 = arith.muli %arg1, %mul3A_1 : i32
    "tpu.region"() ({
      %run_scoped3A = tpu.sem_alloc : memref<!tpu.dma_semaphore, #tpu.memory_space<semaphore_mem>>
      %dma_start3A_98 = arith.constant 0 : i32
      %dma_start3A_99 = tpu.memref_slice %arg15[%mul3A_2, %dma_start3A_98] : memref<10240x128xf32, #tpu.memory_space<vmem_shared>> -> memref<640x128xf32, #tpu.memory_space<vmem_shared>>
      tpu.enqueue_dma source(%arg4 : memref<640x128xf32, #tpu.memory_space<hbm>>) target(%dma_start3A_99 : memref<640x128xf32, #tpu.memory_space<vmem_shared>>) target_semaphore(%run_scoped3A : memref<!tpu.dma_semaphore, #tpu.memory_space<semaphore_mem>>)
      %dma_wait3A_100 = arith.constant 0 : i32
      %dma_wait3A_101 = tpu.memref_slice %arg15[%mul3A_2, %dma_wait3A_100] : memref<10240x128xf32, #tpu.memory_space<vmem_shared>> -> memref<640x128xf32, #tpu.memory_space<vmem_shared>>
      tpu.wait_dma2 semaphore(%run_scoped3A : memref<!tpu.dma_semaphore, #tpu.memory_space<semaphore_mem>>) src(%arg4 : memref<640x128xf32, #tpu.memory_space<hbm>>) dst(%dma_wait3A_101 : memref<640x128xf32, #tpu.memory_space<vmem_shared>>)
      tpu.yield
    }) : () -> ()
    %barrier3A = arith.constant 0 : index
    tpu.barrier barrier_id(%barrier3A)
    %dma_start3A = arith.constant 0 : i32
    %dma_start3A_3 = arith.constant 0 : i32
    %dma_start3A_4 = arith.constant 0 : i32
    %dma_start3A_5 = tpu.memref_slice %arg2[%add3A, %dma_start3A, %dma_start3A_3, %dma_start3A_4] : memref<32x84x3x120xi32, #tpu.memory_space<hbm>> -> memref<1x1x3x120xi32, #tpu.memory_space<hbm>>
    %dma_start3A_6 = tpu.memref_squeeze %dma_start3A_5 : memref<1x1x3x120xi32, #tpu.memory_space<hbm>> -> memref<3x120xi32, #tpu.memory_space<hbm>>
    %dma_start3A_7 = arith.constant 0 : i32
    %dma_start3A_8 = arith.constant 0 : i32
    %dma_start3A_9 = tpu.memref_slice %arg2[%add3A, %dma_start3A, %dma_start3A_7, %dma_start3A_8] : memref<32x84x3x120xi32, #tpu.memory_space<hbm>> -> memref<1x1x3x120xi32, #tpu.memory_space<hbm>>
    %dma_start3A_10 = tpu.memref_squeeze %dma_start3A_9 : memref<1x1x3x120xi32, #tpu.memory_space<hbm>> -> memref<3x120xi32, #tpu.memory_space<hbm>>
    tpu.enqueue_dma source(%dma_start3A_10 : memref<3x120xi32, #tpu.memory_space<hbm>>) target(%arg6 : memref<3x120xi32, #tpu.memory_space<vmem>>) target_semaphore(%arg16 : memref<!tpu.dma_semaphore, #tpu.memory_space<semaphore_mem>>)
    %dma_start3A_11 = arith.constant 1 : i32
    %dma_start3A_12 = arith.constant 0 : i32
    %dma_start3A_13 = arith.constant 0 : i32
    %dma_start3A_14 = tpu.memref_slice %arg2[%add3A, %dma_start3A_11, %dma_start3A_12, %dma_start3A_13] : memref<32x84x3x120xi32, #tpu.memory_space<hbm>> -> memref<1x1x3x120xi32, #tpu.memory_space<hbm>>
    %dma_start3A_15 = tpu.memref_squeeze %dma_start3A_14 : memref<1x1x3x120xi32, #tpu.memory_space<hbm>> -> memref<3x120xi32, #tpu.memory_space<hbm>>
    %dma_start3A_16 = arith.constant 0 : i32
    %dma_start3A_17 = arith.constant 0 : i32
    %dma_start3A_18 = tpu.memref_slice %arg2[%add3A, %dma_start3A_11, %dma_start3A_16, %dma_start3A_17] : memref<32x84x3x120xi32, #tpu.memory_space<hbm>> -> memref<1x1x3x120xi32, #tpu.memory_space<hbm>>
    %dma_start3A_19 = tpu.memref_squeeze %dma_start3A_18 : memref<1x1x3x120xi32, #tpu.memory_space<hbm>> -> memref<3x120xi32, #tpu.memory_space<hbm>>
    tpu.enqueue_dma source(%dma_start3A_19 : memref<3x120xi32, #tpu.memory_space<hbm>>) target(%arg7 : memref<3x120xi32, #tpu.memory_space<vmem>>) target_semaphore(%arg17 : memref<!tpu.dma_semaphore, #tpu.memory_space<semaphore_mem>>)
    %dma_start3A_20 = arith.constant 2 : i32
    %dma_start3A_21 = arith.constant 0 : i32
    %dma_start3A_22 = arith.constant 0 : i32
    %dma_start3A_23 = tpu.memref_slice %arg2[%add3A, %dma_start3A_20, %dma_start3A_21, %dma_start3A_22] : memref<32x84x3x120xi32, #tpu.memory_space<hbm>> -> memref<1x1x3x120xi32, #tpu.memory_space<hbm>>
    %dma_start3A_24 = tpu.memref_squeeze %dma_start3A_23 : memref<1x1x3x120xi32, #tpu.memory_space<hbm>> -> memref<3x120xi32, #tpu.memory_space<hbm>>
    %dma_start3A_25 = arith.constant 0 : i32
    %dma_start3A_26 = arith.constant 0 : i32
    %dma_start3A_27 = tpu.memref_slice %arg2[%add3A, %dma_start3A_20, %dma_start3A_25, %dma_start3A_26] : memref<32x84x3x120xi32, #tpu.memory_space<hbm>> -> memref<1x1x3x120xi32, #tpu.memory_space<hbm>>
    %dma_start3A_28 = tpu.memref_squeeze %dma_start3A_27 : memref<1x1x3x120xi32, #tpu.memory_space<hbm>> -> memref<3x120xi32, #tpu.memory_space<hbm>>
    tpu.enqueue_dma source(%dma_start3A_28 : memref<3x120xi32, #tpu.memory_space<hbm>>) target(%arg8 : memref<3x120xi32, #tpu.memory_space<vmem>>) target_semaphore(%arg18 : memref<!tpu.dma_semaphore, #tpu.memory_space<semaphore_mem>>)
    %dma_start3A_29 = arith.constant 3 : i32
    %dma_start3A_30 = arith.constant 0 : i32
    %dma_start3A_31 = arith.constant 0 : i32
    %dma_start3A_32 = tpu.memref_slice %arg2[%add3A, %dma_start3A_29, %dma_start3A_30, %dma_start3A_31] : memref<32x84x3x120xi32, #tpu.memory_space<hbm>> -> memref<1x1x3x120xi32, #tpu.memory_space<hbm>>
    %dma_start3A_33 = tpu.memref_squeeze %dma_start3A_32 : memref<1x1x3x120xi32, #tpu.memory_space<hbm>> -> memref<3x120xi32, #tpu.memory_space<hbm>>
    %dma_start3A_34 = arith.constant 0 : i32
    %dma_start3A_35 = arith.constant 0 : i32
    %dma_start3A_36 = tpu.memref_slice %arg2[%add3A, %dma_start3A_29, %dma_start3A_34, %dma_start3A_35] : memref<32x84x3x120xi32, #tpu.memory_space<hbm>> -> memref<1x1x3x120xi32, #tpu.memory_space<hbm>>
    %dma_start3A_37 = tpu.memref_squeeze %dma_start3A_36 : memref<1x1x3x120xi32, #tpu.memory_space<hbm>> -> memref<3x120xi32, #tpu.memory_space<hbm>>
    tpu.enqueue_dma source(%dma_start3A_37 : memref<3x120xi32, #tpu.memory_space<hbm>>) target(%arg9 : memref<3x120xi32, #tpu.memory_space<vmem>>) target_semaphore(%arg19 : memref<!tpu.dma_semaphore, #tpu.memory_space<semaphore_mem>>)
    %dma_start3A_38 = arith.constant 4 : i32
    %dma_start3A_39 = arith.constant 0 : i32
    %dma_start3A_40 = arith.constant 0 : i32
    %dma_start3A_41 = tpu.memref_slice %arg2[%add3A, %dma_start3A_38, %dma_start3A_39, %dma_start3A_40] : memref<32x84x3x120xi32, #tpu.memory_space<hbm>> -> memref<1x1x3x120xi32, #tpu.memory_space<hbm>>
    %dma_start3A_42 = tpu.memref_squeeze %dma_start3A_41 : memref<1x1x3x120xi32, #tpu.memory_space<hbm>> -> memref<3x120xi32, #tpu.memory_space<hbm>>
    %dma_start3A_43 = arith.constant 0 : i32
    %dma_start3A_44 = arith.constant 0 : i32
    %dma_start3A_45 = tpu.memref_slice %arg2[%add3A, %dma_start3A_38, %dma_start3A_43, %dma_start3A_44] : memref<32x84x3x120xi32, #tpu.memory_space<hbm>> -> memref<1x1x3x120xi32, #tpu.memory_space<hbm>>
    %dma_start3A_46 = tpu.memref_squeeze %dma_start3A_45 : memref<1x1x3x120xi32, #tpu.memory_space<hbm>> -> memref<3x120xi32, #tpu.memory_space<hbm>>
    tpu.enqueue_dma source(%dma_start3A_46 : memref<3x120xi32, #tpu.memory_space<hbm>>) target(%arg10 : memref<3x120xi32, #tpu.memory_space<vmem>>) target_semaphore(%arg20 : memref<!tpu.dma_semaphore, #tpu.memory_space<semaphore_mem>>)
    %dma_wait3A = arith.constant 0 : i32
    %dma_wait3A_47 = arith.constant 0 : i32
    %dma_wait3A_48 = arith.constant 0 : i32
    %dma_wait3A_49 = tpu.memref_slice %arg2[%add3A, %dma_wait3A, %dma_wait3A_47, %dma_wait3A_48] : memref<32x84x3x120xi32, #tpu.memory_space<hbm>> -> memref<1x1x3x120xi32, #tpu.memory_space<hbm>>
    %dma_wait3A_50 = tpu.memref_squeeze %dma_wait3A_49 : memref<1x1x3x120xi32, #tpu.memory_space<hbm>> -> memref<3x120xi32, #tpu.memory_space<hbm>>
    %dma_wait3A_51 = arith.constant 0 : i32
    %dma_wait3A_52 = arith.constant 0 : i32
    %dma_wait3A_53 = tpu.memref_slice %arg2[%add3A, %dma_wait3A, %dma_wait3A_51, %dma_wait3A_52] : memref<32x84x3x120xi32, #tpu.memory_space<hbm>> -> memref<1x1x3x120xi32, #tpu.memory_space<hbm>>
    %dma_wait3A_54 = tpu.memref_squeeze %dma_wait3A_53 : memref<1x1x3x120xi32, #tpu.memory_space<hbm>> -> memref<3x120xi32, #tpu.memory_space<hbm>>
    tpu.wait_dma2 semaphore(%arg16 : memref<!tpu.dma_semaphore, #tpu.memory_space<semaphore_mem>>) src(%dma_wait3A_54 : memref<3x120xi32, #tpu.memory_space<hbm>>) dst(%arg6 : memref<3x120xi32, #tpu.memory_space<vmem>>)
    %dma_start3A_55 = arith.constant 0 : i32
    %dma_start3A_56 = arith.constant 0 : i32
    %dma_start3A_57 = tpu.memref_slice %arg6[%dma_start3A_55, %dma_start3A_56] : memref<3x120xi32, #tpu.memory_space<vmem>> -> memref<1x120xi32, #tpu.memory_space<vmem>>
    %dma_start3A_58 = tpu.memref_squeeze %dma_start3A_57 : memref<1x120xi32, #tpu.memory_space<vmem>> -> memref<120xi32, #tpu.memory_space<vmem>>
    %dma_start3A_59 = arith.constant 0 : i32
    %dma_start3A_60 = arith.constant 0 : i32
    %dma_start3A_61 = tpu.memref_slice %arg3[%dma_start3A_59, %dma_start3A_60] : memref<10000x128xf32, #tpu.memory_space<hbm>> -> memref<10000x128xf32, #tpu.memory_space<hbm>>
    tpu.enqueue_indirect_dma source(%dma_start3A_61 : memref<10000x128xf32, #tpu.memory_space<hbm>>) target(%arg12 : memref<120x128xf32, #tpu.memory_space<vmem>>) offsets(%dma_start3A_58 : memref<120xi32, #tpu.memory_space<vmem>>) semaphore(%arg22 : memref<!tpu.dma_semaphore, #tpu.memory_space<semaphore_mem>>)
    %dma_wait3A_62 = arith.constant 1 : i32
    %dma_wait3A_63 = arith.constant 0 : i32
    %dma_wait3A_64 = arith.constant 0 : i32
    %dma_wait3A_65 = tpu.memref_slice %arg2[%add3A, %dma_wait3A_62, %dma_wait3A_63, %dma_wait3A_64] : memref<32x84x3x120xi32, #tpu.memory_space<hbm>> -> memref<1x1x3x120xi32, #tpu.memory_space<hbm>>
    %dma_wait3A_66 = tpu.memref_squeeze %dma_wait3A_65 : memref<1x1x3x120xi32, #tpu.memory_space<hbm>> -> memref<3x120xi32, #tpu.memory_space<hbm>>
    %dma_wait3A_67 = arith.constant 0 : i32
    %dma_wait3A_68 = arith.constant 0 : i32
    %dma_wait3A_69 = tpu.memref_slice %arg2[%add3A, %dma_wait3A_62, %dma_wait3A_67, %dma_wait3A_68] : memref<32x84x3x120xi32, #tpu.memory_space<hbm>> -> memref<1x1x3x120xi32, #tpu.memory_space<hbm>>
    %dma_wait3A_70 = tpu.memref_squeeze %dma_wait3A_69 : memref<1x1x3x120xi32, #tpu.memory_space<hbm>> -> memref<3x120xi32, #tpu.memory_space<hbm>>
    tpu.wait_dma2 semaphore(%arg17 : memref<!tpu.dma_semaphore, #tpu.memory_space<semaphore_mem>>) src(%dma_wait3A_70 : memref<3x120xi32, #tpu.memory_space<hbm>>) dst(%arg7 : memref<3x120xi32, #tpu.memory_space<vmem>>)
    %dma_start3A_71 = arith.constant 0 : i32
    %dma_start3A_72 = arith.constant 0 : i32
    %dma_start3A_73 = tpu.memref_slice %arg7[%dma_start3A_71, %dma_start3A_72] : memref<3x120xi32, #tpu.memory_space<vmem>> -> memref<1x120xi32, #tpu.memory_space<vmem>>
    %dma_start3A_74 = tpu.memref_squeeze %dma_start3A_73 : memref<1x120xi32, #tpu.memory_space<vmem>> -> memref<120xi32, #tpu.memory_space<vmem>>
    %dma_start3A_75 = arith.constant 0 : i32
    %dma_start3A_76 = arith.constant 0 : i32
    %dma_start3A_77 = tpu.memref_slice %arg3[%dma_start3A_75, %dma_start3A_76] : memref<10000x128xf32, #tpu.memory_space<hbm>> -> memref<10000x128xf32, #tpu.memory_space<hbm>>
    tpu.enqueue_indirect_dma source(%dma_start3A_77 : memref<10000x128xf32, #tpu.memory_space<hbm>>) target(%arg13 : memref<120x128xf32, #tpu.memory_space<vmem>>) offsets(%dma_start3A_74 : memref<120xi32, #tpu.memory_space<vmem>>) semaphore(%arg23 : memref<!tpu.dma_semaphore, #tpu.memory_space<semaphore_mem>>)
    %scan3A = arith.constant 0 : i32
    %scan3A_78 = arith.constant 0 : i32
    %scan3A_79 = arith.constant 14 : i32
    %scan3A_80 = arith.addi %scan3A_78, %scan3A_79 : i32
    %scan3A_81 = arith.constant 1 : i32
    scf.for %scan3A_98 = %scan3A_78 to %scan3A_80 step %scan3A_81  : i32 {
      %dma_wait3A_99 = arith.constant 0 : i32
      %dma_wait3A_100 = arith.constant 0 : i32
      %dma_wait3A_101 = tpu.memref_slice %arg6[%dma_wait3A_99, %dma_wait3A_100] : memref<3x120xi32, #tpu.memory_space<vmem>> -> memref<1x120xi32, #tpu.memory_space<vmem>>
      %dma_wait3A_102 = tpu.memref_squeeze %dma_wait3A_101 : memref<1x120xi32, #tpu.memory_space<vmem>> -> memref<120xi32, #tpu.memory_space<vmem>>
      %dma_wait3A_103 = arith.constant 0 : i32
      %dma_wait3A_104 = arith.constant 0 : i32
      %dma_wait3A_105 = tpu.memref_slice %arg3[%dma_wait3A_103, %dma_wait3A_104] : memref<10000x128xf32, #tpu.memory_space<hbm>> -> memref<10000x128xf32, #tpu.memory_space<hbm>>
      tpu.wait_indirect_dma semaphore(%arg22 : memref<!tpu.dma_semaphore, #tpu.memory_space<semaphore_mem>>) src(%dma_wait3A_105 : memref<10000x128xf32, #tpu.memory_space<hbm>>) dst(%arg12 : memref<120x128xf32, #tpu.memory_space<vmem>>)
      %parallel_loop3A = arith.constant 0 : i32
      %parallel_loop3A_106 = arith.constant 120 : i32
      %parallel_loop3A_107 = arith.constant 1 : i32
      scf.for %parallel_loop3A_368 = %parallel_loop3A to %parallel_loop3A_106 step %parallel_loop3A_107  : i32 {
        %parallel_loop3A_369 = arith.constant 2 : i32
        %parallel_loop3A_370 = vector.broadcast %parallel_loop3A_369 : i32 to vector<16xi32>
        %parallel_loop3A_371 = vector.broadcast %parallel_loop3A_368 : i32 to vector<16xi32>
        %parallel_loop3A_372 = tpu.vector_load_idx %arg6[%parallel_loop3A_370, %parallel_loop3A_371] : memref<3x120xi32, #tpu.memory_space<vmem>>[vector<16xi32>, vector<16xi32>], vector<16xi32>,
        %parallel_loop3A_373 = vector.bitcast %parallel_loop3A_372 : vector<16xi32> to vector<16xf32>
        %parallel_loop3A_374 = arith.index_cast %parallel_loop3A_368 : i32 to index
        %parallel_loop3A_375 = arith.constant 0 : index
        %parallel_loop3A_376 = tpu.vector_load %arg12[%parallel_loop3A_374, %parallel_loop3A_375] {strides = array<i32>} : memref<120x128xf32, #tpu.memory_space<vmem>>, vector<16xf32>,
        %parallel_loop3A_377 = arith.mulf %parallel_loop3A_376, %parallel_loop3A_373 : vector<16xf32>
        %parallel_loop3A_378 = arith.index_cast %parallel_loop3A_368 : i32 to index
        %parallel_loop3A_379 = arith.constant 0 : index
        %parallel_loop3A_380 = tpu.vector_load %arg12[%parallel_loop3A_378, %parallel_loop3A_379] {strides = array<i32>} : memref<120x128xf32, #tpu.memory_space<vmem>>, vector<16xf32>,
        tpu.vector_store %arg12[%parallel_loop3A_378, %parallel_loop3A_379], %parallel_loop3A_377 {strides = array<i32>} : memref<120x128xf32, #tpu.memory_space<vmem>>, vector<16xf32>,
        %parallel_loop3A_381 = arith.index_cast %parallel_loop3A_368 : i32 to index
        %parallel_loop3A_382 = arith.constant 16 : index
        %parallel_loop3A_383 = tpu.vector_load %arg12[%parallel_loop3A_381, %parallel_loop3A_382] {strides = array<i32>} : memref<120x128xf32, #tpu.memory_space<vmem>>, vector<16xf32>,
        %parallel_loop3A_384 = arith.mulf %parallel_loop3A_383, %parallel_loop3A_373 : vector<16xf32>
        %parallel_loop3A_385 = arith.index_cast %parallel_loop3A_368 : i32 to index
        %parallel_loop3A_386 = arith.constant 16 : index
        %parallel_loop3A_387 = tpu.vector_load %arg12[%parallel_loop3A_385, %parallel_loop3A_386] {strides = array<i32>} : memref<120x128xf32, #tpu.memory_space<vmem>>, vector<16xf32>,
        tpu.vector_store %arg12[%parallel_loop3A_385, %parallel_loop3A_386], %parallel_loop3A_384 {strides = array<i32>} : memref<120x128xf32, #tpu.memory_space<vmem>>, vector<16xf32>,
        %parallel_loop3A_388 = arith.index_cast %parallel_loop3A_368 : i32 to index
        %parallel_loop3A_389 = arith.constant 32 : index
        %parallel_loop3A_390 = tpu.vector_load %arg12[%parallel_loop3A_388, %parallel_loop3A_389] {strides = array<i32>} : memref<120x128xf32, #tpu.memory_space<vmem>>, vector<16xf32>,
        %parallel_loop3A_391 = arith.mulf %parallel_loop3A_390, %parallel_loop3A_373 : vector<16xf32>
        %parallel_loop3A_392 = arith.index_cast %parallel_loop3A_368 : i32 to index
        %parallel_loop3A_393 = arith.constant 32 : index
        %parallel_loop3A_394 = tpu.vector_load %arg12[%parallel_loop3A_392, %parallel_loop3A_393] {strides = array<i32>} : memref<120x128xf32, #tpu.memory_space<vmem>>, vector<16xf32>,
        tpu.vector_store %arg12[%parallel_loop3A_392, %parallel_loop3A_393], %parallel_loop3A_391 {strides = array<i32>} : memref<120x128xf32, #tpu.memory_space<vmem>>, vector<16xf32>,
        %parallel_loop3A_395 = arith.index_cast %parallel_loop3A_368 : i32 to index
        %parallel_loop3A_396 = arith.constant 48 : index
        %parallel_loop3A_397 = tpu.vector_load %arg12[%parallel_loop3A_395, %parallel_loop3A_396] {strides = array<i32>} : memref<120x128xf32, #tpu.memory_space<vmem>>, vector<16xf32>,
        %parallel_loop3A_398 = arith.mulf %parallel_loop3A_397, %parallel_loop3A_373 : vector<16xf32>
        %parallel_loop3A_399 = arith.index_cast %parallel_loop3A_368 : i32 to index
        %parallel_loop3A_400 = arith.constant 48 : index
        %parallel_loop3A_401 = tpu.vector_load %arg12[%parallel_loop3A_399, %parallel_loop3A_400] {strides = array<i32>} : memref<120x128xf32, #tpu.memory_space<vmem>>, vector<16xf32>,
        tpu.vector_store %arg12[%parallel_loop3A_399, %parallel_loop3A_400], %parallel_loop3A_398 {strides = array<i32>} : memref<120x128xf32, #tpu.memory_space<vmem>>, vector<16xf32>,
        %parallel_loop3A_402 = arith.index_cast %parallel_loop3A_368 : i32 to index
        %parallel_loop3A_403 = arith.constant 64 : index
        %parallel_loop3A_404 = tpu.vector_load %arg12[%parallel_loop3A_402, %parallel_loop3A_403] {strides = array<i32>} : memref<120x128xf32, #tpu.memory_space<vmem>>, vector<16xf32>,
        %parallel_loop3A_405 = arith.mulf %parallel_loop3A_404, %parallel_loop3A_373 : vector<16xf32>
        %parallel_loop3A_406 = arith.index_cast %parallel_loop3A_368 : i32 to index
        %parallel_loop3A_407 = arith.constant 64 : index
        %parallel_loop3A_408 = tpu.vector_load %arg12[%parallel_loop3A_406, %parallel_loop3A_407] {strides = array<i32>} : memref<120x128xf32, #tpu.memory_space<vmem>>, vector<16xf32>,
        tpu.vector_store %arg12[%parallel_loop3A_406, %parallel_loop3A_407], %parallel_loop3A_405 {strides = array<i32>} : memref<120x128xf32, #tpu.memory_space<vmem>>, vector<16xf32>,
        %parallel_loop3A_409 = arith.index_cast %parallel_loop3A_368 : i32 to index
        %parallel_loop3A_410 = arith.constant 80 : index
        %parallel_loop3A_411 = tpu.vector_load %arg12[%parallel_loop3A_409, %parallel_loop3A_410] {strides = array<i32>} : memref<120x128xf32, #tpu.memory_space<vmem>>, vector<16xf32>,
        %parallel_loop3A_412 = arith.mulf %parallel_loop3A_411, %parallel_loop3A_373 : vector<16xf32>
        %parallel_loop3A_413 = arith.index_cast %parallel_loop3A_368 : i32 to index
        %parallel_loop3A_414 = arith.constant 80 : index
        %parallel_loop3A_415 = tpu.vector_load %arg12[%parallel_loop3A_413, %parallel_loop3A_414] {strides = array<i32>} : memref<120x128xf32, #tpu.memory_space<vmem>>, vector<16xf32>,
        tpu.vector_store %arg12[%parallel_loop3A_413, %parallel_loop3A_414], %parallel_loop3A_412 {strides = array<i32>} : memref<120x128xf32, #tpu.memory_space<vmem>>, vector<16xf32>,
        %parallel_loop3A_416 = arith.index_cast %parallel_loop3A_368 : i32 to index
        %parallel_loop3A_417 = arith.constant 96 : index
        %parallel_loop3A_418 = tpu.vector_load %arg12[%parallel_loop3A_416, %parallel_loop3A_417] {strides = array<i32>} : memref<120x128xf32, #tpu.memory_space<vmem>>, vector<16xf32>,
        %parallel_loop3A_419 = arith.mulf %parallel_loop3A_418, %parallel_loop3A_373 : vector<16xf32>
        %parallel_loop3A_420 = arith.index_cast %parallel_loop3A_368 : i32 to index
        %parallel_loop3A_421 = arith.constant 96 : index
        %parallel_loop3A_422 = tpu.vector_load %arg12[%parallel_loop3A_420, %parallel_loop3A_421] {strides = array<i32>} : memref<120x128xf32, #tpu.memory_space<vmem>>, vector<16xf32>,
        tpu.vector_store %arg12[%parallel_loop3A_420, %parallel_loop3A_421], %parallel_loop3A_419 {strides = array<i32>} : memref<120x128xf32, #tpu.memory_space<vmem>>, vector<16xf32>,
        %parallel_loop3A_423 = arith.index_cast %parallel_loop3A_368 : i32 to index
        %parallel_loop3A_424 = arith.constant 112 : index
        %parallel_loop3A_425 = tpu.vector_load %arg12[%parallel_loop3A_423, %parallel_loop3A_424] {strides = array<i32>} : memref<120x128xf32, #tpu.memory_space<vmem>>, vector<16xf32>,
        %parallel_loop3A_426 = arith.mulf %parallel_loop3A_425, %parallel_loop3A_373 : vector<16xf32>
        %parallel_loop3A_427 = arith.index_cast %parallel_loop3A_368 : i32 to index
        %parallel_loop3A_428 = arith.constant 112 : index
        %parallel_loop3A_429 = tpu.vector_load %arg12[%parallel_loop3A_427, %parallel_loop3A_428] {strides = array<i32>} : memref<120x128xf32, #tpu.memory_space<vmem>>, vector<16xf32>,
        tpu.vector_store %arg12[%parallel_loop3A_427, %parallel_loop3A_428], %parallel_loop3A_426 {strides = array<i32>} : memref<120x128xf32, #tpu.memory_space<vmem>>, vector<16xf32>,
      } {sc.loop_unroll_factor = 4 : i64, sc.parallel_access}
      %dma_start3A_108 = arith.constant 1 : i32
      %dma_start3A_109 = arith.constant 0 : i32
      %dma_start3A_110 = tpu.memref_slice %arg6[%dma_start3A_108, %dma_start3A_109] : memref<3x120xi32, #tpu.memory_space<vmem>> -> memref<1x120xi32, #tpu.memory_space<vmem>>
      %dma_start3A_111 = tpu.memref_squeeze %dma_start3A_110 : memref<1x120xi32, #tpu.memory_space<vmem>> -> memref<120xi32, #tpu.memory_space<vmem>>
      %dma_start3A_112 = arith.constant 0 : i32
      %dma_start3A_113 = arith.constant 0 : i32
      %dma_start3A_114 = tpu.memref_slice %arg15[%dma_start3A_112, %dma_start3A_113] : memref<10240x128xf32, #tpu.memory_space<vmem_shared>> -> memref<10240x128xf32, #tpu.memory_space<vmem_shared>>
      tpu.enqueue_indirect_dma source(%arg12 : memref<120x128xf32, #tpu.memory_space<vmem>>) target(%dma_start3A_114 : memref<10240x128xf32, #tpu.memory_space<vmem_shared>>) offsets(%dma_start3A_111 : memref<120xi32, #tpu.memory_space<vmem>>) semaphore(%arg25 : memref<!tpu.dma_semaphore, #tpu.memory_space<semaphore_mem>>) {add = true}
      %gt3A = arith.constant 0 : i32
      %gt3A_115 = arith.cmpi sgt, %scan3A_98, %gt3A : i32
      %convert_element_type3A = arith.extui %gt3A_115 : i1 to i32
      %cond3A = arith.constant 0 : i32
      %cond3A_116 = arith.cmpi ne, %convert_element_type3A, %cond3A : i32
      scf.if %cond3A_116 {
        %dma_wait3A_368 = arith.constant 1 : i32
        %dma_wait3A_369 = arith.constant 0 : i32
        %dma_wait3A_370 = tpu.memref_slice %arg11[%dma_wait3A_368, %dma_wait3A_369] : memref<3x120xi32, #tpu.memory_space<vmem>> -> memref<1x120xi32, #tpu.memory_space<vmem>>
        %dma_wait3A_371 = tpu.memref_squeeze %dma_wait3A_370 : memref<1x120xi32, #tpu.memory_space<vmem>> -> memref<120xi32, #tpu.memory_space<vmem>>
        %dma_wait3A_372 = arith.constant 0 : i32
        %dma_wait3A_373 = arith.constant 0 : i32
        %dma_wait3A_374 = tpu.memref_slice %arg15[%dma_wait3A_372, %dma_wait3A_373] : memref<10240x128xf32, #tpu.memory_space<vmem_shared>> -> memref<10240x128xf32, #tpu.memory_space<vmem_shared>>
        tpu.wait_indirect_dma semaphore(%arg27 : memref<!tpu.dma_semaphore, #tpu.memory_space<semaphore_mem>>) src(%arg14 : memref<120x128xf32, #tpu.memory_space<vmem>>) dst(%dma_wait3A_374 : memref<10240x128xf32, #tpu.memory_space<vmem_shared>>)
      } else {
      }
      %mul3A_117 = arith.constant 6 : i32
      %mul3A_118 = arith.muli %mul3A_117, %scan3A_98 : i32
      %add3A_119 = arith.constant 0 : i32
      %add3A_120 = arith.addi %mul3A_118, %add3A_119 : i32
      %add3A_121 = arith.constant 3 : i32
      %add3A_122 = arith.addi %add3A_120, %add3A_121 : i32
      %sub3A = arith.constant 1 : i32
      %sub3A_123 = arith.subi %add3A_122, %sub3A : i32
      %dma_wait3A_124 = arith.constant 0 : i32
      %dma_wait3A_125 = arith.constant 0 : i32
      %dma_wait3A_126 = tpu.memref_slice %arg2[%add3A, %sub3A_123, %dma_wait3A_124, %dma_wait3A_125] : memref<32x84x3x120xi32, #tpu.memory_space<hbm>> -> memref<1x1x3x120xi32, #tpu.memory_space<hbm>>
      %dma_wait3A_127 = tpu.memref_squeeze %dma_wait3A_126 : memref<1x1x3x120xi32, #tpu.memory_space<hbm>> -> memref<3x120xi32, #tpu.memory_space<hbm>>
      %dma_wait3A_128 = arith.constant 0 : i32
      %dma_wait3A_129 = arith.constant 0 : i32
      %dma_wait3A_130 = tpu.memref_slice %arg2[%add3A, %sub3A_123, %dma_wait3A_128, %dma_wait3A_129] : memref<32x84x3x120xi32, #tpu.memory_space<hbm>> -> memref<1x1x3x120xi32, #tpu.memory_space<hbm>>
      %dma_wait3A_131 = tpu.memref_squeeze %dma_wait3A_130 : memref<1x1x3x120xi32, #tpu.memory_space<hbm>> -> memref<3x120xi32, #tpu.memory_space<hbm>>
      tpu.wait_dma2 semaphore(%arg18 : memref<!tpu.dma_semaphore, #tpu.memory_space<semaphore_mem>>) src(%dma_wait3A_131 : memref<3x120xi32, #tpu.memory_space<hbm>>) dst(%arg8 : memref<3x120xi32, #tpu.memory_space<vmem>>)
      %dma_start3A_132 = arith.constant 0 : i32
      %dma_start3A_133 = arith.constant 0 : i32
      %dma_start3A_134 = tpu.memref_slice %arg8[%dma_start3A_132, %dma_start3A_133] : memref<3x120xi32, #tpu.memory_space<vmem>> -> memref<1x120xi32, #tpu.memory_space<vmem>>
      %dma_start3A_135 = tpu.memref_squeeze %dma_start3A_134 : memref<1x120xi32, #tpu.memory_space<vmem>> -> memref<120xi32, #tpu.memory_space<vmem>>
      %dma_start3A_136 = arith.constant 0 : i32
      %dma_start3A_137 = arith.constant 0 : i32
      %dma_start3A_138 = tpu.memref_slice %arg3[%dma_start3A_136, %dma_start3A_137] : memref<10000x128xf32, #tpu.memory_space<hbm>> -> memref<10000x128xf32, #tpu.memory_space<hbm>>
      tpu.enqueue_indirect_dma source(%dma_start3A_138 : memref<10000x128xf32, #tpu.memory_space<hbm>>) target(%arg14 : memref<120x128xf32, #tpu.memory_space<vmem>>) offsets(%dma_start3A_135 : memref<120xi32, #tpu.memory_space<vmem>>) semaphore(%arg24 : memref<!tpu.dma_semaphore, #tpu.memory_space<semaphore_mem>>)
      %mul3A_139 = arith.constant 6 : i32
      %mul3A_140 = arith.muli %mul3A_139, %scan3A_98 : i32
      %add3A_141 = arith.constant 0 : i32
      %add3A_142 = arith.addi %mul3A_140, %add3A_141 : i32
      %add3A_143 = arith.constant 6 : i32
      %add3A_144 = arith.addi %add3A_142, %add3A_143 : i32
      %sub3A_145 = arith.constant 1 : i32
      %sub3A_146 = arith.subi %add3A_144, %sub3A_145 : i32
      %dma_start3A_147 = arith.constant 0 : i32
      %dma_start3A_148 = arith.constant 0 : i32
      %dma_start3A_149 = tpu.memref_slice %arg2[%add3A, %sub3A_146, %dma_start3A_147, %dma_start3A_148] : memref<32x84x3x120xi32, #tpu.memory_space<hbm>> -> memref<1x1x3x120xi32, #tpu.memory_space<hbm>>
      %dma_start3A_150 = tpu.memref_squeeze %dma_start3A_149 : memref<1x1x3x120xi32, #tpu.memory_space<hbm>> -> memref<3x120xi32, #tpu.memory_space<hbm>>
      %dma_start3A_151 = arith.constant 0 : i32
      %dma_start3A_152 = arith.constant 0 : i32
      %dma_start3A_153 = tpu.memref_slice %arg2[%add3A, %sub3A_146, %dma_start3A_151, %dma_start3A_152] : memref<32x84x3x120xi32, #tpu.memory_space<hbm>> -> memref<1x1x3x120xi32, #tpu.memory_space<hbm>>
      %dma_start3A_154 = tpu.memref_squeeze %dma_start3A_153 : memref<1x1x3x120xi32, #tpu.memory_space<hbm>> -> memref<3x120xi32, #tpu.memory_space<hbm>>
      tpu.enqueue_dma source(%dma_start3A_154 : memref<3x120xi32, #tpu.memory_space<hbm>>) target(%arg11 : memref<3x120xi32, #tpu.memory_space<vmem>>) target_semaphore(%arg21 : memref<!tpu.dma_semaphore, #tpu.memory_space<semaphore_mem>>)
      %dma_wait3A_155 = arith.constant 0 : i32
      %dma_wait3A_156 = arith.constant 0 : i32
      %dma_wait3A_157 = tpu.memref_slice %arg7[%dma_wait3A_155, %dma_wait3A_156] : memref<3x120xi32, #tpu.memory_space<vmem>> -> memref<1x120xi32, #tpu.memory_space<vmem>>
      %dma_wait3A_158 = tpu.memref_squeeze %dma_wait3A_157 : memref<1x120xi32, #tpu.memory_space<vmem>> -> memref<120xi32, #tpu.memory_space<vmem>>
      %dma_wait3A_159 = arith.constant 0 : i32
      %dma_wait3A_160 = arith.constant 0 : i32
      %dma_wait3A_161 = tpu.memref_slice %arg3[%dma_wait3A_159, %dma_wait3A_160] : memref<10000x128xf32, #tpu.memory_space<hbm>> -> memref<10000x128xf32, #tpu.memory_space<hbm>>
      tpu.wait_indirect_dma semaphore(%arg23 : memref<!tpu.dma_semaphore, #tpu.memory_space<semaphore_mem>>) src(%dma_wait3A_161 : memref<10000x128xf32, #tpu.memory_space<hbm>>) dst(%arg13 : memref<120x128xf32, #tpu.memory_space<vmem>>)
      %parallel_loop3A_162 = arith.constant 0 : i32
      %parallel_loop3A_163 = arith.constant 120 : i32
      %parallel_loop3A_164 = arith.constant 1 : i32
      scf.for %parallel_loop3A_368 = %parallel_loop3A_162 to %parallel_loop3A_163 step %parallel_loop3A_164  : i32 {
        %parallel_loop3A_369 = arith.constant 2 : i32
        %parallel_loop3A_370 = vector.broadcast %parallel_loop3A_369 : i32 to vector<16xi32>
        %parallel_loop3A_371 = vector.broadcast %parallel_loop3A_368 : i32 to vector<16xi32>
        %parallel_loop3A_372 = tpu.vector_load_idx %arg7[%parallel_loop3A_370, %parallel_loop3A_371] : memref<3x120xi32, #tpu.memory_space<vmem>>[vector<16xi32>, vector<16xi32>], vector<16xi32>,
        %parallel_loop3A_373 = vector.bitcast %parallel_loop3A_372 : vector<16xi32> to vector<16xf32>
        %parallel_loop3A_374 = arith.index_cast %parallel_loop3A_368 : i32 to index
        %parallel_loop3A_375 = arith.constant 0 : index
        %parallel_loop3A_376 = tpu.vector_load %arg13[%parallel_loop3A_374, %parallel_loop3A_375] {strides = array<i32>} : memref<120x128xf32, #tpu.memory_space<vmem>>, vector<16xf32>,
        %parallel_loop3A_377 = arith.mulf %parallel_loop3A_376, %parallel_loop3A_373 : vector<16xf32>
        %parallel_loop3A_378 = arith.index_cast %parallel_loop3A_368 : i32 to index
        %parallel_loop3A_379 = arith.constant 0 : index
        %parallel_loop3A_380 = tpu.vector_load %arg13[%parallel_loop3A_378, %parallel_loop3A_379] {strides = array<i32>} : memref<120x128xf32, #tpu.memory_space<vmem>>, vector<16xf32>,
        tpu.vector_store %arg13[%parallel_loop3A_378, %parallel_loop3A_379], %parallel_loop3A_377 {strides = array<i32>} : memref<120x128xf32, #tpu.memory_space<vmem>>, vector<16xf32>,
        %parallel_loop3A_381 = arith.index_cast %parallel_loop3A_368 : i32 to index
        %parallel_loop3A_382 = arith.constant 16 : index
        %parallel_loop3A_383 = tpu.vector_load %arg13[%parallel_loop3A_381, %parallel_loop3A_382] {strides = array<i32>} : memref<120x128xf32, #tpu.memory_space<vmem>>, vector<16xf32>,
        %parallel_loop3A_384 = arith.mulf %parallel_loop3A_383, %parallel_loop3A_373 : vector<16xf32>
        %parallel_loop3A_385 = arith.index_cast %parallel_loop3A_368 : i32 to index
        %parallel_loop3A_386 = arith.constant 16 : index
        %parallel_loop3A_387 = tpu.vector_load %arg13[%parallel_loop3A_385, %parallel_loop3A_386] {strides = array<i32>} : memref<120x128xf32, #tpu.memory_space<vmem>>, vector<16xf32>,
        tpu.vector_store %arg13[%parallel_loop3A_385, %parallel_loop3A_386], %parallel_loop3A_384 {strides = array<i32>} : memref<120x128xf32, #tpu.memory_space<vmem>>, vector<16xf32>,
        %parallel_loop3A_388 = arith.index_cast %parallel_loop3A_368 : i32 to index
        %parallel_loop3A_389 = arith.constant 32 : index
        %parallel_loop3A_390 = tpu.vector_load %arg13[%parallel_loop3A_388, %parallel_loop3A_389] {strides = array<i32>} : memref<120x128xf32, #tpu.memory_space<vmem>>, vector<16xf32>,
        %parallel_loop3A_391 = arith.mulf %parallel_loop3A_390, %parallel_loop3A_373 : vector<16xf32>
        %parallel_loop3A_392 = arith.index_cast %parallel_loop3A_368 : i32 to index
        %parallel_loop3A_393 = arith.constant 32 : index
        %parallel_loop3A_394 = tpu.vector_load %arg13[%parallel_loop3A_392, %parallel_loop3A_393] {strides = array<i32>} : memref<120x128xf32, #tpu.memory_space<vmem>>, vector<16xf32>,
        tpu.vector_store %arg13[%parallel_loop3A_392, %parallel_loop3A_393], %parallel_loop3A_391 {strides = array<i32>} : memref<120x128xf32, #tpu.memory_space<vmem>>, vector<16xf32>,
        %parallel_loop3A_395 = arith.index_cast %parallel_loop3A_368 : i32 to index
        %parallel_loop3A_396 = arith.constant 48 : index
        %parallel_loop3A_397 = tpu.vector_load %arg13[%parallel_loop3A_395, %parallel_loop3A_396] {strides = array<i32>} : memref<120x128xf32, #tpu.memory_space<vmem>>, vector<16xf32>,
        %parallel_loop3A_398 = arith.mulf %parallel_loop3A_397, %parallel_loop3A_373 : vector<16xf32>
        %parallel_loop3A_399 = arith.index_cast %parallel_loop3A_368 : i32 to index
        %parallel_loop3A_400 = arith.constant 48 : index
        %parallel_loop3A_401 = tpu.vector_load %arg13[%parallel_loop3A_399, %parallel_loop3A_400] {strides = array<i32>} : memref<120x128xf32, #tpu.memory_space<vmem>>, vector<16xf32>,
        tpu.vector_store %arg13[%parallel_loop3A_399, %parallel_loop3A_400], %parallel_loop3A_398 {strides = array<i32>} : memref<120x128xf32, #tpu.memory_space<vmem>>, vector<16xf32>,
        %parallel_loop3A_402 = arith.index_cast %parallel_loop3A_368 : i32 to index
        %parallel_loop3A_403 = arith.constant 64 : index
        %parallel_loop3A_404 = tpu.vector_load %arg13[%parallel_loop3A_402, %parallel_loop3A_403] {strides = array<i32>} : memref<120x128xf32, #tpu.memory_space<vmem>>, vector<16xf32>,
        %parallel_loop3A_405 = arith.mulf %parallel_loop3A_404, %parallel_loop3A_373 : vector<16xf32>
        %parallel_loop3A_406 = arith.index_cast %parallel_loop3A_368 : i32 to index
        %parallel_loop3A_407 = arith.constant 64 : index
        %parallel_loop3A_408 = tpu.vector_load %arg13[%parallel_loop3A_406, %parallel_loop3A_407] {strides = array<i32>} : memref<120x128xf32, #tpu.memory_space<vmem>>, vector<16xf32>,
        tpu.vector_store %arg13[%parallel_loop3A_406, %parallel_loop3A_407], %parallel_loop3A_405 {strides = array<i32>} : memref<120x128xf32, #tpu.memory_space<vmem>>, vector<16xf32>,
        %parallel_loop3A_409 = arith.index_cast %parallel_loop3A_368 : i32 to index
        %parallel_loop3A_410 = arith.constant 80 : index
        %parallel_loop3A_411 = tpu.vector_load %arg13[%parallel_loop3A_409, %parallel_loop3A_410] {strides = array<i32>} : memref<120x128xf32, #tpu.memory_space<vmem>>, vector<16xf32>,
        %parallel_loop3A_412 = arith.mulf %parallel_loop3A_411, %parallel_loop3A_373 : vector<16xf32>
        %parallel_loop3A_413 = arith.index_cast %parallel_loop3A_368 : i32 to index
        %parallel_loop3A_414 = arith.constant 80 : index
        %parallel_loop3A_415 = tpu.vector_load %arg13[%parallel_loop3A_413, %parallel_loop3A_414] {strides = array<i32>} : memref<120x128xf32, #tpu.memory_space<vmem>>, vector<16xf32>,
        tpu.vector_store %arg13[%parallel_loop3A_413, %parallel_loop3A_414], %parallel_loop3A_412 {strides = array<i32>} : memref<120x128xf32, #tpu.memory_space<vmem>>, vector<16xf32>,
        %parallel_loop3A_416 = arith.index_cast %parallel_loop3A_368 : i32 to index
        %parallel_loop3A_417 = arith.constant 96 : index
        %parallel_loop3A_418 = tpu.vector_load %arg13[%parallel_loop3A_416, %parallel_loop3A_417] {strides = array<i32>} : memref<120x128xf32, #tpu.memory_space<vmem>>, vector<16xf32>,
        %parallel_loop3A_419 = arith.mulf %parallel_loop3A_418, %parallel_loop3A_373 : vector<16xf32>
        %parallel_loop3A_420 = arith.index_cast %parallel_loop3A_368 : i32 to index
        %parallel_loop3A_421 = arith.constant 96 : index
        %parallel_loop3A_422 = tpu.vector_load %arg13[%parallel_loop3A_420, %parallel_loop3A_421] {strides = array<i32>} : memref<120x128xf32, #tpu.memory_space<vmem>>, vector<16xf32>,
        tpu.vector_store %arg13[%parallel_loop3A_420, %parallel_loop3A_421], %parallel_loop3A_419 {strides = array<i32>} : memref<120x128xf32, #tpu.memory_space<vmem>>, vector<16xf32>,
        %parallel_loop3A_423 = arith.index_cast %parallel_loop3A_368 : i32 to index
        %parallel_loop3A_424 = arith.constant 112 : index
        %parallel_loop3A_425 = tpu.vector_load %arg13[%parallel_loop3A_423, %parallel_loop3A_424] {strides = array<i32>} : memref<120x128xf32, #tpu.memory_space<vmem>>, vector<16xf32>,
        %parallel_loop3A_426 = arith.mulf %parallel_loop3A_425, %parallel_loop3A_373 : vector<16xf32>
        %parallel_loop3A_427 = arith.index_cast %parallel_loop3A_368 : i32 to index
        %parallel_loop3A_428 = arith.constant 112 : index
        %parallel_loop3A_429 = tpu.vector_load %arg13[%parallel_loop3A_427, %parallel_loop3A_428] {strides = array<i32>} : memref<120x128xf32, #tpu.memory_space<vmem>>, vector<16xf32>,
        tpu.vector_store %arg13[%parallel_loop3A_427, %parallel_loop3A_428], %parallel_loop3A_426 {strides = array<i32>} : memref<120x128xf32, #tpu.memory_space<vmem>>, vector<16xf32>,
      } {sc.loop_unroll_factor = 4 : i64, sc.parallel_access}
      %dma_start3A_165 = arith.constant 1 : i32
      %dma_start3A_166 = arith.constant 0 : i32
      %dma_start3A_167 = tpu.memref_slice %arg7[%dma_start3A_165, %dma_start3A_166] : memref<3x120xi32, #tpu.memory_space<vmem>> -> memref<1x120xi32, #tpu.memory_space<vmem>>
      %dma_start3A_168 = tpu.memref_squeeze %dma_start3A_167 : memref<1x120xi32, #tpu.memory_space<vmem>> -> memref<120xi32, #tpu.memory_space<vmem>>
      %dma_start3A_169 = arith.constant 0 : i32
      %dma_start3A_170 = arith.constant 0 : i32
      %dma_start3A_171 = tpu.memref_slice %arg15[%dma_start3A_169, %dma_start3A_170] : memref<10240x128xf32, #tpu.memory_space<vmem_shared>> -> memref<10240x128xf32, #tpu.memory_space<vmem_shared>>
      tpu.enqueue_indirect_dma source(%arg13 : memref<120x128xf32, #tpu.memory_space<vmem>>) target(%dma_start3A_171 : memref<10240x128xf32, #tpu.memory_space<vmem_shared>>) offsets(%dma_start3A_168 : memref<120xi32, #tpu.memory_space<vmem>>) semaphore(%arg26 : memref<!tpu.dma_semaphore, #tpu.memory_space<semaphore_mem>>) {add = true}
      %dma_wait3A_172 = arith.constant 1 : i32
      %dma_wait3A_173 = arith.constant 0 : i32
      %dma_wait3A_174 = tpu.memref_slice %arg6[%dma_wait3A_172, %dma_wait3A_173] : memref<3x120xi32, #tpu.memory_space<vmem>> -> memref<1x120xi32, #tpu.memory_space<vmem>>
      %dma_wait3A_175 = tpu.memref_squeeze %dma_wait3A_174 : memref<1x120xi32, #tpu.memory_space<vmem>> -> memref<120xi32, #tpu.memory_space<vmem>>
      %dma_wait3A_176 = arith.constant 0 : i32
      %dma_wait3A_177 = arith.constant 0 : i32
      %dma_wait3A_178 = tpu.memref_slice %arg15[%dma_wait3A_176, %dma_wait3A_177] : memref<10240x128xf32, #tpu.memory_space<vmem_shared>> -> memref<10240x128xf32, #tpu.memory_space<vmem_shared>>
      tpu.wait_indirect_dma semaphore(%arg25 : memref<!tpu.dma_semaphore, #tpu.memory_space<semaphore_mem>>) src(%arg12 : memref<120x128xf32, #tpu.memory_space<vmem>>) dst(%dma_wait3A_178 : memref<10240x128xf32, #tpu.memory_space<vmem_shared>>)
      %mul3A_179 = arith.constant 6 : i32
      %mul3A_180 = arith.muli %mul3A_179, %scan3A_98 : i32
      %add3A_181 = arith.constant 1 : i32
      %add3A_182 = arith.addi %mul3A_180, %add3A_181 : i32
      %add3A_183 = arith.constant 3 : i32
      %add3A_184 = arith.addi %add3A_182, %add3A_183 : i32
      %sub3A_185 = arith.constant 1 : i32
      %sub3A_186 = arith.subi %add3A_184, %sub3A_185 : i32
      %dma_wait3A_187 = arith.constant 0 : i32
      %dma_wait3A_188 = arith.constant 0 : i32
      %dma_wait3A_189 = tpu.memref_slice %arg2[%add3A, %sub3A_186, %dma_wait3A_187, %dma_wait3A_188] : memref<32x84x3x120xi32, #tpu.memory_space<hbm>> -> memref<1x1x3x120xi32, #tpu.memory_space<hbm>>
      %dma_wait3A_190 = tpu.memref_squeeze %dma_wait3A_189 : memref<1x1x3x120xi32, #tpu.memory_space<hbm>> -> memref<3x120xi32, #tpu.memory_space<hbm>>
      %dma_wait3A_191 = arith.constant 0 : i32
      %dma_wait3A_192 = arith.constant 0 : i32
      %dma_wait3A_193 = tpu.memref_slice %arg2[%add3A, %sub3A_186, %dma_wait3A_191, %dma_wait3A_192] : memref<32x84x3x120xi32, #tpu.memory_space<hbm>> -> memref<1x1x3x120xi32, #tpu.memory_space<hbm>>
      %dma_wait3A_194 = tpu.memref_squeeze %dma_wait3A_193 : memref<1x1x3x120xi32, #tpu.memory_space<hbm>> -> memref<3x120xi32, #tpu.memory_space<hbm>>
      tpu.wait_dma2 semaphore(%arg19 : memref<!tpu.dma_semaphore, #tpu.memory_space<semaphore_mem>>) src(%dma_wait3A_194 : memref<3x120xi32, #tpu.memory_space<hbm>>) dst(%arg9 : memref<3x120xi32, #tpu.memory_space<vmem>>)
      %dma_start3A_195 = arith.constant 0 : i32
      %dma_start3A_196 = arith.constant 0 : i32
      %dma_start3A_197 = tpu.memref_slice %arg9[%dma_start3A_195, %dma_start3A_196] : memref<3x120xi32, #tpu.memory_space<vmem>> -> memref<1x120xi32, #tpu.memory_space<vmem>>
      %dma_start3A_198 = tpu.memref_squeeze %dma_start3A_197 : memref<1x120xi32, #tpu.memory_space<vmem>> -> memref<120xi32, #tpu.memory_space<vmem>>
      %dma_start3A_199 = arith.constant 0 : i32
      %dma_start3A_200 = arith.constant 0 : i32
      %dma_start3A_201 = tpu.memref_slice %arg3[%dma_start3A_199, %dma_start3A_200] : memref<10000x128xf32, #tpu.memory_space<hbm>> -> memref<10000x128xf32, #tpu.memory_space<hbm>>
      tpu.enqueue_indirect_dma source(%dma_start3A_201 : memref<10000x128xf32, #tpu.memory_space<hbm>>) target(%arg12 : memref<120x128xf32, #tpu.memory_space<vmem>>) offsets(%dma_start3A_198 : memref<120xi32, #tpu.memory_space<vmem>>) semaphore(%arg22 : memref<!tpu.dma_semaphore, #tpu.memory_space<semaphore_mem>>)
      %lt3A = arith.constant 13 : i32
      %lt3A_202 = arith.cmpi slt, %scan3A_98, %lt3A : i32
      %convert_element_type3A_203 = arith.extui %lt3A_202 : i1 to i32
      %cond3A_204 = arith.constant 0 : i32
      %cond3A_205 = arith.cmpi ne, %convert_element_type3A_203, %cond3A_204 : i32
      scf.if %cond3A_205 {
        %mul3A_368 = arith.constant 6 : i32
        %mul3A_369 = arith.muli %mul3A_368, %scan3A_98 : i32
        %add3A_370 = arith.constant 1 : i32
        %add3A_371 = arith.addi %mul3A_369, %add3A_370 : i32
        %add3A_372 = arith.constant 6 : i32
        %add3A_373 = arith.addi %add3A_371, %add3A_372 : i32
        %sub3A_374 = arith.constant 1 : i32
        %sub3A_375 = arith.subi %add3A_373, %sub3A_374 : i32
        %dma_start3A_376 = arith.constant 0 : i32
        %dma_start3A_377 = arith.constant 0 : i32
        %dma_start3A_378 = tpu.memref_slice %arg2[%add3A, %sub3A_375, %dma_start3A_376, %dma_start3A_377] : memref<32x84x3x120xi32, #tpu.memory_space<hbm>> -> memref<1x1x3x120xi32, #tpu.memory_space<hbm>>
        %dma_start3A_379 = tpu.memref_squeeze %dma_start3A_378 : memref<1x1x3x120xi32, #tpu.memory_space<hbm>> -> memref<3x120xi32, #tpu.memory_space<hbm>>
        %dma_start3A_380 = arith.constant 0 : i32
        %dma_start3A_381 = arith.constant 0 : i32
        %dma_start3A_382 = tpu.memref_slice %arg2[%add3A, %sub3A_375, %dma_start3A_380, %dma_start3A_381] : memref<32x84x3x120xi32, #tpu.memory_space<hbm>> -> memref<1x1x3x120xi32, #tpu.memory_space<hbm>>
        %dma_start3A_383 = tpu.memref_squeeze %dma_start3A_382 : memref<1x1x3x120xi32, #tpu.memory_space<hbm>> -> memref<3x120xi32, #tpu.memory_space<hbm>>
        tpu.enqueue_dma source(%dma_start3A_383 : memref<3x120xi32, #tpu.memory_space<hbm>>) target(%arg6 : memref<3x120xi32, #tpu.memory_space<vmem>>) target_semaphore(%arg16 : memref<!tpu.dma_semaphore, #tpu.memory_space<semaphore_mem>>)
      } else {
      }
      %dma_wait3A_206 = arith.constant 0 : i32
      %dma_wait3A_207 = arith.constant 0 : i32
      %dma_wait3A_208 = tpu.memref_slice %arg8[%dma_wait3A_206, %dma_wait3A_207] : memref<3x120xi32, #tpu.memory_space<vmem>> -> memref<1x120xi32, #tpu.memory_space<vmem>>
      %dma_wait3A_209 = tpu.memref_squeeze %dma_wait3A_208 : memref<1x120xi32, #tpu.memory_space<vmem>> -> memref<120xi32, #tpu.memory_space<vmem>>
      %dma_wait3A_210 = arith.constant 0 : i32
      %dma_wait3A_211 = arith.constant 0 : i32
      %dma_wait3A_212 = tpu.memref_slice %arg3[%dma_wait3A_210, %dma_wait3A_211] : memref<10000x128xf32, #tpu.memory_space<hbm>> -> memref<10000x128xf32, #tpu.memory_space<hbm>>
      tpu.wait_indirect_dma semaphore(%arg24 : memref<!tpu.dma_semaphore, #tpu.memory_space<semaphore_mem>>) src(%dma_wait3A_212 : memref<10000x128xf32, #tpu.memory_space<hbm>>) dst(%arg14 : memref<120x128xf32, #tpu.memory_space<vmem>>)
      %parallel_loop3A_213 = arith.constant 0 : i32
      %parallel_loop3A_214 = arith.constant 120 : i32
      %parallel_loop3A_215 = arith.constant 1 : i32
      scf.for %parallel_loop3A_368 = %parallel_loop3A_213 to %parallel_loop3A_214 step %parallel_loop3A_215  : i32 {
        %parallel_loop3A_369 = arith.constant 2 : i32
        %parallel_loop3A_370 = vector.broadcast %parallel_loop3A_369 : i32 to vector<16xi32>
        %parallel_loop3A_371 = vector.broadcast %parallel_loop3A_368 : i32 to vector<16xi32>
        %parallel_loop3A_372 = tpu.vector_load_idx %arg8[%parallel_loop3A_370, %parallel_loop3A_371] : memref<3x120xi32, #tpu.memory_space<vmem>>[vector<16xi32>, vector<16xi32>], vector<16xi32>,
        %parallel_loop3A_373 = vector.bitcast %parallel_loop3A_372 : vector<16xi32> to vector<16xf32>
        %parallel_loop3A_374 = arith.index_cast %parallel_loop3A_368 : i32 to index
        %parallel_loop3A_375 = arith.constant 0 : index
        %parallel_loop3A_376 = tpu.vector_load %arg14[%parallel_loop3A_374, %parallel_loop3A_375] {strides = array<i32>} : memref<120x128xf32, #tpu.memory_space<vmem>>, vector<16xf32>,
        %parallel_loop3A_377 = arith.mulf %parallel_loop3A_376, %parallel_loop3A_373 : vector<16xf32>
        %parallel_loop3A_378 = arith.index_cast %parallel_loop3A_368 : i32 to index
        %parallel_loop3A_379 = arith.constant 0 : index
        %parallel_loop3A_380 = tpu.vector_load %arg14[%parallel_loop3A_378, %parallel_loop3A_379] {strides = array<i32>} : memref<120x128xf32, #tpu.memory_space<vmem>>, vector<16xf32>,
        tpu.vector_store %arg14[%parallel_loop3A_378, %parallel_loop3A_379], %parallel_loop3A_377 {strides = array<i32>} : memref<120x128xf32, #tpu.memory_space<vmem>>, vector<16xf32>,
        %parallel_loop3A_381 = arith.index_cast %parallel_loop3A_368 : i32 to index
        %parallel_loop3A_382 = arith.constant 16 : index
        %parallel_loop3A_383 = tpu.vector_load %arg14[%parallel_loop3A_381, %parallel_loop3A_382] {strides = array<i32>} : memref<120x128xf32, #tpu.memory_space<vmem>>, vector<16xf32>,
        %parallel_loop3A_384 = arith.mulf %parallel_loop3A_383, %parallel_loop3A_373 : vector<16xf32>
        %parallel_loop3A_385 = arith.index_cast %parallel_loop3A_368 : i32 to index
        %parallel_loop3A_386 = arith.constant 16 : index
        %parallel_loop3A_387 = tpu.vector_load %arg14[%parallel_loop3A_385, %parallel_loop3A_386] {strides = array<i32>} : memref<120x128xf32, #tpu.memory_space<vmem>>, vector<16xf32>,
        tpu.vector_store %arg14[%parallel_loop3A_385, %parallel_loop3A_386], %parallel_loop3A_384 {strides = array<i32>} : memref<120x128xf32, #tpu.memory_space<vmem>>, vector<16xf32>,
        %parallel_loop3A_388 = arith.index_cast %parallel_loop3A_368 : i32 to index
        %parallel_loop3A_389 = arith.constant 32 : index
        %parallel_loop3A_390 = tpu.vector_load %arg14[%parallel_loop3A_388, %parallel_loop3A_389] {strides = array<i32>} : memref<120x128xf32, #tpu.memory_space<vmem>>, vector<16xf32>,
        %parallel_loop3A_391 = arith.mulf %parallel_loop3A_390, %parallel_loop3A_373 : vector<16xf32>
        %parallel_loop3A_392 = arith.index_cast %parallel_loop3A_368 : i32 to index
        %parallel_loop3A_393 = arith.constant 32 : index
        %parallel_loop3A_394 = tpu.vector_load %arg14[%parallel_loop3A_392, %parallel_loop3A_393] {strides = array<i32>} : memref<120x128xf32, #tpu.memory_space<vmem>>, vector<16xf32>,
        tpu.vector_store %arg14[%parallel_loop3A_392, %parallel_loop3A_393], %parallel_loop3A_391 {strides = array<i32>} : memref<120x128xf32, #tpu.memory_space<vmem>>, vector<16xf32>,
        %parallel_loop3A_395 = arith.index_cast %parallel_loop3A_368 : i32 to index
        %parallel_loop3A_396 = arith.constant 48 : index
        %parallel_loop3A_397 = tpu.vector_load %arg14[%parallel_loop3A_395, %parallel_loop3A_396] {strides = array<i32>} : memref<120x128xf32, #tpu.memory_space<vmem>>, vector<16xf32>,
        %parallel_loop3A_398 = arith.mulf %parallel_loop3A_397, %parallel_loop3A_373 : vector<16xf32>
        %parallel_loop3A_399 = arith.index_cast %parallel_loop3A_368 : i32 to index
        %parallel_loop3A_400 = arith.constant 48 : index
        %parallel_loop3A_401 = tpu.vector_load %arg14[%parallel_loop3A_399, %parallel_loop3A_400] {strides = array<i32>} : memref<120x128xf32, #tpu.memory_space<vmem>>, vector<16xf32>,
        tpu.vector_store %arg14[%parallel_loop3A_399, %parallel_loop3A_400], %parallel_loop3A_398 {strides = array<i32>} : memref<120x128xf32, #tpu.memory_space<vmem>>, vector<16xf32>,
        %parallel_loop3A_402 = arith.index_cast %parallel_loop3A_368 : i32 to index
        %parallel_loop3A_403 = arith.constant 64 : index
        %parallel_loop3A_404 = tpu.vector_load %arg14[%parallel_loop3A_402, %parallel_loop3A_403] {strides = array<i32>} : memref<120x128xf32, #tpu.memory_space<vmem>>, vector<16xf32>,
        %parallel_loop3A_405 = arith.mulf %parallel_loop3A_404, %parallel_loop3A_373 : vector<16xf32>
        %parallel_loop3A_406 = arith.index_cast %parallel_loop3A_368 : i32 to index
        %parallel_loop3A_407 = arith.constant 64 : index
        %parallel_loop3A_408 = tpu.vector_load %arg14[%parallel_loop3A_406, %parallel_loop3A_407] {strides = array<i32>} : memref<120x128xf32, #tpu.memory_space<vmem>>, vector<16xf32>,
        tpu.vector_store %arg14[%parallel_loop3A_406, %parallel_loop3A_407], %parallel_loop3A_405 {strides = array<i32>} : memref<120x128xf32, #tpu.memory_space<vmem>>, vector<16xf32>,
        %parallel_loop3A_409 = arith.index_cast %parallel_loop3A_368 : i32 to index
        %parallel_loop3A_410 = arith.constant 80 : index
        %parallel_loop3A_411 = tpu.vector_load %arg14[%parallel_loop3A_409, %parallel_loop3A_410] {strides = array<i32>} : memref<120x128xf32, #tpu.memory_space<vmem>>, vector<16xf32>,
        %parallel_loop3A_412 = arith.mulf %parallel_loop3A_411, %parallel_loop3A_373 : vector<16xf32>
        %parallel_loop3A_413 = arith.index_cast %parallel_loop3A_368 : i32 to index
        %parallel_loop3A_414 = arith.constant 80 : index
        %parallel_loop3A_415 = tpu.vector_load %arg14[%parallel_loop3A_413, %parallel_loop3A_414] {strides = array<i32>} : memref<120x128xf32, #tpu.memory_space<vmem>>, vector<16xf32>,
        tpu.vector_store %arg14[%parallel_loop3A_413, %parallel_loop3A_414], %parallel_loop3A_412 {strides = array<i32>} : memref<120x128xf32, #tpu.memory_space<vmem>>, vector<16xf32>,
        %parallel_loop3A_416 = arith.index_cast %parallel_loop3A_368 : i32 to index
        %parallel_loop3A_417 = arith.constant 96 : index
        %parallel_loop3A_418 = tpu.vector_load %arg14[%parallel_loop3A_416, %parallel_loop3A_417] {strides = array<i32>} : memref<120x128xf32, #tpu.memory_space<vmem>>, vector<16xf32>,
        %parallel_loop3A_419 = arith.mulf %parallel_loop3A_418, %parallel_loop3A_373 : vector<16xf32>
        %parallel_loop3A_420 = arith.index_cast %parallel_loop3A_368 : i32 to index
        %parallel_loop3A_421 = arith.constant 96 : index
        %parallel_loop3A_422 = tpu.vector_load %arg14[%parallel_loop3A_420, %parallel_loop3A_421] {strides = array<i32>} : memref<120x128xf32, #tpu.memory_space<vmem>>, vector<16xf32>,
        tpu.vector_store %arg14[%parallel_loop3A_420, %parallel_loop3A_421], %parallel_loop3A_419 {strides = array<i32>} : memref<120x128xf32, #tpu.memory_space<vmem>>, vector<16xf32>,
        %parallel_loop3A_423 = arith.index_cast %parallel_loop3A_368 : i32 to index
        %parallel_loop3A_424 = arith.constant 112 : index
        %parallel_loop3A_425 = tpu.vector_load %arg14[%parallel_loop3A_423, %parallel_loop3A_424] {strides = array<i32>} : memref<120x128xf32, #tpu.memory_space<vmem>>, vector<16xf32>,
        %parallel_loop3A_426 = arith.mulf %parallel_loop3A_425, %parallel_loop3A_373 : vector<16xf32>
        %parallel_loop3A_427 = arith.index_cast %parallel_loop3A_368 : i32 to index
        %parallel_loop3A_428 = arith.constant 112 : index
        %parallel_loop3A_429 = tpu.vector_load %arg14[%parallel_loop3A_427, %parallel_loop3A_428] {strides = array<i32>} : memref<120x128xf32, #tpu.memory_space<vmem>>, vector<16xf32>,
        tpu.vector_store %arg14[%parallel_loop3A_427, %parallel_loop3A_428], %parallel_loop3A_426 {strides = array<i32>} : memref<120x128xf32, #tpu.memory_space<vmem>>, vector<16xf32>,
      } {sc.loop_unroll_factor = 4 : i64, sc.parallel_access}
      %dma_start3A_216 = arith.constant 1 : i32
      %dma_start3A_217 = arith.constant 0 : i32
      %dma_start3A_218 = tpu.memref_slice %arg8[%dma_start3A_216, %dma_start3A_217] : memref<3x120xi32, #tpu.memory_space<vmem>> -> memref<1x120xi32, #tpu.memory_space<vmem>>
      %dma_start3A_219 = tpu.memref_squeeze %dma_start3A_218 : memref<1x120xi32, #tpu.memory_space<vmem>> -> memref<120xi32, #tpu.memory_space<vmem>>
      %dma_start3A_220 = arith.constant 0 : i32
      %dma_start3A_221 = arith.constant 0 : i32
      %dma_start3A_222 = tpu.memref_slice %arg15[%dma_start3A_220, %dma_start3A_221] : memref<10240x128xf32, #tpu.memory_space<vmem_shared>> -> memref<10240x128xf32, #tpu.memory_space<vmem_shared>>
      tpu.enqueue_indirect_dma source(%arg14 : memref<120x128xf32, #tpu.memory_space<vmem>>) target(%dma_start3A_222 : memref<10240x128xf32, #tpu.memory_space<vmem_shared>>) offsets(%dma_start3A_219 : memref<120xi32, #tpu.memory_space<vmem>>) semaphore(%arg27 : memref<!tpu.dma_semaphore, #tpu.memory_space<semaphore_mem>>) {add = true}
      %dma_wait3A_223 = arith.constant 1 : i32
      %dma_wait3A_224 = arith.constant 0 : i32
      %dma_wait3A_225 = tpu.memref_slice %arg7[%dma_wait3A_223, %dma_wait3A_224] : memref<3x120xi32, #tpu.memory_space<vmem>> -> memref<1x120xi32, #tpu.memory_space<vmem>>
      %dma_wait3A_226 = tpu.memref_squeeze %dma_wait3A_225 : memref<1x120xi32, #tpu.memory_space<vmem>> -> memref<120xi32, #tpu.memory_space<vmem>>
      %dma_wait3A_227 = arith.constant 0 : i32
      %dma_wait3A_228 = arith.constant 0 : i32
      %dma_wait3A_229 = tpu.memref_slice %arg15[%dma_wait3A_227, %dma_wait3A_228] : memref<10240x128xf32, #tpu.memory_space<vmem_shared>> -> memref<10240x128xf32, #tpu.memory_space<vmem_shared>>
      tpu.wait_indirect_dma semaphore(%arg26 : memref<!tpu.dma_semaphore, #tpu.memory_space<semaphore_mem>>) src(%arg13 : memref<120x128xf32, #tpu.memory_space<vmem>>) dst(%dma_wait3A_229 : memref<10240x128xf32, #tpu.memory_space<vmem_shared>>)
      %mul3A_230 = arith.constant 6 : i32
      %mul3A_231 = arith.muli %mul3A_230, %scan3A_98 : i32
      %add3A_232 = arith.constant 2 : i32
      %add3A_233 = arith.addi %mul3A_231, %add3A_232 : i32
      %add3A_234 = arith.constant 3 : i32
      %add3A_235 = arith.addi %add3A_233, %add3A_234 : i32
      %sub3A_236 = arith.constant 1 : i32
      %sub3A_237 = arith.subi %add3A_235, %sub3A_236 : i32
      %dma_wait3A_238 = arith.constant 0 : i32
      %dma_wait3A_239 = arith.constant 0 : i32
      %dma_wait3A_240 = tpu.memref_slice %arg2[%add3A, %sub3A_237, %dma_wait3A_238, %dma_wait3A_239] : memref<32x84x3x120xi32, #tpu.memory_space<hbm>> -> memref<1x1x3x120xi32, #tpu.memory_space<hbm>>
      %dma_wait3A_241 = tpu.memref_squeeze %dma_wait3A_240 : memref<1x1x3x120xi32, #tpu.memory_space<hbm>> -> memref<3x120xi32, #tpu.memory_space<hbm>>
      %dma_wait3A_242 = arith.constant 0 : i32
      %dma_wait3A_243 = arith.constant 0 : i32
      %dma_wait3A_244 = tpu.memref_slice %arg2[%add3A, %sub3A_237, %dma_wait3A_242, %dma_wait3A_243] : memref<32x84x3x120xi32, #tpu.memory_space<hbm>> -> memref<1x1x3x120xi32, #tpu.memory_space<hbm>>
      %dma_wait3A_245 = tpu.memref_squeeze %dma_wait3A_244 : memref<1x1x3x120xi32, #tpu.memory_space<hbm>> -> memref<3x120xi32, #tpu.memory_space<hbm>>
      tpu.wait_dma2 semaphore(%arg20 : memref<!tpu.dma_semaphore, #tpu.memory_space<semaphore_mem>>) src(%dma_wait3A_245 : memref<3x120xi32, #tpu.memory_space<hbm>>) dst(%arg10 : memref<3x120xi32, #tpu.memory_space<vmem>>)
      %dma_start3A_246 = arith.constant 0 : i32
      %dma_start3A_247 = arith.constant 0 : i32
      %dma_start3A_248 = tpu.memref_slice %arg10[%dma_start3A_246, %dma_start3A_247] : memref<3x120xi32, #tpu.memory_space<vmem>> -> memref<1x120xi32, #tpu.memory_space<vmem>>
      %dma_start3A_249 = tpu.memref_squeeze %dma_start3A_248 : memref<1x120xi32, #tpu.memory_space<vmem>> -> memref<120xi32, #tpu.memory_space<vmem>>
      %dma_start3A_250 = arith.constant 0 : i32
      %dma_start3A_251 = arith.constant 0 : i32
      %dma_start3A_252 = tpu.memref_slice %arg3[%dma_start3A_250, %dma_start3A_251] : memref<10000x128xf32, #tpu.memory_space<hbm>> -> memref<10000x128xf32, #tpu.memory_space<hbm>>
      tpu.enqueue_indirect_dma source(%dma_start3A_252 : memref<10000x128xf32, #tpu.memory_space<hbm>>) target(%arg13 : memref<120x128xf32, #tpu.memory_space<vmem>>) offsets(%dma_start3A_249 : memref<120xi32, #tpu.memory_space<vmem>>) semaphore(%arg23 : memref<!tpu.dma_semaphore, #tpu.memory_space<semaphore_mem>>)
      %lt3A_253 = arith.constant 13 : i32
      %lt3A_254 = arith.cmpi slt, %scan3A_98, %lt3A_253 : i32
      %convert_element_type3A_255 = arith.extui %lt3A_254 : i1 to i32
      %cond3A_256 = arith.constant 0 : i32
      %cond3A_257 = arith.cmpi ne, %convert_element_type3A_255, %cond3A_256 : i32
      scf.if %cond3A_257 {
        %mul3A_368 = arith.constant 6 : i32
        %mul3A_369 = arith.muli %mul3A_368, %scan3A_98 : i32
        %add3A_370 = arith.constant 2 : i32
        %add3A_371 = arith.addi %mul3A_369, %add3A_370 : i32
        %add3A_372 = arith.constant 6 : i32
        %add3A_373 = arith.addi %add3A_371, %add3A_372 : i32
        %sub3A_374 = arith.constant 1 : i32
        %sub3A_375 = arith.subi %add3A_373, %sub3A_374 : i32
        %dma_start3A_376 = arith.constant 0 : i32
        %dma_start3A_377 = arith.constant 0 : i32
        %dma_start3A_378 = tpu.memref_slice %arg2[%add3A, %sub3A_375, %dma_start3A_376, %dma_start3A_377] : memref<32x84x3x120xi32, #tpu.memory_space<hbm>> -> memref<1x1x3x120xi32, #tpu.memory_space<hbm>>
        %dma_start3A_379 = tpu.memref_squeeze %dma_start3A_378 : memref<1x1x3x120xi32, #tpu.memory_space<hbm>> -> memref<3x120xi32, #tpu.memory_space<hbm>>
        %dma_start3A_380 = arith.constant 0 : i32
        %dma_start3A_381 = arith.constant 0 : i32
        %dma_start3A_382 = tpu.memref_slice %arg2[%add3A, %sub3A_375, %dma_start3A_380, %dma_start3A_381] : memref<32x84x3x120xi32, #tpu.memory_space<hbm>> -> memref<1x1x3x120xi32, #tpu.memory_space<hbm>>
        %dma_start3A_383 = tpu.memref_squeeze %dma_start3A_382 : memref<1x1x3x120xi32, #tpu.memory_space<hbm>> -> memref<3x120xi32, #tpu.memory_space<hbm>>
        tpu.enqueue_dma source(%dma_start3A_383 : memref<3x120xi32, #tpu.memory_space<hbm>>) target(%arg7 : memref<3x120xi32, #tpu.memory_space<vmem>>) target_semaphore(%arg17 : memref<!tpu.dma_semaphore, #tpu.memory_space<semaphore_mem>>)
      } else {
      }
      %dma_wait3A_258 = arith.constant 0 : i32
      %dma_wait3A_259 = arith.constant 0 : i32
      %dma_wait3A_260 = tpu.memref_slice %arg9[%dma_wait3A_258, %dma_wait3A_259] : memref<3x120xi32, #tpu.memory_space<vmem>> -> memref<1x120xi32, #tpu.memory_space<vmem>>
      %dma_wait3A_261 = tpu.memref_squeeze %dma_wait3A_260 : memref<1x120xi32, #tpu.memory_space<vmem>> -> memref<120xi32, #tpu.memory_space<vmem>>
      %dma_wait3A_262 = arith.constant 0 : i32
      %dma_wait3A_263 = arith.constant 0 : i32
      %dma_wait3A_264 = tpu.memref_slice %arg3[%dma_wait3A_262, %dma_wait3A_263] : memref<10000x128xf32, #tpu.memory_space<hbm>> -> memref<10000x128xf32, #tpu.memory_space<hbm>>
      tpu.wait_indirect_dma semaphore(%arg22 : memref<!tpu.dma_semaphore, #tpu.memory_space<semaphore_mem>>) src(%dma_wait3A_264 : memref<10000x128xf32, #tpu.memory_space<hbm>>) dst(%arg12 : memref<120x128xf32, #tpu.memory_space<vmem>>)
      %parallel_loop3A_265 = arith.constant 0 : i32
      %parallel_loop3A_266 = arith.constant 120 : i32
      %parallel_loop3A_267 = arith.constant 1 : i32
      scf.for %parallel_loop3A_368 = %parallel_loop3A_265 to %parallel_loop3A_266 step %parallel_loop3A_267  : i32 {
        %parallel_loop3A_369 = arith.constant 2 : i32
        %parallel_loop3A_370 = vector.broadcast %parallel_loop3A_369 : i32 to vector<16xi32>
        %parallel_loop3A_371 = vector.broadcast %parallel_loop3A_368 : i32 to vector<16xi32>
        %parallel_loop3A_372 = tpu.vector_load_idx %arg9[%parallel_loop3A_370, %parallel_loop3A_371] : memref<3x120xi32, #tpu.memory_space<vmem>>[vector<16xi32>, vector<16xi32>], vector<16xi32>,
        %parallel_loop3A_373 = vector.bitcast %parallel_loop3A_372 : vector<16xi32> to vector<16xf32>
        %parallel_loop3A_374 = arith.index_cast %parallel_loop3A_368 : i32 to index
        %parallel_loop3A_375 = arith.constant 0 : index
        %parallel_loop3A_376 = tpu.vector_load %arg12[%parallel_loop3A_374, %parallel_loop3A_375] {strides = array<i32>} : memref<120x128xf32, #tpu.memory_space<vmem>>, vector<16xf32>,
        %parallel_loop3A_377 = arith.mulf %parallel_loop3A_376, %parallel_loop3A_373 : vector<16xf32>
        %parallel_loop3A_378 = arith.index_cast %parallel_loop3A_368 : i32 to index
        %parallel_loop3A_379 = arith.constant 0 : index
        %parallel_loop3A_380 = tpu.vector_load %arg12[%parallel_loop3A_378, %parallel_loop3A_379] {strides = array<i32>} : memref<120x128xf32, #tpu.memory_space<vmem>>, vector<16xf32>,
        tpu.vector_store %arg12[%parallel_loop3A_378, %parallel_loop3A_379], %parallel_loop3A_377 {strides = array<i32>} : memref<120x128xf32, #tpu.memory_space<vmem>>, vector<16xf32>,
        %parallel_loop3A_381 = arith.index_cast %parallel_loop3A_368 : i32 to index
        %parallel_loop3A_382 = arith.constant 16 : index
        %parallel_loop3A_383 = tpu.vector_load %arg12[%parallel_loop3A_381, %parallel_loop3A_382] {strides = array<i32>} : memref<120x128xf32, #tpu.memory_space<vmem>>, vector<16xf32>,
        %parallel_loop3A_384 = arith.mulf %parallel_loop3A_383, %parallel_loop3A_373 : vector<16xf32>
        %parallel_loop3A_385 = arith.index_cast %parallel_loop3A_368 : i32 to index
        %parallel_loop3A_386 = arith.constant 16 : index
        %parallel_loop3A_387 = tpu.vector_load %arg12[%parallel_loop3A_385, %parallel_loop3A_386] {strides = array<i32>} : memref<120x128xf32, #tpu.memory_space<vmem>>, vector<16xf32>,
        tpu.vector_store %arg12[%parallel_loop3A_385, %parallel_loop3A_386], %parallel_loop3A_384 {strides = array<i32>} : memref<120x128xf32, #tpu.memory_space<vmem>>, vector<16xf32>,
        %parallel_loop3A_388 = arith.index_cast %parallel_loop3A_368 : i32 to index
        %parallel_loop3A_389 = arith.constant 32 : index
        %parallel_loop3A_390 = tpu.vector_load %arg12[%parallel_loop3A_388, %parallel_loop3A_389] {strides = array<i32>} : memref<120x128xf32, #tpu.memory_space<vmem>>, vector<16xf32>,
        %parallel_loop3A_391 = arith.mulf %parallel_loop3A_390, %parallel_loop3A_373 : vector<16xf32>
        %parallel_loop3A_392 = arith.index_cast %parallel_loop3A_368 : i32 to index
        %parallel_loop3A_393 = arith.constant 32 : index
        %parallel_loop3A_394 = tpu.vector_load %arg12[%parallel_loop3A_392, %parallel_loop3A_393] {strides = array<i32>} : memref<120x128xf32, #tpu.memory_space<vmem>>, vector<16xf32>,
        tpu.vector_store %arg12[%parallel_loop3A_392, %parallel_loop3A_393], %parallel_loop3A_391 {strides = array<i32>} : memref<120x128xf32, #tpu.memory_space<vmem>>, vector<16xf32>,
        %parallel_loop3A_395 = arith.index_cast %parallel_loop3A_368 : i32 to index
        %parallel_loop3A_396 = arith.constant 48 : index
        %parallel_loop3A_397 = tpu.vector_load %arg12[%parallel_loop3A_395, %parallel_loop3A_396] {strides = array<i32>} : memref<120x128xf32, #tpu.memory_space<vmem>>, vector<16xf32>,
        %parallel_loop3A_398 = arith.mulf %parallel_loop3A_397, %parallel_loop3A_373 : vector<16xf32>
        %parallel_loop3A_399 = arith.index_cast %parallel_loop3A_368 : i32 to index
        %parallel_loop3A_400 = arith.constant 48 : index
        %parallel_loop3A_401 = tpu.vector_load %arg12[%parallel_loop3A_399, %parallel_loop3A_400] {strides = array<i32>} : memref<120x128xf32, #tpu.memory_space<vmem>>, vector<16xf32>,
        tpu.vector_store %arg12[%parallel_loop3A_399, %parallel_loop3A_400], %parallel_loop3A_398 {strides = array<i32>} : memref<120x128xf32, #tpu.memory_space<vmem>>, vector<16xf32>,
        %parallel_loop3A_402 = arith.index_cast %parallel_loop3A_368 : i32 to index
        %parallel_loop3A_403 = arith.constant 64 : index
        %parallel_loop3A_404 = tpu.vector_load %arg12[%parallel_loop3A_402, %parallel_loop3A_403] {strides = array<i32>} : memref<120x128xf32, #tpu.memory_space<vmem>>, vector<16xf32>,
        %parallel_loop3A_405 = arith.mulf %parallel_loop3A_404, %parallel_loop3A_373 : vector<16xf32>
        %parallel_loop3A_406 = arith.index_cast %parallel_loop3A_368 : i32 to index
        %parallel_loop3A_407 = arith.constant 64 : index
        %parallel_loop3A_408 = tpu.vector_load %arg12[%parallel_loop3A_406, %parallel_loop3A_407] {strides = array<i32>} : memref<120x128xf32, #tpu.memory_space<vmem>>, vector<16xf32>,
        tpu.vector_store %arg12[%parallel_loop3A_406, %parallel_loop3A_407], %parallel_loop3A_405 {strides = array<i32>} : memref<120x128xf32, #tpu.memory_space<vmem>>, vector<16xf32>,
        %parallel_loop3A_409 = arith.index_cast %parallel_loop3A_368 : i32 to index
        %parallel_loop3A_410 = arith.constant 80 : index
        %parallel_loop3A_411 = tpu.vector_load %arg12[%parallel_loop3A_409, %parallel_loop3A_410] {strides = array<i32>} : memref<120x128xf32, #tpu.memory_space<vmem>>, vector<16xf32>,
        %parallel_loop3A_412 = arith.mulf %parallel_loop3A_411, %parallel_loop3A_373 : vector<16xf32>
        %parallel_loop3A_413 = arith.index_cast %parallel_loop3A_368 : i32 to index
        %parallel_loop3A_414 = arith.constant 80 : index
        %parallel_loop3A_415 = tpu.vector_load %arg12[%parallel_loop3A_413, %parallel_loop3A_414] {strides = array<i32>} : memref<120x128xf32, #tpu.memory_space<vmem>>, vector<16xf32>,
        tpu.vector_store %arg12[%parallel_loop3A_413, %parallel_loop3A_414], %parallel_loop3A_412 {strides = array<i32>} : memref<120x128xf32, #tpu.memory_space<vmem>>, vector<16xf32>,
        %parallel_loop3A_416 = arith.index_cast %parallel_loop3A_368 : i32 to index
        %parallel_loop3A_417 = arith.constant 96 : index
        %parallel_loop3A_418 = tpu.vector_load %arg12[%parallel_loop3A_416, %parallel_loop3A_417] {strides = array<i32>} : memref<120x128xf32, #tpu.memory_space<vmem>>, vector<16xf32>,
        %parallel_loop3A_419 = arith.mulf %parallel_loop3A_418, %parallel_loop3A_373 : vector<16xf32>
        %parallel_loop3A_420 = arith.index_cast %parallel_loop3A_368 : i32 to index
        %parallel_loop3A_421 = arith.constant 96 : index
        %parallel_loop3A_422 = tpu.vector_load %arg12[%parallel_loop3A_420, %parallel_loop3A_421] {strides = array<i32>} : memref<120x128xf32, #tpu.memory_space<vmem>>, vector<16xf32>,
        tpu.vector_store %arg12[%parallel_loop3A_420, %parallel_loop3A_421], %parallel_loop3A_419 {strides = array<i32>} : memref<120x128xf32, #tpu.memory_space<vmem>>, vector<16xf32>,
        %parallel_loop3A_423 = arith.index_cast %parallel_loop3A_368 : i32 to index
        %parallel_loop3A_424 = arith.constant 112 : index
        %parallel_loop3A_425 = tpu.vector_load %arg12[%parallel_loop3A_423, %parallel_loop3A_424] {strides = array<i32>} : memref<120x128xf32, #tpu.memory_space<vmem>>, vector<16xf32>,
        %parallel_loop3A_426 = arith.mulf %parallel_loop3A_425, %parallel_loop3A_373 : vector<16xf32>
        %parallel_loop3A_427 = arith.index_cast %parallel_loop3A_368 : i32 to index
        %parallel_loop3A_428 = arith.constant 112 : index
        %parallel_loop3A_429 = tpu.vector_load %arg12[%parallel_loop3A_427, %parallel_loop3A_428] {strides = array<i32>} : memref<120x128xf32, #tpu.memory_space<vmem>>, vector<16xf32>,
        tpu.vector_store %arg12[%parallel_loop3A_427, %parallel_loop3A_428], %parallel_loop3A_426 {strides = array<i32>} : memref<120x128xf32, #tpu.memory_space<vmem>>, vector<16xf32>,
      } {sc.loop_unroll_factor = 4 : i64, sc.parallel_access}
      %dma_start3A_268 = arith.constant 1 : i32
      %dma_start3A_269 = arith.constant 0 : i32
      %dma_start3A_270 = tpu.memref_slice %arg9[%dma_start3A_268, %dma_start3A_269] : memref<3x120xi32, #tpu.memory_space<vmem>> -> memref<1x120xi32, #tpu.memory_space<vmem>>
      %dma_start3A_271 = tpu.memref_squeeze %dma_start3A_270 : memref<1x120xi32, #tpu.memory_space<vmem>> -> memref<120xi32, #tpu.memory_space<vmem>>
      %dma_start3A_272 = arith.constant 0 : i32
      %dma_start3A_273 = arith.constant 0 : i32
      %dma_start3A_274 = tpu.memref_slice %arg15[%dma_start3A_272, %dma_start3A_273] : memref<10240x128xf32, #tpu.memory_space<vmem_shared>> -> memref<10240x128xf32, #tpu.memory_space<vmem_shared>>
      tpu.enqueue_indirect_dma source(%arg12 : memref<120x128xf32, #tpu.memory_space<vmem>>) target(%dma_start3A_274 : memref<10240x128xf32, #tpu.memory_space<vmem_shared>>) offsets(%dma_start3A_271 : memref<120xi32, #tpu.memory_space<vmem>>) semaphore(%arg25 : memref<!tpu.dma_semaphore, #tpu.memory_space<semaphore_mem>>) {add = true}
      %dma_wait3A_275 = arith.constant 1 : i32
      %dma_wait3A_276 = arith.constant 0 : i32
      %dma_wait3A_277 = tpu.memref_slice %arg8[%dma_wait3A_275, %dma_wait3A_276] : memref<3x120xi32, #tpu.memory_space<vmem>> -> memref<1x120xi32, #tpu.memory_space<vmem>>
      %dma_wait3A_278 = tpu.memref_squeeze %dma_wait3A_277 : memref<1x120xi32, #tpu.memory_space<vmem>> -> memref<120xi32, #tpu.memory_space<vmem>>
      %dma_wait3A_279 = arith.constant 0 : i32
      %dma_wait3A_280 = arith.constant 0 : i32
      %dma_wait3A_281 = tpu.memref_slice %arg15[%dma_wait3A_279, %dma_wait3A_280] : memref<10240x128xf32, #tpu.memory_space<vmem_shared>> -> memref<10240x128xf32, #tpu.memory_space<vmem_shared>>
      tpu.wait_indirect_dma semaphore(%arg27 : memref<!tpu.dma_semaphore, #tpu.memory_space<semaphore_mem>>) src(%arg14 : memref<120x128xf32, #tpu.memory_space<vmem>>) dst(%dma_wait3A_281 : memref<10240x128xf32, #tpu.memory_space<vmem_shared>>)
      %mul3A_282 = arith.constant 6 : i32
      %mul3A_283 = arith.muli %mul3A_282, %scan3A_98 : i32
      %add3A_284 = arith.constant 3 : i32
      %add3A_285 = arith.addi %mul3A_283, %add3A_284 : i32
      %add3A_286 = arith.constant 3 : i32
      %add3A_287 = arith.addi %add3A_285, %add3A_286 : i32
      %sub3A_288 = arith.constant 1 : i32
      %sub3A_289 = arith.subi %add3A_287, %sub3A_288 : i32
      %dma_wait3A_290 = arith.constant 0 : i32
      %dma_wait3A_291 = arith.constant 0 : i32
      %dma_wait3A_292 = tpu.memref_slice %arg2[%add3A, %sub3A_289, %dma_wait3A_290, %dma_wait3A_291] : memref<32x84x3x120xi32, #tpu.memory_space<hbm>> -> memref<1x1x3x120xi32, #tpu.memory_space<hbm>>
      %dma_wait3A_293 = tpu.memref_squeeze %dma_wait3A_292 : memref<1x1x3x120xi32, #tpu.memory_space<hbm>> -> memref<3x120xi32, #tpu.memory_space<hbm>>
      %dma_wait3A_294 = arith.constant 0 : i32
      %dma_wait3A_295 = arith.constant 0 : i32
      %dma_wait3A_296 = tpu.memref_slice %arg2[%add3A, %sub3A_289, %dma_wait3A_294, %dma_wait3A_295] : memref<32x84x3x120xi32, #tpu.memory_space<hbm>> -> memref<1x1x3x120xi32, #tpu.memory_space<hbm>>
      %dma_wait3A_297 = tpu.memref_squeeze %dma_wait3A_296 : memref<1x1x3x120xi32, #tpu.memory_space<hbm>> -> memref<3x120xi32, #tpu.memory_space<hbm>>
      tpu.wait_dma2 semaphore(%arg21 : memref<!tpu.dma_semaphore, #tpu.memory_space<semaphore_mem>>) src(%dma_wait3A_297 : memref<3x120xi32, #tpu.memory_space<hbm>>) dst(%arg11 : memref<3x120xi32, #tpu.memory_space<vmem>>)
      %dma_start3A_298 = arith.constant 0 : i32
      %dma_start3A_299 = arith.constant 0 : i32
      %dma_start3A_300 = tpu.memref_slice %arg11[%dma_start3A_298, %dma_start3A_299] : memref<3x120xi32, #tpu.memory_space<vmem>> -> memref<1x120xi32, #tpu.memory_space<vmem>>
      %dma_start3A_301 = tpu.memref_squeeze %dma_start3A_300 : memref<1x120xi32, #tpu.memory_space<vmem>> -> memref<120xi32, #tpu.memory_space<vmem>>
      %dma_start3A_302 = arith.constant 0 : i32
      %dma_start3A_303 = arith.constant 0 : i32
      %dma_start3A_304 = tpu.memref_slice %arg3[%dma_start3A_302, %dma_start3A_303] : memref<10000x128xf32, #tpu.memory_space<hbm>> -> memref<10000x128xf32, #tpu.memory_space<hbm>>
      tpu.enqueue_indirect_dma source(%dma_start3A_304 : memref<10000x128xf32, #tpu.memory_space<hbm>>) target(%arg14 : memref<120x128xf32, #tpu.memory_space<vmem>>) offsets(%dma_start3A_301 : memref<120xi32, #tpu.memory_space<vmem>>) semaphore(%arg24 : memref<!tpu.dma_semaphore, #tpu.memory_space<semaphore_mem>>)
      %lt3A_305 = arith.constant 13 : i32
      %lt3A_306 = arith.cmpi slt, %scan3A_98, %lt3A_305 : i32
      %convert_element_type3A_307 = arith.extui %lt3A_306 : i1 to i32
      %cond3A_308 = arith.constant 0 : i32
      %cond3A_309 = arith.cmpi ne, %convert_element_type3A_307, %cond3A_308 : i32
      scf.if %cond3A_309 {
        %mul3A_368 = arith.constant 6 : i32
        %mul3A_369 = arith.muli %mul3A_368, %scan3A_98 : i32
        %add3A_370 = arith.constant 3 : i32
        %add3A_371 = arith.addi %mul3A_369, %add3A_370 : i32
        %add3A_372 = arith.constant 6 : i32
        %add3A_373 = arith.addi %add3A_371, %add3A_372 : i32
        %sub3A_374 = arith.constant 1 : i32
        %sub3A_375 = arith.subi %add3A_373, %sub3A_374 : i32
        %dma_start3A_376 = arith.constant 0 : i32
        %dma_start3A_377 = arith.constant 0 : i32
        %dma_start3A_378 = tpu.memref_slice %arg2[%add3A, %sub3A_375, %dma_start3A_376, %dma_start3A_377] : memref<32x84x3x120xi32, #tpu.memory_space<hbm>> -> memref<1x1x3x120xi32, #tpu.memory_space<hbm>>
        %dma_start3A_379 = tpu.memref_squeeze %dma_start3A_378 : memref<1x1x3x120xi32, #tpu.memory_space<hbm>> -> memref<3x120xi32, #tpu.memory_space<hbm>>
        %dma_start3A_380 = arith.constant 0 : i32
        %dma_start3A_381 = arith.constant 0 : i32
        %dma_start3A_382 = tpu.memref_slice %arg2[%add3A, %sub3A_375, %dma_start3A_380, %dma_start3A_381] : memref<32x84x3x120xi32, #tpu.memory_space<hbm>> -> memref<1x1x3x120xi32, #tpu.memory_space<hbm>>
        %dma_start3A_383 = tpu.memref_squeeze %dma_start3A_382 : memref<1x1x3x120xi32, #tpu.memory_space<hbm>> -> memref<3x120xi32, #tpu.memory_space<hbm>>
        tpu.enqueue_dma source(%dma_start3A_383 : memref<3x120xi32, #tpu.memory_space<hbm>>) target(%arg8 : memref<3x120xi32, #tpu.memory_space<vmem>>) target_semaphore(%arg18 : memref<!tpu.dma_semaphore, #tpu.memory_space<semaphore_mem>>)
      } else {
      }
      %dma_wait3A_310 = arith.constant 0 : i32
      %dma_wait3A_311 = arith.constant 0 : i32
      %dma_wait3A_312 = tpu.memref_slice %arg10[%dma_wait3A_310, %dma_wait3A_311] : memref<3x120xi32, #tpu.memory_space<vmem>> -> memref<1x120xi32, #tpu.memory_space<vmem>>
      %dma_wait3A_313 = tpu.memref_squeeze %dma_wait3A_312 : memref<1x120xi32, #tpu.memory_space<vmem>> -> memref<120xi32, #tpu.memory_space<vmem>>
      %dma_wait3A_314 = arith.constant 0 : i32
      %dma_wait3A_315 = arith.constant 0 : i32
      %dma_wait3A_316 = tpu.memref_slice %arg3[%dma_wait3A_314, %dma_wait3A_315] : memref<10000x128xf32, #tpu.memory_space<hbm>> -> memref<10000x128xf32, #tpu.memory_space<hbm>>
      tpu.wait_indirect_dma semaphore(%arg23 : memref<!tpu.dma_semaphore, #tpu.memory_space<semaphore_mem>>) src(%dma_wait3A_316 : memref<10000x128xf32, #tpu.memory_space<hbm>>) dst(%arg13 : memref<120x128xf32, #tpu.memory_space<vmem>>)
      %parallel_loop3A_317 = arith.constant 0 : i32
      %parallel_loop3A_318 = arith.constant 120 : i32
      %parallel_loop3A_319 = arith.constant 1 : i32
      scf.for %parallel_loop3A_368 = %parallel_loop3A_317 to %parallel_loop3A_318 step %parallel_loop3A_319  : i32 {
        %parallel_loop3A_369 = arith.constant 2 : i32
        %parallel_loop3A_370 = vector.broadcast %parallel_loop3A_369 : i32 to vector<16xi32>
        %parallel_loop3A_371 = vector.broadcast %parallel_loop3A_368 : i32 to vector<16xi32>
        %parallel_loop3A_372 = tpu.vector_load_idx %arg10[%parallel_loop3A_370, %parallel_loop3A_371] : memref<3x120xi32, #tpu.memory_space<vmem>>[vector<16xi32>, vector<16xi32>], vector<16xi32>,
        %parallel_loop3A_373 = vector.bitcast %parallel_loop3A_372 : vector<16xi32> to vector<16xf32>
        %parallel_loop3A_374 = arith.index_cast %parallel_loop3A_368 : i32 to index
        %parallel_loop3A_375 = arith.constant 0 : index
        %parallel_loop3A_376 = tpu.vector_load %arg13[%parallel_loop3A_374, %parallel_loop3A_375] {strides = array<i32>} : memref<120x128xf32, #tpu.memory_space<vmem>>, vector<16xf32>,
        %parallel_loop3A_377 = arith.mulf %parallel_loop3A_376, %parallel_loop3A_373 : vector<16xf32>
        %parallel_loop3A_378 = arith.index_cast %parallel_loop3A_368 : i32 to index
        %parallel_loop3A_379 = arith.constant 0 : index
        %parallel_loop3A_380 = tpu.vector_load %arg13[%parallel_loop3A_378, %parallel_loop3A_379] {strides = array<i32>} : memref<120x128xf32, #tpu.memory_space<vmem>>, vector<16xf32>,
        tpu.vector_store %arg13[%parallel_loop3A_378, %parallel_loop3A_379], %parallel_loop3A_377 {strides = array<i32>} : memref<120x128xf32, #tpu.memory_space<vmem>>, vector<16xf32>,
        %parallel_loop3A_381 = arith.index_cast %parallel_loop3A_368 : i32 to index
        %parallel_loop3A_382 = arith.constant 16 : index
        %parallel_loop3A_383 = tpu.vector_load %arg13[%parallel_loop3A_381, %parallel_loop3A_382] {strides = array<i32>} : memref<120x128xf32, #tpu.memory_space<vmem>>, vector<16xf32>,
        %parallel_loop3A_384 = arith.mulf %parallel_loop3A_383, %parallel_loop3A_373 : vector<16xf32>
        %parallel_loop3A_385 = arith.index_cast %parallel_loop3A_368 : i32 to index
        %parallel_loop3A_386 = arith.constant 16 : index
        %parallel_loop3A_387 = tpu.vector_load %arg13[%parallel_loop3A_385, %parallel_loop3A_386] {strides = array<i32>} : memref<120x128xf32, #tpu.memory_space<vmem>>, vector<16xf32>,
        tpu.vector_store %arg13[%parallel_loop3A_385, %parallel_loop3A_386], %parallel_loop3A_384 {strides = array<i32>} : memref<120x128xf32, #tpu.memory_space<vmem>>, vector<16xf32>,
        %parallel_loop3A_388 = arith.index_cast %parallel_loop3A_368 : i32 to index
        %parallel_loop3A_389 = arith.constant 32 : index
        %parallel_loop3A_390 = tpu.vector_load %arg13[%parallel_loop3A_388, %parallel_loop3A_389] {strides = array<i32>} : memref<120x128xf32, #tpu.memory_space<vmem>>, vector<16xf32>,
        %parallel_loop3A_391 = arith.mulf %parallel_loop3A_390, %parallel_loop3A_373 : vector<16xf32>
        %parallel_loop3A_392 = arith.index_cast %parallel_loop3A_368 : i32 to index
        %parallel_loop3A_393 = arith.constant 32 : index
        %parallel_loop3A_394 = tpu.vector_load %arg13[%parallel_loop3A_392, %parallel_loop3A_393] {strides = array<i32>} : memref<120x128xf32, #tpu.memory_space<vmem>>, vector<16xf32>,
        tpu.vector_store %arg13[%parallel_loop3A_392, %parallel_loop3A_393], %parallel_loop3A_391 {strides = array<i32>} : memref<120x128xf32, #tpu.memory_space<vmem>>, vector<16xf32>,
        %parallel_loop3A_395 = arith.index_cast %parallel_loop3A_368 : i32 to index
        %parallel_loop3A_396 = arith.constant 48 : index
        %parallel_loop3A_397 = tpu.vector_load %arg13[%parallel_loop3A_395, %parallel_loop3A_396] {strides = array<i32>} : memref<120x128xf32, #tpu.memory_space<vmem>>, vector<16xf32>,
        %parallel_loop3A_398 = arith.mulf %parallel_loop3A_397, %parallel_loop3A_373 : vector<16xf32>
        %parallel_loop3A_399 = arith.index_cast %parallel_loop3A_368 : i32 to index
        %parallel_loop3A_400 = arith.constant 48 : index
        %parallel_loop3A_401 = tpu.vector_load %arg13[%parallel_loop3A_399, %parallel_loop3A_400] {strides = array<i32>} : memref<120x128xf32, #tpu.memory_space<vmem>>, vector<16xf32>,
        tpu.vector_store %arg13[%parallel_loop3A_399, %parallel_loop3A_400], %parallel_loop3A_398 {strides = array<i32>} : memref<120x128xf32, #tpu.memory_space<vmem>>, vector<16xf32>,
        %parallel_loop3A_402 = arith.index_cast %parallel_loop3A_368 : i32 to index
        %parallel_loop3A_403 = arith.constant 64 : index
        %parallel_loop3A_404 = tpu.vector_load %arg13[%parallel_loop3A_402, %parallel_loop3A_403] {strides = array<i32>} : memref<120x128xf32, #tpu.memory_space<vmem>>, vector<16xf32>,
        %parallel_loop3A_405 = arith.mulf %parallel_loop3A_404, %parallel_loop3A_373 : vector<16xf32>
        %parallel_loop3A_406 = arith.index_cast %parallel_loop3A_368 : i32 to index
        %parallel_loop3A_407 = arith.constant 64 : index
        %parallel_loop3A_408 = tpu.vector_load %arg13[%parallel_loop3A_406, %parallel_loop3A_407] {strides = array<i32>} : memref<120x128xf32, #tpu.memory_space<vmem>>, vector<16xf32>,
        tpu.vector_store %arg13[%parallel_loop3A_406, %parallel_loop3A_407], %parallel_loop3A_405 {strides = array<i32>} : memref<120x128xf32, #tpu.memory_space<vmem>>, vector<16xf32>,
        %parallel_loop3A_409 = arith.index_cast %parallel_loop3A_368 : i32 to index
        %parallel_loop3A_410 = arith.constant 80 : index
        %parallel_loop3A_411 = tpu.vector_load %arg13[%parallel_loop3A_409, %parallel_loop3A_410] {strides = array<i32>} : memref<120x128xf32, #tpu.memory_space<vmem>>, vector<16xf32>,
        %parallel_loop3A_412 = arith.mulf %parallel_loop3A_411, %parallel_loop3A_373 : vector<16xf32>
        %parallel_loop3A_413 = arith.index_cast %parallel_loop3A_368 : i32 to index
        %parallel_loop3A_414 = arith.constant 80 : index
        %parallel_loop3A_415 = tpu.vector_load %arg13[%parallel_loop3A_413, %parallel_loop3A_414] {strides = array<i32>} : memref<120x128xf32, #tpu.memory_space<vmem>>, vector<16xf32>,
        tpu.vector_store %arg13[%parallel_loop3A_413, %parallel_loop3A_414], %parallel_loop3A_412 {strides = array<i32>} : memref<120x128xf32, #tpu.memory_space<vmem>>, vector<16xf32>,
        %parallel_loop3A_416 = arith.index_cast %parallel_loop3A_368 : i32 to index
        %parallel_loop3A_417 = arith.constant 96 : index
        %parallel_loop3A_418 = tpu.vector_load %arg13[%parallel_loop3A_416, %parallel_loop3A_417] {strides = array<i32>} : memref<120x128xf32, #tpu.memory_space<vmem>>, vector<16xf32>,
        %parallel_loop3A_419 = arith.mulf %parallel_loop3A_418, %parallel_loop3A_373 : vector<16xf32>
        %parallel_loop3A_420 = arith.index_cast %parallel_loop3A_368 : i32 to index
        %parallel_loop3A_421 = arith.constant 96 : index
        %parallel_loop3A_422 = tpu.vector_load %arg13[%parallel_loop3A_420, %parallel_loop3A_421] {strides = array<i32>} : memref<120x128xf32, #tpu.memory_space<vmem>>, vector<16xf32>,
        tpu.vector_store %arg13[%parallel_loop3A_420, %parallel_loop3A_421], %parallel_loop3A_419 {strides = array<i32>} : memref<120x128xf32, #tpu.memory_space<vmem>>, vector<16xf32>,
        %parallel_loop3A_423 = arith.index_cast %parallel_loop3A_368 : i32 to index
        %parallel_loop3A_424 = arith.constant 112 : index
        %parallel_loop3A_425 = tpu.vector_load %arg13[%parallel_loop3A_423, %parallel_loop3A_424] {strides = array<i32>} : memref<120x128xf32, #tpu.memory_space<vmem>>, vector<16xf32>,
        %parallel_loop3A_426 = arith.mulf %parallel_loop3A_425, %parallel_loop3A_373 : vector<16xf32>
        %parallel_loop3A_427 = arith.index_cast %parallel_loop3A_368 : i32 to index
        %parallel_loop3A_428 = arith.constant 112 : index
        %parallel_loop3A_429 = tpu.vector_load %arg13[%parallel_loop3A_427, %parallel_loop3A_428] {strides = array<i32>} : memref<120x128xf32, #tpu.memory_space<vmem>>, vector<16xf32>,
        tpu.vector_store %arg13[%parallel_loop3A_427, %parallel_loop3A_428], %parallel_loop3A_426 {strides = array<i32>} : memref<120x128xf32, #tpu.memory_space<vmem>>, vector<16xf32>,
      } {sc.loop_unroll_factor = 4 : i64, sc.parallel_access}
      %dma_start3A_320 = arith.constant 1 : i32
      %dma_start3A_321 = arith.constant 0 : i32
      %dma_start3A_322 = tpu.memref_slice %arg10[%dma_start3A_320, %dma_start3A_321] : memref<3x120xi32, #tpu.memory_space<vmem>> -> memref<1x120xi32, #tpu.memory_space<vmem>>
      %dma_start3A_323 = tpu.memref_squeeze %dma_start3A_322 : memref<1x120xi32, #tpu.memory_space<vmem>> -> memref<120xi32, #tpu.memory_space<vmem>>
      %dma_start3A_324 = arith.constant 0 : i32
      %dma_start3A_325 = arith.constant 0 : i32
      %dma_start3A_326 = tpu.memref_slice %arg15[%dma_start3A_324, %dma_start3A_325] : memref<10240x128xf32, #tpu.memory_space<vmem_shared>> -> memref<10240x128xf32, #tpu.memory_space<vmem_shared>>
      tpu.enqueue_indirect_dma source(%arg13 : memref<120x128xf32, #tpu.memory_space<vmem>>) target(%dma_start3A_326 : memref<10240x128xf32, #tpu.memory_space<vmem_shared>>) offsets(%dma_start3A_323 : memref<120xi32, #tpu.memory_space<vmem>>) semaphore(%arg26 : memref<!tpu.dma_semaphore, #tpu.memory_space<semaphore_mem>>) {add = true}
      %dma_wait3A_327 = arith.constant 1 : i32
      %dma_wait3A_328 = arith.constant 0 : i32
      %dma_wait3A_329 = tpu.memref_slice %arg9[%dma_wait3A_327, %dma_wait3A_328] : memref<3x120xi32, #tpu.memory_space<vmem>> -> memref<1x120xi32, #tpu.memory_space<vmem>>
      %dma_wait3A_330 = tpu.memref_squeeze %dma_wait3A_329 : memref<1x120xi32, #tpu.memory_space<vmem>> -> memref<120xi32, #tpu.memory_space<vmem>>
      %dma_wait3A_331 = arith.constant 0 : i32
      %dma_wait3A_332 = arith.constant 0 : i32
      %dma_wait3A_333 = tpu.memref_slice %arg15[%dma_wait3A_331, %dma_wait3A_332] : memref<10240x128xf32, #tpu.memory_space<vmem_shared>> -> memref<10240x128xf32, #tpu.memory_space<vmem_shared>>
      tpu.wait_indirect_dma semaphore(%arg25 : memref<!tpu.dma_semaphore, #tpu.memory_space<semaphore_mem>>) src(%arg12 : memref<120x128xf32, #tpu.memory_space<vmem>>) dst(%dma_wait3A_333 : memref<10240x128xf32, #tpu.memory_space<vmem_shared>>)
      %lt3A_334 = arith.constant 13 : i32
      %lt3A_335 = arith.cmpi slt, %scan3A_98, %lt3A_334 : i32
      %convert_element_type3A_336 = arith.extui %lt3A_335 : i1 to i32
      %cond3A_337 = arith.constant 0 : i32
      %cond3A_338 = arith.cmpi ne, %convert_element_type3A_336, %cond3A_337 : i32
      scf.if %cond3A_338 {
        %mul3A_368 = arith.constant 6 : i32
        %mul3A_369 = arith.muli %mul3A_368, %scan3A_98 : i32
        %add3A_370 = arith.constant 4 : i32
        %add3A_371 = arith.addi %mul3A_369, %add3A_370 : i32
        %add3A_372 = arith.constant 3 : i32
        %add3A_373 = arith.addi %add3A_371, %add3A_372 : i32
        %sub3A_374 = arith.constant 1 : i32
        %sub3A_375 = arith.subi %add3A_373, %sub3A_374 : i32
        %dma_wait3A_376 = arith.constant 0 : i32
        %dma_wait3A_377 = arith.constant 0 : i32
        %dma_wait3A_378 = tpu.memref_slice %arg2[%add3A, %sub3A_375, %dma_wait3A_376, %dma_wait3A_377] : memref<32x84x3x120xi32, #tpu.memory_space<hbm>> -> memref<1x1x3x120xi32, #tpu.memory_space<hbm>>
        %dma_wait3A_379 = tpu.memref_squeeze %dma_wait3A_378 : memref<1x1x3x120xi32, #tpu.memory_space<hbm>> -> memref<3x120xi32, #tpu.memory_space<hbm>>
        %dma_wait3A_380 = arith.constant 0 : i32
        %dma_wait3A_381 = arith.constant 0 : i32
        %dma_wait3A_382 = tpu.memref_slice %arg2[%add3A, %sub3A_375, %dma_wait3A_380, %dma_wait3A_381] : memref<32x84x3x120xi32, #tpu.memory_space<hbm>> -> memref<1x1x3x120xi32, #tpu.memory_space<hbm>>
        %dma_wait3A_383 = tpu.memref_squeeze %dma_wait3A_382 : memref<1x1x3x120xi32, #tpu.memory_space<hbm>> -> memref<3x120xi32, #tpu.memory_space<hbm>>
        tpu.wait_dma2 semaphore(%arg16 : memref<!tpu.dma_semaphore, #tpu.memory_space<semaphore_mem>>) src(%dma_wait3A_383 : memref<3x120xi32, #tpu.memory_space<hbm>>) dst(%arg6 : memref<3x120xi32, #tpu.memory_space<vmem>>)
        %dma_start3A_384 = arith.constant 0 : i32
        %dma_start3A_385 = arith.constant 0 : i32
        %dma_start3A_386 = tpu.memref_slice %arg6[%dma_start3A_384, %dma_start3A_385] : memref<3x120xi32, #tpu.memory_space<vmem>> -> memref<1x120xi32, #tpu.memory_space<vmem>>
        %dma_start3A_387 = tpu.memref_squeeze %dma_start3A_386 : memref<1x120xi32, #tpu.memory_space<vmem>> -> memref<120xi32, #tpu.memory_space<vmem>>
        %dma_start3A_388 = arith.constant 0 : i32
        %dma_start3A_389 = arith.constant 0 : i32
        %dma_start3A_390 = tpu.memref_slice %arg3[%dma_start3A_388, %dma_start3A_389] : memref<10000x128xf32, #tpu.memory_space<hbm>> -> memref<10000x128xf32, #tpu.memory_space<hbm>>
        tpu.enqueue_indirect_dma source(%dma_start3A_390 : memref<10000x128xf32, #tpu.memory_space<hbm>>) target(%arg12 : memref<120x128xf32, #tpu.memory_space<vmem>>) offsets(%dma_start3A_387 : memref<120xi32, #tpu.memory_space<vmem>>) semaphore(%arg22 : memref<!tpu.dma_semaphore, #tpu.memory_space<semaphore_mem>>)
        %mul3A_391 = arith.constant 6 : i32
        %mul3A_392 = arith.muli %mul3A_391, %scan3A_98 : i32
        %add3A_393 = arith.constant 4 : i32
        %add3A_394 = arith.addi %mul3A_392, %add3A_393 : i32
        %add3A_395 = arith.constant 6 : i32
        %add3A_396 = arith.addi %add3A_394, %add3A_395 : i32
        %sub3A_397 = arith.constant 1 : i32
        %sub3A_398 = arith.subi %add3A_396, %sub3A_397 : i32
        %dma_start3A_399 = arith.constant 0 : i32
        %dma_start3A_400 = arith.constant 0 : i32
        %dma_start3A_401 = tpu.memref_slice %arg2[%add3A, %sub3A_398, %dma_start3A_399, %dma_start3A_400] : memref<32x84x3x120xi32, #tpu.memory_space<hbm>> -> memref<1x1x3x120xi32, #tpu.memory_space<hbm>>
        %dma_start3A_402 = tpu.memref_squeeze %dma_start3A_401 : memref<1x1x3x120xi32, #tpu.memory_space<hbm>> -> memref<3x120xi32, #tpu.memory_space<hbm>>
        %dma_start3A_403 = arith.constant 0 : i32
        %dma_start3A_404 = arith.constant 0 : i32
        %dma_start3A_405 = tpu.memref_slice %arg2[%add3A, %sub3A_398, %dma_start3A_403, %dma_start3A_404] : memref<32x84x3x120xi32, #tpu.memory_space<hbm>> -> memref<1x1x3x120xi32, #tpu.memory_space<hbm>>
        %dma_start3A_406 = tpu.memref_squeeze %dma_start3A_405 : memref<1x1x3x120xi32, #tpu.memory_space<hbm>> -> memref<3x120xi32, #tpu.memory_space<hbm>>
        tpu.enqueue_dma source(%dma_start3A_406 : memref<3x120xi32, #tpu.memory_space<hbm>>) target(%arg9 : memref<3x120xi32, #tpu.memory_space<vmem>>) target_semaphore(%arg19 : memref<!tpu.dma_semaphore, #tpu.memory_space<semaphore_mem>>)
      } else {
      }
      %dma_wait3A_339 = arith.constant 0 : i32
      %dma_wait3A_340 = arith.constant 0 : i32
      %dma_wait3A_341 = tpu.memref_slice %arg11[%dma_wait3A_339, %dma_wait3A_340] : memref<3x120xi32, #tpu.memory_space<vmem>> -> memref<1x120xi32, #tpu.memory_space<vmem>>
      %dma_wait3A_342 = tpu.memref_squeeze %dma_wait3A_341 : memref<1x120xi32, #tpu.memory_space<vmem>> -> memref<120xi32, #tpu.memory_space<vmem>>
      %dma_wait3A_343 = arith.constant 0 : i32
      %dma_wait3A_344 = arith.constant 0 : i32
      %dma_wait3A_345 = tpu.memref_slice %arg3[%dma_wait3A_343, %dma_wait3A_344] : memref<10000x128xf32, #tpu.memory_space<hbm>> -> memref<10000x128xf32, #tpu.memory_space<hbm>>
      tpu.wait_indirect_dma semaphore(%arg24 : memref<!tpu.dma_semaphore, #tpu.memory_space<semaphore_mem>>) src(%dma_wait3A_345 : memref<10000x128xf32, #tpu.memory_space<hbm>>) dst(%arg14 : memref<120x128xf32, #tpu.memory_space<vmem>>)
      %parallel_loop3A_346 = arith.constant 0 : i32
      %parallel_loop3A_347 = arith.constant 120 : i32
      %parallel_loop3A_348 = arith.constant 1 : i32
      scf.for %parallel_loop3A_368 = %parallel_loop3A_346 to %parallel_loop3A_347 step %parallel_loop3A_348  : i32 {
        %parallel_loop3A_369 = arith.constant 2 : i32
        %parallel_loop3A_370 = vector.broadcast %parallel_loop3A_369 : i32 to vector<16xi32>
        %parallel_loop3A_371 = vector.broadcast %parallel_loop3A_368 : i32 to vector<16xi32>
        %parallel_loop3A_372 = tpu.vector_load_idx %arg11[%parallel_loop3A_370, %parallel_loop3A_371] : memref<3x120xi32, #tpu.memory_space<vmem>>[vector<16xi32>, vector<16xi32>], vector<16xi32>,
        %parallel_loop3A_373 = vector.bitcast %parallel_loop3A_372 : vector<16xi32> to vector<16xf32>
        %parallel_loop3A_374 = arith.index_cast %parallel_loop3A_368 : i32 to index
        %parallel_loop3A_375 = arith.constant 0 : index
        %parallel_loop3A_376 = tpu.vector_load %arg14[%parallel_loop3A_374, %parallel_loop3A_375] {strides = array<i32>} : memref<120x128xf32, #tpu.memory_space<vmem>>, vector<16xf32>,
        %parallel_loop3A_377 = arith.mulf %parallel_loop3A_376, %parallel_loop3A_373 : vector<16xf32>
        %parallel_loop3A_378 = arith.index_cast %parallel_loop3A_368 : i32 to index
        %parallel_loop3A_379 = arith.constant 0 : index
        %parallel_loop3A_380 = tpu.vector_load %arg14[%parallel_loop3A_378, %parallel_loop3A_379] {strides = array<i32>} : memref<120x128xf32, #tpu.memory_space<vmem>>, vector<16xf32>,
        tpu.vector_store %arg14[%parallel_loop3A_378, %parallel_loop3A_379], %parallel_loop3A_377 {strides = array<i32>} : memref<120x128xf32, #tpu.memory_space<vmem>>, vector<16xf32>,
        %parallel_loop3A_381 = arith.index_cast %parallel_loop3A_368 : i32 to index
        %parallel_loop3A_382 = arith.constant 16 : index
        %parallel_loop3A_383 = tpu.vector_load %arg14[%parallel_loop3A_381, %parallel_loop3A_382] {strides = array<i32>} : memref<120x128xf32, #tpu.memory_space<vmem>>, vector<16xf32>,
        %parallel_loop3A_384 = arith.mulf %parallel_loop3A_383, %parallel_loop3A_373 : vector<16xf32>
        %parallel_loop3A_385 = arith.index_cast %parallel_loop3A_368 : i32 to index
        %parallel_loop3A_386 = arith.constant 16 : index
        %parallel_loop3A_387 = tpu.vector_load %arg14[%parallel_loop3A_385, %parallel_loop3A_386] {strides = array<i32>} : memref<120x128xf32, #tpu.memory_space<vmem>>, vector<16xf32>,
        tpu.vector_store %arg14[%parallel_loop3A_385, %parallel_loop3A_386], %parallel_loop3A_384 {strides = array<i32>} : memref<120x128xf32, #tpu.memory_space<vmem>>, vector<16xf32>,
        %parallel_loop3A_388 = arith.index_cast %parallel_loop3A_368 : i32 to index
        %parallel_loop3A_389 = arith.constant 32 : index
        %parallel_loop3A_390 = tpu.vector_load %arg14[%parallel_loop3A_388, %parallel_loop3A_389] {strides = array<i32>} : memref<120x128xf32, #tpu.memory_space<vmem>>, vector<16xf32>,
        %parallel_loop3A_391 = arith.mulf %parallel_loop3A_390, %parallel_loop3A_373 : vector<16xf32>
        %parallel_loop3A_392 = arith.index_cast %parallel_loop3A_368 : i32 to index
        %parallel_loop3A_393 = arith.constant 32 : index
        %parallel_loop3A_394 = tpu.vector_load %arg14[%parallel_loop3A_392, %parallel_loop3A_393] {strides = array<i32>} : memref<120x128xf32, #tpu.memory_space<vmem>>, vector<16xf32>,
        tpu.vector_store %arg14[%parallel_loop3A_392, %parallel_loop3A_393], %parallel_loop3A_391 {strides = array<i32>} : memref<120x128xf32, #tpu.memory_space<vmem>>, vector<16xf32>,
        %parallel_loop3A_395 = arith.index_cast %parallel_loop3A_368 : i32 to index
        %parallel_loop3A_396 = arith.constant 48 : index
        %parallel_loop3A_397 = tpu.vector_load %arg14[%parallel_loop3A_395, %parallel_loop3A_396] {strides = array<i32>} : memref<120x128xf32, #tpu.memory_space<vmem>>, vector<16xf32>,
        %parallel_loop3A_398 = arith.mulf %parallel_loop3A_397, %parallel_loop3A_373 : vector<16xf32>
        %parallel_loop3A_399 = arith.index_cast %parallel_loop3A_368 : i32 to index
        %parallel_loop3A_400 = arith.constant 48 : index
        %parallel_loop3A_401 = tpu.vector_load %arg14[%parallel_loop3A_399, %parallel_loop3A_400] {strides = array<i32>} : memref<120x128xf32, #tpu.memory_space<vmem>>, vector<16xf32>,
        tpu.vector_store %arg14[%parallel_loop3A_399, %parallel_loop3A_400], %parallel_loop3A_398 {strides = array<i32>} : memref<120x128xf32, #tpu.memory_space<vmem>>, vector<16xf32>,
        %parallel_loop3A_402 = arith.index_cast %parallel_loop3A_368 : i32 to index
        %parallel_loop3A_403 = arith.constant 64 : index
        %parallel_loop3A_404 = tpu.vector_load %arg14[%parallel_loop3A_402, %parallel_loop3A_403] {strides = array<i32>} : memref<120x128xf32, #tpu.memory_space<vmem>>, vector<16xf32>,
        %parallel_loop3A_405 = arith.mulf %parallel_loop3A_404, %parallel_loop3A_373 : vector<16xf32>
        %parallel_loop3A_406 = arith.index_cast %parallel_loop3A_368 : i32 to index
        %parallel_loop3A_407 = arith.constant 64 : index
        %parallel_loop3A_408 = tpu.vector_load %arg14[%parallel_loop3A_406, %parallel_loop3A_407] {strides = array<i32>} : memref<120x128xf32, #tpu.memory_space<vmem>>, vector<16xf32>,
        tpu.vector_store %arg14[%parallel_loop3A_406, %parallel_loop3A_407], %parallel_loop3A_405 {strides = array<i32>} : memref<120x128xf32, #tpu.memory_space<vmem>>, vector<16xf32>,
        %parallel_loop3A_409 = arith.index_cast %parallel_loop3A_368 : i32 to index
        %parallel_loop3A_410 = arith.constant 80 : index
        %parallel_loop3A_411 = tpu.vector_load %arg14[%parallel_loop3A_409, %parallel_loop3A_410] {strides = array<i32>} : memref<120x128xf32, #tpu.memory_space<vmem>>, vector<16xf32>,
        %parallel_loop3A_412 = arith.mulf %parallel_loop3A_411, %parallel_loop3A_373 : vector<16xf32>
        %parallel_loop3A_413 = arith.index_cast %parallel_loop3A_368 : i32 to index
        %parallel_loop3A_414 = arith.constant 80 : index
        %parallel_loop3A_415 = tpu.vector_load %arg14[%parallel_loop3A_413, %parallel_loop3A_414] {strides = array<i32>} : memref<120x128xf32, #tpu.memory_space<vmem>>, vector<16xf32>,
        tpu.vector_store %arg14[%parallel_loop3A_413, %parallel_loop3A_414], %parallel_loop3A_412 {strides = array<i32>} : memref<120x128xf32, #tpu.memory_space<vmem>>, vector<16xf32>,
        %parallel_loop3A_416 = arith.index_cast %parallel_loop3A_368 : i32 to index
        %parallel_loop3A_417 = arith.constant 96 : index
        %parallel_loop3A_418 = tpu.vector_load %arg14[%parallel_loop3A_416, %parallel_loop3A_417] {strides = array<i32>} : memref<120x128xf32, #tpu.memory_space<vmem>>, vector<16xf32>,
        %parallel_loop3A_419 = arith.mulf %parallel_loop3A_418, %parallel_loop3A_373 : vector<16xf32>
        %parallel_loop3A_420 = arith.index_cast %parallel_loop3A_368 : i32 to index
        %parallel_loop3A_421 = arith.constant 96 : index
        %parallel_loop3A_422 = tpu.vector_load %arg14[%parallel_loop3A_420, %parallel_loop3A_421] {strides = array<i32>} : memref<120x128xf32, #tpu.memory_space<vmem>>, vector<16xf32>,
        tpu.vector_store %arg14[%parallel_loop3A_420, %parallel_loop3A_421], %parallel_loop3A_419 {strides = array<i32>} : memref<120x128xf32, #tpu.memory_space<vmem>>, vector<16xf32>,
        %parallel_loop3A_423 = arith.index_cast %parallel_loop3A_368 : i32 to index
        %parallel_loop3A_424 = arith.constant 112 : index
        %parallel_loop3A_425 = tpu.vector_load %arg14[%parallel_loop3A_423, %parallel_loop3A_424] {strides = array<i32>} : memref<120x128xf32, #tpu.memory_space<vmem>>, vector<16xf32>,
        %parallel_loop3A_426 = arith.mulf %parallel_loop3A_425, %parallel_loop3A_373 : vector<16xf32>
        %parallel_loop3A_427 = arith.index_cast %parallel_loop3A_368 : i32 to index
        %parallel_loop3A_428 = arith.constant 112 : index
        %parallel_loop3A_429 = tpu.vector_load %arg14[%parallel_loop3A_427, %parallel_loop3A_428] {strides = array<i32>} : memref<120x128xf32, #tpu.memory_space<vmem>>, vector<16xf32>,
        tpu.vector_store %arg14[%parallel_loop3A_427, %parallel_loop3A_428], %parallel_loop3A_426 {strides = array<i32>} : memref<120x128xf32, #tpu.memory_space<vmem>>, vector<16xf32>,
      } {sc.loop_unroll_factor = 4 : i64, sc.parallel_access}
      %dma_start3A_349 = arith.constant 1 : i32
      %dma_start3A_350 = arith.constant 0 : i32
      %dma_start3A_351 = tpu.memref_slice %arg11[%dma_start3A_349, %dma_start3A_350] : memref<3x120xi32, #tpu.memory_space<vmem>> -> memref<1x120xi32, #tpu.memory_space<vmem>>
      %dma_start3A_352 = tpu.memref_squeeze %dma_start3A_351 : memref<1x120xi32, #tpu.memory_space<vmem>> -> memref<120xi32, #tpu.memory_space<vmem>>
      %dma_start3A_353 = arith.constant 0 : i32
      %dma_start3A_354 = arith.constant 0 : i32
      %dma_start3A_355 = tpu.memref_slice %arg15[%dma_start3A_353, %dma_start3A_354] : memref<10240x128xf32, #tpu.memory_space<vmem_shared>> -> memref<10240x128xf32, #tpu.memory_space<vmem_shared>>
      tpu.enqueue_indirect_dma source(%arg14 : memref<120x128xf32, #tpu.memory_space<vmem>>) target(%dma_start3A_355 : memref<10240x128xf32, #tpu.memory_space<vmem_shared>>) offsets(%dma_start3A_352 : memref<120xi32, #tpu.memory_space<vmem>>) semaphore(%arg27 : memref<!tpu.dma_semaphore, #tpu.memory_space<semaphore_mem>>) {add = true}
      %dma_wait3A_356 = arith.constant 1 : i32
      %dma_wait3A_357 = arith.constant 0 : i32
      %dma_wait3A_358 = tpu.memref_slice %arg10[%dma_wait3A_356, %dma_wait3A_357] : memref<3x120xi32, #tpu.memory_space<vmem>> -> memref<1x120xi32, #tpu.memory_space<vmem>>
      %dma_wait3A_359 = tpu.memref_squeeze %dma_wait3A_358 : memref<1x120xi32, #tpu.memory_space<vmem>> -> memref<120xi32, #tpu.memory_space<vmem>>
      %dma_wait3A_360 = arith.constant 0 : i32
      %dma_wait3A_361 = arith.constant 0 : i32
      %dma_wait3A_362 = tpu.memref_slice %arg15[%dma_wait3A_360, %dma_wait3A_361] : memref<10240x128xf32, #tpu.memory_space<vmem_shared>> -> memref<10240x128xf32, #tpu.memory_space<vmem_shared>>
      tpu.wait_indirect_dma semaphore(%arg26 : memref<!tpu.dma_semaphore, #tpu.memory_space<semaphore_mem>>) src(%arg13 : memref<120x128xf32, #tpu.memory_space<vmem>>) dst(%dma_wait3A_362 : memref<10240x128xf32, #tpu.memory_space<vmem_shared>>)
      %lt3A_363 = arith.constant 13 : i32
      %lt3A_364 = arith.cmpi slt, %scan3A_98, %lt3A_363 : i32
      %convert_element_type3A_365 = arith.extui %lt3A_364 : i1 to i32
      %cond3A_366 = arith.constant 0 : i32
      %cond3A_367 = arith.cmpi ne, %convert_element_type3A_365, %cond3A_366 : i32
      scf.if %cond3A_367 {
        %mul3A_368 = arith.constant 6 : i32
        %mul3A_369 = arith.muli %mul3A_368, %scan3A_98 : i32
        %add3A_370 = arith.constant 5 : i32
        %add3A_371 = arith.addi %mul3A_369, %add3A_370 : i32
        %add3A_372 = arith.constant 3 : i32
        %add3A_373 = arith.addi %add3A_371, %add3A_372 : i32
        %sub3A_374 = arith.constant 1 : i32
        %sub3A_375 = arith.subi %add3A_373, %sub3A_374 : i32
        %dma_wait3A_376 = arith.constant 0 : i32
        %dma_wait3A_377 = arith.constant 0 : i32
        %dma_wait3A_378 = tpu.memref_slice %arg2[%add3A, %sub3A_375, %dma_wait3A_376, %dma_wait3A_377] : memref<32x84x3x120xi32, #tpu.memory_space<hbm>> -> memref<1x1x3x120xi32, #tpu.memory_space<hbm>>
        %dma_wait3A_379 = tpu.memref_squeeze %dma_wait3A_378 : memref<1x1x3x120xi32, #tpu.memory_space<hbm>> -> memref<3x120xi32, #tpu.memory_space<hbm>>
        %dma_wait3A_380 = arith.constant 0 : i32
        %dma_wait3A_381 = arith.constant 0 : i32
        %dma_wait3A_382 = tpu.memref_slice %arg2[%add3A, %sub3A_375, %dma_wait3A_380, %dma_wait3A_381] : memref<32x84x3x120xi32, #tpu.memory_space<hbm>> -> memref<1x1x3x120xi32, #tpu.memory_space<hbm>>
        %dma_wait3A_383 = tpu.memref_squeeze %dma_wait3A_382 : memref<1x1x3x120xi32, #tpu.memory_space<hbm>> -> memref<3x120xi32, #tpu.memory_space<hbm>>
        tpu.wait_dma2 semaphore(%arg17 : memref<!tpu.dma_semaphore, #tpu.memory_space<semaphore_mem>>) src(%dma_wait3A_383 : memref<3x120xi32, #tpu.memory_space<hbm>>) dst(%arg7 : memref<3x120xi32, #tpu.memory_space<vmem>>)
        %dma_start3A_384 = arith.constant 0 : i32
        %dma_start3A_385 = arith.constant 0 : i32
        %dma_start3A_386 = tpu.memref_slice %arg7[%dma_start3A_384, %dma_start3A_385] : memref<3x120xi32, #tpu.memory_space<vmem>> -> memref<1x120xi32, #tpu.memory_space<vmem>>
        %dma_start3A_387 = tpu.memref_squeeze %dma_start3A_386 : memref<1x120xi32, #tpu.memory_space<vmem>> -> memref<120xi32, #tpu.memory_space<vmem>>
        %dma_start3A_388 = arith.constant 0 : i32
        %dma_start3A_389 = arith.constant 0 : i32
        %dma_start3A_390 = tpu.memref_slice %arg3[%dma_start3A_388, %dma_start3A_389] : memref<10000x128xf32, #tpu.memory_space<hbm>> -> memref<10000x128xf32, #tpu.memory_space<hbm>>
        tpu.enqueue_indirect_dma source(%dma_start3A_390 : memref<10000x128xf32, #tpu.memory_space<hbm>>) target(%arg13 : memref<120x128xf32, #tpu.memory_space<vmem>>) offsets(%dma_start3A_387 : memref<120xi32, #tpu.memory_space<vmem>>) semaphore(%arg23 : memref<!tpu.dma_semaphore, #tpu.memory_space<semaphore_mem>>)
        %mul3A_391 = arith.constant 6 : i32
        %mul3A_392 = arith.muli %mul3A_391, %scan3A_98 : i32
        %add3A_393 = arith.constant 5 : i32
        %add3A_394 = arith.addi %mul3A_392, %add3A_393 : i32
        %add3A_395 = arith.constant 6 : i32
        %add3A_396 = arith.addi %add3A_394, %add3A_395 : i32
        %sub3A_397 = arith.constant 1 : i32
        %sub3A_398 = arith.subi %add3A_396, %sub3A_397 : i32
        %dma_start3A_399 = arith.constant 0 : i32
        %dma_start3A_400 = arith.constant 0 : i32
        %dma_start3A_401 = tpu.memref_slice %arg2[%add3A, %sub3A_398, %dma_start3A_399, %dma_start3A_400] : memref<32x84x3x120xi32, #tpu.memory_space<hbm>> -> memref<1x1x3x120xi32, #tpu.memory_space<hbm>>
        %dma_start3A_402 = tpu.memref_squeeze %dma_start3A_401 : memref<1x1x3x120xi32, #tpu.memory_space<hbm>> -> memref<3x120xi32, #tpu.memory_space<hbm>>
        %dma_start3A_403 = arith.constant 0 : i32
        %dma_start3A_404 = arith.constant 0 : i32
        %dma_start3A_405 = tpu.memref_slice %arg2[%add3A, %sub3A_398, %dma_start3A_403, %dma_start3A_404] : memref<32x84x3x120xi32, #tpu.memory_space<hbm>> -> memref<1x1x3x120xi32, #tpu.memory_space<hbm>>
        %dma_start3A_406 = tpu.memref_squeeze %dma_start3A_405 : memref<1x1x3x120xi32, #tpu.memory_space<hbm>> -> memref<3x120xi32, #tpu.memory_space<hbm>>
        tpu.enqueue_dma source(%dma_start3A_406 : memref<3x120xi32, #tpu.memory_space<hbm>>) target(%arg10 : memref<3x120xi32, #tpu.memory_space<vmem>>) target_semaphore(%arg20 : memref<!tpu.dma_semaphore, #tpu.memory_space<semaphore_mem>>)
      } else {
      }
    }
    %scan3A_82 = arith.constant 14 : i32
    %dma_wait3A_83 = arith.constant 1 : i32
    %dma_wait3A_84 = arith.constant 0 : i32
    %dma_wait3A_85 = tpu.memref_slice %arg11[%dma_wait3A_83, %dma_wait3A_84] : memref<3x120xi32, #tpu.memory_space<vmem>> -> memref<1x120xi32, #tpu.memory_space<vmem>>
    %dma_wait3A_86 = tpu.memref_squeeze %dma_wait3A_85 : memref<1x120xi32, #tpu.memory_space<vmem>> -> memref<120xi32, #tpu.memory_space<vmem>>
    %dma_wait3A_87 = arith.constant 0 : i32
    %dma_wait3A_88 = arith.constant 0 : i32
    %dma_wait3A_89 = tpu.memref_slice %arg15[%dma_wait3A_87, %dma_wait3A_88] : memref<10240x128xf32, #tpu.memory_space<vmem_shared>> -> memref<10240x128xf32, #tpu.memory_space<vmem_shared>>
    tpu.wait_indirect_dma semaphore(%arg27 : memref<!tpu.dma_semaphore, #tpu.memory_space<semaphore_mem>>) src(%arg14 : memref<120x128xf32, #tpu.memory_space<vmem>>) dst(%dma_wait3A_89 : memref<10240x128xf32, #tpu.memory_space<vmem_shared>>)
    %barrier3A_90 = arith.constant 0 : index
    tpu.barrier barrier_id(%barrier3A_90)
    %mul3A_91 = arith.constant 640 : i32
    %mul3A_92 = arith.muli %arg1, %mul3A_91 : i32
    %mul3A_93 = arith.constant 10240 : i32
    %mul3A_94 = arith.muli %arg0, %mul3A_93 : i32
    %mul3A_95 = arith.constant 640 : i32
    %mul3A_96 = arith.muli %arg1, %mul3A_95 : i32
    %add3A_97 = arith.addi %mul3A_94, %mul3A_96 : i32
    "tpu.region"() ({
      %run_scoped3A = tpu.sem_alloc : memref<!tpu.dma_semaphore, #tpu.memory_space<semaphore_mem>>
      %dma_start3A_98 = arith.constant 0 : i32
      %dma_start3A_99 = tpu.memref_slice %arg5[%add3A_97, %dma_start3A_98] : memref<20480x128xf32, #tpu.memory_space<hbm>> -> memref<640x128xf32, #tpu.memory_space<hbm>>
      %dma_start3A_100 = arith.constant 0 : i32
      %dma_start3A_101 = tpu.memref_slice %arg15[%mul3A_92, %dma_start3A_100] : memref<10240x128xf32, #tpu.memory_space<vmem_shared>> -> memref<640x128xf32, #tpu.memory_space<vmem_shared>>
      tpu.enqueue_dma source(%dma_start3A_101 : memref<640x128xf32, #tpu.memory_space<vmem_shared>>) target(%dma_start3A_99 : memref<640x128xf32, #tpu.memory_space<hbm>>) target_semaphore(%run_scoped3A : memref<!tpu.dma_semaphore, #tpu.memory_space<semaphore_mem>>)
      %dma_wait3A_102 = arith.constant 0 : i32
      %dma_wait3A_103 = tpu.memref_slice %arg5[%add3A_97, %dma_wait3A_102] : memref<20480x128xf32, #tpu.memory_space<hbm>> -> memref<640x128xf32, #tpu.memory_space<hbm>>
      %dma_wait3A_104 = arith.constant 0 : i32
      %dma_wait3A_105 = tpu.memref_slice %arg15[%mul3A_92, %dma_wait3A_104] : memref<10240x128xf32, #tpu.memory_space<vmem_shared>> -> memref<640x128xf32, #tpu.memory_space<vmem_shared>>
      tpu.wait_dma2 semaphore(%run_scoped3A : memref<!tpu.dma_semaphore, #tpu.memory_space<semaphore_mem>>) src(%dma_wait3A_105 : memref<640x128xf32, #tpu.memory_space<vmem_shared>>) dst(%dma_wait3A_103 : memref<640x128xf32, #tpu.memory_space<hbm>>)
      tpu.yield
    }) : () -> ()
    return
  }
}

#map = affine_map<(d0, d1) -> (0, 0, 0, 0)>
#map1 = affine_map<(d0, d1) -> (0, 0)>
module attributes {stable_mosaic.version = 14 : i64} {
  func.func @k(%arg0: i32, %arg1: i32, %arg2: memref<32x84x3x120xi32, #tpu.memory_space<hbm>>, %arg3: memref<10000x128xf32, #tpu.memory_space<hbm>>, %arg4: memref<640x128xf32, #tpu.memory_space<hbm>>, %arg5: memref<20480x128xf32, #tpu.memory_space<hbm>>, %arg6: memref<3x120xi32, #tpu.memory_space<vmem>>, %arg7: memref<3x120xi32, #tpu.memory_space<vmem>>, %arg8: memref<3x120xi32, #tpu.memory_space<vmem>>, %arg9: memref<3x120xi32, #tpu.memory_space<vmem>>, %arg10: memref<3x120xi32, #tpu.memory_space<vmem>>, %arg11: memref<3x120xi32, #tpu.memory_space<vmem>>, %arg12: memref<120x128xf32, #tpu.memory_space<vmem>>, %arg13: memref<120x128xf32, #tpu.memory_space<vmem>>, %arg14: memref<120x128xf32, #tpu.memory_space<vmem>>, %arg15: memref<10240x128xf32, #tpu.memory_space<vmem_shared>>, %arg16: memref<!tpu.dma_semaphore, #tpu.memory_space<semaphore_mem>>, %arg17: memref<!tpu.dma_semaphore, #tpu.memory_space<semaphore_mem>>, %arg18: memref<!tpu.dma_semaphore, #tpu.memory_space<semaphore_mem>>, %arg19: memref<!tpu.dma_semaphore, #tpu.memory_space<semaphore_mem>>, %arg20: memref<!tpu.dma_semaphore, #tpu.memory_space<semaphore_mem>>, %arg21: memref<!tpu.dma_semaphore, #tpu.memory_space<semaphore_mem>>, %arg22: memref<!tpu.dma_semaphore, #tpu.memory_space<semaphore_mem>>, %arg23: memref<!tpu.dma_semaphore, #tpu.memory_space<semaphore_mem>>, %arg24: memref<!tpu.dma_semaphore, #tpu.memory_space<semaphore_mem>>, %arg25: memref<!tpu.dma_semaphore, #tpu.memory_space<semaphore_mem>>, %arg26: memref<!tpu.dma_semaphore, #tpu.memory_space<semaphore_mem>>, %arg27: memref<!tpu.dma_semaphore, #tpu.memory_space<semaphore_mem>>) attributes {dimension_semantics = [#tpu.dimension_semantics<core_parallel>, #tpu.dimension_semantics<subcore_parallel>], iteration_bounds = array<i64: 2, 16>, scalar_prefetch = 0 : i64, scratch_operands = 22 : i64, tpu.core_type = #tpu.core_type<sc_vector_subcore>, window_params = [{transform_indices = #map}, {transform_indices = #map1}, {transform_indices = #map1}, {transform_indices = #map1}]} {
    %mul3A = arith.constant 2 : i32
    %mul3A_0 = arith.muli %arg1, %mul3A : i32
    %add3A = arith.addi %mul3A_0, %arg0 : i32
    %mul3A_1 = arith.constant 640 : i32
    %mul3A_2 = arith.muli %arg1, %mul3A_1 : i32
    "tpu.region"() ({
      %run_scoped3A = tpu.sem_alloc : memref<!tpu.dma_semaphore, #tpu.memory_space<semaphore_mem>>
      %dma_start3A_98 = arith.constant 0 : i32
      %dma_start3A_99 = tpu.memref_slice %arg15[%mul3A_2, %dma_start3A_98] : memref<10240x128xf32, #tpu.memory_space<vmem_shared>> -> memref<640x128xf32, #tpu.memory_space<vmem_shared>>
      tpu.enqueue_dma source(%arg4 : memref<640x128xf32, #tpu.memory_space<hbm>>) target(%dma_start3A_99 : memref<640x128xf32, #tpu.memory_space<vmem_shared>>) target_semaphore(%run_scoped3A : memref<!tpu.dma_semaphore, #tpu.memory_space<semaphore_mem>>)
      %dma_wait3A_100 = arith.constant 0 : i32
      %dma_wait3A_101 = tpu.memref_slice %arg15[%mul3A_2, %dma_wait3A_100] : memref<10240x128xf32, #tpu.memory_space<vmem_shared>> -> memref<640x128xf32, #tpu.memory_space<vmem_shared>>
      tpu.wait_dma2 semaphore(%run_scoped3A : memref<!tpu.dma_semaphore, #tpu.memory_space<semaphore_mem>>) src(%arg4 : memref<640x128xf32, #tpu.memory_space<hbm>>) dst(%dma_wait3A_101 : memref<640x128xf32, #tpu.memory_space<vmem_shared>>)
      tpu.yield
    }) : () -> ()
    %barrier3A = arith.constant 0 : index
    tpu.barrier barrier_id(%barrier3A)
    %dma_start3A = arith.constant 0 : i32
    %dma_start3A_3 = arith.constant 0 : i32
    %dma_start3A_4 = arith.constant 0 : i32
    %dma_start3A_5 = tpu.memref_slice %arg2[%add3A, %dma_start3A, %dma_start3A_3, %dma_start3A_4] : memref<32x84x3x120xi32, #tpu.memory_space<hbm>> -> memref<1x1x3x120xi32, #tpu.memory_space<hbm>>
    %dma_start3A_6 = tpu.memref_squeeze %dma_start3A_5 : memref<1x1x3x120xi32, #tpu.memory_space<hbm>> -> memref<3x120xi32, #tpu.memory_space<hbm>>
    %dma_start3A_7 = arith.constant 0 : i32
    %dma_start3A_8 = arith.constant 0 : i32
    %dma_start3A_9 = tpu.memref_slice %arg2[%add3A, %dma_start3A, %dma_start3A_7, %dma_start3A_8] : memref<32x84x3x120xi32, #tpu.memory_space<hbm>> -> memref<1x1x3x120xi32, #tpu.memory_space<hbm>>
    %dma_start3A_10 = tpu.memref_squeeze %dma_start3A_9 : memref<1x1x3x120xi32, #tpu.memory_space<hbm>> -> memref<3x120xi32, #tpu.memory_space<hbm>>
    tpu.enqueue_dma source(%dma_start3A_10 : memref<3x120xi32, #tpu.memory_space<hbm>>) target(%arg6 : memref<3x120xi32, #tpu.memory_space<vmem>>) target_semaphore(%arg16 : memref<!tpu.dma_semaphore, #tpu.memory_space<semaphore_mem>>)
    %dma_start3A_11 = arith.constant 1 : i32
    %dma_start3A_12 = arith.constant 0 : i32
    %dma_start3A_13 = arith.constant 0 : i32
    %dma_start3A_14 = tpu.memref_slice %arg2[%add3A, %dma_start3A_11, %dma_start3A_12, %dma_start3A_13] : memref<32x84x3x120xi32, #tpu.memory_space<hbm>> -> memref<1x1x3x120xi32, #tpu.memory_space<hbm>>
    %dma_start3A_15 = tpu.memref_squeeze %dma_start3A_14 : memref<1x1x3x120xi32, #tpu.memory_space<hbm>> -> memref<3x120xi32, #tpu.memory_space<hbm>>
    %dma_start3A_16 = arith.constant 0 : i32
    %dma_start3A_17 = arith.constant 0 : i32
    %dma_start3A_18 = tpu.memref_slice %arg2[%add3A, %dma_start3A_11, %dma_start3A_16, %dma_start3A_17] : memref<32x84x3x120xi32, #tpu.memory_space<hbm>> -> memref<1x1x3x120xi32, #tpu.memory_space<hbm>>
    %dma_start3A_19 = tpu.memref_squeeze %dma_start3A_18 : memref<1x1x3x120xi32, #tpu.memory_space<hbm>> -> memref<3x120xi32, #tpu.memory_space<hbm>>
    tpu.enqueue_dma source(%dma_start3A_19 : memref<3x120xi32, #tpu.memory_space<hbm>>) target(%arg7 : memref<3x120xi32, #tpu.memory_space<vmem>>) target_semaphore(%arg17 : memref<!tpu.dma_semaphore, #tpu.memory_space<semaphore_mem>>)
    %dma_start3A_20 = arith.constant 2 : i32
    %dma_start3A_21 = arith.constant 0 : i32
    %dma_start3A_22 = arith.constant 0 : i32
    %dma_start3A_23 = tpu.memref_slice %arg2[%add3A, %dma_start3A_20, %dma_start3A_21, %dma_start3A_22] : memref<32x84x3x120xi32, #tpu.memory_space<hbm>> -> memref<1x1x3x120xi32, #tpu.memory_space<hbm>>
    %dma_start3A_24 = tpu.memref_squeeze %dma_start3A_23 : memref<1x1x3x120xi32, #tpu.memory_space<hbm>> -> memref<3x120xi32, #tpu.memory_space<hbm>>
    %dma_start3A_25 = arith.constant 0 : i32
    %dma_start3A_26 = arith.constant 0 : i32
    %dma_start3A_27 = tpu.memref_slice %arg2[%add3A, %dma_start3A_20, %dma_start3A_25, %dma_start3A_26] : memref<32x84x3x120xi32, #tpu.memory_space<hbm>> -> memref<1x1x3x120xi32, #tpu.memory_space<hbm>>
    %dma_start3A_28 = tpu.memref_squeeze %dma_start3A_27 : memref<1x1x3x120xi32, #tpu.memory_space<hbm>> -> memref<3x120xi32, #tpu.memory_space<hbm>>
    tpu.enqueue_dma source(%dma_start3A_28 : memref<3x120xi32, #tpu.memory_space<hbm>>) target(%arg8 : memref<3x120xi32, #tpu.memory_space<vmem>>) target_semaphore(%arg18 : memref<!tpu.dma_semaphore, #tpu.memory_space<semaphore_mem>>)
    %dma_start3A_29 = arith.constant 3 : i32
    %dma_start3A_30 = arith.constant 0 : i32
    %dma_start3A_31 = arith.constant 0 : i32
    %dma_start3A_32 = tpu.memref_slice %arg2[%add3A, %dma_start3A_29, %dma_start3A_30, %dma_start3A_31] : memref<32x84x3x120xi32, #tpu.memory_space<hbm>> -> memref<1x1x3x120xi32, #tpu.memory_space<hbm>>
    %dma_start3A_33 = tpu.memref_squeeze %dma_start3A_32 : memref<1x1x3x120xi32, #tpu.memory_space<hbm>> -> memref<3x120xi32, #tpu.memory_space<hbm>>
    %dma_start3A_34 = arith.constant 0 : i32
    %dma_start3A_35 = arith.constant 0 : i32
    %dma_start3A_36 = tpu.memref_slice %arg2[%add3A, %dma_start3A_29, %dma_start3A_34, %dma_start3A_35] : memref<32x84x3x120xi32, #tpu.memory_space<hbm>> -> memref<1x1x3x120xi32, #tpu.memory_space<hbm>>
    %dma_start3A_37 = tpu.memref_squeeze %dma_start3A_36 : memref<1x1x3x120xi32, #tpu.memory_space<hbm>> -> memref<3x120xi32, #tpu.memory_space<hbm>>
    tpu.enqueue_dma source(%dma_start3A_37 : memref<3x120xi32, #tpu.memory_space<hbm>>) target(%arg9 : memref<3x120xi32, #tpu.memory_space<vmem>>) target_semaphore(%arg19 : memref<!tpu.dma_semaphore, #tpu.memory_space<semaphore_mem>>)
    %dma_start3A_38 = arith.constant 4 : i32
    %dma_start3A_39 = arith.constant 0 : i32
    %dma_start3A_40 = arith.constant 0 : i32
    %dma_start3A_41 = tpu.memref_slice %arg2[%add3A, %dma_start3A_38, %dma_start3A_39, %dma_start3A_40] : memref<32x84x3x120xi32, #tpu.memory_space<hbm>> -> memref<1x1x3x120xi32, #tpu.memory_space<hbm>>
    %dma_start3A_42 = tpu.memref_squeeze %dma_start3A_41 : memref<1x1x3x120xi32, #tpu.memory_space<hbm>> -> memref<3x120xi32, #tpu.memory_space<hbm>>
    %dma_start3A_43 = arith.constant 0 : i32
    %dma_start3A_44 = arith.constant 0 : i32
    %dma_start3A_45 = tpu.memref_slice %arg2[%add3A, %dma_start3A_38, %dma_start3A_43, %dma_start3A_44] : memref<32x84x3x120xi32, #tpu.memory_space<hbm>> -> memref<1x1x3x120xi32, #tpu.memory_space<hbm>>
    %dma_start3A_46 = tpu.memref_squeeze %dma_start3A_45 : memref<1x1x3x120xi32, #tpu.memory_space<hbm>> -> memref<3x120xi32, #tpu.memory_space<hbm>>
    tpu.enqueue_dma source(%dma_start3A_46 : memref<3x120xi32, #tpu.memory_space<hbm>>) target(%arg10 : memref<3x120xi32, #tpu.memory_space<vmem>>) target_semaphore(%arg20 : memref<!tpu.dma_semaphore, #tpu.memory_space<semaphore_mem>>)
    %dma_wait3A = arith.constant 0 : i32
    %dma_wait3A_47 = arith.constant 0 : i32
    %dma_wait3A_48 = arith.constant 0 : i32
    %dma_wait3A_49 = tpu.memref_slice %arg2[%add3A, %dma_wait3A, %dma_wait3A_47, %dma_wait3A_48] : memref<32x84x3x120xi32, #tpu.memory_space<hbm>> -> memref<1x1x3x120xi32, #tpu.memory_space<hbm>>
    %dma_wait3A_50 = tpu.memref_squeeze %dma_wait3A_49 : memref<1x1x3x120xi32, #tpu.memory_space<hbm>> -> memref<3x120xi32, #tpu.memory_space<hbm>>
    %dma_wait3A_51 = arith.constant 0 : i32
    %dma_wait3A_52 = arith.constant 0 : i32
    %dma_wait3A_53 = tpu.memref_slice %arg2[%add3A, %dma_wait3A, %dma_wait3A_51, %dma_wait3A_52] : memref<32x84x3x120xi32, #tpu.memory_space<hbm>> -> memref<1x1x3x120xi32, #tpu.memory_space<hbm>>
    %dma_wait3A_54 = tpu.memref_squeeze %dma_wait3A_53 : memref<1x1x3x120xi32, #tpu.memory_space<hbm>> -> memref<3x120xi32, #tpu.memory_space<hbm>>
    tpu.wait_dma2 semaphore(%arg16 : memref<!tpu.dma_semaphore, #tpu.memory_space<semaphore_mem>>) src(%dma_wait3A_54 : memref<3x120xi32, #tpu.memory_space<hbm>>) dst(%arg6 : memref<3x120xi32, #tpu.memory_space<vmem>>)
    %dma_start3A_55 = arith.constant 0 : i32
    %dma_start3A_56 = arith.constant 0 : i32
    %dma_start3A_57 = tpu.memref_slice %arg6[%dma_start3A_55, %dma_start3A_56] : memref<3x120xi32, #tpu.memory_space<vmem>> -> memref<1x120xi32, #tpu.memory_space<vmem>>
    %dma_start3A_58 = tpu.memref_squeeze %dma_start3A_57 : memref<1x120xi32, #tpu.memory_space<vmem>> -> memref<120xi32, #tpu.memory_space<vmem>>
    %dma_start3A_59 = arith.constant 0 : i32
    %dma_start3A_60 = arith.constant 0 : i32
    %dma_start3A_61 = tpu.memref_slice %arg3[%dma_start3A_59, %dma_start3A_60] : memref<10000x128xf32, #tpu.memory_space<hbm>> -> memref<10000x128xf32, #tpu.memory_space<hbm>>
    tpu.enqueue_indirect_dma source(%dma_start3A_61 : memref<10000x128xf32, #tpu.memory_space<hbm>>) target(%arg12 : memref<120x128xf32, #tpu.memory_space<vmem>>) offsets(%dma_start3A_58 : memref<120xi32, #tpu.memory_space<vmem>>) semaphore(%arg22 : memref<!tpu.dma_semaphore, #tpu.memory_space<semaphore_mem>>)
    %dma_wait3A_62 = arith.constant 1 : i32
    %dma_wait3A_63 = arith.constant 0 : i32
    %dma_wait3A_64 = arith.constant 0 : i32
    %dma_wait3A_65 = tpu.memref_slice %arg2[%add3A, %dma_wait3A_62, %dma_wait3A_63, %dma_wait3A_64] : memref<32x84x3x120xi32, #tpu.memory_space<hbm>> -> memref<1x1x3x120xi32, #tpu.memory_space<hbm>>
    %dma_wait3A_66 = tpu.memref_squeeze %dma_wait3A_65 : memref<1x1x3x120xi32, #tpu.memory_space<hbm>> -> memref<3x120xi32, #tpu.memory_space<hbm>>
    %dma_wait3A_67 = arith.constant 0 : i32
    %dma_wait3A_68 = arith.constant 0 : i32
    %dma_wait3A_69 = tpu.memref_slice %arg2[%add3A, %dma_wait3A_62, %dma_wait3A_67, %dma_wait3A_68] : memref<32x84x3x120xi32, #tpu.memory_space<hbm>> -> memref<1x1x3x120xi32, #tpu.memory_space<hbm>>
    %dma_wait3A_70 = tpu.memref_squeeze %dma_wait3A_69 : memref<1x1x3x120xi32, #tpu.memory_space<hbm>> -> memref<3x120xi32, #tpu.memory_space<hbm>>
    tpu.wait_dma2 semaphore(%arg17 : memref<!tpu.dma_semaphore, #tpu.memory_space<semaphore_mem>>) src(%dma_wait3A_70 : memref<3x120xi32, #tpu.memory_space<hbm>>) dst(%arg7 : memref<3x120xi32, #tpu.memory_space<vmem>>)
    %dma_start3A_71 = arith.constant 0 : i32
    %dma_start3A_72 = arith.constant 0 : i32
    %dma_start3A_73 = tpu.memref_slice %arg7[%dma_start3A_71, %dma_start3A_72] : memref<3x120xi32, #tpu.memory_space<vmem>> -> memref<1x120xi32, #tpu.memory_space<vmem>>
    %dma_start3A_74 = tpu.memref_squeeze %dma_start3A_73 : memref<1x120xi32, #tpu.memory_space<vmem>> -> memref<120xi32, #tpu.memory_space<vmem>>
    %dma_start3A_75 = arith.constant 0 : i32
    %dma_start3A_76 = arith.constant 0 : i32
    %dma_start3A_77 = tpu.memref_slice %arg3[%dma_start3A_75, %dma_start3A_76] : memref<10000x128xf32, #tpu.memory_space<hbm>> -> memref<10000x128xf32, #tpu.memory_space<hbm>>
    tpu.enqueue_indirect_dma source(%dma_start3A_77 : memref<10000x128xf32, #tpu.memory_space<hbm>>) target(%arg13 : memref<120x128xf32, #tpu.memory_space<vmem>>) offsets(%dma_start3A_74 : memref<120xi32, #tpu.memory_space<vmem>>) semaphore(%arg23 : memref<!tpu.dma_semaphore, #tpu.memory_space<semaphore_mem>>)
    %scan3A = arith.constant 0 : i32
    %scan3A_78 = arith.constant 0 : i32
    %scan3A_79 = arith.constant 14 : i32
    %scan3A_80 = arith.addi %scan3A_78, %scan3A_79 : i32
    %scan3A_81 = arith.constant 1 : i32
    scf.for %scan3A_98 = %scan3A_78 to %scan3A_80 step %scan3A_81  : i32 {
      %dma_wait3A_99 = arith.constant 0 : i32
      %dma_wait3A_100 = arith.constant 0 : i32
      %dma_wait3A_101 = tpu.memref_slice %arg6[%dma_wait3A_99, %dma_wait3A_100] : memref<3x120xi32, #tpu.memory_space<vmem>> -> memref<1x120xi32, #tpu.memory_space<vmem>>
      %dma_wait3A_102 = tpu.memref_squeeze %dma_wait3A_101 : memref<1x120xi32, #tpu.memory_space<vmem>> -> memref<120xi32, #tpu.memory_space<vmem>>
      %dma_wait3A_103 = arith.constant 0 : i32
      %dma_wait3A_104 = arith.constant 0 : i32
      %dma_wait3A_105 = tpu.memref_slice %arg3[%dma_wait3A_103, %dma_wait3A_104] : memref<10000x128xf32, #tpu.memory_space<hbm>> -> memref<10000x128xf32, #tpu.memory_space<hbm>>
      tpu.wait_indirect_dma semaphore(%arg22 : memref<!tpu.dma_semaphore, #tpu.memory_space<semaphore_mem>>) src(%dma_wait3A_105 : memref<10000x128xf32, #tpu.memory_space<hbm>>) dst(%arg12 : memref<120x128xf32, #tpu.memory_space<vmem>>)
      %parallel_loop3A = arith.constant 0 : i32
      %parallel_loop3A_106 = arith.constant 120 : i32
      %parallel_loop3A_107 = arith.constant 1 : i32
      scf.for %parallel_loop3A_368 = %parallel_loop3A to %parallel_loop3A_106 step %parallel_loop3A_107  : i32 {
        %parallel_loop3A_369 = arith.constant 2 : i32
        %parallel_loop3A_370 = vector.broadcast %parallel_loop3A_369 : i32 to vector<16xi32>
        %parallel_loop3A_371 = vector.broadcast %parallel_loop3A_368 : i32 to vector<16xi32>
        %parallel_loop3A_372 = tpu.vector_load_idx %arg6[%parallel_loop3A_370, %parallel_loop3A_371] : memref<3x120xi32, #tpu.memory_space<vmem>>[vector<16xi32>, vector<16xi32>], vector<16xi32>,
        %parallel_loop3A_373 = vector.bitcast %parallel_loop3A_372 : vector<16xi32> to vector<16xf32>
        %parallel_loop3A_374 = arith.index_cast %parallel_loop3A_368 : i32 to index
        %parallel_loop3A_375 = arith.constant 0 : index
        %parallel_loop3A_376 = tpu.vector_load %arg12[%parallel_loop3A_374, %parallel_loop3A_375] {strides = array<i32>} : memref<120x128xf32, #tpu.memory_space<vmem>>, vector<16xf32>,
        %parallel_loop3A_377 = arith.mulf %parallel_loop3A_376, %parallel_loop3A_373 : vector<16xf32>
        %parallel_loop3A_378 = arith.index_cast %parallel_loop3A_368 : i32 to index
        %parallel_loop3A_379 = arith.constant 0 : index
        %parallel_loop3A_380 = tpu.vector_load %arg12[%parallel_loop3A_378, %parallel_loop3A_379] {strides = array<i32>} : memref<120x128xf32, #tpu.memory_space<vmem>>, vector<16xf32>,
        tpu.vector_store %arg12[%parallel_loop3A_378, %parallel_loop3A_379], %parallel_loop3A_377 {strides = array<i32>} : memref<120x128xf32, #tpu.memory_space<vmem>>, vector<16xf32>,
        %parallel_loop3A_381 = arith.index_cast %parallel_loop3A_368 : i32 to index
        %parallel_loop3A_382 = arith.constant 16 : index
        %parallel_loop3A_383 = tpu.vector_load %arg12[%parallel_loop3A_381, %parallel_loop3A_382] {strides = array<i32>} : memref<120x128xf32, #tpu.memory_space<vmem>>, vector<16xf32>,
        %parallel_loop3A_384 = arith.mulf %parallel_loop3A_383, %parallel_loop3A_373 : vector<16xf32>
        %parallel_loop3A_385 = arith.index_cast %parallel_loop3A_368 : i32 to index
        %parallel_loop3A_386 = arith.constant 16 : index
        %parallel_loop3A_387 = tpu.vector_load %arg12[%parallel_loop3A_385, %parallel_loop3A_386] {strides = array<i32>} : memref<120x128xf32, #tpu.memory_space<vmem>>, vector<16xf32>,
        tpu.vector_store %arg12[%parallel_loop3A_385, %parallel_loop3A_386], %parallel_loop3A_384 {strides = array<i32>} : memref<120x128xf32, #tpu.memory_space<vmem>>, vector<16xf32>,
        %parallel_loop3A_388 = arith.index_cast %parallel_loop3A_368 : i32 to index
        %parallel_loop3A_389 = arith.constant 32 : index
        %parallel_loop3A_390 = tpu.vector_load %arg12[%parallel_loop3A_388, %parallel_loop3A_389] {strides = array<i32>} : memref<120x128xf32, #tpu.memory_space<vmem>>, vector<16xf32>,
        %parallel_loop3A_391 = arith.mulf %parallel_loop3A_390, %parallel_loop3A_373 : vector<16xf32>
        %parallel_loop3A_392 = arith.index_cast %parallel_loop3A_368 : i32 to index
        %parallel_loop3A_393 = arith.constant 32 : index
        %parallel_loop3A_394 = tpu.vector_load %arg12[%parallel_loop3A_392, %parallel_loop3A_393] {strides = array<i32>} : memref<120x128xf32, #tpu.memory_space<vmem>>, vector<16xf32>,
        tpu.vector_store %arg12[%parallel_loop3A_392, %parallel_loop3A_393], %parallel_loop3A_391 {strides = array<i32>} : memref<120x128xf32, #tpu.memory_space<vmem>>, vector<16xf32>,
        %parallel_loop3A_395 = arith.index_cast %parallel_loop3A_368 : i32 to index
        %parallel_loop3A_396 = arith.constant 48 : index
        %parallel_loop3A_397 = tpu.vector_load %arg12[%parallel_loop3A_395, %parallel_loop3A_396] {strides = array<i32>} : memref<120x128xf32, #tpu.memory_space<vmem>>, vector<16xf32>,
        %parallel_loop3A_398 = arith.mulf %parallel_loop3A_397, %parallel_loop3A_373 : vector<16xf32>
        %parallel_loop3A_399 = arith.index_cast %parallel_loop3A_368 : i32 to index
        %parallel_loop3A_400 = arith.constant 48 : index
        %parallel_loop3A_401 = tpu.vector_load %arg12[%parallel_loop3A_399, %parallel_loop3A_400] {strides = array<i32>} : memref<120x128xf32, #tpu.memory_space<vmem>>, vector<16xf32>,
        tpu.vector_store %arg12[%parallel_loop3A_399, %parallel_loop3A_400], %parallel_loop3A_398 {strides = array<i32>} : memref<120x128xf32, #tpu.memory_space<vmem>>, vector<16xf32>,
        %parallel_loop3A_402 = arith.index_cast %parallel_loop3A_368 : i32 to index
        %parallel_loop3A_403 = arith.constant 64 : index
        %parallel_loop3A_404 = tpu.vector_load %arg12[%parallel_loop3A_402, %parallel_loop3A_403] {strides = array<i32>} : memref<120x128xf32, #tpu.memory_space<vmem>>, vector<16xf32>,
        %parallel_loop3A_405 = arith.mulf %parallel_loop3A_404, %parallel_loop3A_373 : vector<16xf32>
        %parallel_loop3A_406 = arith.index_cast %parallel_loop3A_368 : i32 to index
        %parallel_loop3A_407 = arith.constant 64 : index
        %parallel_loop3A_408 = tpu.vector_load %arg12[%parallel_loop3A_406, %parallel_loop3A_407] {strides = array<i32>} : memref<120x128xf32, #tpu.memory_space<vmem>>, vector<16xf32>,
        tpu.vector_store %arg12[%parallel_loop3A_406, %parallel_loop3A_407], %parallel_loop3A_405 {strides = array<i32>} : memref<120x128xf32, #tpu.memory_space<vmem>>, vector<16xf32>,
        %parallel_loop3A_409 = arith.index_cast %parallel_loop3A_368 : i32 to index
        %parallel_loop3A_410 = arith.constant 80 : index
        %parallel_loop3A_411 = tpu.vector_load %arg12[%parallel_loop3A_409, %parallel_loop3A_410] {strides = array<i32>} : memref<120x128xf32, #tpu.memory_space<vmem>>, vector<16xf32>,
        %parallel_loop3A_412 = arith.mulf %parallel_loop3A_411, %parallel_loop3A_373 : vector<16xf32>
        %parallel_loop3A_413 = arith.index_cast %parallel_loop3A_368 : i32 to index
        %parallel_loop3A_414 = arith.constant 80 : index
        %parallel_loop3A_415 = tpu.vector_load %arg12[%parallel_loop3A_413, %parallel_loop3A_414] {strides = array<i32>} : memref<120x128xf32, #tpu.memory_space<vmem>>, vector<16xf32>,
        tpu.vector_store %arg12[%parallel_loop3A_413, %parallel_loop3A_414], %parallel_loop3A_412 {strides = array<i32>} : memref<120x128xf32, #tpu.memory_space<vmem>>, vector<16xf32>,
        %parallel_loop3A_416 = arith.index_cast %parallel_loop3A_368 : i32 to index
        %parallel_loop3A_417 = arith.constant 96 : index
        %parallel_loop3A_418 = tpu.vector_load %arg12[%parallel_loop3A_416, %parallel_loop3A_417] {strides = array<i32>} : memref<120x128xf32, #tpu.memory_space<vmem>>, vector<16xf32>,
        %parallel_loop3A_419 = arith.mulf %parallel_loop3A_418, %parallel_loop3A_373 : vector<16xf32>
        %parallel_loop3A_420 = arith.index_cast %parallel_loop3A_368 : i32 to index
        %parallel_loop3A_421 = arith.constant 96 : index
        %parallel_loop3A_422 = tpu.vector_load %arg12[%parallel_loop3A_420, %parallel_loop3A_421] {strides = array<i32>} : memref<120x128xf32, #tpu.memory_space<vmem>>, vector<16xf32>,
        tpu.vector_store %arg12[%parallel_loop3A_420, %parallel_loop3A_421], %parallel_loop3A_419 {strides = array<i32>} : memref<120x128xf32, #tpu.memory_space<vmem>>, vector<16xf32>,
        %parallel_loop3A_423 = arith.index_cast %parallel_loop3A_368 : i32 to index
        %parallel_loop3A_424 = arith.constant 112 : index
        %parallel_loop3A_425 = tpu.vector_load %arg12[%parallel_loop3A_423, %parallel_loop3A_424] {strides = array<i32>} : memref<120x128xf32, #tpu.memory_space<vmem>>, vector<16xf32>,
        %parallel_loop3A_426 = arith.mulf %parallel_loop3A_425, %parallel_loop3A_373 : vector<16xf32>
        %parallel_loop3A_427 = arith.index_cast %parallel_loop3A_368 : i32 to index
        %parallel_loop3A_428 = arith.constant 112 : index
        %parallel_loop3A_429 = tpu.vector_load %arg12[%parallel_loop3A_427, %parallel_loop3A_428] {strides = array<i32>} : memref<120x128xf32, #tpu.memory_space<vmem>>, vector<16xf32>,
        tpu.vector_store %arg12[%parallel_loop3A_427, %parallel_loop3A_428], %parallel_loop3A_426 {strides = array<i32>} : memref<120x128xf32, #tpu.memory_space<vmem>>, vector<16xf32>,
      } {sc.loop_unroll_factor = 4 : i64, sc.parallel_access}
      %dma_start3A_108 = arith.constant 1 : i32
      %dma_start3A_109 = arith.constant 0 : i32
      %dma_start3A_110 = tpu.memref_slice %arg6[%dma_start3A_108, %dma_start3A_109] : memref<3x120xi32, #tpu.memory_space<vmem>> -> memref<1x120xi32, #tpu.memory_space<vmem>>
      %dma_start3A_111 = tpu.memref_squeeze %dma_start3A_110 : memref<1x120xi32, #tpu.memory_space<vmem>> -> memref<120xi32, #tpu.memory_space<vmem>>
      %dma_start3A_112 = arith.constant 0 : i32
      %dma_start3A_113 = arith.constant 0 : i32
      %dma_start3A_114 = tpu.memref_slice %arg15[%dma_start3A_112, %dma_start3A_113] : memref<10240x128xf32, #tpu.memory_space<vmem_shared>> -> memref<10240x128xf32, #tpu.memory_space<vmem_shared>>
      tpu.enqueue_indirect_dma source(%arg12 : memref<120x128xf32, #tpu.memory_space<vmem>>) target(%dma_start3A_114 : memref<10240x128xf32, #tpu.memory_space<vmem_shared>>) offsets(%dma_start3A_111 : memref<120xi32, #tpu.memory_space<vmem>>) semaphore(%arg25 : memref<!tpu.dma_semaphore, #tpu.memory_space<semaphore_mem>>) {add = true}
      %gt3A = arith.constant 0 : i32
      %gt3A_115 = arith.cmpi sgt, %scan3A_98, %gt3A : i32
      %convert_element_type3A = arith.extui %gt3A_115 : i1 to i32
      %cond3A = arith.constant 0 : i32
      %cond3A_116 = arith.cmpi ne, %convert_element_type3A, %cond3A : i32
      scf.if %cond3A_116 {
        %dma_wait3A_368 = arith.constant 1 : i32
        %dma_wait3A_369 = arith.constant 0 : i32
        %dma_wait3A_370 = tpu.memref_slice %arg11[%dma_wait3A_368, %dma_wait3A_369] : memref<3x120xi32, #tpu.memory_space<vmem>> -> memref<1x120xi32, #tpu.memory_space<vmem>>
        %dma_wait3A_371 = tpu.memref_squeeze %dma_wait3A_370 : memref<1x120xi32, #tpu.memory_space<vmem>> -> memref<120xi32, #tpu.memory_space<vmem>>
        %dma_wait3A_372 = arith.constant 0 : i32
        %dma_wait3A_373 = arith.constant 0 : i32
        %dma_wait3A_374 = tpu.memref_slice %arg15[%dma_wait3A_372, %dma_wait3A_373] : memref<10240x128xf32, #tpu.memory_space<vmem_shared>> -> memref<10240x128xf32, #tpu.memory_space<vmem_shared>>
        tpu.wait_indirect_dma semaphore(%arg27 : memref<!tpu.dma_semaphore, #tpu.memory_space<semaphore_mem>>) src(%arg14 : memref<120x128xf32, #tpu.memory_space<vmem>>) dst(%dma_wait3A_374 : memref<10240x128xf32, #tpu.memory_space<vmem_shared>>)
      } else {
      }
      %mul3A_117 = arith.constant 6 : i32
      %mul3A_118 = arith.muli %mul3A_117, %scan3A_98 : i32
      %add3A_119 = arith.constant 0 : i32
      %add3A_120 = arith.addi %mul3A_118, %add3A_119 : i32
      %add3A_121 = arith.constant 3 : i32
      %add3A_122 = arith.addi %add3A_120, %add3A_121 : i32
      %sub3A = arith.constant 1 : i32
      %sub3A_123 = arith.subi %add3A_122, %sub3A : i32
      %dma_wait3A_124 = arith.constant 0 : i32
      %dma_wait3A_125 = arith.constant 0 : i32
      %dma_wait3A_126 = tpu.memref_slice %arg2[%add3A, %sub3A_123, %dma_wait3A_124, %dma_wait3A_125] : memref<32x84x3x120xi32, #tpu.memory_space<hbm>> -> memref<1x1x3x120xi32, #tpu.memory_space<hbm>>
      %dma_wait3A_127 = tpu.memref_squeeze %dma_wait3A_126 : memref<1x1x3x120xi32, #tpu.memory_space<hbm>> -> memref<3x120xi32, #tpu.memory_space<hbm>>
      %dma_wait3A_128 = arith.constant 0 : i32
      %dma_wait3A_129 = arith.constant 0 : i32
      %dma_wait3A_130 = tpu.memref_slice %arg2[%add3A, %sub3A_123, %dma_wait3A_128, %dma_wait3A_129] : memref<32x84x3x120xi32, #tpu.memory_space<hbm>> -> memref<1x1x3x120xi32, #tpu.memory_space<hbm>>
      %dma_wait3A_131 = tpu.memref_squeeze %dma_wait3A_130 : memref<1x1x3x120xi32, #tpu.memory_space<hbm>> -> memref<3x120xi32, #tpu.memory_space<hbm>>
      tpu.wait_dma2 semaphore(%arg18 : memref<!tpu.dma_semaphore, #tpu.memory_space<semaphore_mem>>) src(%dma_wait3A_131 : memref<3x120xi32, #tpu.memory_space<hbm>>) dst(%arg8 : memref<3x120xi32, #tpu.memory_space<vmem>>)
      %dma_start3A_132 = arith.constant 0 : i32
      %dma_start3A_133 = arith.constant 0 : i32
      %dma_start3A_134 = tpu.memref_slice %arg8[%dma_start3A_132, %dma_start3A_133] : memref<3x120xi32, #tpu.memory_space<vmem>> -> memref<1x120xi32, #tpu.memory_space<vmem>>
      %dma_start3A_135 = tpu.memref_squeeze %dma_start3A_134 : memref<1x120xi32, #tpu.memory_space<vmem>> -> memref<120xi32, #tpu.memory_space<vmem>>
      %dma_start3A_136 = arith.constant 0 : i32
      %dma_start3A_137 = arith.constant 0 : i32
      %dma_start3A_138 = tpu.memref_slice %arg3[%dma_start3A_136, %dma_start3A_137] : memref<10000x128xf32, #tpu.memory_space<hbm>> -> memref<10000x128xf32, #tpu.memory_space<hbm>>
      tpu.enqueue_indirect_dma source(%dma_start3A_138 : memref<10000x128xf32, #tpu.memory_space<hbm>>) target(%arg14 : memref<120x128xf32, #tpu.memory_space<vmem>>) offsets(%dma_start3A_135 : memref<120xi32, #tpu.memory_space<vmem>>) semaphore(%arg24 : memref<!tpu.dma_semaphore, #tpu.memory_space<semaphore_mem>>)
      %mul3A_139 = arith.constant 6 : i32
      %mul3A_140 = arith.muli %mul3A_139, %scan3A_98 : i32
      %add3A_141 = arith.constant 0 : i32
      %add3A_142 = arith.addi %mul3A_140, %add3A_141 : i32
      %add3A_143 = arith.constant 6 : i32
      %add3A_144 = arith.addi %add3A_142, %add3A_143 : i32
      %sub3A_145 = arith.constant 1 : i32
      %sub3A_146 = arith.subi %add3A_144, %sub3A_145 : i32
      %dma_start3A_147 = arith.constant 0 : i32
      %dma_start3A_148 = arith.constant 0 : i32
      %dma_start3A_149 = tpu.memref_slice %arg2[%add3A, %sub3A_146, %dma_start3A_147, %dma_start3A_148] : memref<32x84x3x120xi32, #tpu.memory_space<hbm>> -> memref<1x1x3x120xi32, #tpu.memory_space<hbm>>
      %dma_start3A_150 = tpu.memref_squeeze %dma_start3A_149 : memref<1x1x3x120xi32, #tpu.memory_space<hbm>> -> memref<3x120xi32, #tpu.memory_space<hbm>>
      %dma_start3A_151 = arith.constant 0 : i32
      %dma_start3A_152 = arith.constant 0 : i32
      %dma_start3A_153 = tpu.memref_slice %arg2[%add3A, %sub3A_146, %dma_start3A_151, %dma_start3A_152] : memref<32x84x3x120xi32, #tpu.memory_space<hbm>> -> memref<1x1x3x120xi32, #tpu.memory_space<hbm>>
      %dma_start3A_154 = tpu.memref_squeeze %dma_start3A_153 : memref<1x1x3x120xi32, #tpu.memory_space<hbm>> -> memref<3x120xi32, #tpu.memory_space<hbm>>
      tpu.enqueue_dma source(%dma_start3A_154 : memref<3x120xi32, #tpu.memory_space<hbm>>) target(%arg11 : memref<3x120xi32, #tpu.memory_space<vmem>>) target_semaphore(%arg21 : memref<!tpu.dma_semaphore, #tpu.memory_space<semaphore_mem>>)
      %dma_wait3A_155 = arith.constant 0 : i32
      %dma_wait3A_156 = arith.constant 0 : i32
      %dma_wait3A_157 = tpu.memref_slice %arg7[%dma_wait3A_155, %dma_wait3A_156] : memref<3x120xi32, #tpu.memory_space<vmem>> -> memref<1x120xi32, #tpu.memory_space<vmem>>
      %dma_wait3A_158 = tpu.memref_squeeze %dma_wait3A_157 : memref<1x120xi32, #tpu.memory_space<vmem>> -> memref<120xi32, #tpu.memory_space<vmem>>
      %dma_wait3A_159 = arith.constant 0 : i32
      %dma_wait3A_160 = arith.constant 0 : i32
      %dma_wait3A_161 = tpu.memref_slice %arg3[%dma_wait3A_159, %dma_wait3A_160] : memref<10000x128xf32, #tpu.memory_space<hbm>> -> memref<10000x128xf32, #tpu.memory_space<hbm>>
      tpu.wait_indirect_dma semaphore(%arg23 : memref<!tpu.dma_semaphore, #tpu.memory_space<semaphore_mem>>) src(%dma_wait3A_161 : memref<10000x128xf32, #tpu.memory_space<hbm>>) dst(%arg13 : memref<120x128xf32, #tpu.memory_space<vmem>>)
      %parallel_loop3A_162 = arith.constant 0 : i32
      %parallel_loop3A_163 = arith.constant 120 : i32
      %parallel_loop3A_164 = arith.constant 1 : i32
      scf.for %parallel_loop3A_368 = %parallel_loop3A_162 to %parallel_loop3A_163 step %parallel_loop3A_164  : i32 {
        %parallel_loop3A_369 = arith.constant 2 : i32
        %parallel_loop3A_370 = vector.broadcast %parallel_loop3A_369 : i32 to vector<16xi32>
        %parallel_loop3A_371 = vector.broadcast %parallel_loop3A_368 : i32 to vector<16xi32>
        %parallel_loop3A_372 = tpu.vector_load_idx %arg7[%parallel_loop3A_370, %parallel_loop3A_371] : memref<3x120xi32, #tpu.memory_space<vmem>>[vector<16xi32>, vector<16xi32>], vector<16xi32>,
        %parallel_loop3A_373 = vector.bitcast %parallel_loop3A_372 : vector<16xi32> to vector<16xf32>
        %parallel_loop3A_374 = arith.index_cast %parallel_loop3A_368 : i32 to index
        %parallel_loop3A_375 = arith.constant 0 : index
        %parallel_loop3A_376 = tpu.vector_load %arg13[%parallel_loop3A_374, %parallel_loop3A_375] {strides = array<i32>} : memref<120x128xf32, #tpu.memory_space<vmem>>, vector<16xf32>,
        %parallel_loop3A_377 = arith.mulf %parallel_loop3A_376, %parallel_loop3A_373 : vector<16xf32>
        %parallel_loop3A_378 = arith.index_cast %parallel_loop3A_368 : i32 to index
        %parallel_loop3A_379 = arith.constant 0 : index
        %parallel_loop3A_380 = tpu.vector_load %arg13[%parallel_loop3A_378, %parallel_loop3A_379] {strides = array<i32>} : memref<120x128xf32, #tpu.memory_space<vmem>>, vector<16xf32>,
        tpu.vector_store %arg13[%parallel_loop3A_378, %parallel_loop3A_379], %parallel_loop3A_377 {strides = array<i32>} : memref<120x128xf32, #tpu.memory_space<vmem>>, vector<16xf32>,
        %parallel_loop3A_381 = arith.index_cast %parallel_loop3A_368 : i32 to index
        %parallel_loop3A_382 = arith.constant 16 : index
        %parallel_loop3A_383 = tpu.vector_load %arg13[%parallel_loop3A_381, %parallel_loop3A_382] {strides = array<i32>} : memref<120x128xf32, #tpu.memory_space<vmem>>, vector<16xf32>,
        %parallel_loop3A_384 = arith.mulf %parallel_loop3A_383, %parallel_loop3A_373 : vector<16xf32>
        %parallel_loop3A_385 = arith.index_cast %parallel_loop3A_368 : i32 to index
        %parallel_loop3A_386 = arith.constant 16 : index
        %parallel_loop3A_387 = tpu.vector_load %arg13[%parallel_loop3A_385, %parallel_loop3A_386] {strides = array<i32>} : memref<120x128xf32, #tpu.memory_space<vmem>>, vector<16xf32>,
        tpu.vector_store %arg13[%parallel_loop3A_385, %parallel_loop3A_386], %parallel_loop3A_384 {strides = array<i32>} : memref<120x128xf32, #tpu.memory_space<vmem>>, vector<16xf32>,
        %parallel_loop3A_388 = arith.index_cast %parallel_loop3A_368 : i32 to index
        %parallel_loop3A_389 = arith.constant 32 : index
        %parallel_loop3A_390 = tpu.vector_load %arg13[%parallel_loop3A_388, %parallel_loop3A_389] {strides = array<i32>} : memref<120x128xf32, #tpu.memory_space<vmem>>, vector<16xf32>,
        %parallel_loop3A_391 = arith.mulf %parallel_loop3A_390, %parallel_loop3A_373 : vector<16xf32>
        %parallel_loop3A_392 = arith.index_cast %parallel_loop3A_368 : i32 to index
        %parallel_loop3A_393 = arith.constant 32 : index
        %parallel_loop3A_394 = tpu.vector_load %arg13[%parallel_loop3A_392, %parallel_loop3A_393] {strides = array<i32>} : memref<120x128xf32, #tpu.memory_space<vmem>>, vector<16xf32>,
        tpu.vector_store %arg13[%parallel_loop3A_392, %parallel_loop3A_393], %parallel_loop3A_391 {strides = array<i32>} : memref<120x128xf32, #tpu.memory_space<vmem>>, vector<16xf32>,
        %parallel_loop3A_395 = arith.index_cast %parallel_loop3A_368 : i32 to index
        %parallel_loop3A_396 = arith.constant 48 : index
        %parallel_loop3A_397 = tpu.vector_load %arg13[%parallel_loop3A_395, %parallel_loop3A_396] {strides = array<i32>} : memref<120x128xf32, #tpu.memory_space<vmem>>, vector<16xf32>,
        %parallel_loop3A_398 = arith.mulf %parallel_loop3A_397, %parallel_loop3A_373 : vector<16xf32>
        %parallel_loop3A_399 = arith.index_cast %parallel_loop3A_368 : i32 to index
        %parallel_loop3A_400 = arith.constant 48 : index
        %parallel_loop3A_401 = tpu.vector_load %arg13[%parallel_loop3A_399, %parallel_loop3A_400] {strides = array<i32>} : memref<120x128xf32, #tpu.memory_space<vmem>>, vector<16xf32>,
        tpu.vector_store %arg13[%parallel_loop3A_399, %parallel_loop3A_400], %parallel_loop3A_398 {strides = array<i32>} : memref<120x128xf32, #tpu.memory_space<vmem>>, vector<16xf32>,
        %parallel_loop3A_402 = arith.index_cast %parallel_loop3A_368 : i32 to index
        %parallel_loop3A_403 = arith.constant 64 : index
        %parallel_loop3A_404 = tpu.vector_load %arg13[%parallel_loop3A_402, %parallel_loop3A_403] {strides = array<i32>} : memref<120x128xf32, #tpu.memory_space<vmem>>, vector<16xf32>,
        %parallel_loop3A_405 = arith.mulf %parallel_loop3A_404, %parallel_loop3A_373 : vector<16xf32>
        %parallel_loop3A_406 = arith.index_cast %parallel_loop3A_368 : i32 to index
        %parallel_loop3A_407 = arith.constant 64 : index
        %parallel_loop3A_408 = tpu.vector_load %arg13[%parallel_loop3A_406, %parallel_loop3A_407] {strides = array<i32>} : memref<120x128xf32, #tpu.memory_space<vmem>>, vector<16xf32>,
        tpu.vector_store %arg13[%parallel_loop3A_406, %parallel_loop3A_407], %parallel_loop3A_405 {strides = array<i32>} : memref<120x128xf32, #tpu.memory_space<vmem>>, vector<16xf32>,
        %parallel_loop3A_409 = arith.index_cast %parallel_loop3A_368 : i32 to index
        %parallel_loop3A_410 = arith.constant 80 : index
        %parallel_loop3A_411 = tpu.vector_load %arg13[%parallel_loop3A_409, %parallel_loop3A_410] {strides = array<i32>} : memref<120x128xf32, #tpu.memory_space<vmem>>, vector<16xf32>,
        %parallel_loop3A_412 = arith.mulf %parallel_loop3A_411, %parallel_loop3A_373 : vector<16xf32>
        %parallel_loop3A_413 = arith.index_cast %parallel_loop3A_368 : i32 to index
        %parallel_loop3A_414 = arith.constant 80 : index
        %parallel_loop3A_415 = tpu.vector_load %arg13[%parallel_loop3A_413, %parallel_loop3A_414] {strides = array<i32>} : memref<120x128xf32, #tpu.memory_space<vmem>>, vector<16xf32>,
        tpu.vector_store %arg13[%parallel_loop3A_413, %parallel_loop3A_414], %parallel_loop3A_412 {strides = array<i32>} : memref<120x128xf32, #tpu.memory_space<vmem>>, vector<16xf32>,
        %parallel_loop3A_416 = arith.index_cast %parallel_loop3A_368 : i32 to index
        %parallel_loop3A_417 = arith.constant 96 : index
        %parallel_loop3A_418 = tpu.vector_load %arg13[%parallel_loop3A_416, %parallel_loop3A_417] {strides = array<i32>} : memref<120x128xf32, #tpu.memory_space<vmem>>, vector<16xf32>,
        %parallel_loop3A_419 = arith.mulf %parallel_loop3A_418, %parallel_loop3A_373 : vector<16xf32>
        %parallel_loop3A_420 = arith.index_cast %parallel_loop3A_368 : i32 to index
        %parallel_loop3A_421 = arith.constant 96 : index
        %parallel_loop3A_422 = tpu.vector_load %arg13[%parallel_loop3A_420, %parallel_loop3A_421] {strides = array<i32>} : memref<120x128xf32, #tpu.memory_space<vmem>>, vector<16xf32>,
        tpu.vector_store %arg13[%parallel_loop3A_420, %parallel_loop3A_421], %parallel_loop3A_419 {strides = array<i32>} : memref<120x128xf32, #tpu.memory_space<vmem>>, vector<16xf32>,
        %parallel_loop3A_423 = arith.index_cast %parallel_loop3A_368 : i32 to index
        %parallel_loop3A_424 = arith.constant 112 : index
        %parallel_loop3A_425 = tpu.vector_load %arg13[%parallel_loop3A_423, %parallel_loop3A_424] {strides = array<i32>} : memref<120x128xf32, #tpu.memory_space<vmem>>, vector<16xf32>,
        %parallel_loop3A_426 = arith.mulf %parallel_loop3A_425, %parallel_loop3A_373 : vector<16xf32>
        %parallel_loop3A_427 = arith.index_cast %parallel_loop3A_368 : i32 to index
        %parallel_loop3A_428 = arith.constant 112 : index
        %parallel_loop3A_429 = tpu.vector_load %arg13[%parallel_loop3A_427, %parallel_loop3A_428] {strides = array<i32>} : memref<120x128xf32, #tpu.memory_space<vmem>>, vector<16xf32>,
        tpu.vector_store %arg13[%parallel_loop3A_427, %parallel_loop3A_428], %parallel_loop3A_426 {strides = array<i32>} : memref<120x128xf32, #tpu.memory_space<vmem>>, vector<16xf32>,
      } {sc.loop_unroll_factor = 4 : i64, sc.parallel_access}
      %dma_start3A_165 = arith.constant 1 : i32
      %dma_start3A_166 = arith.constant 0 : i32
      %dma_start3A_167 = tpu.memref_slice %arg7[%dma_start3A_165, %dma_start3A_166] : memref<3x120xi32, #tpu.memory_space<vmem>> -> memref<1x120xi32, #tpu.memory_space<vmem>>
      %dma_start3A_168 = tpu.memref_squeeze %dma_start3A_167 : memref<1x120xi32, #tpu.memory_space<vmem>> -> memref<120xi32, #tpu.memory_space<vmem>>
      %dma_start3A_169 = arith.constant 0 : i32
      %dma_start3A_170 = arith.constant 0 : i32
      %dma_start3A_171 = tpu.memref_slice %arg15[%dma_start3A_169, %dma_start3A_170] : memref<10240x128xf32, #tpu.memory_space<vmem_shared>> -> memref<10240x128xf32, #tpu.memory_space<vmem_shared>>
      tpu.enqueue_indirect_dma source(%arg13 : memref<120x128xf32, #tpu.memory_space<vmem>>) target(%dma_start3A_171 : memref<10240x128xf32, #tpu.memory_space<vmem_shared>>) offsets(%dma_start3A_168 : memref<120xi32, #tpu.memory_space<vmem>>) semaphore(%arg26 : memref<!tpu.dma_semaphore, #tpu.memory_space<semaphore_mem>>) {add = true}
      %dma_wait3A_172 = arith.constant 1 : i32
      %dma_wait3A_173 = arith.constant 0 : i32
      %dma_wait3A_174 = tpu.memref_slice %arg6[%dma_wait3A_172, %dma_wait3A_173] : memref<3x120xi32, #tpu.memory_space<vmem>> -> memref<1x120xi32, #tpu.memory_space<vmem>>
      %dma_wait3A_175 = tpu.memref_squeeze %dma_wait3A_174 : memref<1x120xi32, #tpu.memory_space<vmem>> -> memref<120xi32, #tpu.memory_space<vmem>>
      %dma_wait3A_176 = arith.constant 0 : i32
      %dma_wait3A_177 = arith.constant 0 : i32
      %dma_wait3A_178 = tpu.memref_slice %arg15[%dma_wait3A_176, %dma_wait3A_177] : memref<10240x128xf32, #tpu.memory_space<vmem_shared>> -> memref<10240x128xf32, #tpu.memory_space<vmem_shared>>
      tpu.wait_indirect_dma semaphore(%arg25 : memref<!tpu.dma_semaphore, #tpu.memory_space<semaphore_mem>>) src(%arg12 : memref<120x128xf32, #tpu.memory_space<vmem>>) dst(%dma_wait3A_178 : memref<10240x128xf32, #tpu.memory_space<vmem_shared>>)
      %mul3A_179 = arith.constant 6 : i32
      %mul3A_180 = arith.muli %mul3A_179, %scan3A_98 : i32
      %add3A_181 = arith.constant 1 : i32
      %add3A_182 = arith.addi %mul3A_180, %add3A_181 : i32
      %add3A_183 = arith.constant 3 : i32
      %add3A_184 = arith.addi %add3A_182, %add3A_183 : i32
      %sub3A_185 = arith.constant 1 : i32
      %sub3A_186 = arith.subi %add3A_184, %sub3A_185 : i32
      %dma_wait3A_187 = arith.constant 0 : i32
      %dma_wait3A_188 = arith.constant 0 : i32
      %dma_wait3A_189 = tpu.memref_slice %arg2[%add3A, %sub3A_186, %dma_wait3A_187, %dma_wait3A_188] : memref<32x84x3x120xi32, #tpu.memory_space<hbm>> -> memref<1x1x3x120xi32, #tpu.memory_space<hbm>>
      %dma_wait3A_190 = tpu.memref_squeeze %dma_wait3A_189 : memref<1x1x3x120xi32, #tpu.memory_space<hbm>> -> memref<3x120xi32, #tpu.memory_space<hbm>>
      %dma_wait3A_191 = arith.constant 0 : i32
      %dma_wait3A_192 = arith.constant 0 : i32
      %dma_wait3A_193 = tpu.memref_slice %arg2[%add3A, %sub3A_186, %dma_wait3A_191, %dma_wait3A_192] : memref<32x84x3x120xi32, #tpu.memory_space<hbm>> -> memref<1x1x3x120xi32, #tpu.memory_space<hbm>>
      %dma_wait3A_194 = tpu.memref_squeeze %dma_wait3A_193 : memref<1x1x3x120xi32, #tpu.memory_space<hbm>> -> memref<3x120xi32, #tpu.memory_space<hbm>>
      tpu.wait_dma2 semaphore(%arg19 : memref<!tpu.dma_semaphore, #tpu.memory_space<semaphore_mem>>) src(%dma_wait3A_194 : memref<3x120xi32, #tpu.memory_space<hbm>>) dst(%arg9 : memref<3x120xi32, #tpu.memory_space<vmem>>)
      %dma_start3A_195 = arith.constant 0 : i32
      %dma_start3A_196 = arith.constant 0 : i32
      %dma_start3A_197 = tpu.memref_slice %arg9[%dma_start3A_195, %dma_start3A_196] : memref<3x120xi32, #tpu.memory_space<vmem>> -> memref<1x120xi32, #tpu.memory_space<vmem>>
      %dma_start3A_198 = tpu.memref_squeeze %dma_start3A_197 : memref<1x120xi32, #tpu.memory_space<vmem>> -> memref<120xi32, #tpu.memory_space<vmem>>
      %dma_start3A_199 = arith.constant 0 : i32
      %dma_start3A_200 = arith.constant 0 : i32
      %dma_start3A_201 = tpu.memref_slice %arg3[%dma_start3A_199, %dma_start3A_200] : memref<10000x128xf32, #tpu.memory_space<hbm>> -> memref<10000x128xf32, #tpu.memory_space<hbm>>
      tpu.enqueue_indirect_dma source(%dma_start3A_201 : memref<10000x128xf32, #tpu.memory_space<hbm>>) target(%arg12 : memref<120x128xf32, #tpu.memory_space<vmem>>) offsets(%dma_start3A_198 : memref<120xi32, #tpu.memory_space<vmem>>) semaphore(%arg22 : memref<!tpu.dma_semaphore, #tpu.memory_space<semaphore_mem>>)
      %lt3A = arith.constant 13 : i32
      %lt3A_202 = arith.cmpi slt, %scan3A_98, %lt3A : i32
      %convert_element_type3A_203 = arith.extui %lt3A_202 : i1 to i32
      %cond3A_204 = arith.constant 0 : i32
      %cond3A_205 = arith.cmpi ne, %convert_element_type3A_203, %cond3A_204 : i32
      scf.if %cond3A_205 {
        %mul3A_368 = arith.constant 6 : i32
        %mul3A_369 = arith.muli %mul3A_368, %scan3A_98 : i32
        %add3A_370 = arith.constant 1 : i32
        %add3A_371 = arith.addi %mul3A_369, %add3A_370 : i32
        %add3A_372 = arith.constant 6 : i32
        %add3A_373 = arith.addi %add3A_371, %add3A_372 : i32
        %sub3A_374 = arith.constant 1 : i32
        %sub3A_375 = arith.subi %add3A_373, %sub3A_374 : i32
        %dma_start3A_376 = arith.constant 0 : i32
        %dma_start3A_377 = arith.constant 0 : i32
        %dma_start3A_378 = tpu.memref_slice %arg2[%add3A, %sub3A_375, %dma_start3A_376, %dma_start3A_377] : memref<32x84x3x120xi32, #tpu.memory_space<hbm>> -> memref<1x1x3x120xi32, #tpu.memory_space<hbm>>
        %dma_start3A_379 = tpu.memref_squeeze %dma_start3A_378 : memref<1x1x3x120xi32, #tpu.memory_space<hbm>> -> memref<3x120xi32, #tpu.memory_space<hbm>>
        %dma_start3A_380 = arith.constant 0 : i32
        %dma_start3A_381 = arith.constant 0 : i32
        %dma_start3A_382 = tpu.memref_slice %arg2[%add3A, %sub3A_375, %dma_start3A_380, %dma_start3A_381] : memref<32x84x3x120xi32, #tpu.memory_space<hbm>> -> memref<1x1x3x120xi32, #tpu.memory_space<hbm>>
        %dma_start3A_383 = tpu.memref_squeeze %dma_start3A_382 : memref<1x1x3x120xi32, #tpu.memory_space<hbm>> -> memref<3x120xi32, #tpu.memory_space<hbm>>
        tpu.enqueue_dma source(%dma_start3A_383 : memref<3x120xi32, #tpu.memory_space<hbm>>) target(%arg6 : memref<3x120xi32, #tpu.memory_space<vmem>>) target_semaphore(%arg16 : memref<!tpu.dma_semaphore, #tpu.memory_space<semaphore_mem>>)
      } else {
      }
      %dma_wait3A_206 = arith.constant 0 : i32
      %dma_wait3A_207 = arith.constant 0 : i32
      %dma_wait3A_208 = tpu.memref_slice %arg8[%dma_wait3A_206, %dma_wait3A_207] : memref<3x120xi32, #tpu.memory_space<vmem>> -> memref<1x120xi32, #tpu.memory_space<vmem>>
      %dma_wait3A_209 = tpu.memref_squeeze %dma_wait3A_208 : memref<1x120xi32, #tpu.memory_space<vmem>> -> memref<120xi32, #tpu.memory_space<vmem>>
      %dma_wait3A_210 = arith.constant 0 : i32
      %dma_wait3A_211 = arith.constant 0 : i32
      %dma_wait3A_212 = tpu.memref_slice %arg3[%dma_wait3A_210, %dma_wait3A_211] : memref<10000x128xf32, #tpu.memory_space<hbm>> -> memref<10000x128xf32, #tpu.memory_space<hbm>>
      tpu.wait_indirect_dma semaphore(%arg24 : memref<!tpu.dma_semaphore, #tpu.memory_space<semaphore_mem>>) src(%dma_wait3A_212 : memref<10000x128xf32, #tpu.memory_space<hbm>>) dst(%arg14 : memref<120x128xf32, #tpu.memory_space<vmem>>)
      %parallel_loop3A_213 = arith.constant 0 : i32
      %parallel_loop3A_214 = arith.constant 120 : i32
      %parallel_loop3A_215 = arith.constant 1 : i32
      scf.for %parallel_loop3A_368 = %parallel_loop3A_213 to %parallel_loop3A_214 step %parallel_loop3A_215  : i32 {
        %parallel_loop3A_369 = arith.constant 2 : i32
        %parallel_loop3A_370 = vector.broadcast %parallel_loop3A_369 : i32 to vector<16xi32>
        %parallel_loop3A_371 = vector.broadcast %parallel_loop3A_368 : i32 to vector<16xi32>
        %parallel_loop3A_372 = tpu.vector_load_idx %arg8[%parallel_loop3A_370, %parallel_loop3A_371] : memref<3x120xi32, #tpu.memory_space<vmem>>[vector<16xi32>, vector<16xi32>], vector<16xi32>,
        %parallel_loop3A_373 = vector.bitcast %parallel_loop3A_372 : vector<16xi32> to vector<16xf32>
        %parallel_loop3A_374 = arith.index_cast %parallel_loop3A_368 : i32 to index
        %parallel_loop3A_375 = arith.constant 0 : index
        %parallel_loop3A_376 = tpu.vector_load %arg14[%parallel_loop3A_374, %parallel_loop3A_375] {strides = array<i32>} : memref<120x128xf32, #tpu.memory_space<vmem>>, vector<16xf32>,
        %parallel_loop3A_377 = arith.mulf %parallel_loop3A_376, %parallel_loop3A_373 : vector<16xf32>
        %parallel_loop3A_378 = arith.index_cast %parallel_loop3A_368 : i32 to index
        %parallel_loop3A_379 = arith.constant 0 : index
        %parallel_loop3A_380 = tpu.vector_load %arg14[%parallel_loop3A_378, %parallel_loop3A_379] {strides = array<i32>} : memref<120x128xf32, #tpu.memory_space<vmem>>, vector<16xf32>,
        tpu.vector_store %arg14[%parallel_loop3A_378, %parallel_loop3A_379], %parallel_loop3A_377 {strides = array<i32>} : memref<120x128xf32, #tpu.memory_space<vmem>>, vector<16xf32>,
        %parallel_loop3A_381 = arith.index_cast %parallel_loop3A_368 : i32 to index
        %parallel_loop3A_382 = arith.constant 16 : index
        %parallel_loop3A_383 = tpu.vector_load %arg14[%parallel_loop3A_381, %parallel_loop3A_382] {strides = array<i32>} : memref<120x128xf32, #tpu.memory_space<vmem>>, vector<16xf32>,
        %parallel_loop3A_384 = arith.mulf %parallel_loop3A_383, %parallel_loop3A_373 : vector<16xf32>
        %parallel_loop3A_385 = arith.index_cast %parallel_loop3A_368 : i32 to index
        %parallel_loop3A_386 = arith.constant 16 : index
        %parallel_loop3A_387 = tpu.vector_load %arg14[%parallel_loop3A_385, %parallel_loop3A_386] {strides = array<i32>} : memref<120x128xf32, #tpu.memory_space<vmem>>, vector<16xf32>,
        tpu.vector_store %arg14[%parallel_loop3A_385, %parallel_loop3A_386], %parallel_loop3A_384 {strides = array<i32>} : memref<120x128xf32, #tpu.memory_space<vmem>>, vector<16xf32>,
        %parallel_loop3A_388 = arith.index_cast %parallel_loop3A_368 : i32 to index
        %parallel_loop3A_389 = arith.constant 32 : index
        %parallel_loop3A_390 = tpu.vector_load %arg14[%parallel_loop3A_388, %parallel_loop3A_389] {strides = array<i32>} : memref<120x128xf32, #tpu.memory_space<vmem>>, vector<16xf32>,
        %parallel_loop3A_391 = arith.mulf %parallel_loop3A_390, %parallel_loop3A_373 : vector<16xf32>
        %parallel_loop3A_392 = arith.index_cast %parallel_loop3A_368 : i32 to index
        %parallel_loop3A_393 = arith.constant 32 : index
        %parallel_loop3A_394 = tpu.vector_load %arg14[%parallel_loop3A_392, %parallel_loop3A_393] {strides = array<i32>} : memref<120x128xf32, #tpu.memory_space<vmem>>, vector<16xf32>,
        tpu.vector_store %arg14[%parallel_loop3A_392, %parallel_loop3A_393], %parallel_loop3A_391 {strides = array<i32>} : memref<120x128xf32, #tpu.memory_space<vmem>>, vector<16xf32>,
        %parallel_loop3A_395 = arith.index_cast %parallel_loop3A_368 : i32 to index
        %parallel_loop3A_396 = arith.constant 48 : index
        %parallel_loop3A_397 = tpu.vector_load %arg14[%parallel_loop3A_395, %parallel_loop3A_396] {strides = array<i32>} : memref<120x128xf32, #tpu.memory_space<vmem>>, vector<16xf32>,
        %parallel_loop3A_398 = arith.mulf %parallel_loop3A_397, %parallel_loop3A_373 : vector<16xf32>
        %parallel_loop3A_399 = arith.index_cast %parallel_loop3A_368 : i32 to index
        %parallel_loop3A_400 = arith.constant 48 : index
        %parallel_loop3A_401 = tpu.vector_load %arg14[%parallel_loop3A_399, %parallel_loop3A_400] {strides = array<i32>} : memref<120x128xf32, #tpu.memory_space<vmem>>, vector<16xf32>,
        tpu.vector_store %arg14[%parallel_loop3A_399, %parallel_loop3A_400], %parallel_loop3A_398 {strides = array<i32>} : memref<120x128xf32, #tpu.memory_space<vmem>>, vector<16xf32>,
        %parallel_loop3A_402 = arith.index_cast %parallel_loop3A_368 : i32 to index
        %parallel_loop3A_403 = arith.constant 64 : index
        %parallel_loop3A_404 = tpu.vector_load %arg14[%parallel_loop3A_402, %parallel_loop3A_403] {strides = array<i32>} : memref<120x128xf32, #tpu.memory_space<vmem>>, vector<16xf32>,
        %parallel_loop3A_405 = arith.mulf %parallel_loop3A_404, %parallel_loop3A_373 : vector<16xf32>
        %parallel_loop3A_406 = arith.index_cast %parallel_loop3A_368 : i32 to index
        %parallel_loop3A_407 = arith.constant 64 : index
        %parallel_loop3A_408 = tpu.vector_load %arg14[%parallel_loop3A_406, %parallel_loop3A_407] {strides = array<i32>} : memref<120x128xf32, #tpu.memory_space<vmem>>, vector<16xf32>,
        tpu.vector_store %arg14[%parallel_loop3A_406, %parallel_loop3A_407], %parallel_loop3A_405 {strides = array<i32>} : memref<120x128xf32, #tpu.memory_space<vmem>>, vector<16xf32>,
        %parallel_loop3A_409 = arith.index_cast %parallel_loop3A_368 : i32 to index
        %parallel_loop3A_410 = arith.constant 80 : index
        %parallel_loop3A_411 = tpu.vector_load %arg14[%parallel_loop3A_409, %parallel_loop3A_410] {strides = array<i32>} : memref<120x128xf32, #tpu.memory_space<vmem>>, vector<16xf32>,
        %parallel_loop3A_412 = arith.mulf %parallel_loop3A_411, %parallel_loop3A_373 : vector<16xf32>
        %parallel_loop3A_413 = arith.index_cast %parallel_loop3A_368 : i32 to index
        %parallel_loop3A_414 = arith.constant 80 : index
        %parallel_loop3A_415 = tpu.vector_load %arg14[%parallel_loop3A_413, %parallel_loop3A_414] {strides = array<i32>} : memref<120x128xf32, #tpu.memory_space<vmem>>, vector<16xf32>,
        tpu.vector_store %arg14[%parallel_loop3A_413, %parallel_loop3A_414], %parallel_loop3A_412 {strides = array<i32>} : memref<120x128xf32, #tpu.memory_space<vmem>>, vector<16xf32>,
        %parallel_loop3A_416 = arith.index_cast %parallel_loop3A_368 : i32 to index
        %parallel_loop3A_417 = arith.constant 96 : index
        %parallel_loop3A_418 = tpu.vector_load %arg14[%parallel_loop3A_416, %parallel_loop3A_417] {strides = array<i32>} : memref<120x128xf32, #tpu.memory_space<vmem>>, vector<16xf32>,
        %parallel_loop3A_419 = arith.mulf %parallel_loop3A_418, %parallel_loop3A_373 : vector<16xf32>
        %parallel_loop3A_420 = arith.index_cast %parallel_loop3A_368 : i32 to index
        %parallel_loop3A_421 = arith.constant 96 : index
        %parallel_loop3A_422 = tpu.vector_load %arg14[%parallel_loop3A_420, %parallel_loop3A_421] {strides = array<i32>} : memref<120x128xf32, #tpu.memory_space<vmem>>, vector<16xf32>,
        tpu.vector_store %arg14[%parallel_loop3A_420, %parallel_loop3A_421], %parallel_loop3A_419 {strides = array<i32>} : memref<120x128xf32, #tpu.memory_space<vmem>>, vector<16xf32>,
        %parallel_loop3A_423 = arith.index_cast %parallel_loop3A_368 : i32 to index
        %parallel_loop3A_424 = arith.constant 112 : index
        %parallel_loop3A_425 = tpu.vector_load %arg14[%parallel_loop3A_423, %parallel_loop3A_424] {strides = array<i32>} : memref<120x128xf32, #tpu.memory_space<vmem>>, vector<16xf32>,
        %parallel_loop3A_426 = arith.mulf %parallel_loop3A_425, %parallel_loop3A_373 : vector<16xf32>
        %parallel_loop3A_427 = arith.index_cast %parallel_loop3A_368 : i32 to index
        %parallel_loop3A_428 = arith.constant 112 : index
        %parallel_loop3A_429 = tpu.vector_load %arg14[%parallel_loop3A_427, %parallel_loop3A_428] {strides = array<i32>} : memref<120x128xf32, #tpu.memory_space<vmem>>, vector<16xf32>,
        tpu.vector_store %arg14[%parallel_loop3A_427, %parallel_loop3A_428], %parallel_loop3A_426 {strides = array<i32>} : memref<120x128xf32, #tpu.memory_space<vmem>>, vector<16xf32>,
      } {sc.loop_unroll_factor = 4 : i64, sc.parallel_access}
      %dma_start3A_216 = arith.constant 1 : i32
      %dma_start3A_217 = arith.constant 0 : i32
      %dma_start3A_218 = tpu.memref_slice %arg8[%dma_start3A_216, %dma_start3A_217] : memref<3x120xi32, #tpu.memory_space<vmem>> -> memref<1x120xi32, #tpu.memory_space<vmem>>
      %dma_start3A_219 = tpu.memref_squeeze %dma_start3A_218 : memref<1x120xi32, #tpu.memory_space<vmem>> -> memref<120xi32, #tpu.memory_space<vmem>>
      %dma_start3A_220 = arith.constant 0 : i32
      %dma_start3A_221 = arith.constant 0 : i32
      %dma_start3A_222 = tpu.memref_slice %arg15[%dma_start3A_220, %dma_start3A_221] : memref<10240x128xf32, #tpu.memory_space<vmem_shared>> -> memref<10240x128xf32, #tpu.memory_space<vmem_shared>>
      tpu.enqueue_indirect_dma source(%arg14 : memref<120x128xf32, #tpu.memory_space<vmem>>) target(%dma_start3A_222 : memref<10240x128xf32, #tpu.memory_space<vmem_shared>>) offsets(%dma_start3A_219 : memref<120xi32, #tpu.memory_space<vmem>>) semaphore(%arg27 : memref<!tpu.dma_semaphore, #tpu.memory_space<semaphore_mem>>) {add = true}
      %dma_wait3A_223 = arith.constant 1 : i32
      %dma_wait3A_224 = arith.constant 0 : i32
      %dma_wait3A_225 = tpu.memref_slice %arg7[%dma_wait3A_223, %dma_wait3A_224] : memref<3x120xi32, #tpu.memory_space<vmem>> -> memref<1x120xi32, #tpu.memory_space<vmem>>
      %dma_wait3A_226 = tpu.memref_squeeze %dma_wait3A_225 : memref<1x120xi32, #tpu.memory_space<vmem>> -> memref<120xi32, #tpu.memory_space<vmem>>
      %dma_wait3A_227 = arith.constant 0 : i32
      %dma_wait3A_228 = arith.constant 0 : i32
      %dma_wait3A_229 = tpu.memref_slice %arg15[%dma_wait3A_227, %dma_wait3A_228] : memref<10240x128xf32, #tpu.memory_space<vmem_shared>> -> memref<10240x128xf32, #tpu.memory_space<vmem_shared>>
      tpu.wait_indirect_dma semaphore(%arg26 : memref<!tpu.dma_semaphore, #tpu.memory_space<semaphore_mem>>) src(%arg13 : memref<120x128xf32, #tpu.memory_space<vmem>>) dst(%dma_wait3A_229 : memref<10240x128xf32, #tpu.memory_space<vmem_shared>>)
      %mul3A_230 = arith.constant 6 : i32
      %mul3A_231 = arith.muli %mul3A_230, %scan3A_98 : i32
      %add3A_232 = arith.constant 2 : i32
      %add3A_233 = arith.addi %mul3A_231, %add3A_232 : i32
      %add3A_234 = arith.constant 3 : i32
      %add3A_235 = arith.addi %add3A_233, %add3A_234 : i32
      %sub3A_236 = arith.constant 1 : i32
      %sub3A_237 = arith.subi %add3A_235, %sub3A_236 : i32
      %dma_wait3A_238 = arith.constant 0 : i32
      %dma_wait3A_239 = arith.constant 0 : i32
      %dma_wait3A_240 = tpu.memref_slice %arg2[%add3A, %sub3A_237, %dma_wait3A_238, %dma_wait3A_239] : memref<32x84x3x120xi32, #tpu.memory_space<hbm>> -> memref<1x1x3x120xi32, #tpu.memory_space<hbm>>
      %dma_wait3A_241 = tpu.memref_squeeze %dma_wait3A_240 : memref<1x1x3x120xi32, #tpu.memory_space<hbm>> -> memref<3x120xi32, #tpu.memory_space<hbm>>
      %dma_wait3A_242 = arith.constant 0 : i32
      %dma_wait3A_243 = arith.constant 0 : i32
      %dma_wait3A_244 = tpu.memref_slice %arg2[%add3A, %sub3A_237, %dma_wait3A_242, %dma_wait3A_243] : memref<32x84x3x120xi32, #tpu.memory_space<hbm>> -> memref<1x1x3x120xi32, #tpu.memory_space<hbm>>
      %dma_wait3A_245 = tpu.memref_squeeze %dma_wait3A_244 : memref<1x1x3x120xi32, #tpu.memory_space<hbm>> -> memref<3x120xi32, #tpu.memory_space<hbm>>
      tpu.wait_dma2 semaphore(%arg20 : memref<!tpu.dma_semaphore, #tpu.memory_space<semaphore_mem>>) src(%dma_wait3A_245 : memref<3x120xi32, #tpu.memory_space<hbm>>) dst(%arg10 : memref<3x120xi32, #tpu.memory_space<vmem>>)
      %dma_start3A_246 = arith.constant 0 : i32
      %dma_start3A_247 = arith.constant 0 : i32
      %dma_start3A_248 = tpu.memref_slice %arg10[%dma_start3A_246, %dma_start3A_247] : memref<3x120xi32, #tpu.memory_space<vmem>> -> memref<1x120xi32, #tpu.memory_space<vmem>>
      %dma_start3A_249 = tpu.memref_squeeze %dma_start3A_248 : memref<1x120xi32, #tpu.memory_space<vmem>> -> memref<120xi32, #tpu.memory_space<vmem>>
      %dma_start3A_250 = arith.constant 0 : i32
      %dma_start3A_251 = arith.constant 0 : i32
      %dma_start3A_252 = tpu.memref_slice %arg3[%dma_start3A_250, %dma_start3A_251] : memref<10000x128xf32, #tpu.memory_space<hbm>> -> memref<10000x128xf32, #tpu.memory_space<hbm>>
      tpu.enqueue_indirect_dma source(%dma_start3A_252 : memref<10000x128xf32, #tpu.memory_space<hbm>>) target(%arg13 : memref<120x128xf32, #tpu.memory_space<vmem>>) offsets(%dma_start3A_249 : memref<120xi32, #tpu.memory_space<vmem>>) semaphore(%arg23 : memref<!tpu.dma_semaphore, #tpu.memory_space<semaphore_mem>>)
      %lt3A_253 = arith.constant 13 : i32
      %lt3A_254 = arith.cmpi slt, %scan3A_98, %lt3A_253 : i32
      %convert_element_type3A_255 = arith.extui %lt3A_254 : i1 to i32
      %cond3A_256 = arith.constant 0 : i32
      %cond3A_257 = arith.cmpi ne, %convert_element_type3A_255, %cond3A_256 : i32
      scf.if %cond3A_257 {
        %mul3A_368 = arith.constant 6 : i32
        %mul3A_369 = arith.muli %mul3A_368, %scan3A_98 : i32
        %add3A_370 = arith.constant 2 : i32
        %add3A_371 = arith.addi %mul3A_369, %add3A_370 : i32
        %add3A_372 = arith.constant 6 : i32
        %add3A_373 = arith.addi %add3A_371, %add3A_372 : i32
        %sub3A_374 = arith.constant 1 : i32
        %sub3A_375 = arith.subi %add3A_373, %sub3A_374 : i32
        %dma_start3A_376 = arith.constant 0 : i32
        %dma_start3A_377 = arith.constant 0 : i32
        %dma_start3A_378 = tpu.memref_slice %arg2[%add3A, %sub3A_375, %dma_start3A_376, %dma_start3A_377] : memref<32x84x3x120xi32, #tpu.memory_space<hbm>> -> memref<1x1x3x120xi32, #tpu.memory_space<hbm>>
        %dma_start3A_379 = tpu.memref_squeeze %dma_start3A_378 : memref<1x1x3x120xi32, #tpu.memory_space<hbm>> -> memref<3x120xi32, #tpu.memory_space<hbm>>
        %dma_start3A_380 = arith.constant 0 : i32
        %dma_start3A_381 = arith.constant 0 : i32
        %dma_start3A_382 = tpu.memref_slice %arg2[%add3A, %sub3A_375, %dma_start3A_380, %dma_start3A_381] : memref<32x84x3x120xi32, #tpu.memory_space<hbm>> -> memref<1x1x3x120xi32, #tpu.memory_space<hbm>>
        %dma_start3A_383 = tpu.memref_squeeze %dma_start3A_382 : memref<1x1x3x120xi32, #tpu.memory_space<hbm>> -> memref<3x120xi32, #tpu.memory_space<hbm>>
        tpu.enqueue_dma source(%dma_start3A_383 : memref<3x120xi32, #tpu.memory_space<hbm>>) target(%arg7 : memref<3x120xi32, #tpu.memory_space<vmem>>) target_semaphore(%arg17 : memref<!tpu.dma_semaphore, #tpu.memory_space<semaphore_mem>>)
      } else {
      }
      %dma_wait3A_258 = arith.constant 0 : i32
      %dma_wait3A_259 = arith.constant 0 : i32
      %dma_wait3A_260 = tpu.memref_slice %arg9[%dma_wait3A_258, %dma_wait3A_259] : memref<3x120xi32, #tpu.memory_space<vmem>> -> memref<1x120xi32, #tpu.memory_space<vmem>>
      %dma_wait3A_261 = tpu.memref_squeeze %dma_wait3A_260 : memref<1x120xi32, #tpu.memory_space<vmem>> -> memref<120xi32, #tpu.memory_space<vmem>>
      %dma_wait3A_262 = arith.constant 0 : i32
      %dma_wait3A_263 = arith.constant 0 : i32
      %dma_wait3A_264 = tpu.memref_slice %arg3[%dma_wait3A_262, %dma_wait3A_263] : memref<10000x128xf32, #tpu.memory_space<hbm>> -> memref<10000x128xf32, #tpu.memory_space<hbm>>
      tpu.wait_indirect_dma semaphore(%arg22 : memref<!tpu.dma_semaphore, #tpu.memory_space<semaphore_mem>>) src(%dma_wait3A_264 : memref<10000x128xf32, #tpu.memory_space<hbm>>) dst(%arg12 : memref<120x128xf32, #tpu.memory_space<vmem>>)
      %parallel_loop3A_265 = arith.constant 0 : i32
      %parallel_loop3A_266 = arith.constant 120 : i32
      %parallel_loop3A_267 = arith.constant 1 : i32
      scf.for %parallel_loop3A_368 = %parallel_loop3A_265 to %parallel_loop3A_266 step %parallel_loop3A_267  : i32 {
        %parallel_loop3A_369 = arith.constant 2 : i32
        %parallel_loop3A_370 = vector.broadcast %parallel_loop3A_369 : i32 to vector<16xi32>
        %parallel_loop3A_371 = vector.broadcast %parallel_loop3A_368 : i32 to vector<16xi32>
        %parallel_loop3A_372 = tpu.vector_load_idx %arg9[%parallel_loop3A_370, %parallel_loop3A_371] : memref<3x120xi32, #tpu.memory_space<vmem>>[vector<16xi32>, vector<16xi32>], vector<16xi32>,
        %parallel_loop3A_373 = vector.bitcast %parallel_loop3A_372 : vector<16xi32> to vector<16xf32>
        %parallel_loop3A_374 = arith.index_cast %parallel_loop3A_368 : i32 to index
        %parallel_loop3A_375 = arith.constant 0 : index
        %parallel_loop3A_376 = tpu.vector_load %arg12[%parallel_loop3A_374, %parallel_loop3A_375] {strides = array<i32>} : memref<120x128xf32, #tpu.memory_space<vmem>>, vector<16xf32>,
        %parallel_loop3A_377 = arith.mulf %parallel_loop3A_376, %parallel_loop3A_373 : vector<16xf32>
        %parallel_loop3A_378 = arith.index_cast %parallel_loop3A_368 : i32 to index
        %parallel_loop3A_379 = arith.constant 0 : index
        %parallel_loop3A_380 = tpu.vector_load %arg12[%parallel_loop3A_378, %parallel_loop3A_379] {strides = array<i32>} : memref<120x128xf32, #tpu.memory_space<vmem>>, vector<16xf32>,
        tpu.vector_store %arg12[%parallel_loop3A_378, %parallel_loop3A_379], %parallel_loop3A_377 {strides = array<i32>} : memref<120x128xf32, #tpu.memory_space<vmem>>, vector<16xf32>,
        %parallel_loop3A_381 = arith.index_cast %parallel_loop3A_368 : i32 to index
        %parallel_loop3A_382 = arith.constant 16 : index
        %parallel_loop3A_383 = tpu.vector_load %arg12[%parallel_loop3A_381, %parallel_loop3A_382] {strides = array<i32>} : memref<120x128xf32, #tpu.memory_space<vmem>>, vector<16xf32>,
        %parallel_loop3A_384 = arith.mulf %parallel_loop3A_383, %parallel_loop3A_373 : vector<16xf32>
        %parallel_loop3A_385 = arith.index_cast %parallel_loop3A_368 : i32 to index
        %parallel_loop3A_386 = arith.constant 16 : index
        %parallel_loop3A_387 = tpu.vector_load %arg12[%parallel_loop3A_385, %parallel_loop3A_386] {strides = array<i32>} : memref<120x128xf32, #tpu.memory_space<vmem>>, vector<16xf32>,
        tpu.vector_store %arg12[%parallel_loop3A_385, %parallel_loop3A_386], %parallel_loop3A_384 {strides = array<i32>} : memref<120x128xf32, #tpu.memory_space<vmem>>, vector<16xf32>,
        %parallel_loop3A_388 = arith.index_cast %parallel_loop3A_368 : i32 to index
        %parallel_loop3A_389 = arith.constant 32 : index
        %parallel_loop3A_390 = tpu.vector_load %arg12[%parallel_loop3A_388, %parallel_loop3A_389] {strides = array<i32>} : memref<120x128xf32, #tpu.memory_space<vmem>>, vector<16xf32>,
        %parallel_loop3A_391 = arith.mulf %parallel_loop3A_390, %parallel_loop3A_373 : vector<16xf32>
        %parallel_loop3A_392 = arith.index_cast %parallel_loop3A_368 : i32 to index
        %parallel_loop3A_393 = arith.constant 32 : index
        %parallel_loop3A_394 = tpu.vector_load %arg12[%parallel_loop3A_392, %parallel_loop3A_393] {strides = array<i32>} : memref<120x128xf32, #tpu.memory_space<vmem>>, vector<16xf32>,
        tpu.vector_store %arg12[%parallel_loop3A_392, %parallel_loop3A_393], %parallel_loop3A_391 {strides = array<i32>} : memref<120x128xf32, #tpu.memory_space<vmem>>, vector<16xf32>,
        %parallel_loop3A_395 = arith.index_cast %parallel_loop3A_368 : i32 to index
        %parallel_loop3A_396 = arith.constant 48 : index
        %parallel_loop3A_397 = tpu.vector_load %arg12[%parallel_loop3A_395, %parallel_loop3A_396] {strides = array<i32>} : memref<120x128xf32, #tpu.memory_space<vmem>>, vector<16xf32>,
        %parallel_loop3A_398 = arith.mulf %parallel_loop3A_397, %parallel_loop3A_373 : vector<16xf32>
        %parallel_loop3A_399 = arith.index_cast %parallel_loop3A_368 : i32 to index
        %parallel_loop3A_400 = arith.constant 48 : index
        %parallel_loop3A_401 = tpu.vector_load %arg12[%parallel_loop3A_399, %parallel_loop3A_400] {strides = array<i32>} : memref<120x128xf32, #tpu.memory_space<vmem>>, vector<16xf32>,
        tpu.vector_store %arg12[%parallel_loop3A_399, %parallel_loop3A_400], %parallel_loop3A_398 {strides = array<i32>} : memref<120x128xf32, #tpu.memory_space<vmem>>, vector<16xf32>,
        %parallel_loop3A_402 = arith.index_cast %parallel_loop3A_368 : i32 to index
        %parallel_loop3A_403 = arith.constant 64 : index
        %parallel_loop3A_404 = tpu.vector_load %arg12[%parallel_loop3A_402, %parallel_loop3A_403] {strides = array<i32>} : memref<120x128xf32, #tpu.memory_space<vmem>>, vector<16xf32>,
        %parallel_loop3A_405 = arith.mulf %parallel_loop3A_404, %parallel_loop3A_373 : vector<16xf32>
        %parallel_loop3A_406 = arith.index_cast %parallel_loop3A_368 : i32 to index
        %parallel_loop3A_407 = arith.constant 64 : index
        %parallel_loop3A_408 = tpu.vector_load %arg12[%parallel_loop3A_406, %parallel_loop3A_407] {strides = array<i32>} : memref<120x128xf32, #tpu.memory_space<vmem>>, vector<16xf32>,
        tpu.vector_store %arg12[%parallel_loop3A_406, %parallel_loop3A_407], %parallel_loop3A_405 {strides = array<i32>} : memref<120x128xf32, #tpu.memory_space<vmem>>, vector<16xf32>,
        %parallel_loop3A_409 = arith.index_cast %parallel_loop3A_368 : i32 to index
        %parallel_loop3A_410 = arith.constant 80 : index
        %parallel_loop3A_411 = tpu.vector_load %arg12[%parallel_loop3A_409, %parallel_loop3A_410] {strides = array<i32>} : memref<120x128xf32, #tpu.memory_space<vmem>>, vector<16xf32>,
        %parallel_loop3A_412 = arith.mulf %parallel_loop3A_411, %parallel_loop3A_373 : vector<16xf32>
        %parallel_loop3A_413 = arith.index_cast %parallel_loop3A_368 : i32 to index
        %parallel_loop3A_414 = arith.constant 80 : index
        %parallel_loop3A_415 = tpu.vector_load %arg12[%parallel_loop3A_413, %parallel_loop3A_414] {strides = array<i32>} : memref<120x128xf32, #tpu.memory_space<vmem>>, vector<16xf32>,
        tpu.vector_store %arg12[%parallel_loop3A_413, %parallel_loop3A_414], %parallel_loop3A_412 {strides = array<i32>} : memref<120x128xf32, #tpu.memory_space<vmem>>, vector<16xf32>,
        %parallel_loop3A_416 = arith.index_cast %parallel_loop3A_368 : i32 to index
        %parallel_loop3A_417 = arith.constant 96 : index
        %parallel_loop3A_418 = tpu.vector_load %arg12[%parallel_loop3A_416, %parallel_loop3A_417] {strides = array<i32>} : memref<120x128xf32, #tpu.memory_space<vmem>>, vector<16xf32>,
        %parallel_loop3A_419 = arith.mulf %parallel_loop3A_418, %parallel_loop3A_373 : vector<16xf32>
        %parallel_loop3A_420 = arith.index_cast %parallel_loop3A_368 : i32 to index
        %parallel_loop3A_421 = arith.constant 96 : index
        %parallel_loop3A_422 = tpu.vector_load %arg12[%parallel_loop3A_420, %parallel_loop3A_421] {strides = array<i32>} : memref<120x128xf32, #tpu.memory_space<vmem>>, vector<16xf32>,
        tpu.vector_store %arg12[%parallel_loop3A_420, %parallel_loop3A_421], %parallel_loop3A_419 {strides = array<i32>} : memref<120x128xf32, #tpu.memory_space<vmem>>, vector<16xf32>,
        %parallel_loop3A_423 = arith.index_cast %parallel_loop3A_368 : i32 to index
        %parallel_loop3A_424 = arith.constant 112 : index
        %parallel_loop3A_425 = tpu.vector_load %arg12[%parallel_loop3A_423, %parallel_loop3A_424] {strides = array<i32>} : memref<120x128xf32, #tpu.memory_space<vmem>>, vector<16xf32>,
        %parallel_loop3A_426 = arith.mulf %parallel_loop3A_425, %parallel_loop3A_373 : vector<16xf32>
        %parallel_loop3A_427 = arith.index_cast %parallel_loop3A_368 : i32 to index
        %parallel_loop3A_428 = arith.constant 112 : index
        %parallel_loop3A_429 = tpu.vector_load %arg12[%parallel_loop3A_427, %parallel_loop3A_428] {strides = array<i32>} : memref<120x128xf32, #tpu.memory_space<vmem>>, vector<16xf32>,
        tpu.vector_store %arg12[%parallel_loop3A_427, %parallel_loop3A_428], %parallel_loop3A_426 {strides = array<i32>} : memref<120x128xf32, #tpu.memory_space<vmem>>, vector<16xf32>,
      } {sc.loop_unroll_factor = 4 : i64, sc.parallel_access}
      %dma_start3A_268 = arith.constant 1 : i32
      %dma_start3A_269 = arith.constant 0 : i32
      %dma_start3A_270 = tpu.memref_slice %arg9[%dma_start3A_268, %dma_start3A_269] : memref<3x120xi32, #tpu.memory_space<vmem>> -> memref<1x120xi32, #tpu.memory_space<vmem>>
      %dma_start3A_271 = tpu.memref_squeeze %dma_start3A_270 : memref<1x120xi32, #tpu.memory_space<vmem>> -> memref<120xi32, #tpu.memory_space<vmem>>
      %dma_start3A_272 = arith.constant 0 : i32
      %dma_start3A_273 = arith.constant 0 : i32
      %dma_start3A_274 = tpu.memref_slice %arg15[%dma_start3A_272, %dma_start3A_273] : memref<10240x128xf32, #tpu.memory_space<vmem_shared>> -> memref<10240x128xf32, #tpu.memory_space<vmem_shared>>
      tpu.enqueue_indirect_dma source(%arg12 : memref<120x128xf32, #tpu.memory_space<vmem>>) target(%dma_start3A_274 : memref<10240x128xf32, #tpu.memory_space<vmem_shared>>) offsets(%dma_start3A_271 : memref<120xi32, #tpu.memory_space<vmem>>) semaphore(%arg25 : memref<!tpu.dma_semaphore, #tpu.memory_space<semaphore_mem>>) {add = true}
      %dma_wait3A_275 = arith.constant 1 : i32
      %dma_wait3A_276 = arith.constant 0 : i32
      %dma_wait3A_277 = tpu.memref_slice %arg8[%dma_wait3A_275, %dma_wait3A_276] : memref<3x120xi32, #tpu.memory_space<vmem>> -> memref<1x120xi32, #tpu.memory_space<vmem>>
      %dma_wait3A_278 = tpu.memref_squeeze %dma_wait3A_277 : memref<1x120xi32, #tpu.memory_space<vmem>> -> memref<120xi32, #tpu.memory_space<vmem>>
      %dma_wait3A_279 = arith.constant 0 : i32
      %dma_wait3A_280 = arith.constant 0 : i32
      %dma_wait3A_281 = tpu.memref_slice %arg15[%dma_wait3A_279, %dma_wait3A_280] : memref<10240x128xf32, #tpu.memory_space<vmem_shared>> -> memref<10240x128xf32, #tpu.memory_space<vmem_shared>>
      tpu.wait_indirect_dma semaphore(%arg27 : memref<!tpu.dma_semaphore, #tpu.memory_space<semaphore_mem>>) src(%arg14 : memref<120x128xf32, #tpu.memory_space<vmem>>) dst(%dma_wait3A_281 : memref<10240x128xf32, #tpu.memory_space<vmem_shared>>)
      %mul3A_282 = arith.constant 6 : i32
      %mul3A_283 = arith.muli %mul3A_282, %scan3A_98 : i32
      %add3A_284 = arith.constant 3 : i32
      %add3A_285 = arith.addi %mul3A_283, %add3A_284 : i32
      %add3A_286 = arith.constant 3 : i32
      %add3A_287 = arith.addi %add3A_285, %add3A_286 : i32
      %sub3A_288 = arith.constant 1 : i32
      %sub3A_289 = arith.subi %add3A_287, %sub3A_288 : i32
      %dma_wait3A_290 = arith.constant 0 : i32
      %dma_wait3A_291 = arith.constant 0 : i32
      %dma_wait3A_292 = tpu.memref_slice %arg2[%add3A, %sub3A_289, %dma_wait3A_290, %dma_wait3A_291] : memref<32x84x3x120xi32, #tpu.memory_space<hbm>> -> memref<1x1x3x120xi32, #tpu.memory_space<hbm>>
      %dma_wait3A_293 = tpu.memref_squeeze %dma_wait3A_292 : memref<1x1x3x120xi32, #tpu.memory_space<hbm>> -> memref<3x120xi32, #tpu.memory_space<hbm>>
      %dma_wait3A_294 = arith.constant 0 : i32
      %dma_wait3A_295 = arith.constant 0 : i32
      %dma_wait3A_296 = tpu.memref_slice %arg2[%add3A, %sub3A_289, %dma_wait3A_294, %dma_wait3A_295] : memref<32x84x3x120xi32, #tpu.memory_space<hbm>> -> memref<1x1x3x120xi32, #tpu.memory_space<hbm>>
      %dma_wait3A_297 = tpu.memref_squeeze %dma_wait3A_296 : memref<1x1x3x120xi32, #tpu.memory_space<hbm>> -> memref<3x120xi32, #tpu.memory_space<hbm>>
      tpu.wait_dma2 semaphore(%arg21 : memref<!tpu.dma_semaphore, #tpu.memory_space<semaphore_mem>>) src(%dma_wait3A_297 : memref<3x120xi32, #tpu.memory_space<hbm>>) dst(%arg11 : memref<3x120xi32, #tpu.memory_space<vmem>>)
      %dma_start3A_298 = arith.constant 0 : i32
      %dma_start3A_299 = arith.constant 0 : i32
      %dma_start3A_300 = tpu.memref_slice %arg11[%dma_start3A_298, %dma_start3A_299] : memref<3x120xi32, #tpu.memory_space<vmem>> -> memref<1x120xi32, #tpu.memory_space<vmem>>
      %dma_start3A_301 = tpu.memref_squeeze %dma_start3A_300 : memref<1x120xi32, #tpu.memory_space<vmem>> -> memref<120xi32, #tpu.memory_space<vmem>>
      %dma_start3A_302 = arith.constant 0 : i32
      %dma_start3A_303 = arith.constant 0 : i32
      %dma_start3A_304 = tpu.memref_slice %arg3[%dma_start3A_302, %dma_start3A_303] : memref<10000x128xf32, #tpu.memory_space<hbm>> -> memref<10000x128xf32, #tpu.memory_space<hbm>>
      tpu.enqueue_indirect_dma source(%dma_start3A_304 : memref<10000x128xf32, #tpu.memory_space<hbm>>) target(%arg14 : memref<120x128xf32, #tpu.memory_space<vmem>>) offsets(%dma_start3A_301 : memref<120xi32, #tpu.memory_space<vmem>>) semaphore(%arg24 : memref<!tpu.dma_semaphore, #tpu.memory_space<semaphore_mem>>)
      %lt3A_305 = arith.constant 13 : i32
      %lt3A_306 = arith.cmpi slt, %scan3A_98, %lt3A_305 : i32
      %convert_element_type3A_307 = arith.extui %lt3A_306 : i1 to i32
      %cond3A_308 = arith.constant 0 : i32
      %cond3A_309 = arith.cmpi ne, %convert_element_type3A_307, %cond3A_308 : i32
      scf.if %cond3A_309 {
        %mul3A_368 = arith.constant 6 : i32
        %mul3A_369 = arith.muli %mul3A_368, %scan3A_98 : i32
        %add3A_370 = arith.constant 3 : i32
        %add3A_371 = arith.addi %mul3A_369, %add3A_370 : i32
        %add3A_372 = arith.constant 6 : i32
        %add3A_373 = arith.addi %add3A_371, %add3A_372 : i32
        %sub3A_374 = arith.constant 1 : i32
        %sub3A_375 = arith.subi %add3A_373, %sub3A_374 : i32
        %dma_start3A_376 = arith.constant 0 : i32
        %dma_start3A_377 = arith.constant 0 : i32
        %dma_start3A_378 = tpu.memref_slice %arg2[%add3A, %sub3A_375, %dma_start3A_376, %dma_start3A_377] : memref<32x84x3x120xi32, #tpu.memory_space<hbm>> -> memref<1x1x3x120xi32, #tpu.memory_space<hbm>>
        %dma_start3A_379 = tpu.memref_squeeze %dma_start3A_378 : memref<1x1x3x120xi32, #tpu.memory_space<hbm>> -> memref<3x120xi32, #tpu.memory_space<hbm>>
        %dma_start3A_380 = arith.constant 0 : i32
        %dma_start3A_381 = arith.constant 0 : i32
        %dma_start3A_382 = tpu.memref_slice %arg2[%add3A, %sub3A_375, %dma_start3A_380, %dma_start3A_381] : memref<32x84x3x120xi32, #tpu.memory_space<hbm>> -> memref<1x1x3x120xi32, #tpu.memory_space<hbm>>
        %dma_start3A_383 = tpu.memref_squeeze %dma_start3A_382 : memref<1x1x3x120xi32, #tpu.memory_space<hbm>> -> memref<3x120xi32, #tpu.memory_space<hbm>>
        tpu.enqueue_dma source(%dma_start3A_383 : memref<3x120xi32, #tpu.memory_space<hbm>>) target(%arg8 : memref<3x120xi32, #tpu.memory_space<vmem>>) target_semaphore(%arg18 : memref<!tpu.dma_semaphore, #tpu.memory_space<semaphore_mem>>)
      } else {
      }
      %dma_wait3A_310 = arith.constant 0 : i32
      %dma_wait3A_311 = arith.constant 0 : i32
      %dma_wait3A_312 = tpu.memref_slice %arg10[%dma_wait3A_310, %dma_wait3A_311] : memref<3x120xi32, #tpu.memory_space<vmem>> -> memref<1x120xi32, #tpu.memory_space<vmem>>
      %dma_wait3A_313 = tpu.memref_squeeze %dma_wait3A_312 : memref<1x120xi32, #tpu.memory_space<vmem>> -> memref<120xi32, #tpu.memory_space<vmem>>
      %dma_wait3A_314 = arith.constant 0 : i32
      %dma_wait3A_315 = arith.constant 0 : i32
      %dma_wait3A_316 = tpu.memref_slice %arg3[%dma_wait3A_314, %dma_wait3A_315] : memref<10000x128xf32, #tpu.memory_space<hbm>> -> memref<10000x128xf32, #tpu.memory_space<hbm>>
      tpu.wait_indirect_dma semaphore(%arg23 : memref<!tpu.dma_semaphore, #tpu.memory_space<semaphore_mem>>) src(%dma_wait3A_316 : memref<10000x128xf32, #tpu.memory_space<hbm>>) dst(%arg13 : memref<120x128xf32, #tpu.memory_space<vmem>>)
      %parallel_loop3A_317 = arith.constant 0 : i32
      %parallel_loop3A_318 = arith.constant 120 : i32
      %parallel_loop3A_319 = arith.constant 1 : i32
      scf.for %parallel_loop3A_368 = %parallel_loop3A_317 to %parallel_loop3A_318 step %parallel_loop3A_319  : i32 {
        %parallel_loop3A_369 = arith.constant 2 : i32
        %parallel_loop3A_370 = vector.broadcast %parallel_loop3A_369 : i32 to vector<16xi32>
        %parallel_loop3A_371 = vector.broadcast %parallel_loop3A_368 : i32 to vector<16xi32>
        %parallel_loop3A_372 = tpu.vector_load_idx %arg10[%parallel_loop3A_370, %parallel_loop3A_371] : memref<3x120xi32, #tpu.memory_space<vmem>>[vector<16xi32>, vector<16xi32>], vector<16xi32>,
        %parallel_loop3A_373 = vector.bitcast %parallel_loop3A_372 : vector<16xi32> to vector<16xf32>
        %parallel_loop3A_374 = arith.index_cast %parallel_loop3A_368 : i32 to index
        %parallel_loop3A_375 = arith.constant 0 : index
        %parallel_loop3A_376 = tpu.vector_load %arg13[%parallel_loop3A_374, %parallel_loop3A_375] {strides = array<i32>} : memref<120x128xf32, #tpu.memory_space<vmem>>, vector<16xf32>,
        %parallel_loop3A_377 = arith.mulf %parallel_loop3A_376, %parallel_loop3A_373 : vector<16xf32>
        %parallel_loop3A_378 = arith.index_cast %parallel_loop3A_368 : i32 to index
        %parallel_loop3A_379 = arith.constant 0 : index
        %parallel_loop3A_380 = tpu.vector_load %arg13[%parallel_loop3A_378, %parallel_loop3A_379] {strides = array<i32>} : memref<120x128xf32, #tpu.memory_space<vmem>>, vector<16xf32>,
        tpu.vector_store %arg13[%parallel_loop3A_378, %parallel_loop3A_379], %parallel_loop3A_377 {strides = array<i32>} : memref<120x128xf32, #tpu.memory_space<vmem>>, vector<16xf32>,
        %parallel_loop3A_381 = arith.index_cast %parallel_loop3A_368 : i32 to index
        %parallel_loop3A_382 = arith.constant 16 : index
        %parallel_loop3A_383 = tpu.vector_load %arg13[%parallel_loop3A_381, %parallel_loop3A_382] {strides = array<i32>} : memref<120x128xf32, #tpu.memory_space<vmem>>, vector<16xf32>,
        %parallel_loop3A_384 = arith.mulf %parallel_loop3A_383, %parallel_loop3A_373 : vector<16xf32>
        %parallel_loop3A_385 = arith.index_cast %parallel_loop3A_368 : i32 to index
        %parallel_loop3A_386 = arith.constant 16 : index
        %parallel_loop3A_387 = tpu.vector_load %arg13[%parallel_loop3A_385, %parallel_loop3A_386] {strides = array<i32>} : memref<120x128xf32, #tpu.memory_space<vmem>>, vector<16xf32>,
        tpu.vector_store %arg13[%parallel_loop3A_385, %parallel_loop3A_386], %parallel_loop3A_384 {strides = array<i32>} : memref<120x128xf32, #tpu.memory_space<vmem>>, vector<16xf32>,
        %parallel_loop3A_388 = arith.index_cast %parallel_loop3A_368 : i32 to index
        %parallel_loop3A_389 = arith.constant 32 : index
        %parallel_loop3A_390 = tpu.vector_load %arg13[%parallel_loop3A_388, %parallel_loop3A_389] {strides = array<i32>} : memref<120x128xf32, #tpu.memory_space<vmem>>, vector<16xf32>,
        %parallel_loop3A_391 = arith.mulf %parallel_loop3A_390, %parallel_loop3A_373 : vector<16xf32>
        %parallel_loop3A_392 = arith.index_cast %parallel_loop3A_368 : i32 to index
        %parallel_loop3A_393 = arith.constant 32 : index
        %parallel_loop3A_394 = tpu.vector_load %arg13[%parallel_loop3A_392, %parallel_loop3A_393] {strides = array<i32>} : memref<120x128xf32, #tpu.memory_space<vmem>>, vector<16xf32>,
        tpu.vector_store %arg13[%parallel_loop3A_392, %parallel_loop3A_393], %parallel_loop3A_391 {strides = array<i32>} : memref<120x128xf32, #tpu.memory_space<vmem>>, vector<16xf32>,
        %parallel_loop3A_395 = arith.index_cast %parallel_loop3A_368 : i32 to index
        %parallel_loop3A_396 = arith.constant 48 : index
        %parallel_loop3A_397 = tpu.vector_load %arg13[%parallel_loop3A_395, %parallel_loop3A_396] {strides = array<i32>} : memref<120x128xf32, #tpu.memory_space<vmem>>, vector<16xf32>,
        %parallel_loop3A_398 = arith.mulf %parallel_loop3A_397, %parallel_loop3A_373 : vector<16xf32>
        %parallel_loop3A_399 = arith.index_cast %parallel_loop3A_368 : i32 to index
        %parallel_loop3A_400 = arith.constant 48 : index
        %parallel_loop3A_401 = tpu.vector_load %arg13[%parallel_loop3A_399, %parallel_loop3A_400] {strides = array<i32>} : memref<120x128xf32, #tpu.memory_space<vmem>>, vector<16xf32>,
        tpu.vector_store %arg13[%parallel_loop3A_399, %parallel_loop3A_400], %parallel_loop3A_398 {strides = array<i32>} : memref<120x128xf32, #tpu.memory_space<vmem>>, vector<16xf32>,
        %parallel_loop3A_402 = arith.index_cast %parallel_loop3A_368 : i32 to index
        %parallel_loop3A_403 = arith.constant 64 : index
        %parallel_loop3A_404 = tpu.vector_load %arg13[%parallel_loop3A_402, %parallel_loop3A_403] {strides = array<i32>} : memref<120x128xf32, #tpu.memory_space<vmem>>, vector<16xf32>,
        %parallel_loop3A_405 = arith.mulf %parallel_loop3A_404, %parallel_loop3A_373 : vector<16xf32>
        %parallel_loop3A_406 = arith.index_cast %parallel_loop3A_368 : i32 to index
        %parallel_loop3A_407 = arith.constant 64 : index
        %parallel_loop3A_408 = tpu.vector_load %arg13[%parallel_loop3A_406, %parallel_loop3A_407] {strides = array<i32>} : memref<120x128xf32, #tpu.memory_space<vmem>>, vector<16xf32>,
        tpu.vector_store %arg13[%parallel_loop3A_406, %parallel_loop3A_407], %parallel_loop3A_405 {strides = array<i32>} : memref<120x128xf32, #tpu.memory_space<vmem>>, vector<16xf32>,
        %parallel_loop3A_409 = arith.index_cast %parallel_loop3A_368 : i32 to index
        %parallel_loop3A_410 = arith.constant 80 : index
        %parallel_loop3A_411 = tpu.vector_load %arg13[%parallel_loop3A_409, %parallel_loop3A_410] {strides = array<i32>} : memref<120x128xf32, #tpu.memory_space<vmem>>, vector<16xf32>,
        %parallel_loop3A_412 = arith.mulf %parallel_loop3A_411, %parallel_loop3A_373 : vector<16xf32>
        %parallel_loop3A_413 = arith.index_cast %parallel_loop3A_368 : i32 to index
        %parallel_loop3A_414 = arith.constant 80 : index
        %parallel_loop3A_415 = tpu.vector_load %arg13[%parallel_loop3A_413, %parallel_loop3A_414] {strides = array<i32>} : memref<120x128xf32, #tpu.memory_space<vmem>>, vector<16xf32>,
        tpu.vector_store %arg13[%parallel_loop3A_413, %parallel_loop3A_414], %parallel_loop3A_412 {strides = array<i32>} : memref<120x128xf32, #tpu.memory_space<vmem>>, vector<16xf32>,
        %parallel_loop3A_416 = arith.index_cast %parallel_loop3A_368 : i32 to index
        %parallel_loop3A_417 = arith.constant 96 : index
        %parallel_loop3A_418 = tpu.vector_load %arg13[%parallel_loop3A_416, %parallel_loop3A_417] {strides = array<i32>} : memref<120x128xf32, #tpu.memory_space<vmem>>, vector<16xf32>,
        %parallel_loop3A_419 = arith.mulf %parallel_loop3A_418, %parallel_loop3A_373 : vector<16xf32>
        %parallel_loop3A_420 = arith.index_cast %parallel_loop3A_368 : i32 to index
        %parallel_loop3A_421 = arith.constant 96 : index
        %parallel_loop3A_422 = tpu.vector_load %arg13[%parallel_loop3A_420, %parallel_loop3A_421] {strides = array<i32>} : memref<120x128xf32, #tpu.memory_space<vmem>>, vector<16xf32>,
        tpu.vector_store %arg13[%parallel_loop3A_420, %parallel_loop3A_421], %parallel_loop3A_419 {strides = array<i32>} : memref<120x128xf32, #tpu.memory_space<vmem>>, vector<16xf32>,
        %parallel_loop3A_423 = arith.index_cast %parallel_loop3A_368 : i32 to index
        %parallel_loop3A_424 = arith.constant 112 : index
        %parallel_loop3A_425 = tpu.vector_load %arg13[%parallel_loop3A_423, %parallel_loop3A_424] {strides = array<i32>} : memref<120x128xf32, #tpu.memory_space<vmem>>, vector<16xf32>,
        %parallel_loop3A_426 = arith.mulf %parallel_loop3A_425, %parallel_loop3A_373 : vector<16xf32>
        %parallel_loop3A_427 = arith.index_cast %parallel_loop3A_368 : i32 to index
        %parallel_loop3A_428 = arith.constant 112 : index
        %parallel_loop3A_429 = tpu.vector_load %arg13[%parallel_loop3A_427, %parallel_loop3A_428] {strides = array<i32>} : memref<120x128xf32, #tpu.memory_space<vmem>>, vector<16xf32>,
        tpu.vector_store %arg13[%parallel_loop3A_427, %parallel_loop3A_428], %parallel_loop3A_426 {strides = array<i32>} : memref<120x128xf32, #tpu.memory_space<vmem>>, vector<16xf32>,
      } {sc.loop_unroll_factor = 4 : i64, sc.parallel_access}
      %dma_start3A_320 = arith.constant 1 : i32
      %dma_start3A_321 = arith.constant 0 : i32
      %dma_start3A_322 = tpu.memref_slice %arg10[%dma_start3A_320, %dma_start3A_321] : memref<3x120xi32, #tpu.memory_space<vmem>> -> memref<1x120xi32, #tpu.memory_space<vmem>>
      %dma_start3A_323 = tpu.memref_squeeze %dma_start3A_322 : memref<1x120xi32, #tpu.memory_space<vmem>> -> memref<120xi32, #tpu.memory_space<vmem>>
      %dma_start3A_324 = arith.constant 0 : i32
      %dma_start3A_325 = arith.constant 0 : i32
      %dma_start3A_326 = tpu.memref_slice %arg15[%dma_start3A_324, %dma_start3A_325] : memref<10240x128xf32, #tpu.memory_space<vmem_shared>> -> memref<10240x128xf32, #tpu.memory_space<vmem_shared>>
      tpu.enqueue_indirect_dma source(%arg13 : memref<120x128xf32, #tpu.memory_space<vmem>>) target(%dma_start3A_326 : memref<10240x128xf32, #tpu.memory_space<vmem_shared>>) offsets(%dma_start3A_323 : memref<120xi32, #tpu.memory_space<vmem>>) semaphore(%arg26 : memref<!tpu.dma_semaphore, #tpu.memory_space<semaphore_mem>>) {add = true}
      %dma_wait3A_327 = arith.constant 1 : i32
      %dma_wait3A_328 = arith.constant 0 : i32
      %dma_wait3A_329 = tpu.memref_slice %arg9[%dma_wait3A_327, %dma_wait3A_328] : memref<3x120xi32, #tpu.memory_space<vmem>> -> memref<1x120xi32, #tpu.memory_space<vmem>>
      %dma_wait3A_330 = tpu.memref_squeeze %dma_wait3A_329 : memref<1x120xi32, #tpu.memory_space<vmem>> -> memref<120xi32, #tpu.memory_space<vmem>>
      %dma_wait3A_331 = arith.constant 0 : i32
      %dma_wait3A_332 = arith.constant 0 : i32
      %dma_wait3A_333 = tpu.memref_slice %arg15[%dma_wait3A_331, %dma_wait3A_332] : memref<10240x128xf32, #tpu.memory_space<vmem_shared>> -> memref<10240x128xf32, #tpu.memory_space<vmem_shared>>
      tpu.wait_indirect_dma semaphore(%arg25 : memref<!tpu.dma_semaphore, #tpu.memory_space<semaphore_mem>>) src(%arg12 : memref<120x128xf32, #tpu.memory_space<vmem>>) dst(%dma_wait3A_333 : memref<10240x128xf32, #tpu.memory_space<vmem_shared>>)
      %lt3A_334 = arith.constant 13 : i32
      %lt3A_335 = arith.cmpi slt, %scan3A_98, %lt3A_334 : i32
      %convert_element_type3A_336 = arith.extui %lt3A_335 : i1 to i32
      %cond3A_337 = arith.constant 0 : i32
      %cond3A_338 = arith.cmpi ne, %convert_element_type3A_336, %cond3A_337 : i32
      scf.if %cond3A_338 {
        %mul3A_368 = arith.constant 6 : i32
        %mul3A_369 = arith.muli %mul3A_368, %scan3A_98 : i32
        %add3A_370 = arith.constant 4 : i32
        %add3A_371 = arith.addi %mul3A_369, %add3A_370 : i32
        %add3A_372 = arith.constant 3 : i32
        %add3A_373 = arith.addi %add3A_371, %add3A_372 : i32
        %sub3A_374 = arith.constant 1 : i32
        %sub3A_375 = arith.subi %add3A_373, %sub3A_374 : i32
        %dma_wait3A_376 = arith.constant 0 : i32
        %dma_wait3A_377 = arith.constant 0 : i32
        %dma_wait3A_378 = tpu.memref_slice %arg2[%add3A, %sub3A_375, %dma_wait3A_376, %dma_wait3A_377] : memref<32x84x3x120xi32, #tpu.memory_space<hbm>> -> memref<1x1x3x120xi32, #tpu.memory_space<hbm>>
        %dma_wait3A_379 = tpu.memref_squeeze %dma_wait3A_378 : memref<1x1x3x120xi32, #tpu.memory_space<hbm>> -> memref<3x120xi32, #tpu.memory_space<hbm>>
        %dma_wait3A_380 = arith.constant 0 : i32
        %dma_wait3A_381 = arith.constant 0 : i32
        %dma_wait3A_382 = tpu.memref_slice %arg2[%add3A, %sub3A_375, %dma_wait3A_380, %dma_wait3A_381] : memref<32x84x3x120xi32, #tpu.memory_space<hbm>> -> memref<1x1x3x120xi32, #tpu.memory_space<hbm>>
        %dma_wait3A_383 = tpu.memref_squeeze %dma_wait3A_382 : memref<1x1x3x120xi32, #tpu.memory_space<hbm>> -> memref<3x120xi32, #tpu.memory_space<hbm>>
        tpu.wait_dma2 semaphore(%arg16 : memref<!tpu.dma_semaphore, #tpu.memory_space<semaphore_mem>>) src(%dma_wait3A_383 : memref<3x120xi32, #tpu.memory_space<hbm>>) dst(%arg6 : memref<3x120xi32, #tpu.memory_space<vmem>>)
        %dma_start3A_384 = arith.constant 0 : i32
        %dma_start3A_385 = arith.constant 0 : i32
        %dma_start3A_386 = tpu.memref_slice %arg6[%dma_start3A_384, %dma_start3A_385] : memref<3x120xi32, #tpu.memory_space<vmem>> -> memref<1x120xi32, #tpu.memory_space<vmem>>
        %dma_start3A_387 = tpu.memref_squeeze %dma_start3A_386 : memref<1x120xi32, #tpu.memory_space<vmem>> -> memref<120xi32, #tpu.memory_space<vmem>>
        %dma_start3A_388 = arith.constant 0 : i32
        %dma_start3A_389 = arith.constant 0 : i32
        %dma_start3A_390 = tpu.memref_slice %arg3[%dma_start3A_388, %dma_start3A_389] : memref<10000x128xf32, #tpu.memory_space<hbm>> -> memref<10000x128xf32, #tpu.memory_space<hbm>>
        tpu.enqueue_indirect_dma source(%dma_start3A_390 : memref<10000x128xf32, #tpu.memory_space<hbm>>) target(%arg12 : memref<120x128xf32, #tpu.memory_space<vmem>>) offsets(%dma_start3A_387 : memref<120xi32, #tpu.memory_space<vmem>>) semaphore(%arg22 : memref<!tpu.dma_semaphore, #tpu.memory_space<semaphore_mem>>)
        %mul3A_391 = arith.constant 6 : i32
        %mul3A_392 = arith.muli %mul3A_391, %scan3A_98 : i32
        %add3A_393 = arith.constant 4 : i32
        %add3A_394 = arith.addi %mul3A_392, %add3A_393 : i32
        %add3A_395 = arith.constant 6 : i32
        %add3A_396 = arith.addi %add3A_394, %add3A_395 : i32
        %sub3A_397 = arith.constant 1 : i32
        %sub3A_398 = arith.subi %add3A_396, %sub3A_397 : i32
        %dma_start3A_399 = arith.constant 0 : i32
        %dma_start3A_400 = arith.constant 0 : i32
        %dma_start3A_401 = tpu.memref_slice %arg2[%add3A, %sub3A_398, %dma_start3A_399, %dma_start3A_400] : memref<32x84x3x120xi32, #tpu.memory_space<hbm>> -> memref<1x1x3x120xi32, #tpu.memory_space<hbm>>
        %dma_start3A_402 = tpu.memref_squeeze %dma_start3A_401 : memref<1x1x3x120xi32, #tpu.memory_space<hbm>> -> memref<3x120xi32, #tpu.memory_space<hbm>>
        %dma_start3A_403 = arith.constant 0 : i32
        %dma_start3A_404 = arith.constant 0 : i32
        %dma_start3A_405 = tpu.memref_slice %arg2[%add3A, %sub3A_398, %dma_start3A_403, %dma_start3A_404] : memref<32x84x3x120xi32, #tpu.memory_space<hbm>> -> memref<1x1x3x120xi32, #tpu.memory_space<hbm>>
        %dma_start3A_406 = tpu.memref_squeeze %dma_start3A_405 : memref<1x1x3x120xi32, #tpu.memory_space<hbm>> -> memref<3x120xi32, #tpu.memory_space<hbm>>
        tpu.enqueue_dma source(%dma_start3A_406 : memref<3x120xi32, #tpu.memory_space<hbm>>) target(%arg9 : memref<3x120xi32, #tpu.memory_space<vmem>>) target_semaphore(%arg19 : memref<!tpu.dma_semaphore, #tpu.memory_space<semaphore_mem>>)
      } else {
      }
      %dma_wait3A_339 = arith.constant 0 : i32
      %dma_wait3A_340 = arith.constant 0 : i32
      %dma_wait3A_341 = tpu.memref_slice %arg11[%dma_wait3A_339, %dma_wait3A_340] : memref<3x120xi32, #tpu.memory_space<vmem>> -> memref<1x120xi32, #tpu.memory_space<vmem>>
      %dma_wait3A_342 = tpu.memref_squeeze %dma_wait3A_341 : memref<1x120xi32, #tpu.memory_space<vmem>> -> memref<120xi32, #tpu.memory_space<vmem>>
      %dma_wait3A_343 = arith.constant 0 : i32
      %dma_wait3A_344 = arith.constant 0 : i32
      %dma_wait3A_345 = tpu.memref_slice %arg3[%dma_wait3A_343, %dma_wait3A_344] : memref<10000x128xf32, #tpu.memory_space<hbm>> -> memref<10000x128xf32, #tpu.memory_space<hbm>>
      tpu.wait_indirect_dma semaphore(%arg24 : memref<!tpu.dma_semaphore, #tpu.memory_space<semaphore_mem>>) src(%dma_wait3A_345 : memref<10000x128xf32, #tpu.memory_space<hbm>>) dst(%arg14 : memref<120x128xf32, #tpu.memory_space<vmem>>)
      %parallel_loop3A_346 = arith.constant 0 : i32
      %parallel_loop3A_347 = arith.constant 120 : i32
      %parallel_loop3A_348 = arith.constant 1 : i32
      scf.for %parallel_loop3A_368 = %parallel_loop3A_346 to %parallel_loop3A_347 step %parallel_loop3A_348  : i32 {
        %parallel_loop3A_369 = arith.constant 2 : i32
        %parallel_loop3A_370 = vector.broadcast %parallel_loop3A_369 : i32 to vector<16xi32>
        %parallel_loop3A_371 = vector.broadcast %parallel_loop3A_368 : i32 to vector<16xi32>
        %parallel_loop3A_372 = tpu.vector_load_idx %arg11[%parallel_loop3A_370, %parallel_loop3A_371] : memref<3x120xi32, #tpu.memory_space<vmem>>[vector<16xi32>, vector<16xi32>], vector<16xi32>,
        %parallel_loop3A_373 = vector.bitcast %parallel_loop3A_372 : vector<16xi32> to vector<16xf32>
        %parallel_loop3A_374 = arith.index_cast %parallel_loop3A_368 : i32 to index
        %parallel_loop3A_375 = arith.constant 0 : index
        %parallel_loop3A_376 = tpu.vector_load %arg14[%parallel_loop3A_374, %parallel_loop3A_375] {strides = array<i32>} : memref<120x128xf32, #tpu.memory_space<vmem>>, vector<16xf32>,
        %parallel_loop3A_377 = arith.mulf %parallel_loop3A_376, %parallel_loop3A_373 : vector<16xf32>
        %parallel_loop3A_378 = arith.index_cast %parallel_loop3A_368 : i32 to index
        %parallel_loop3A_379 = arith.constant 0 : index
        %parallel_loop3A_380 = tpu.vector_load %arg14[%parallel_loop3A_378, %parallel_loop3A_379] {strides = array<i32>} : memref<120x128xf32, #tpu.memory_space<vmem>>, vector<16xf32>,
        tpu.vector_store %arg14[%parallel_loop3A_378, %parallel_loop3A_379], %parallel_loop3A_377 {strides = array<i32>} : memref<120x128xf32, #tpu.memory_space<vmem>>, vector<16xf32>,
        %parallel_loop3A_381 = arith.index_cast %parallel_loop3A_368 : i32 to index
        %parallel_loop3A_382 = arith.constant 16 : index
        %parallel_loop3A_383 = tpu.vector_load %arg14[%parallel_loop3A_381, %parallel_loop3A_382] {strides = array<i32>} : memref<120x128xf32, #tpu.memory_space<vmem>>, vector<16xf32>,
        %parallel_loop3A_384 = arith.mulf %parallel_loop3A_383, %parallel_loop3A_373 : vector<16xf32>
        %parallel_loop3A_385 = arith.index_cast %parallel_loop3A_368 : i32 to index
        %parallel_loop3A_386 = arith.constant 16 : index
        %parallel_loop3A_387 = tpu.vector_load %arg14[%parallel_loop3A_385, %parallel_loop3A_386] {strides = array<i32>} : memref<120x128xf32, #tpu.memory_space<vmem>>, vector<16xf32>,
        tpu.vector_store %arg14[%parallel_loop3A_385, %parallel_loop3A_386], %parallel_loop3A_384 {strides = array<i32>} : memref<120x128xf32, #tpu.memory_space<vmem>>, vector<16xf32>,
        %parallel_loop3A_388 = arith.index_cast %parallel_loop3A_368 : i32 to index
        %parallel_loop3A_389 = arith.constant 32 : index
        %parallel_loop3A_390 = tpu.vector_load %arg14[%parallel_loop3A_388, %parallel_loop3A_389] {strides = array<i32>} : memref<120x128xf32, #tpu.memory_space<vmem>>, vector<16xf32>,
        %parallel_loop3A_391 = arith.mulf %parallel_loop3A_390, %parallel_loop3A_373 : vector<16xf32>
        %parallel_loop3A_392 = arith.index_cast %parallel_loop3A_368 : i32 to index
        %parallel_loop3A_393 = arith.constant 32 : index
        %parallel_loop3A_394 = tpu.vector_load %arg14[%parallel_loop3A_392, %parallel_loop3A_393] {strides = array<i32>} : memref<120x128xf32, #tpu.memory_space<vmem>>, vector<16xf32>,
        tpu.vector_store %arg14[%parallel_loop3A_392, %parallel_loop3A_393], %parallel_loop3A_391 {strides = array<i32>} : memref<120x128xf32, #tpu.memory_space<vmem>>, vector<16xf32>,
        %parallel_loop3A_395 = arith.index_cast %parallel_loop3A_368 : i32 to index
        %parallel_loop3A_396 = arith.constant 48 : index
        %parallel_loop3A_397 = tpu.vector_load %arg14[%parallel_loop3A_395, %parallel_loop3A_396] {strides = array<i32>} : memref<120x128xf32, #tpu.memory_space<vmem>>, vector<16xf32>,
        %parallel_loop3A_398 = arith.mulf %parallel_loop3A_397, %parallel_loop3A_373 : vector<16xf32>
        %parallel_loop3A_399 = arith.index_cast %parallel_loop3A_368 : i32 to index
        %parallel_loop3A_400 = arith.constant 48 : index
        %parallel_loop3A_401 = tpu.vector_load %arg14[%parallel_loop3A_399, %parallel_loop3A_400] {strides = array<i32>} : memref<120x128xf32, #tpu.memory_space<vmem>>, vector<16xf32>,
        tpu.vector_store %arg14[%parallel_loop3A_399, %parallel_loop3A_400], %parallel_loop3A_398 {strides = array<i32>} : memref<120x128xf32, #tpu.memory_space<vmem>>, vector<16xf32>,
        %parallel_loop3A_402 = arith.index_cast %parallel_loop3A_368 : i32 to index
        %parallel_loop3A_403 = arith.constant 64 : index
        %parallel_loop3A_404 = tpu.vector_load %arg14[%parallel_loop3A_402, %parallel_loop3A_403] {strides = array<i32>} : memref<120x128xf32, #tpu.memory_space<vmem>>, vector<16xf32>,
        %parallel_loop3A_405 = arith.mulf %parallel_loop3A_404, %parallel_loop3A_373 : vector<16xf32>
        %parallel_loop3A_406 = arith.index_cast %parallel_loop3A_368 : i32 to index
        %parallel_loop3A_407 = arith.constant 64 : index
        %parallel_loop3A_408 = tpu.vector_load %arg14[%parallel_loop3A_406, %parallel_loop3A_407] {strides = array<i32>} : memref<120x128xf32, #tpu.memory_space<vmem>>, vector<16xf32>,
        tpu.vector_store %arg14[%parallel_loop3A_406, %parallel_loop3A_407], %parallel_loop3A_405 {strides = array<i32>} : memref<120x128xf32, #tpu.memory_space<vmem>>, vector<16xf32>,
        %parallel_loop3A_409 = arith.index_cast %parallel_loop3A_368 : i32 to index
        %parallel_loop3A_410 = arith.constant 80 : index
        %parallel_loop3A_411 = tpu.vector_load %arg14[%parallel_loop3A_409, %parallel_loop3A_410] {strides = array<i32>} : memref<120x128xf32, #tpu.memory_space<vmem>>, vector<16xf32>,
        %parallel_loop3A_412 = arith.mulf %parallel_loop3A_411, %parallel_loop3A_373 : vector<16xf32>
        %parallel_loop3A_413 = arith.index_cast %parallel_loop3A_368 : i32 to index
        %parallel_loop3A_414 = arith.constant 80 : index
        %parallel_loop3A_415 = tpu.vector_load %arg14[%parallel_loop3A_413, %parallel_loop3A_414] {strides = array<i32>} : memref<120x128xf32, #tpu.memory_space<vmem>>, vector<16xf32>,
        tpu.vector_store %arg14[%parallel_loop3A_413, %parallel_loop3A_414], %parallel_loop3A_412 {strides = array<i32>} : memref<120x128xf32, #tpu.memory_space<vmem>>, vector<16xf32>,
        %parallel_loop3A_416 = arith.index_cast %parallel_loop3A_368 : i32 to index
        %parallel_loop3A_417 = arith.constant 96 : index
        %parallel_loop3A_418 = tpu.vector_load %arg14[%parallel_loop3A_416, %parallel_loop3A_417] {strides = array<i32>} : memref<120x128xf32, #tpu.memory_space<vmem>>, vector<16xf32>,
        %parallel_loop3A_419 = arith.mulf %parallel_loop3A_418, %parallel_loop3A_373 : vector<16xf32>
        %parallel_loop3A_420 = arith.index_cast %parallel_loop3A_368 : i32 to index
        %parallel_loop3A_421 = arith.constant 96 : index
        %parallel_loop3A_422 = tpu.vector_load %arg14[%parallel_loop3A_420, %parallel_loop3A_421] {strides = array<i32>} : memref<120x128xf32, #tpu.memory_space<vmem>>, vector<16xf32>,
        tpu.vector_store %arg14[%parallel_loop3A_420, %parallel_loop3A_421], %parallel_loop3A_419 {strides = array<i32>} : memref<120x128xf32, #tpu.memory_space<vmem>>, vector<16xf32>,
        %parallel_loop3A_423 = arith.index_cast %parallel_loop3A_368 : i32 to index
        %parallel_loop3A_424 = arith.constant 112 : index
        %parallel_loop3A_425 = tpu.vector_load %arg14[%parallel_loop3A_423, %parallel_loop3A_424] {strides = array<i32>} : memref<120x128xf32, #tpu.memory_space<vmem>>, vector<16xf32>,
        %parallel_loop3A_426 = arith.mulf %parallel_loop3A_425, %parallel_loop3A_373 : vector<16xf32>
        %parallel_loop3A_427 = arith.index_cast %parallel_loop3A_368 : i32 to index
        %parallel_loop3A_428 = arith.constant 112 : index
        %parallel_loop3A_429 = tpu.vector_load %arg14[%parallel_loop3A_427, %parallel_loop3A_428] {strides = array<i32>} : memref<120x128xf32, #tpu.memory_space<vmem>>, vector<16xf32>,
        tpu.vector_store %arg14[%parallel_loop3A_427, %parallel_loop3A_428], %parallel_loop3A_426 {strides = array<i32>} : memref<120x128xf32, #tpu.memory_space<vmem>>, vector<16xf32>,
      } {sc.loop_unroll_factor = 4 : i64, sc.parallel_access}
      %dma_start3A_349 = arith.constant 1 : i32
      %dma_start3A_350 = arith.constant 0 : i32
      %dma_start3A_351 = tpu.memref_slice %arg11[%dma_start3A_349, %dma_start3A_350] : memref<3x120xi32, #tpu.memory_space<vmem>> -> memref<1x120xi32, #tpu.memory_space<vmem>>
      %dma_start3A_352 = tpu.memref_squeeze %dma_start3A_351 : memref<1x120xi32, #tpu.memory_space<vmem>> -> memref<120xi32, #tpu.memory_space<vmem>>
      %dma_start3A_353 = arith.constant 0 : i32
      %dma_start3A_354 = arith.constant 0 : i32
      %dma_start3A_355 = tpu.memref_slice %arg15[%dma_start3A_353, %dma_start3A_354] : memref<10240x128xf32, #tpu.memory_space<vmem_shared>> -> memref<10240x128xf32, #tpu.memory_space<vmem_shared>>
      tpu.enqueue_indirect_dma source(%arg14 : memref<120x128xf32, #tpu.memory_space<vmem>>) target(%dma_start3A_355 : memref<10240x128xf32, #tpu.memory_space<vmem_shared>>) offsets(%dma_start3A_352 : memref<120xi32, #tpu.memory_space<vmem>>) semaphore(%arg27 : memref<!tpu.dma_semaphore, #tpu.memory_space<semaphore_mem>>) {add = true}
      %dma_wait3A_356 = arith.constant 1 : i32
      %dma_wait3A_357 = arith.constant 0 : i32
      %dma_wait3A_358 = tpu.memref_slice %arg10[%dma_wait3A_356, %dma_wait3A_357] : memref<3x120xi32, #tpu.memory_space<vmem>> -> memref<1x120xi32, #tpu.memory_space<vmem>>
      %dma_wait3A_359 = tpu.memref_squeeze %dma_wait3A_358 : memref<1x120xi32, #tpu.memory_space<vmem>> -> memref<120xi32, #tpu.memory_space<vmem>>
      %dma_wait3A_360 = arith.constant 0 : i32
      %dma_wait3A_361 = arith.constant 0 : i32
      %dma_wait3A_362 = tpu.memref_slice %arg15[%dma_wait3A_360, %dma_wait3A_361] : memref<10240x128xf32, #tpu.memory_space<vmem_shared>> -> memref<10240x128xf32, #tpu.memory_space<vmem_shared>>
      tpu.wait_indirect_dma semaphore(%arg26 : memref<!tpu.dma_semaphore, #tpu.memory_space<semaphore_mem>>) src(%arg13 : memref<120x128xf32, #tpu.memory_space<vmem>>) dst(%dma_wait3A_362 : memref<10240x128xf32, #tpu.memory_space<vmem_shared>>)
      %lt3A_363 = arith.constant 13 : i32
      %lt3A_364 = arith.cmpi slt, %scan3A_98, %lt3A_363 : i32
      %convert_element_type3A_365 = arith.extui %lt3A_364 : i1 to i32
      %cond3A_366 = arith.constant 0 : i32
      %cond3A_367 = arith.cmpi ne, %convert_element_type3A_365, %cond3A_366 : i32
      scf.if %cond3A_367 {
        %mul3A_368 = arith.constant 6 : i32
        %mul3A_369 = arith.muli %mul3A_368, %scan3A_98 : i32
        %add3A_370 = arith.constant 5 : i32
        %add3A_371 = arith.addi %mul3A_369, %add3A_370 : i32
        %add3A_372 = arith.constant 3 : i32
        %add3A_373 = arith.addi %add3A_371, %add3A_372 : i32
        %sub3A_374 = arith.constant 1 : i32
        %sub3A_375 = arith.subi %add3A_373, %sub3A_374 : i32
        %dma_wait3A_376 = arith.constant 0 : i32
        %dma_wait3A_377 = arith.constant 0 : i32
        %dma_wait3A_378 = tpu.memref_slice %arg2[%add3A, %sub3A_375, %dma_wait3A_376, %dma_wait3A_377] : memref<32x84x3x120xi32, #tpu.memory_space<hbm>> -> memref<1x1x3x120xi32, #tpu.memory_space<hbm>>
        %dma_wait3A_379 = tpu.memref_squeeze %dma_wait3A_378 : memref<1x1x3x120xi32, #tpu.memory_space<hbm>> -> memref<3x120xi32, #tpu.memory_space<hbm>>
        %dma_wait3A_380 = arith.constant 0 : i32
        %dma_wait3A_381 = arith.constant 0 : i32
        %dma_wait3A_382 = tpu.memref_slice %arg2[%add3A, %sub3A_375, %dma_wait3A_380, %dma_wait3A_381] : memref<32x84x3x120xi32, #tpu.memory_space<hbm>> -> memref<1x1x3x120xi32, #tpu.memory_space<hbm>>
        %dma_wait3A_383 = tpu.memref_squeeze %dma_wait3A_382 : memref<1x1x3x120xi32, #tpu.memory_space<hbm>> -> memref<3x120xi32, #tpu.memory_space<hbm>>
        tpu.wait_dma2 semaphore(%arg17 : memref<!tpu.dma_semaphore, #tpu.memory_space<semaphore_mem>>) src(%dma_wait3A_383 : memref<3x120xi32, #tpu.memory_space<hbm>>) dst(%arg7 : memref<3x120xi32, #tpu.memory_space<vmem>>)
        %dma_start3A_384 = arith.constant 0 : i32
        %dma_start3A_385 = arith.constant 0 : i32
        %dma_start3A_386 = tpu.memref_slice %arg7[%dma_start3A_384, %dma_start3A_385] : memref<3x120xi32, #tpu.memory_space<vmem>> -> memref<1x120xi32, #tpu.memory_space<vmem>>
        %dma_start3A_387 = tpu.memref_squeeze %dma_start3A_386 : memref<1x120xi32, #tpu.memory_space<vmem>> -> memref<120xi32, #tpu.memory_space<vmem>>
        %dma_start3A_388 = arith.constant 0 : i32
        %dma_start3A_389 = arith.constant 0 : i32
        %dma_start3A_390 = tpu.memref_slice %arg3[%dma_start3A_388, %dma_start3A_389] : memref<10000x128xf32, #tpu.memory_space<hbm>> -> memref<10000x128xf32, #tpu.memory_space<hbm>>
        tpu.enqueue_indirect_dma source(%dma_start3A_390 : memref<10000x128xf32, #tpu.memory_space<hbm>>) target(%arg13 : memref<120x128xf32, #tpu.memory_space<vmem>>) offsets(%dma_start3A_387 : memref<120xi32, #tpu.memory_space<vmem>>) semaphore(%arg23 : memref<!tpu.dma_semaphore, #tpu.memory_space<semaphore_mem>>)
        %mul3A_391 = arith.constant 6 : i32
        %mul3A_392 = arith.muli %mul3A_391, %scan3A_98 : i32
        %add3A_393 = arith.constant 5 : i32
        %add3A_394 = arith.addi %mul3A_392, %add3A_393 : i32
        %add3A_395 = arith.constant 6 : i32
        %add3A_396 = arith.addi %add3A_394, %add3A_395 : i32
        %sub3A_397 = arith.constant 1 : i32
        %sub3A_398 = arith.subi %add3A_396, %sub3A_397 : i32
        %dma_start3A_399 = arith.constant 0 : i32
        %dma_start3A_400 = arith.constant 0 : i32
        %dma_start3A_401 = tpu.memref_slice %arg2[%add3A, %sub3A_398, %dma_start3A_399, %dma_start3A_400] : memref<32x84x3x120xi32, #tpu.memory_space<hbm>> -> memref<1x1x3x120xi32, #tpu.memory_space<hbm>>
        %dma_start3A_402 = tpu.memref_squeeze %dma_start3A_401 : memref<1x1x3x120xi32, #tpu.memory_space<hbm>> -> memref<3x120xi32, #tpu.memory_space<hbm>>
        %dma_start3A_403 = arith.constant 0 : i32
        %dma_start3A_404 = arith.constant 0 : i32
        %dma_start3A_405 = tpu.memref_slice %arg2[%add3A, %sub3A_398, %dma_start3A_403, %dma_start3A_404] : memref<32x84x3x120xi32, #tpu.memory_space<hbm>> -> memref<1x1x3x120xi32, #tpu.memory_space<hbm>>
        %dma_start3A_406 = tpu.memref_squeeze %dma_start3A_405 : memref<1x1x3x120xi32, #tpu.memory_space<hbm>> -> memref<3x120xi32, #tpu.memory_space<hbm>>
        tpu.enqueue_dma source(%dma_start3A_406 : memref<3x120xi32, #tpu.memory_space<hbm>>) target(%arg10 : memref<3x120xi32, #tpu.memory_space<vmem>>) target_semaphore(%arg20 : memref<!tpu.dma_semaphore, #tpu.memory_space<semaphore_mem>>)
      } else {
      }
    }
    %scan3A_82 = arith.constant 14 : i32
    %dma_wait3A_83 = arith.constant 1 : i32
    %dma_wait3A_84 = arith.constant 0 : i32
    %dma_wait3A_85 = tpu.memref_slice %arg11[%dma_wait3A_83, %dma_wait3A_84] : memref<3x120xi32, #tpu.memory_space<vmem>> -> memref<1x120xi32, #tpu.memory_space<vmem>>
    %dma_wait3A_86 = tpu.memref_squeeze %dma_wait3A_85 : memref<1x120xi32, #tpu.memory_space<vmem>> -> memref<120xi32, #tpu.memory_space<vmem>>
    %dma_wait3A_87 = arith.constant 0 : i32
    %dma_wait3A_88 = arith.constant 0 : i32
    %dma_wait3A_89 = tpu.memref_slice %arg15[%dma_wait3A_87, %dma_wait3A_88] : memref<10240x128xf32, #tpu.memory_space<vmem_shared>> -> memref<10240x128xf32, #tpu.memory_space<vmem_shared>>
    tpu.wait_indirect_dma semaphore(%arg27 : memref<!tpu.dma_semaphore, #tpu.memory_space<semaphore_mem>>) src(%arg14 : memref<120x128xf32, #tpu.memory_space<vmem>>) dst(%dma_wait3A_89 : memref<10240x128xf32, #tpu.memory_space<vmem_shared>>)
    %barrier3A_90 = arith.constant 0 : index
    tpu.barrier barrier_id(%barrier3A_90)
    %mul3A_91 = arith.constant 640 : i32
    %mul3A_92 = arith.muli %arg1, %mul3A_91 : i32
    %mul3A_93 = arith.constant 10240 : i32
    %mul3A_94 = arith.muli %arg0, %mul3A_93 : i32
    %mul3A_95 = arith.constant 640 : i32
    %mul3A_96 = arith.muli %arg1, %mul3A_95 : i32
    %add3A_97 = arith.addi %mul3A_94, %mul3A_96 : i32
    "tpu.region"() ({
      %run_scoped3A = tpu.sem_alloc : memref<!tpu.dma_semaphore, #tpu.memory_space<semaphore_mem>>
      %dma_start3A_98 = arith.constant 0 : i32
      %dma_start3A_99 = tpu.memref_slice %arg5[%add3A_97, %dma_start3A_98] : memref<20480x128xf32, #tpu.memory_space<hbm>> -> memref<640x128xf32, #tpu.memory_space<hbm>>
      %dma_start3A_100 = arith.constant 0 : i32
      %dma_start3A_101 = tpu.memref_slice %arg15[%mul3A_92, %dma_start3A_100] : memref<10240x128xf32, #tpu.memory_space<vmem_shared>> -> memref<640x128xf32, #tpu.memory_space<vmem_shared>>
      tpu.enqueue_dma source(%dma_start3A_101 : memref<640x128xf32, #tpu.memory_space<vmem_shared>>) target(%dma_start3A_99 : memref<640x128xf32, #tpu.memory_space<hbm>>) target_semaphore(%run_scoped3A : memref<!tpu.dma_semaphore, #tpu.memory_space<semaphore_mem>>)
      %dma_wait3A_102 = arith.constant 0 : i32
      %dma_wait3A_103 = tpu.memref_slice %arg5[%add3A_97, %dma_wait3A_102] : memref<20480x128xf32, #tpu.memory_space<hbm>> -> memref<640x128xf32, #tpu.memory_space<hbm>>
      %dma_wait3A_104 = arith.constant 0 : i32
      %dma_wait3A_105 = tpu.memref_slice %arg15[%mul3A_92, %dma_wait3A_104] : memref<10240x128xf32, #tpu.memory_space<vmem_shared>> -> memref<640x128xf32, #tpu.memory_space<vmem_shared>>
      tpu.wait_dma2 semaphore(%run_scoped3A : memref<!tpu.dma_semaphore, #tpu.memory_space<semaphore_mem>>) src(%dma_wait3A_105 : memref<640x128xf32, #tpu.memory_space<vmem_shared>>) dst(%dma_wait3A_103 : memref<640x128xf32, #tpu.memory_space<hbm>>)
      tpu.yield
    }) : () -> ()
    return
  }
}

module attributes {stable_mosaic.version = 14 : i64} {
  func.func @body(%arg0: i32, %arg1: memref<1000x128xf32, #tpu.memory_space<vmem>>, %arg2: memref<1000x128xf32, #tpu.memory_space<vmem>>, %arg3: memref<128x512xf32, #tpu.memory_space<vmem>>, %arg4: memref<1x512xf32, #tpu.memory_space<vmem>>, %arg5: memref<512x128xf32, #tpu.memory_space<vmem>>, %arg6: memref<1000x128xf32, #tpu.memory_space<vmem>>) attributes {dimension_semantics = [#tpu.dimension_semantics<arbitrary>], iteration_bounds = array<i64: 10>, scalar_prefetch = 0 : i64, scratch_operands = 0 : i64, tpu.core_type = #tpu.core_type<tc>, window_params = [{transform_indices = @transform_0, window_bounds = array<i64: 1000, 128>}, {transform_indices = @transform_1, window_bounds = array<i64: 1000, 128>}, {pipeline_mode = #tpu.pipeline_mode<synchronous>, transform_indices = @transform_2, window_bounds = array<i64: 128, 512>}, {pipeline_mode = #tpu.pipeline_mode<synchronous>, transform_indices = @transform_3, window_bounds = array<i64: 1, 512>}, {pipeline_mode = #tpu.pipeline_mode<synchronous>, transform_indices = @transform_4, window_bounds = array<i64: 512, 128>}, {transform_indices = @transform_5, window_bounds = array<i64: 1000, 128>}]} {
    %get3A = arith.constant 0 : index
    %get3A_0 = arith.constant 0 : index
    %get3A_1 = vector.load %arg1[%get3A, %get3A_0] : memref<1000x128xf32, #tpu.memory_space<vmem>>, vector<1000x128xf32>
    %get3A_2 = arith.constant 0 : index
    %get3A_3 = arith.constant 0 : index
    %get3A_4 = vector.load %arg2[%get3A_2, %get3A_3] : memref<1000x128xf32, #tpu.memory_space<vmem>>, vector<1000x128xf32>
    %add3A = arith.addf %get3A_1, %get3A_4 : vector<1000x128xf32>
    %get3A_5 = arith.constant 0 : index
    %get3A_6 = arith.constant 0 : index
    %get3A_7 = vector.load %arg3[%get3A_5, %get3A_6] : memref<128x512xf32, #tpu.memory_space<vmem>>, vector<128x512xf32>
    %dot_general3A = arith.constant dense<0.000000e+00> : vector<1000x512xf32>
    %dot_general3A_8 = tpu.matmul %add3A, %get3A_7, %dot_general3A {dimension_numbers = #tpu.dot_dimension_numbers<[1], [0], [0], [1], [0, 0, 1, 1], [], []>, transpose_lhs_hint = false} : vector<1000x128xf32>, vector<128x512xf32>, vector<1000x512xf32> -> vector<1000x512xf32>
    %get3A_9 = arith.constant 0 : index
    %get3A_10 = arith.constant 0 : index
    %get3A_11 = vector.load %arg4[%get3A_9, %get3A_10] : memref<1x512xf32, #tpu.memory_space<vmem>>, vector<1x512xf32>
    %add3A_12 = vector.broadcast %get3A_11 : vector<1x512xf32> to vector<1000x512xf32>
    %add3A_13 = arith.addf %dot_general3A_8, %add3A_12 : vector<1000x512xf32>
    %ge3A = arith.constant 0.000000e+00 : f32
    %ge3A_14 = vector.broadcast %ge3A : f32 to vector<1000x512xf32>
    %ge3A_15 = arith.cmpf oge, %add3A_13, %ge3A_14 : vector<1000x512xf32>
    %mul3A = arith.constant 2.500000e-01 : f32
    %mul3A_16 = vector.broadcast %mul3A : f32 to vector<1000x512xf32>
    %mul3A_17 = arith.mulf %mul3A_16, %add3A_13 : vector<1000x512xf32>
    %select_n3A = arith.select %ge3A_15, %add3A_13, %mul3A_17 : vector<1000x512xi1>, vector<1000x512xf32>
    %get3A_18 = arith.constant 0 : index
    %get3A_19 = arith.constant 0 : index
    %get3A_20 = vector.load %arg5[%get3A_18, %get3A_19] : memref<512x128xf32, #tpu.memory_space<vmem>>, vector<512x128xf32>
    %dot_general3A_21 = arith.constant dense<0.000000e+00> : vector<1000x128xf32>
    %dot_general3A_22 = tpu.matmul %select_n3A, %get3A_20, %dot_general3A_21 {dimension_numbers = #tpu.dot_dimension_numbers<[1], [0], [0], [1], [0, 0, 1, 1], [], []>, transpose_lhs_hint = false} : vector<1000x512xf32>, vector<512x128xf32>, vector<1000x128xf32> -> vector<1000x128xf32>
    %swap3A = arith.constant 0 : index
    %swap3A_23 = arith.constant 0 : index
    %swap3A_24 = vector.load %arg6[%swap3A, %swap3A_23] : memref<1000x128xf32, #tpu.memory_space<vmem>>, vector<1000x128xf32>
    tpu.vector_store %arg6[%swap3A, %swap3A_23], %dot_general3A_22 {strides = array<i32>} : memref<1000x128xf32, #tpu.memory_space<vmem>>, vector<1000x128xf32>,
    return
  }
  func.func @transform_0(%arg0: i32) -> (i32, i32) {
    %c0_i32 = arith.constant 0 : i32
    %c0_i32_0 = arith.constant 0 : i32
    return %arg0, %c0_i32 : i32, i32
  }
  func.func @transform_1(%arg0: i32) -> (i32, i32) {
    %c0_i32 = arith.constant 0 : i32
    %c0_i32_0 = arith.constant 0 : i32
    return %arg0, %c0_i32 : i32, i32
  }
  func.func @transform_2(%arg0: i32) -> (i32, i32) {
    %c0_i32 = arith.constant 0 : i32
    %c0_i32_0 = arith.constant 0 : i32
    %c0_i32_1 = arith.constant 0 : i32
    return %c0_i32, %c0_i32_0 : i32, i32
  }
  func.func @transform_3(%arg0: i32) -> (i32, i32) {
    %c0_i32 = arith.constant 0 : i32
    %c0_i32_0 = arith.constant 0 : i32
    %c0_i32_1 = arith.constant 0 : i32
    return %c0_i32, %c0_i32_0 : i32, i32
  }
  func.func @transform_4(%arg0: i32) -> (i32, i32) {
    %c0_i32 = arith.constant 0 : i32
    %c0_i32_0 = arith.constant 0 : i32
    %c0_i32_1 = arith.constant 0 : i32
    return %c0_i32, %c0_i32_0 : i32, i32
  }
  func.func @transform_5(%arg0: i32) -> (i32, i32) {
    %c0_i32 = arith.constant 0 : i32
    %c0_i32_0 = arith.constant 0 : i32
    return %arg0, %c0_i32 : i32, i32
  }
}

module attributes {stable_mosaic.version = 14 : i64} {
  func.func @body(%arg0: i32, %arg1: memref<1000x128xf32, #tpu.memory_space<vmem>>, %arg2: memref<128x512xf32, #tpu.memory_space<vmem>>, %arg3: memref<1x512xf32, #tpu.memory_space<vmem>>, %arg4: memref<512x256xf32, #tpu.memory_space<vmem>>, %arg5: memref<1x256xf32, #tpu.memory_space<vmem>>, %arg6: memref<256x128xf32, #tpu.memory_space<vmem>>, %arg7: memref<1x128xf32, #tpu.memory_space<vmem>>, %arg8: memref<1000x128xf32, #tpu.memory_space<vmem>>, %arg9: memref<1000x128xf32, #tpu.memory_space<vmem>>, %arg10: memref<1x128xf32, #tpu.memory_space<vmem>>, %arg11: memref<128x128xf32, #tpu.memory_space<vmem>>, %arg12: memref<128x128xf32, #tpu.memory_space<vmem>>, %arg13: memref<1x128xf32, #tpu.memory_space<vmem>>, %arg14: memref<1x128xf32, #tpu.memory_space<vmem>>, %arg15: memref<1x1xf32, #tpu.memory_space<vmem>>, %arg16: memref<1000x128xf32, #tpu.memory_space<vmem>>, %arg17: memref<1000x128xf32, #tpu.memory_space<vmem>>, %arg18: memref<1000x128xf32, #tpu.memory_space<vmem>>) attributes {dimension_semantics = [#tpu.dimension_semantics<arbitrary>], iteration_bounds = array<i64: 10>, scalar_prefetch = 0 : i64, scratch_operands = 0 : i64, tpu.core_type = #tpu.core_type<tc>, window_params = [{transform_indices = @transform_0, window_bounds = array<i64: 1000, 128>}, {pipeline_mode = #tpu.pipeline_mode<synchronous>, transform_indices = @transform_1, window_bounds = array<i64: 128, 512>}, {pipeline_mode = #tpu.pipeline_mode<synchronous>, transform_indices = @transform_2, window_bounds = array<i64: 1, 512>}, {pipeline_mode = #tpu.pipeline_mode<synchronous>, transform_indices = @transform_3, window_bounds = array<i64: 512, 256>}, {pipeline_mode = #tpu.pipeline_mode<synchronous>, transform_indices = @transform_4, window_bounds = array<i64: 1, 256>}, {pipeline_mode = #tpu.pipeline_mode<synchronous>, transform_indices = @transform_5, window_bounds = array<i64: 256, 128>}, {pipeline_mode = #tpu.pipeline_mode<synchronous>, transform_indices = @transform_6, window_bounds = array<i64: 1, 128>}, {transform_indices = @transform_7, window_bounds = array<i64: 1000, 128>}, {transform_indices = @transform_8, window_bounds = array<i64: 1000, 128>}, {pipeline_mode = #tpu.pipeline_mode<synchronous>, transform_indices = @transform_9, window_bounds = array<i64: 1, 128>}, {pipeline_mode = #tpu.pipeline_mode<synchronous>, transform_indices = @transform_10, window_bounds = array<i64: 128, 128>}, {pipeline_mode = #tpu.pipeline_mode<synchronous>, transform_indices = @transform_11, window_bounds = array<i64: 128, 128>}, {pipeline_mode = #tpu.pipeline_mode<synchronous>, transform_indices = @transform_12, window_bounds = array<i64: 1, 128>}, {pipeline_mode = #tpu.pipeline_mode<synchronous>, transform_indices = @transform_13, window_bounds = array<i64: 1, 128>}, {pipeline_mode = #tpu.pipeline_mode<synchronous>, transform_indices = @transform_14, window_bounds = array<i64: 1, 1>}, {transform_indices = @transform_15, window_bounds = array<i64: 1000, 128>}, {transform_indices = @transform_16, window_bounds = array<i64: 1000, 128>}, {transform_indices = @transform_17, window_bounds = array<i64: 1000, 128>}]} {
    %get3A = arith.constant 0 : index
    %get3A_0 = arith.constant 0 : index
    %get3A_1 = vector.load %arg1[%get3A, %get3A_0] : memref<1000x128xf32, #tpu.memory_space<vmem>>, vector<1000x128xf32>
    %get3A_2 = arith.constant 0 : index
    %get3A_3 = arith.constant 0 : index
    %get3A_4 = vector.load %arg2[%get3A_2, %get3A_3] : memref<128x512xf32, #tpu.memory_space<vmem>>, vector<128x512xf32>
    %dot_general3A = arith.constant dense<0.000000e+00> : vector<1000x512xf32>
    %dot_general3A_5 = tpu.matmul %get3A_1, %get3A_4, %dot_general3A {dimension_numbers = #tpu.dot_dimension_numbers<[1], [0], [0], [1], [0, 0, 1, 1], [], []>, transpose_lhs_hint = false} : vector<1000x128xf32>, vector<128x512xf32>, vector<1000x512xf32> -> vector<1000x512xf32>
    %get3A_6 = arith.constant 0 : index
    %get3A_7 = arith.constant 0 : index
    %get3A_8 = vector.load %arg3[%get3A_6, %get3A_7] : memref<1x512xf32, #tpu.memory_space<vmem>>, vector<1x512xf32>
    %add3A = vector.broadcast %get3A_8 : vector<1x512xf32> to vector<1000x512xf32>
    %add3A_9 = arith.addf %dot_general3A_5, %add3A : vector<1000x512xf32>
    %ge3A = arith.constant 0.000000e+00 : f32
    %ge3A_10 = vector.broadcast %ge3A : f32 to vector<1000x512xf32>
    %ge3A_11 = arith.cmpf oge, %add3A_9, %ge3A_10 : vector<1000x512xf32>
    %mul3A = arith.constant 2.000000e-01 : f32
    %mul3A_12 = vector.broadcast %mul3A : f32 to vector<1000x512xf32>
    %mul3A_13 = arith.mulf %mul3A_12, %add3A_9 : vector<1000x512xf32>
    %select_n3A = arith.select %ge3A_11, %add3A_9, %mul3A_13 : vector<1000x512xi1>, vector<1000x512xf32>
    %get3A_14 = arith.constant 0 : index
    %get3A_15 = arith.constant 0 : index
    %get3A_16 = vector.load %arg4[%get3A_14, %get3A_15] : memref<512x256xf32, #tpu.memory_space<vmem>>, vector<512x256xf32>
    %dot_general3A_17 = arith.constant dense<0.000000e+00> : vector<1000x256xf32>
    %dot_general3A_18 = tpu.matmul %select_n3A, %get3A_16, %dot_general3A_17 {dimension_numbers = #tpu.dot_dimension_numbers<[1], [0], [0], [1], [0, 0, 1, 1], [], []>, transpose_lhs_hint = false} : vector<1000x512xf32>, vector<512x256xf32>, vector<1000x256xf32> -> vector<1000x256xf32>
    %get3A_19 = arith.constant 0 : index
    %get3A_20 = arith.constant 0 : index
    %get3A_21 = vector.load %arg5[%get3A_19, %get3A_20] : memref<1x256xf32, #tpu.memory_space<vmem>>, vector<1x256xf32>
    %add3A_22 = vector.broadcast %get3A_21 : vector<1x256xf32> to vector<1000x256xf32>
    %add3A_23 = arith.addf %dot_general3A_18, %add3A_22 : vector<1000x256xf32>
    %ge3A_24 = arith.constant 0.000000e+00 : f32
    %ge3A_25 = vector.broadcast %ge3A_24 : f32 to vector<1000x256xf32>
    %ge3A_26 = arith.cmpf oge, %add3A_23, %ge3A_25 : vector<1000x256xf32>
    %mul3A_27 = arith.constant 2.000000e-01 : f32
    %mul3A_28 = vector.broadcast %mul3A_27 : f32 to vector<1000x256xf32>
    %mul3A_29 = arith.mulf %mul3A_28, %add3A_23 : vector<1000x256xf32>
    %select_n3A_30 = arith.select %ge3A_26, %add3A_23, %mul3A_29 : vector<1000x256xi1>, vector<1000x256xf32>
    %get3A_31 = arith.constant 0 : index
    %get3A_32 = arith.constant 0 : index
    %get3A_33 = vector.load %arg6[%get3A_31, %get3A_32] : memref<256x128xf32, #tpu.memory_space<vmem>>, vector<256x128xf32>
    %dot_general3A_34 = arith.constant dense<0.000000e+00> : vector<1000x128xf32>
    %dot_general3A_35 = tpu.matmul %select_n3A_30, %get3A_33, %dot_general3A_34 {dimension_numbers = #tpu.dot_dimension_numbers<[1], [0], [0], [1], [0, 0, 1, 1], [], []>, transpose_lhs_hint = false} : vector<1000x256xf32>, vector<256x128xf32>, vector<1000x128xf32> -> vector<1000x128xf32>
    %get3A_36 = arith.constant 0 : index
    %get3A_37 = arith.constant 0 : index
    %get3A_38 = vector.load %arg7[%get3A_36, %get3A_37] : memref<1x128xf32, #tpu.memory_space<vmem>>, vector<1x128xf32>
    %add3A_39 = vector.broadcast %get3A_38 : vector<1x128xf32> to vector<1000x128xf32>
    %add3A_40 = arith.addf %dot_general3A_35, %add3A_39 : vector<1000x128xf32>
    %swap3A = arith.constant 0 : index
    %swap3A_41 = arith.constant 0 : index
    %swap3A_42 = vector.load %arg17[%swap3A, %swap3A_41] : memref<1000x128xf32, #tpu.memory_space<vmem>>, vector<1000x128xf32>
    tpu.vector_store %arg17[%swap3A, %swap3A_41], %add3A_40 {strides = array<i32>} : memref<1000x128xf32, #tpu.memory_space<vmem>>, vector<1000x128xf32>,
    %get3A_43 = arith.constant 0 : index
    %get3A_44 = arith.constant 0 : index
    %get3A_45 = vector.load %arg8[%get3A_43, %get3A_44] : memref<1000x128xf32, #tpu.memory_space<vmem>>, vector<1000x128xf32>
    %get3A_46 = arith.constant 0 : index
    %get3A_47 = arith.constant 0 : index
    %get3A_48 = vector.load %arg9[%get3A_46, %get3A_47] : memref<1000x128xf32, #tpu.memory_space<vmem>>, vector<1000x128xf32>
    %add3A_49 = arith.addf %get3A_45, %get3A_48 : vector<1000x128xf32>
    %get3A_50 = arith.constant 0 : index
    %get3A_51 = arith.constant 0 : index
    %get3A_52 = vector.load %arg10[%get3A_50, %get3A_51] : memref<1x128xf32, #tpu.memory_space<vmem>>, vector<1x128xf32>
    %add3A_53 = vector.broadcast %get3A_52 : vector<1x128xf32> to vector<1000x128xf32>
    %add3A_54 = arith.addf %add3A_49, %add3A_53 : vector<1000x128xf32>
    %ge3A_55 = arith.constant 0.000000e+00 : f32
    %ge3A_56 = vector.broadcast %ge3A_55 : f32 to vector<1000x128xf32>
    %ge3A_57 = arith.cmpf oge, %add3A_54, %ge3A_56 : vector<1000x128xf32>
    %mul3A_58 = arith.constant 2.500000e-01 : f32
    %mul3A_59 = vector.broadcast %mul3A_58 : f32 to vector<1000x128xf32>
    %mul3A_60 = arith.mulf %mul3A_59, %add3A_54 : vector<1000x128xf32>
    %select_n3A_61 = arith.select %ge3A_57, %add3A_54, %mul3A_60 : vector<1000x128xi1>, vector<1000x128xf32>
    %swap3A_62 = arith.constant 0 : index
    %swap3A_63 = arith.constant 0 : index
    %swap3A_64 = vector.load %arg18[%swap3A_62, %swap3A_63] : memref<1000x128xf32, #tpu.memory_space<vmem>>, vector<1000x128xf32>
    tpu.vector_store %arg18[%swap3A_62, %swap3A_63], %select_n3A_61 {strides = array<i32>} : memref<1000x128xf32, #tpu.memory_space<vmem>>, vector<1000x128xf32>,
    %get3A_65 = arith.constant 0 : index
    %get3A_66 = arith.constant 0 : index
    %get3A_67 = vector.load %arg11[%get3A_65, %get3A_66] : memref<128x128xf32, #tpu.memory_space<vmem>>, vector<128x128xf32>
    %dot_general3A_68 = arith.constant dense<0.000000e+00> : vector<1000x128xf32>
    %dot_general3A_69 = tpu.matmul %add3A_40, %get3A_67, %dot_general3A_68 {dimension_numbers = #tpu.dot_dimension_numbers<[1], [0], [0], [1], [0, 0, 1, 1], [], []>, transpose_lhs_hint = false} : vector<1000x128xf32>, vector<128x128xf32>, vector<1000x128xf32> -> vector<1000x128xf32>
    %get3A_70 = arith.constant 0 : index
    %get3A_71 = arith.constant 0 : index
    %get3A_72 = vector.load %arg12[%get3A_70, %get3A_71] : memref<128x128xf32, #tpu.memory_space<vmem>>, vector<128x128xf32>
    %dot_general3A_73 = arith.constant dense<0.000000e+00> : vector<1000x128xf32>
    %dot_general3A_74 = tpu.matmul %select_n3A_61, %get3A_72, %dot_general3A_73 {dimension_numbers = #tpu.dot_dimension_numbers<[1], [0], [0], [1], [0, 0, 1, 1], [], []>, transpose_lhs_hint = false} : vector<1000x128xf32>, vector<128x128xf32>, vector<1000x128xf32> -> vector<1000x128xf32>
    %add3A_75 = arith.addf %dot_general3A_69, %dot_general3A_74 : vector<1000x128xf32>
    %get3A_76 = arith.constant 0 : index
    %get3A_77 = arith.constant 0 : index
    %get3A_78 = vector.load %arg13[%get3A_76, %get3A_77] : memref<1x128xf32, #tpu.memory_space<vmem>>, vector<1x128xf32>
    %add3A_79 = vector.broadcast %get3A_78 : vector<1x128xf32> to vector<1000x128xf32>
    %add3A_80 = arith.addf %add3A_75, %add3A_79 : vector<1000x128xf32>
    %tanh3A = math.tanh %add3A_80 : vector<1000x128xf32>
    %get3A_81 = arith.constant 0 : index
    %get3A_82 = arith.constant 0 : index
    %get3A_83 = vector.load %arg14[%get3A_81, %get3A_82] : memref<1x128xf32, #tpu.memory_space<vmem>>, vector<1x128xf32>
    %mul3A_84 = vector.broadcast %get3A_83 : vector<1x128xf32> to vector<1000x128xf32>
    %mul3A_85 = arith.mulf %tanh3A, %mul3A_84 : vector<1000x128xf32>
    %reduce_sum3A = arith.constant dense<0.000000e+00> : vector<1000xf32>
    %reduce_sum3A_86 = vector.multi_reduction <add>, %mul3A_85, %reduce_sum3A [1] : vector<1000x128xf32> to vector<1000xf32>
    %broadcast_in_dim3A = vector.shape_cast %reduce_sum3A_86 : vector<1000xf32> to vector<1000x1xf32>
    %get3A_87 = arith.constant 0 : index
    %get3A_88 = arith.constant 0 : index
    %get3A_89 = vector.load %arg15[%get3A_87, %get3A_88] : memref<1x1xf32, #tpu.memory_space<vmem>>, vector<1x1xf32>
    %add3A_90 = vector.broadcast %get3A_89 : vector<1x1xf32> to vector<1000x1xf32>
    %add3A_91 = arith.addf %broadcast_in_dim3A, %add3A_90 : vector<1000x1xf32>
    %neg3A = arith.constant 0.000000e+00 : f32
    %neg3A_92 = vector.broadcast %neg3A : f32 to vector<1000x1xf32>
    %neg3A_93 = arith.subf %neg3A_92, %add3A_91 : vector<1000x1xf32>
    %exp3A = math.exp %neg3A_93 : vector<1000x1xf32>
    %add3A_94 = arith.constant 1.000000e+00 : f32
    %add3A_95 = vector.broadcast %add3A_94 : f32 to vector<1000x1xf32>
    %add3A_96 = arith.addf %add3A_95, %exp3A : vector<1000x1xf32>
    %div3A = arith.constant 1.000000e+00 : f32
    %div3A_97 = vector.broadcast %div3A : f32 to vector<1000x1xf32>
    %div3A_98 = arith.divf %div3A_97, %add3A_96 : vector<1000x1xf32>
    %mul3A_99 = vector.broadcast %div3A_98 : vector<1000x1xf32> to vector<1000x128xf32>
    %mul3A_100 = arith.mulf %mul3A_99, %add3A_40 : vector<1000x128xf32>
    %sub3A = arith.constant 1.000000e+00 : f32
    %sub3A_101 = vector.broadcast %sub3A : f32 to vector<1000x1xf32>
    %sub3A_102 = arith.subf %sub3A_101, %div3A_98 : vector<1000x1xf32>
    %mul3A_103 = vector.broadcast %sub3A_102 : vector<1000x1xf32> to vector<1000x128xf32>
    %mul3A_104 = arith.mulf %mul3A_103, %select_n3A_61 : vector<1000x128xf32>
    %add3A_105 = arith.addf %mul3A_100, %mul3A_104 : vector<1000x128xf32>
    %swap3A_106 = arith.constant 0 : index
    %swap3A_107 = arith.constant 0 : index
    %swap3A_108 = vector.load %arg16[%swap3A_106, %swap3A_107] : memref<1000x128xf32, #tpu.memory_space<vmem>>, vector<1000x128xf32>
    tpu.vector_store %arg16[%swap3A_106, %swap3A_107], %add3A_105 {strides = array<i32>} : memref<1000x128xf32, #tpu.memory_space<vmem>>, vector<1000x128xf32>,
    return
  }
  func.func @transform_0(%arg0: i32) -> (i32, i32) {
    %c0_i32 = arith.constant 0 : i32
    %c0_i32_0 = arith.constant 0 : i32
    return %arg0, %c0_i32 : i32, i32
  }
  func.func @transform_1(%arg0: i32) -> (i32, i32) {
    %c0_i32 = arith.constant 0 : i32
    %c0_i32_0 = arith.constant 0 : i32
    %c0_i32_1 = arith.constant 0 : i32
    return %c0_i32, %c0_i32_0 : i32, i32
  }
  func.func @transform_2(%arg0: i32) -> (i32, i32) {
    %c0_i32 = arith.constant 0 : i32
    %c0_i32_0 = arith.constant 0 : i32
    %c0_i32_1 = arith.constant 0 : i32
    return %c0_i32, %c0_i32_0 : i32, i32
  }
  func.func @transform_3(%arg0: i32) -> (i32, i32) {
    %c0_i32 = arith.constant 0 : i32
    %c0_i32_0 = arith.constant 0 : i32
    %c0_i32_1 = arith.constant 0 : i32
    return %c0_i32, %c0_i32_0 : i32, i32
  }
  func.func @transform_4(%arg0: i32) -> (i32, i32) {
    %c0_i32 = arith.constant 0 : i32
    %c0_i32_0 = arith.constant 0 : i32
    %c0_i32_1 = arith.constant 0 : i32
    return %c0_i32, %c0_i32_0 : i32, i32
  }
  func.func @transform_5(%arg0: i32) -> (i32, i32) {
    %c0_i32 = arith.constant 0 : i32
    %c0_i32_0 = arith.constant 0 : i32
    %c0_i32_1 = arith.constant 0 : i32
    return %c0_i32, %c0_i32_0 : i32, i32
  }
  func.func @transform_6(%arg0: i32) -> (i32, i32) {
    %c0_i32 = arith.constant 0 : i32
    %c0_i32_0 = arith.constant 0 : i32
    %c0_i32_1 = arith.constant 0 : i32
    return %c0_i32, %c0_i32_0 : i32, i32
  }
  func.func @transform_7(%arg0: i32) -> (i32, i32) {
    %c0_i32 = arith.constant 0 : i32
    %c0_i32_0 = arith.constant 0 : i32
    return %arg0, %c0_i32 : i32, i32
  }
  func.func @transform_8(%arg0: i32) -> (i32, i32) {
    %c0_i32 = arith.constant 0 : i32
    %c0_i32_0 = arith.constant 0 : i32
    return %arg0, %c0_i32 : i32, i32
  }
  func.func @transform_9(%arg0: i32) -> (i32, i32) {
    %c0_i32 = arith.constant 0 : i32
    %c0_i32_0 = arith.constant 0 : i32
    %c0_i32_1 = arith.constant 0 : i32
    return %c0_i32, %c0_i32_0 : i32, i32
  }
  func.func @transform_10(%arg0: i32) -> (i32, i32) {
    %c0_i32 = arith.constant 0 : i32
    %c0_i32_0 = arith.constant 0 : i32
    %c0_i32_1 = arith.constant 0 : i32
    return %c0_i32, %c0_i32_0 : i32, i32
  }
  func.func @transform_11(%arg0: i32) -> (i32, i32) {
    %c0_i32 = arith.constant 0 : i32
    %c0_i32_0 = arith.constant 0 : i32
    %c0_i32_1 = arith.constant 0 : i32
    return %c0_i32, %c0_i32_0 : i32, i32
  }
  func.func @transform_12(%arg0: i32) -> (i32, i32) {
    %c0_i32 = arith.constant 0 : i32
    %c0_i32_0 = arith.constant 0 : i32
    %c0_i32_1 = arith.constant 0 : i32
    return %c0_i32, %c0_i32_0 : i32, i32
  }
  func.func @transform_13(%arg0: i32) -> (i32, i32) {
    %c0_i32 = arith.constant 0 : i32
    %c0_i32_0 = arith.constant 0 : i32
    %c0_i32_1 = arith.constant 0 : i32
    return %c0_i32, %c0_i32_0 : i32, i32
  }
  func.func @transform_14(%arg0: i32) -> (i32, i32) {
    %c0_i32 = arith.constant 0 : i32
    %c0_i32_0 = arith.constant 0 : i32
    %c0_i32_1 = arith.constant 0 : i32
    return %c0_i32, %c0_i32_0 : i32, i32
  }
  func.func @transform_15(%arg0: i32) -> (i32, i32) {
    %c0_i32 = arith.constant 0 : i32
    %c0_i32_0 = arith.constant 0 : i32
    return %arg0, %c0_i32 : i32, i32
  }
  func.func @transform_16(%arg0: i32) -> (i32, i32) {
    %c0_i32 = arith.constant 0 : i32
    %c0_i32_0 = arith.constant 0 : i32
    return %arg0, %c0_i32 : i32, i32
  }
  func.func @transform_17(%arg0: i32) -> (i32, i32) {
    %c0_i32 = arith.constant 0 : i32
    %c0_i32_0 = arith.constant 0 : i32
    return %arg0, %c0_i32 : i32, i32
  }
}

</mosaic_0001>

<sc_bundles>
// kernel: kernel.6.cloned.1.call-start
scs
__scs_entry_jumppad:
0x0: {  	(pc) =	sbr.rel $0x88, $3  }
0x1: {  	(tag) =	ssettag $0x0;
	lr =	simm.s32 $0x1  }
0x2: {  	[smem:$0x3F90] =	sst lr;
	_ =	strace $0xD0000000  }
0x3: {  	_ = 	snop  }
0x4: {  	_ = 	snop  }
0x5: {  	_ = 	snop  }
0x6: {  	_ = 	snop  }
0x7: {  	_ = 	snop  }
__scs_overlays_trampoline_lowered:
0x8: {  	[smem:$0x3F9F] =	sst s0  }
0x9: {  	[smem:$0x3FA0] =	sst s1  }
0xa: {  	[smem:$0x3FA1] =	sst s2  }
0xb: {  	[smem:$0x3FA2] =	sst s3  }
0xc: {  	[smem:$0x3FA3] =	sst s4  }
0xd: {  	[smem:$0x3FA4] =	sst s5  }
0xe: {  	[smem:$0x3FA5] =	sst s6  }
0xf: {  	[smem:$0x3FA6] =	sst s7  }
0x10: {  	[smem:$0x3FA7] =	sst s8  }
0x11: {  	[smem:$0x3FA8] =	sst s9;
	s0 =	simm.s32 @!p0 $0x0  }
0x12: {  	s1 =	sld [smem:$0x3F8E];
	s0 =	simm.s32 @p0 $0x1  }
0x13: {  	[smem:$0x3FA9] =	sst s0;
	s0 =	simm.s32 @!p1 $0x0  }
0x14: {  	s2 =	sld [smem:$0x3F8D];
	s0 =	simm.s32 @p1 $0x1  }
0x15: {  	[smem:$0x3FAA] =	sst s0;
	s0 =	simm.s32 @!p2 $0x0  }
0x16: {  	s3 =	sld [smem:$0x3FDB];
	s0 =	simm.s32 @p2 $0x1  }
0x17: {  	s4 =	simm.s32 $0x1BF5;
	[smem:$0x3FAC] =	sst s0  }
0x18: {  	s0 =	sld [smem:$0x3F8F];
	_ =	swait.ge [sflag:s4], $0x0  }
0x19: {  	s7 =	sld [smem:$0x3F90]  }
0x1a: {  	s8 =	sadd.s32 $0xFFFFE003, lr  }
0x1b: {  	s9 =	sadd.s32 $0xFFFFFEF7, lr;
	s5 =	simm.s32 $0xFFFFFFFF;
	p2 =	slt.u32 s8, $0xFFFFF086  }
0x1c: {  	p1 =	slt.u32 s9, $0xF7A;
	s5 =	simm.s32 @!p2 $0x0  }
0x1d: {  	s5 =	simm.s32 @p1 $0x1;
	p0 =	seq.s32 s7, s2  }
0x1e: {  	s7 =	smul.u32 @!p0 $0xF7A, s2;
	p2 =	seq.s32 @!p0 s5, $0x0  }
0x1f: {  	s9 =	smul.u32 $0xF7A, s1;
	s8 =	simm.s32 @!p0 $0x1BF5;
	p2 =	por !p2, p0  }
0x20: {  	[sflag:s8] =	ssyncset.s32 @!p0 $0xFFFFF086;
	s6 =	sadd.s32 @!p0 s3, s7;
	s7 =	simm.s32 @!p0 $0x108  }
0x21: {  	s3 =	sadd.s32 s3, s9;
	s6 =	sadd.s32 @!p0 $0x88, s6;
	s7 =	simm.s32 @p2 $0x1082  }
0x22: {  	[simem:s7], [sflag:s8] =	dma.local @!p0 [hbm:s6], $0xF7A  }
0x23: {  	s9 =	sor.u32 $0xD0000000, s2;
	s6 =	simm.s32 $0x108;
	_ =	swait.ge @!p0 [sflag:s8], $0x0  }
0x24: {  	s3 =	sadd.s32 $0x88, s3;
	s6 =	simm.s32 @!p1 $0x1082;
	[sflag:s4] =	ssyncset.s32 $0xFFFFF086  }
0x25: {  	[simem:s6], [sflag:s4] =	dma.local [hbm:s3], $0xF7A  }
0x26: {  	[smem:$0x3F90] =	sst s1;
	(tag) =	ssettag s2;
	_ =	strace s9  }
0x27: {  	s1 =	sld [smem:$0x3FA0]  }
0x28: {  	s2 =	sld [smem:$0x3FA1]  }
0x29: {  	s4 =	sld [smem:$0x3FA3]  }
0x2a: {  	p0 =	seq.s32 s5, $0x0;
	s5 =	sld [smem:$0x3FA4]  }
0x2b: {  	s6 =	sld [smem:$0x3FA5]  }
0x2c: {  	s7 =	sld [smem:$0x3FA6]  }
0x2d: {  	s3 =	simm.s32 $0x108;
	s8 =	sld [smem:$0x3FA7]  }
0x2e: {  	s3 =	simm.s32 @!p0 $0x1082;
	s9 =	sld [smem:$0x3FA8]  }
0x2f: {  	lr =	sadd.s32 s0, s3;
	s0 =	sld [smem:$0x3F9F]  }
0x30: {  	s3 =	sld [smem:$0x3FA2]  }
0x31: {  	[smem:$0x3FAB] =	sst s10  }
0x32: {  	s10 =	sld [smem:$0x3FA9];
	_ =	sdelay $0x3  }
0x33: {  	p0 =	seq.s32 s10, $0x1;
	s10 =	sld [smem:$0x3FAB];
	_ =	sdelay $0x3  }
0x34: {  	[smem:$0x3FAB] =	sst s10  }
0x35: {  	s10 =	sld [smem:$0x3FAA];
	_ =	sdelay $0x3  }
0x36: {  	p1 =	seq.s32 s10, $0x1;
	s10 =	sld [smem:$0x3FAB];
	_ =	sdelay $0x3  }
0x37: {  	[smem:$0x3FAB] =	sst s10  }
0x38: {  	s10 =	sld [smem:$0x3FAC]  }
0x39: {  	_ = 	snop;
	(pc) =	sbr.ind lr, $3  }
0x3a: {  	_ = 	snop  }
0x3b: {  	_ = 	snop  }
0x3c: {  	p2 =	seq.s32 s10, $0x1;
	s10 =	sld [smem:$0x3FAB]  }
0x3d: {  	_ =	shalt  }
0x3e: {  	_ =	shalt  }
0x3f: {  	_ =	shalt  }
0x40: {  	_ =	shalt  }
0x41: {  	_ =	shalt  }
0x42: {  	_ =	shalt  }
0x43: {  	_ =	shalt  }
0x44: {  	_ =	shalt  }
0x45: {  	_ =	shalt  }
0x46: {  	_ =	shalt  }
0x47: {  	_ =	shalt  }
0x48: {  	_ =	shalt  }
0x49: {  	_ =	shalt  }
0x4a: {  	_ =	shalt  }
0x4b: {  	_ =	shalt  }
0x4c: {  	_ =	shalt  }
0x4d: {  	_ =	shalt  }
0x4e: {  	_ =	shalt  }
0x4f: {  	_ =	shalt  }
0x50: {  	_ =	shalt  }
0x51: {  	_ =	shalt  }
0x52: {  	_ =	shalt  }
0x53: {  	_ =	shalt  }
0x54: {  	_ =	shalt  }
0x55: {  	_ =	shalt  }
0x56: {  	_ =	shalt  }
0x57: {  	_ =	shalt  }
0x58: {  	_ =	shalt  }
0x59: {  	_ =	shalt  }
0x5a: {  	_ =	shalt  }
0x5b: {  	_ =	shalt  }
0x5c: {  	_ =	shalt  }
0x5d: {  	_ =	shalt  }
0x5e: {  	_ =	shalt  }
0x5f: {  	_ =	shalt  }
0x60: {  	_ =	shalt  }
0x61: {  	_ =	shalt  }
0x62: {  	_ =	shalt  }
0x63: {  	_ =	shalt  }
0x64: {  	_ =	shalt  }
0x65: {  	_ =	shalt  }
0x66: {  	_ =	shalt  }
0x67: {  	_ =	shalt  }
0x68: {  	_ =	shalt  }
0x69: {  	_ =	shalt  }
0x6a: {  	_ =	shalt  }
0x6b: {  	_ =	shalt  }
0x6c: {  	_ =	shalt  }
0x6d: {  	_ =	shalt  }
0x6e: {  	_ =	shalt  }
0x6f: {  	_ =	shalt  }
0x70: {  	_ =	shalt  }
0x71: {  	_ =	shalt  }
0x72: {  	_ =	shalt  }
0x73: {  	_ =	shalt  }
0x74: {  	_ =	shalt  }
0x75: {  	_ =	shalt  }
0x76: {  	_ =	shalt  }
0x77: {  	_ =	shalt  }
0x78: {  	_ =	shalt  }
0x79: {  	_ =	shalt  }
0x7a: {  	_ =	shalt  }
0x7b: {  	_ =	shalt  }
0x7c: {  	_ =	shalt  }
0x7d: {  	_ =	shalt  }
0x7e: {  	_ =	shalt  }
0x7f: {  	_ =	shalt  }
0x80: {  	_ =	shalt  }
0x81: {  	_ =	shalt  }
0x82: {  	_ =	shalt  }
0x83: {  	_ =	shalt  }
0x84: {  	_ =	shalt  }
0x85: {  	_ =	shalt  }
0x86: {  	_ =	shalt  }
0x87: {  	_ =	shalt  }
.Lfunc_end0:
.L_simem_size_0:
called_computation_lowered:
.L_overlay_start_0:
0x88: {  	s2 =	sld [smem:$0x3FD9]  }
0x89: {  	s3 =	sld [smem:$0x3FFE];
	_ =	sdelay $0x1  }
0x8a: {  	s1 =	srdreg.scid  }
0x8b: {  	s0 =	sand.u32 $0x1, s1  }
0x8c: {  	s14 =	sshll.u32 s0, $0xA;
	s2 =	sadd.s32 s3, s2  }
0x8d: {  	s2 =	sadd.s32 s2, s14  }
0x8e: {  	[smem:$0x3FB7] =	sst s2  }
0x8f: {  	_ = 	snop  }
0x90: {  	s2 =	sld [smem:$0x3FD0];
	_ =	sdelay $0x2  }
0x91: {  	s4 =	simm.s32 $0xA;
	s5 =	simm.s32 $0x10;
	s15 =	sld [smem:$0x3FC9]  }
0x92: {  	[smem:s5], [sflag:s4] =	dma.local [hbm:s2], $0x1  }
0x93: {  	_ =	swait.eq [sflag:s4], $0x1  }
0x94: {  	[sflag:s4] =	ssyncset.done $0x0  }
0x95: {  	[sflag:s4] =	ssyncadd.s32 $0xFFFFFFFF  }
0x96: {  	s16 =	sld [smem:$0x11];
	(tm) =	ssettm $0x1  }
0x97: {  	s17 =	sld [smem:$0x3FFB];
	_ =	sdelay $0x3  }
0x98: {  	_ =	strace s17  }
0x99: {  	s4 =	sld [smem:$0x3FFC];
	_ =	sdelay $0x3  }
0x9a: {  	_ =	strace s4  }
0x9b: {  	s4 =	sld [smem:$0x3FFD];
	_ =	sdelay $0x3  }
0x9c: {  	_ =	strace s4  }
0x9d: {  	_ =	strace $0x8FFFFFFF  }
0x9e: {  	s18 =	sld [smem:$0x3FDB];
	_ =	sdelay $0x1  }
0x9f: {  	s19 =	simm.s32 $_scs_section_size  }
0xa0: {  	s6 =	simm.s32 $_size__tile_overlayer_lowered;
	s7 =	simm.s32 $_tile_overlayer_lowered  }
0xa1: {  	s22 =	simm.s32 $0x1BFF;
	s21 =	sshll.u32 s7, $0x1;
	s4 =	sadd.s32 s19, s18  }
0xa2: {  	s8 =	simm.s32 $0x0;
	s20 =	sshll.u32 s6, $0x1;
	s6 =	sadd.s32 s21, s4  }
0xa3: {  	[timem:s8], [sflag:s22] =	dma.local [hbm:s6], s20  }
0xa4: {  	_ =	swait.ge [sflag:s22], s20  }
0xa5: {  	s5 =	ssub.s32 $0x0, s20;
	[sflag:s22] =	ssyncset.done $0x0  }
0xa6: {  	[sflag:s22] =	ssyncadd.s32 s5;
	_ =	sdelay $0x1  }
0xa7: {  	s23 =	simm.s32 $0x1B8B  }
0xa8: {  	_ =	swait.ge [sflag:s23], $0x1  }
0xa9: {  	[sflag:s23] =	ssyncset.done $0x0  }
0xaa: {  	s25 =	simm.s32 $0x1B8E;
	s24 =	sld [smem:$0x3FFE];
	[sflag:s23] =	ssyncadd.s32 $0xFFFFFFFF  }
0xab: {  	s26 =	simm.s32 $execute0_lowered;
	[smem:$0x3FD2] =	sst s25  }
0xac: {  	s6 =	sshll.u32 s26, $0x1;
	_ =	strace $0x80000046;
	[dreg:$0x1] =	wrdreg $0xFFFFFFFF  }
0xad: {  	s28 =	simm.s32 $_size_execute0_lowered;
	s4 =	sadd.s32 s4, s6;
	[dreg:$0x0] =	wrdreg $0x0  }
0xae: {  	s6 =	sshll.u32 s28, $0x1;
	[dreg:$0x2] =	wrdreg s4  }
0xaf: {  	[dreg:$0x3] =	wrdreg s6  }
0xb0: {  	[dreg:$0x4] =	wrdreg $0xC0  }
0xb1: {  	_ =	task [dreg:s8], $0x5FFFF  }
0xb2: {  	[dreg:$0x1] =	wrdreg $0xFFFFFFFF  }
0xb3: {  	[dreg:$0x0] =	wrdreg $0x60  }
0xb4: {  	[dreg:$0x2] =	wrdreg s24  }
0xb5: {  	[dreg:$0x3] =	wrdreg s15  }
0xb6: {  	[dreg:$0x4] =	wrdreg s16  }
0xb7: {  	[dreg:$0x5] =	wrdreg $0xC0000  }
0xb8: {  	[dreg:$0x6] =	wrdreg $0x9  }
0xb9: {  	_ =	task.clear_ibuf [dreg:s8], $0x7FFFF;
	_ =	strace $0x90000046  }
0xba: {  	s29 =	simm.s32 $0x9;
	_ =	strace $0x80000048  }
0xbb: {  	_ =	swait.ge [sflag:s29], $0x1  }
0xbc: {  	[sflag:s29] =	ssyncadd.s32 $0xFFFFFFFF  }
0xbd: {  	_ =	strace $0x90000048  }
0xbe: {  	_ =	sfence  }
0xbf: {  	s30 =	sld [smem:$0x0];
	_ =	sdelay $0x2  }
0xc0: {  	s31 =	sshll.u32 s1, $0xD;
	s1 =	sshrl.u32 s1, $0x2  }
0xc1: {  	s3 =	sand.u32 $0x4000, s31;
	s1 =	sadd.s32 s1, s30  }
0xc2: {  	s0 =	sor.u32 s3, s0;
	s1 =	sshll.u32 s1, $0x11  }
0xc3: {  	s0 =	sor.u32 s1, s0  }
0xc4: {  	s0 =	sadd.s32 $0x8F2B, s0  }
0xc5: {  	[sflag:s0] =	ssyncadd.remote.s32 $0x1  }
0xc6: {  	_ =	sfence.sel $0xFFFF  }
0xc7: {  	[dreg:$0x0] =	wrdreg $0xFFFFFFFF;
	(pc) =	sbr.abs _section_cstart, $3  }
0xc8: {  	[dreg:$0x1] =	wrdreg $0xFFFFFFFF  }
0xc9: {  	_ =	task.clear_ibuf [dreg:s8], $0x2FFFF;
	_ =	strace $0x9FFFFFFF  }
0xca: {  	(tm) =	ssettm $0x7FFFFFFF  }
0xcb: {  	_ =	shalt  }
tec
execute0_lowered:
.L_overlay_start_1:
0x0: {  	(tag) =	ssettag $0x1  }
0x1: {  	s0 =	rddreg [dreg:$0x0]  }
0x2: {  	s1 =	rddreg [dreg:$0x1]  }
0x3: {  	s4 =	rddreg [dreg:$0x3];
	s5 =	simm.s32 $0x0;
	s2 =	srdreg.scid  }
0x4: {  	s10 =	stileid.u32;
	s29 =	simm.s32 $0x78;
	s30 =	simm.s32 $0xC00  }
0x5: {  	s31 =	simm.s32 $0x2;
	s11 =	simm.s32 $0xA00;
	s12 =	simm.s32 $0x8  }
0x6: {  	s28 =	simm.s32 $0x9;
	[smem:$0x7FF] =	sst s5;
	s3 =	smul.u32 $0x2800, s10  }
0x7: {  	s2 =	sand.u32 $0x1, s2;
	s7 =	sshll.u32 s10, $0x1;
	s15 =	smul.u32 $0x50000, s10  }
0x8: {  	s17 =	sshll.u32 s10, $0x6;
	s10 =	simm.s32 $0x8400;
	_ =	strace $0x80000047  }
0x9: {  	s6 =	smul.u32 $0x28000, s2;
	s8 =	ssub.s32 $0x2, s2;
	s2 =	sor.u32 s2, s7  }
0xa: {  	s13 =	sor.u32 $0x1C0D, s17;
	s9 =	sshrl.u32 s8, $0x1;
	s2 =	smul.u32 $0xA800, s2  }
0xb: {  	s7 =	sshrl.u32 s15, $0x2;
	s15 =	simm.s32 $0xD;
	[dreg:$0x5] =	wrdreg s13  }
0xc: {  	s3 =	sadd.s32 s3, s6;
	s6 =	sadd.s32 $0x3000, s0;
	s16 =	ssub.s32 s8, s9  }
0xd: {  	s7 =	sadd.s32 s7, s4;
	s0 =	sadd.s32 s3, s0;
	s22 =	sadd.s32 $0xA00, s2  }
0xe: {  	s18 =	sshrl.u32 s2, $0x3;
	s23 =	sadd.s32 $0xC00, s2;
	[dreg:$0xb] =	wrdreg s22  }
0xf: {  	s24 =	sadd.s32 $0xE00, s2;
	s25 =	sadd.s32 $0x1000, s2;
	[dreg:$0xc] =	wrdreg s23  }
0x10: {  	s17 =	sadd.s32 $0x1200, s2;
	s2 =	sadd.s32 $0x1400, s2;
	[dreg:$0xd] =	wrdreg s24  }
0x11: {  	s26 =	smax.u32 s16, $0x1;
	s14 =	sshrl.u32 s7, $0x3;
	[dreg:$0xe] =	wrdreg s25  }
0x12: {  	s3 =	simm.s32 $0x7;
	s7 =	simm.s32 $0x6;
	[dreg:$0xf] =	wrdreg s2  }
0x13: {  	s16 =	simm.s32 $0x0;
	s19 =	sadd.s32 s6, s18;
	[dreg:$0x11] =	wrdreg s26  }
0x14: {  	s0 =	sadd.s32 $0x2D000, s0;
	s23 =	simm.s32 $0x200;
	[dreg:$0x12] =	wrdreg s14  }
0x15: {  	s24 =	simm.s32 $0x400;
	s25 =	simm.s32 $0x600;
	[dreg:$0x6] =	wrdreg s19  }
0x16: {  	s26 =	simm.s32 $0x800;
	s9 =	sadd.s32 $0x40, s19;
	[dreg:$0x10] =	wrdreg s0  }
.Ltmp0:
0x17: {  	s20 =	sadd.s32 $0x80, s19;
	[dreg:$0x7] =	wrdreg s9;
	(pc) =	sbr.rel .LBB2_1-.Ltmp0, $4  }
0x18: {  	s22 =	simm.s32 $0x5;
	s21 =	sadd.s32 $0xC0, s19;
	[dreg:$0x8] =	wrdreg s20  }
0x19: {  	s8 =	sadd.s32 $0x100, s19;
	s0 =	simm.s32 $0x4800;
	[dreg:$0x9] =	wrdreg s21  }
0x1a: {  	s19 =	simm.s32 $0xC;
	[dreg:$0xa] =	wrdreg s8;
	s9 =	simm.s32 $0x3  }
0x1b: {  	s20 =	simm.s32 $0xA;
	s8 =	simm.s32 $0x4;
	s21 =	simm.s32 $0xB  }
.LBB2_16:
0x1c: {  	_ =	swait.ge [sflag:s19], $0x3C00  }
0x1d: {  	[sflag:s19] =	ssyncset.done $0x0  }
0x1e: {  	[sflag:s19] =	ssyncadd.s32 $0xFFFFC400  }
0x1f: {  	[bflag:$0x0] =	sbarrier.arrive $0xFFFF  }
0x20: {  	s13 =	rddreg [dreg:$0x5]  }
0x21: {  	s2 =	rddreg [dreg:$0x10]  }
0x22: {  	s15 =	simm.s32 $0xD;
	s14 =	rddreg [dreg:$0x12]  }
0x23: {  	[hbm:s2], [sflag:s13] =	dma.local [spmem:s14], $0x2800  }
0x24: {  	_ =	swait.ge [sflag:s15], $0x2800  }
0x25: {  	s16 =	rddreg [dreg:$0x13]  }
0x26: {  	s18 =	rddreg [dreg:$0x11];
	s16 =	sadd.s32 $0x1, s16  }
0x27: {  	p0 =	sne.s32 s16, s18  }
.Ltmp1:
0x28: {  	_ = 	snop;
	(pc) =	sbr.rel @!p0 .LBB2_17-.Ltmp1, $3  }
0x29: {  	_ =	sdelay $0x1  }
0x2a: {  	[sflag:s15] =	ssyncset.done $0x0  }
0x2b: {  	[sflag:s15] =	ssyncadd.s32 $0xFFFFD800  }
.LBB2_1:
0x2c: {  	[dreg:$0x13] =	wrdreg s16  }
0x2d: {  	s2 =	rddreg [dreg:$0x2]  }
0x2e: {  	[spmem:s14], [sflag:s13] =	dma.local [hbm:s2], $0x2800  }
0x2f: {  	_ =	swait.ge [sflag:s15], $0x2800  }
0x30: {  	[sflag:s15] =	ssyncset.done $0x0  }
0x31: {  	[sflag:s15] =	ssyncadd.s32 $0xFFFFD800  }
0x32: {  	[bflag:$0x0] =	sbarrier.arrive $0xFFFF  }
0x33: {  	s18 =	rddreg [dreg:$0x6]  }
0x34: {  	[tilespmem:s5], [sflag:$0x1] =	stream.linear.gather [hbm4b:s18+s5], $0x180, $0x38;
	v63 =	vld [tilespmem:$0x0]  }
0x35: {  	s13 =	rddreg [dreg:$0x7]  }
0x36: {  	[tilespmem:s23], [sflag:$0x2] =	stream.linear.gather [hbm4b:s13+s5], $0x180, $0x38;
	v63 =	vld [tilespmem:$0x0]  }
0x37: {  	s14 =	rddreg [dreg:$0x8]  }
0x38: {  	[tilespmem:s24], [sflag:$0x3] =	stream.linear.gather [hbm4b:s14+s5], $0x180, $0x38;
	v63 =	vld [tilespmem:$0x0]  }
0x39: {  	s15 =	rddreg [dreg:$0x9]  }
0x3a: {  	[tilespmem:s25], [sflag:$0x4] =	stream.linear.gather [hbm4b:s15+s5], $0x180, $0x38;
	v63 =	vld [tilespmem:$0x0]  }
0x3b: {  	s16 =	rddreg [dreg:$0xa];
	s18 =	simm.s32 $0x1  }
0x3c: {  	[tilespmem:s26], [sflag:$0x5] =	stream.linear.gather [hbm4b:s16+s5], $0x180, $0x38;
	v63 =	vld [tilespmem:$0x0]  }
0x3d: {  	_ =	swait.ge [sflag:s18], $0x180  }
0x3e: {  	[sflag:s18] =	ssyncset.done $0x0  }
0x3f: {  	[sflag:s18] =	ssyncadd.s32 $0xFFFFFE80  }
0x40: {  	[tilespmem:s30], [sflag:$0x7] =	stream.indirect.gather [hbm4b:s1+s29], $0x80, s5, s29, $0xb8;
	v63 =	vld [tilespmem:$0x0]  }
0x41: {  	_ =	swait.ge [sflag:s31], $0x180  }
0x42: {  	[sflag:s31] =	ssyncset.done $0x0  }
0x43: {  	s2 =	simm.s32 $0x0;
	[sflag:s31] =	ssyncadd.s32 $0xFFFFFE80  }
0x44: {  	[tilespmem:s0], [sflag:$0x8] =	stream.indirect.gather [hbm4b:s1+s29], $0x80, s23, s29, $0xb8;
	v63 =	vld [tilespmem:$0x0]  }
.LBB2_2:
0x45: {  	s13 =	simm.s32 $0x0  }
0x46: {  	s14 =	simm.s32 $0x3;
	v0 =	vmov s13  }
0x47: {  	v1 =	vmov s14;
	v0 =	vand.u32 $0x7C, v0  }
0x48: {  	v1 =	vand.u32 $0x7F, v1;
	v0 =	vor.u32 $0x100, v0  }
0x49: {  	v1 =	vor.u32 $0x100, v1;
	v0 =	vbroadcast v0, $0x0  }
0x4a: {  	_ =	swait.ge [sflag:s3], $0x3C00;
	v1 =	vbroadcast v1, $0x0  }
0x4b: {  	[sflag:s3] =	ssyncset.done $0x0  }
0x4c: {  	s18 =	simm.s32 $0xD00;
	[sflag:s3] =	ssyncadd.s32 $0xFFFFC400  }
0x4d: {  	v4 =	vld [tilespmem:s18+$0xFFFFFF00]  }
0x4e: {  	s15 =	simm.s32 $0x1;
	v5 =	vld [tilespmem:s18+$0xFFFFFF10]  }
0x4f: {  	v3 =	vmov s15;
	v2 =	vld.idx.msk [tilespmem:v0+s5+$0x0], $0xffff  }
0x50: {  	v0 =	vld.idx.msk [tilespmem:v1+s5+$0x0], $0xffff;
	v1 =	vand.u32 $0x7D, v3  }
0x51: {  	v6 =	vld [tilespmem:s18+$0xFFFFFF20];
	v1 =	vor.u32 $0x100, v1  }
0x52: {  	v3 =	vld [tilespmem:s18+$0xF0];
	v1 =	vbroadcast v1, $0x0  }
0x53: {  	v7 =	vld [tilespmem:s18+$0xFFFFFF30]  }
0x54: {  	v8 =	vld [tilespmem:s18+$0xFFFFFF40]  }
0x55: {  	v9 =	vld [tilespmem:s18+$0xFFFFFF50];
	v4 =	vmul.f32 v2, v4  }
0x56: {  	v10 =	vld [tilespmem:s18+$0xFFFFFF60]  }
0x57: {  	s16 =	simm.s32 $0x2;
	v3 =	vmul.f32 v0, v3;
	[tilespmem:s18+$0xFFFFFF00] =	vst v4;
	v4 =	vld [tilespmem:s18+$0xFFFFFF70]  }
0x58: {  	v11 =	vmov s16;
	v5 =	vmul.f32 v2, v5;
	v12 =	vld.idx.msk [tilespmem:v1+s5+$0x0], $0xffff  }
0x59: {  	[tilespmem:s18+$0xF0] =	vst v3;
	v3 =	vmul.f32 v2, v6;
	v1 =	vand.u32 $0x7E, v11;
	v11 =	vld [tilespmem:s18+$0xFFFFFF80]  }
0x5a: {  	v6 =	vld [tilespmem:s18+$0xFFFFFF90];
	[tilespmem:s18+$0xFFFFFF10] =	vst v5;
	v5 =	vmul.f32 v2, v7;
	v1 =	vor.u32 $0x100, v1  }
0x5b: {  	v7 =	vld [tilespmem:s18+$0xFFFFFFA0];
	[tilespmem:s18+$0xFFFFFF20] =	vst v3;
	v3 =	vmul.f32 v2, v8;
	v1 =	vbroadcast v1, $0x0  }
0x5c: {  	v8 =	vld [tilespmem:s18+$0xFFFFFFB0];
	[tilespmem:s18+$0xFFFFFF30] =	vst v5;
	v5 =	vmul.f32 v2, v9  }
0x5d: {  	v10 =	vmul.f32 v2, v10;
	v9 =	vld [tilespmem:s18+$0xFFFFFFC0];
	[tilespmem:s18+$0xFFFFFF40] =	vst v3;
	v2 =	vmul.f32 v2, v4  }
0x5e: {  	[tilespmem:s18+$0xFFFFFF50] =	vst v5;
	v5 =	vld [tilespmem:s18+$0xFFFFFFE0];
	v3 =	vmul.f32 v12, v11  }
0x5f: {  	v11 =	vld [tilespmem:s18+$0xFFFFFFD0];
	[tilespmem:s18+$0xFFFFFF70] =	vst v2  }
0x60: {  	v2 =	vmul.f32 v12, v7;
	[tilespmem:s18+$0xFFFFFF80] =	vst v3;
	v3 =	vmul.f32 v12, v6;
	v6 =	vld [tilespmem:s18+$0x0]  }
0x61: {  	[tilespmem:s18+$0xFFFFFF60] =	vst v10;
	v1 =	vld.idx.msk [tilespmem:v1+s5+$0x0], $0xffff  }
0x62: {  	v4 =	vld [tilespmem:s18+$0xFFFFFFF0];
	[tilespmem:s18+$0xFFFFFFA0] =	vst v2;
	v2 =	vmul.f32 v12, v9  }
0x63: {  	v7 =	vld [tilespmem:s18+$0x10];
	[tilespmem:s18+$0xFFFFFF90] =	vst v3;
	v3 =	vmul.f32 v12, v8  }
0x64: {  	v5 =	vmul.f32 v12, v5;
	v8 =	vld [tilespmem:s18+$0x20];
	[tilespmem:s18+$0xFFFFFFC0] =	vst v2  }
0x65: {  	s14 =	simm.s32 $0x4;
	v9 =	vld [tilespmem:s18+$0x30];
	[tilespmem:s18+$0xFFFFFFB0] =	vst v3;
	v3 =	vmul.f32 v12, v11  }
0x66: {  	s15 =	simm.s32 $0x5;
	v10 =	vmov s14;
	v2 =	vld [tilespmem:s18+$0x40];
	[tilespmem:s18+$0xFFFFFFE0] =	vst v5;
	v6 =	vmul.f32 v1, v6  }
0x67: {  	s16 =	simm.s32 $0x6;
	v62 =	vmov s15;
	v10 =	vand.u32 $0x7C, v10;
	v11 =	vmul.f32 v12, v4;
	[tilespmem:s18+$0xFFFFFFD0] =	vst v3;
	v3 =	vld [tilespmem:s18+$0x50]  }
0x68: {  	v5 =	vor.u32 $0x100, v10;
	v4 =	vld [tilespmem:s18+$0x60];
	v7 =	vmul.f32 v1, v7;
	[tilespmem:s18+$0x0] =	vst v6;
	v6 =	vmov s16  }
0x69: {  	[tilespmem:s18+$0xFFFFFFF0] =	vst v11;
	v11 =	vand.u32 $0x7D, v62;
	v8 =	vmul.f32 v1, v8;
	v10 =	vand.u32 $0x7E, v6;
	v6 =	vld [tilespmem:s18+$0x70]  }
0x6a: {  	s13 =	simm.s32 $0xD00;
	s15 =	simm.s32 $0x7;
	s14 =	simm.s32 $0x8;
	v5 =	vbroadcast v5, $0x0;
	v9 =	vmul.f32 v1, v9;
	v11 =	vor.u32 $0x100, v11;
	[tilespmem:s18+$0x10] =	vst v7;
	v7 =	vld [tilespmem:s18+$0x80]  }
.LBB2_3:
0x6b: {  	p0 =	slt.u32 s14, $0x74;
	v10 =	vor.u32 $0x100, v10;
	v12 =	vmov s15;
	[tilespmem:s18+$0x20] =	vst v8;
	v2 =	vmul.f32 v1, v2;
	v8 =	vld [tilespmem:s18+$0x90]  }
0x6c: {  	v11 =	vbroadcast v11, $0x0;
	v12 =	vand.u32 $0x7F, v12;
	[tilespmem:s18+$0x30] =	vst v9;
	v3 =	vmul.f32 v1, v3;
	v9 =	vld [tilespmem:s18+$0xA0]  }
0x6d: {  	v10 =	vbroadcast v10, $0x0;
	v12 =	vor.u32 $0x100, v12;
	[tilespmem:s18+$0x40] =	vst v2;
	v2 =	vmul.f32 v1, v4;
	v4 =	vld [tilespmem:s18+$0xB0]  }
0x6e: {  	v12 =	vbroadcast v12, $0x0;
	[tilespmem:s18+$0x50] =	vst v3;
	v1 =	vmul.f32 v1, v6;
	v3 =	vld [tilespmem:s18+$0xC0]  }
0x6f: {  	[tilespmem:s18+$0x60] =	vst v2;
	v2 =	vmul.f32 v0, v7;
	v6 =	vld [tilespmem:s18+$0xD0]  }
0x70: {  	[tilespmem:s18+$0x70] =	vst v1;
	v1 =	vmul.f32 v0, v8;
	v7 =	vld [tilespmem:s18+$0xE0]  }
0x71: {  	v5 =	vld.idx.msk [tilespmem:v5+s5+$0x0], $0xffff;
	[tilespmem:s18+$0x80] =	vst v2;
	v2 =	vmul.f32 v0, v9  }
0x72: {  	v8 =	vld.idx.msk [tilespmem:v11+s5+$0x0], $0xffff;
	[tilespmem:s18+$0x90] =	vst v1;
	v4 =	vmul.f32 v0, v4  }
0x73: {  	v1 =	vld.idx.msk [tilespmem:v10+s5+$0x0], $0xffff;
	[tilespmem:s18+$0xA0] =	vst v2;
	v2 =	vmul.f32 v0, v3  }
0x74: {  	s18 =	sadd.s32 $0x200, s18;
	v3 =	vld.idx.msk [tilespmem:v12+s5+$0x0], $0xffff;
	[tilespmem:s13+$0xB0] =	vst v4;
	v4 =	vmul.f32 v0, v6  }
0x75: {  	v6 =	vld [tilespmem:s18+$0xF0];
	[tilespmem:s13+$0xC0] =	vst v2;
	v0 =	vmul.f32 v0, v7  }
0x76: {  	v2 =	vld [tilespmem:s18+$0xFFFFFF00];
	[tilespmem:s13+$0xD0] =	vst v4  }
0x77: {  	v4 =	vld [tilespmem:s18+$0xFFFFFF10];
	[tilespmem:s13+$0xE0] =	vst v0;
	s13 =	smov.u32 s18  }
0x78: {  	v7 =	vld [tilespmem:s18+$0xFFFFFF20]  }
0x79: {  	v9 =	vld [tilespmem:s18+$0xFFFFFF30]  }
0x7a: {  	v0 =	vmov v3;
	v10 =	vld [tilespmem:s18+$0xFFFFFF40];
	v6 =	vmul.f32 v3, v6  }
0x7b: {  	v2 =	vmul.f32 v5, v2;
	v3 =	vld [tilespmem:s18+$0xFFFFFF50]  }
0x7c: {  	v4 =	vmul.f32 v5, v4;
	v11 =	vld [tilespmem:s18+$0xFFFFFF60];
	[tilespmem:s18+$0xF0] =	vst v6  }
0x7d: {  	[tilespmem:s18+$0xFFFFFF00] =	vst v2;
	v2 =	vmul.f32 v5, v7;
	v6 =	vld [tilespmem:s18+$0xFFFFFF70]  }
0x7e: {  	[tilespmem:s18+$0xFFFFFF10] =	vst v4;
	v4 =	vmul.f32 v5, v9;
	v7 =	vld [tilespmem:s18+$0xFFFFFF80]  }
0x7f: {  	[tilespmem:s18+$0xFFFFFF20] =	vst v2;
	v2 =	vmul.f32 v5, v10;
	v9 =	vld [tilespmem:s18+$0xFFFFFF90]  }
0x80: {  	[tilespmem:s18+$0xFFFFFF30] =	vst v4;
	v3 =	vmul.f32 v5, v3;
	v4 =	vld [tilespmem:s18+$0xFFFFFFA0]  }
0x81: {  	[tilespmem:s18+$0xFFFFFF40] =	vst v2;
	v2 =	vmul.f32 v5, v11;
	v10 =	vld [tilespmem:s18+$0xFFFFFFB0]  }
0x82: {  	[tilespmem:s18+$0xFFFFFF50] =	vst v3;
	v3 =	vmul.f32 v5, v6;
	v5 =	vld [tilespmem:s18+$0xFFFFFFC0]  }
0x83: {  	[tilespmem:s18+$0xFFFFFF60] =	vst v2;
	v2 =	vmul.f32 v8, v7;
	v6 =	vld [tilespmem:s18+$0xFFFFFFD0]  }
0x84: {  	[tilespmem:s18+$0xFFFFFF70] =	vst v3;
	v3 =	vmul.f32 v8, v9;
	v7 =	vld [tilespmem:s18+$0xFFFFFFE0]  }
0x85: {  	[tilespmem:s18+$0xFFFFFF80] =	vst v2;
	v2 =	vmul.f32 v8, v4;
	v4 =	vld [tilespmem:s18+$0xFFFFFFF0]  }
0x86: {  	[tilespmem:s18+$0xFFFFFF90] =	vst v3;
	v3 =	vmul.f32 v8, v10;
	v9 =	vld [tilespmem:s18+$0x0]  }
0x87: {  	[tilespmem:s18+$0xFFFFFFA0] =	vst v2;
	v2 =	vmul.f32 v8, v5;
	v5 =	vld [tilespmem:s18+$0x10]  }
0x88: {  	[tilespmem:s18+$0xFFFFFFB0] =	vst v3;
	v3 =	vmul.f32 v8, v6;
	v6 =	vld [tilespmem:s18+$0x20]  }
0x89: {  	[tilespmem:s18+$0xFFFFFFC0] =	vst v2;
	v7 =	vmul.f32 v8, v7;
	v12 =	vld [tilespmem:s18+$0x30]  }
.Ltmp2:
0x8a: {  	s15 =	sadd.s32 $0x1, s14;
	v10 =	vmov s14;
	[tilespmem:s18+$0xFFFFFFD0] =	vst v3;
	v4 =	vmul.f32 v8, v4;
	v2 =	vld [tilespmem:s18+$0x40];
	(pc) =	sbr.rel @p0 .LBB2_3-.Ltmp2, $4  }
0x8b: {  	v8 =	vand.u32 $0x7C, v10;
	v10 =	vmov s15;
	s15 =	sadd.s32 $0x2, s14;
	[tilespmem:s18+$0xFFFFFFE0] =	vst v7;
	v7 =	vmul.f32 v1, v9;
	v3 =	vld [tilespmem:s18+$0x50]  }
0x8c: {  	v9 =	vor.u32 $0x100, v8;
	v8 =	vmov s15;
	[tilespmem:s18+$0xFFFFFFF0] =	vst v4;
	v13 =	vmul.f32 v1, v5;
	v4 =	vld [tilespmem:s18+$0x60]  }
0x8d: {  	v11 =	vand.u32 $0x7D, v10;
	v10 =	vand.u32 $0x7E, v8;
	[tilespmem:s18+$0x0] =	vst v7;
	v8 =	vmul.f32 v1, v6;
	v6 =	vld [tilespmem:s18+$0x70]  }
0x8e: {  	s15 =	sadd.s32 $0x3, s14;
	s14 =	sadd.s32 $0x4, s14;
	v5 =	vbroadcast v9, $0x0;
	v11 =	vor.u32 $0x100, v11;
	[tilespmem:s18+$0x10] =	vst v13;
	v9 =	vmul.f32 v1, v12;
	v7 =	vld [tilespmem:s18+$0x80]  }
0x8f: {  	v13 =	vld [tilespmem:s18+$0x90]  }
0x90: {  	v14 =	vld [tilespmem:s18+$0xA0]  }
0x91: {  	v12 =	vmov s15;
	v10 =	vor.u32 $0x100, v10;
	v11 =	vbroadcast v11, $0x0;
	v15 =	vld [tilespmem:s18+$0xB0]  }
0x92: {  	v16 =	vld [tilespmem:s18+$0xC0];
	[tilespmem:s18+$0x20] =	vst v8;
	v2 =	vmul.f32 v1, v2;
	v12 =	vand.u32 $0x7F, v12;
	v10 =	vbroadcast v10, $0x0  }
0x93: {  	v8 =	vld [tilespmem:s18+$0xD0];
	[tilespmem:s18+$0x30] =	vst v9;
	v3 =	vmul.f32 v1, v3;
	v12 =	vor.u32 $0x100, v12  }
0x94: {  	v9 =	vld [tilespmem:s18+$0xE0];
	[tilespmem:s18+$0x40] =	vst v2;
	v2 =	vmul.f32 v1, v4;
	v12 =	vbroadcast v12, $0x0  }
0x95: {  	s14 =	sadd.s32 $0x200, s18;
	v4 =	vld.idx.msk [tilespmem:v5+s5+$0x0], $0xffff;
	[tilespmem:s18+$0x50] =	vst v3;
	v1 =	vmul.f32 v1, v6  }
0x96: {  	[tilespmem:s18+$0x60] =	vst v2;
	v2 =	vmul.f32 v0, v7;
	v7 =	vld [tilespmem:s14+$0xF0]  }
0x97: {  	[tilespmem:s18+$0x70] =	vst v1;
	v1 =	vmul.f32 v0, v13;
	v3 =	vld.idx.msk [tilespmem:v11+s5+$0x0], $0xffff  }
0x98: {  	[tilespmem:s18+$0x80] =	vst v2;
	v2 =	vmul.f32 v0, v14;
	v5 =	vld.idx.msk [tilespmem:v10+s5+$0x0], $0xffff  }
0x99: {  	[tilespmem:s18+$0x90] =	vst v1;
	v1 =	vmul.f32 v0, v15;
	v10 =	vld [tilespmem:s14+$0xFFFFFF00]  }
0x9a: {  	[tilespmem:s18+$0xA0] =	vst v2;
	v2 =	vmul.f32 v0, v16;
	v6 =	vld.idx.msk [tilespmem:v12+s5+$0x0], $0xffff  }
0x9b: {  	v11 =	vld [tilespmem:s14+$0xFFFFFF10];
	[tilespmem:s13+$0xB0] =	vst v1;
	v1 =	vmul.f32 v0, v8  }
0x9c: {  	v8 =	vld [tilespmem:s14+$0xFFFFFF20];
	v0 =	vmul.f32 v0, v9;
	[tilespmem:s13+$0xC0] =	vst v2  }
0x9d: {  	v2 =	vld [tilespmem:s14+$0xFFFFFF30];
	[tilespmem:s13+$0xD0] =	vst v1  }
0x9e: {  	v1 =	vld [tilespmem:s14+$0xFFFFFF40];
	[tilespmem:s13+$0xE0] =	vst v0;
	v0 =	vmul.f32 v4, v10  }
0x9f: {  	v9 =	vld [tilespmem:s14+$0xFFFFFF50];
	v7 =	vmul.f32 v6, v7  }
0xa0: {  	v10 =	vmul.f32 v4, v11;
	v11 =	vld [tilespmem:s14+$0xFFFFFF60];
	[tilespmem:s14+$0xFFFFFF00] =	vst v0  }
0xa1: {  	v0 =	vmul.f32 v4, v8;
	[tilespmem:s14+$0xF0] =	vst v7;
	v7 =	vld [tilespmem:s14+$0xFFFFFF70]  }
0xa2: {  	[tilespmem:s14+$0xFFFFFF10] =	vst v10;
	v8 =	vld [tilespmem:s14+$0xFFFFFF80];
	v2 =	vmul.f32 v4, v2  }
0xa3: {  	[tilespmem:s14+$0xFFFFFF20] =	vst v0;
	v0 =	vmul.f32 v4, v1;
	v1 =	vld [tilespmem:s14+$0xFFFFFF90]  }
0xa4: {  	[tilespmem:s14+$0xFFFFFF30] =	vst v2;
	v2 =	vmul.f32 v4, v9;
	v9 =	vld [tilespmem:s14+$0xFFFFFFA0]  }
0xa5: {  	v10 =	vld [tilespmem:s14+$0xFFFFFFB0];
	[tilespmem:s14+$0xFFFFFF40] =	vst v0;
	v0 =	vmul.f32 v4, v11  }
0xa6: {  	[tilespmem:s14+$0xFFFFFF50] =	vst v2;
	v2 =	vmul.f32 v4, v7;
	v4 =	vld [tilespmem:s14+$0xFFFFFFC0]  }
0xa7: {  	[tilespmem:s14+$0xFFFFFF60] =	vst v0;
	v0 =	vmul.f32 v3, v8;
	v7 =	vld [tilespmem:s14+$0xFFFFFFD0]  }
0xa8: {  	v1 =	vmul.f32 v3, v1;
	[tilespmem:s14+$0xFFFFFF70] =	vst v2;
	v2 =	vld [tilespmem:s14+$0xFFFFFFE0]  }
0xa9: {  	v8 =	vld [tilespmem:s14+$0xFFFFFFF0];
	[tilespmem:s14+$0xFFFFFF80] =	vst v0;
	v0 =	vmul.f32 v3, v9  }
0xaa: {  	v9 =	vld [tilespmem:s14+$0x0];
	[tilespmem:s14+$0xFFFFFF90] =	vst v1;
	v1 =	vmul.f32 v3, v10  }
0xab: {  	[tilespmem:s14+$0xFFFFFFA0] =	vst v0;
	v0 =	vmul.f32 v3, v4;
	v4 =	vld [tilespmem:s14+$0x10]  }
0xac: {  	[tilespmem:s14+$0xFFFFFFB0] =	vst v1;
	v1 =	vmul.f32 v3, v7;
	v7 =	vld [tilespmem:s14+$0x20]  }
0xad: {  	[tilespmem:s14+$0xFFFFFFC0] =	vst v0;
	v0 =	vmul.f32 v3, v2;
	v2 =	vld [tilespmem:s14+$0x30]  }
0xae: {  	[tilespmem:s14+$0xFFFFFFD0] =	vst v1;
	v1 =	vmul.f32 v3, v8;
	v3 =	vld [tilespmem:s14+$0x40]  }
0xaf: {  	v8 =	vld [tilespmem:s14+$0x50];
	[tilespmem:s14+$0xFFFFFFE0] =	vst v0;
	v0 =	vmul.f32 v5, v9  }
0xb0: {  	[tilespmem:s14+$0xFFFFFFF0] =	vst v1;
	v1 =	vmul.f32 v5, v4;
	v4 =	vld [tilespmem:s14+$0x60]  }
0xb1: {  	[tilespmem:s14+$0x0] =	vst v0;
	v0 =	vmul.f32 v5, v7;
	v7 =	vld [tilespmem:s14+$0x70]  }
0xb2: {  	[tilespmem:s14+$0x10] =	vst v1;
	v1 =	vmul.f32 v5, v2;
	v2 =	vld [tilespmem:s14+$0x80]  }
0xb3: {  	[tilespmem:s14+$0x20] =	vst v0;
	v0 =	vmul.f32 v5, v3;
	v3 =	vld [tilespmem:s14+$0x90]  }
0xb4: {  	[tilespmem:s14+$0x30] =	vst v1;
	v1 =	vmul.f32 v5, v8;
	v8 =	vld [tilespmem:s14+$0xA0]  }
0xb5: {  	[tilespmem:s14+$0x40] =	vst v0;
	v0 =	vmul.f32 v5, v4;
	v4 =	vld [tilespmem:s14+$0xB0]  }
0xb6: {  	[tilespmem:s14+$0x50] =	vst v1;
	v1 =	vmul.f32 v5, v7;
	v5 =	vld [tilespmem:s14+$0xC0]  }
0xb7: {  	[tilespmem:s14+$0x60] =	vst v0;
	v0 =	vmul.f32 v6, v2;
	v2 =	vld [tilespmem:s14+$0xD0]  }
0xb8: {  	[tilespmem:s14+$0x70] =	vst v1;
	v1 =	vmul.f32 v6, v3;
	v3 =	vld [tilespmem:s14+$0xE0]  }
0xb9: {  	[tilespmem:s14+$0x80] =	vst v0;
	v0 =	vmul.f32 v6, v8  }
0xba: {  	[tilespmem:s14+$0x90] =	vst v1;
	v1 =	vmul.f32 v6, v4  }
0xbb: {  	[tilespmem:s14+$0xA0] =	vst v0;
	v0 =	vmul.f32 v6, v5  }
0xbc: {  	[tilespmem:s14+$0xB0] =	vst v1;
	v1 =	vmul.f32 v6, v2  }
0xbd: {  	[tilespmem:s14+$0xC0] =	vst v0;
	v0 =	vmul.f32 v6, v3  }
0xbe: {  	p0 =	seq.s32 s2, $0x0;
	[tilespmem:s14+$0xD0] =	vst v1  }
0xbf: {  	s15 =	simm.s32 $0x80;
	s13 =	simm.s32 @!p0 $0xC;
	[tilespmem:s14+$0xE0] =	vst v0  }
0xc0: {  	[spmem:s4] =	stream.indirect.scatter.add.f32 [tilespmem:s30], [sflag:$0xA], $0x80, s15, s29, $0xb8;
	v63 =	vld [tilespmem:$0x0]  }
0xc1: {  	_ =	swait.ge @!p0 [sflag:s13], $0x3C00  }
0xc2: {  	[sflag:s13] =	ssyncset.done @!p0 $0x0  }
0xc3: {  	[sflag:s13] =	ssyncadd.s32 @!p0 $0xFFFFC400  }
0xc4: {  	s18 =	smul.u32 $0xC00, s2;
	s13 =	simm.s32 $0x0;
	_ =	swait.ge [sflag:s9], $0x180  }
0xc5: {  	s16 =	simm.s32 $0x3;
	v0 =	vmov s13;
	[sflag:s9] =	ssyncset.done $0x0;
	s15 =	rddreg [dreg:$0xb]  }
0xc6: {  	v1 =	vmov s16;
	v0 =	vand.u32 $0x7C, v0;
	[sflag:s9] =	ssyncadd.s32 $0xFFFFFE80;
	s14 =	sadd.s32 s18, s15  }
0xc7: {  	v1 =	vand.u32 $0x7F, v1;
	v0 =	vor.u32 $0x100, v0;
	[tilespmem:s10], [sflag:$0x9] =	stream.indirect.gather [hbm4b:s1+s29], $0x80, s24, s29, $0xb8;
	v63 =	vld [tilespmem:$0x0]  }
0xc8: {  	v1 =	vor.u32 $0x100, v1;
	s14 =	sshrl.u32 s14, $0x3;
	v0 =	vbroadcast v0, $0x0  }
0xc9: {  	v1 =	vbroadcast v1, $0x0;
	s14 =	sadd.s32 s6, s14  }
0xca: {  	[tilespmem:s11], [sflag:$0x6] =	stream.linear.gather [hbm4b:s14+s13], $0x180, $0x38;
	v63 =	vld [tilespmem:$0x0]  }
0xcb: {  	_ =	swait.ge [sflag:s12], $0x3C00  }
0xcc: {  	[sflag:s12] =	ssyncset.done $0x0  }
0xcd: {  	[sflag:s12] =	ssyncadd.s32 $0xFFFFC400  }
0xce: {  	s16 =	simm.s32 $0x1;
	v2 =	vld.idx.msk [tilespmem:v0+s23+$0x0], $0xffff  }
0xcf: {  	v3 =	vmov s16;
	s13 =	simm.s32 $0x4900;
	v0 =	vld.idx.msk [tilespmem:v1+s23+$0x0], $0xffff  }
0xd0: {  	v1 =	vand.u32 $0x7D, v3;
	v3 =	vld [tilespmem:s13+$0xF0]  }
0xd1: {  	v4 =	vld [tilespmem:s13+$0xFFFFFF00]  }
0xd2: {  	v5 =	vld [tilespmem:s13+$0xFFFFFF10]  }
0xd3: {  	v6 =	vld [tilespmem:s13+$0xFFFFFF20];
	v1 =	vor.u32 $0x100, v1  }
0xd4: {  	v7 =	vld [tilespmem:s13+$0xFFFFFF30];
	v1 =	vbroadcast v1, $0x0  }
0xd5: {  	v8 =	vld [tilespmem:s13+$0xFFFFFF40]  }
0xd6: {  	v9 =	vld [tilespmem:s13+$0xFFFFFF50];
	v4 =	vmul.f32 v2, v4  }
0xd7: {  	v10 =	vld [tilespmem:s13+$0xFFFFFF60];
	v3 =	vmul.f32 v0, v3  }
0xd8: {  	[tilespmem:s13+$0xFFFFFF00] =	vst v4;
	v4 =	vld [tilespmem:s13+$0xFFFFFF70]  }
0xd9: {  	s15 =	simm.s32 $0x2;
	v5 =	vmul.f32 v2, v5;
	[tilespmem:s13+$0xF0] =	vst v3;
	v3 =	vmul.f32 v2, v6;
	v6 =	vld [tilespmem:s13+$0xFFFFFF90]  }
0xda: {  	v11 =	vmov s15;
	v61 =	vld.idx.msk [tilespmem:v1+s23+$0x0], $0xffff  }
0xdb: {  	[tilespmem:s13+$0xFFFFFF10] =	vst v5;
	v5 =	vmul.f32 v2, v7;
	v1 =	vand.u32 $0x7E, v11;
	v11 =	vld [tilespmem:s13+$0xFFFFFF80]  }
0xdc: {  	v10 =	vmul.f32 v2, v10;
	v7 =	vld [tilespmem:s13+$0xFFFFFFA0];
	v1 =	vor.u32 $0x100, v1;
	[tilespmem:s13+$0xFFFFFF20] =	vst v3;
	v3 =	vmul.f32 v2, v8  }
0xdd: {  	v8 =	vld [tilespmem:s13+$0xFFFFFFB0];
	[tilespmem:s13+$0xFFFFFF30] =	vst v5;
	v5 =	vmul.f32 v2, v9;
	v1 =	vbroadcast v1, $0x0  }
0xde: {  	[tilespmem:s13+$0xFFFFFF60] =	vst v10;
	v9 =	vld [tilespmem:s13+$0xFFFFFFC0]  }
0xdf: {  	[tilespmem:s13+$0xFFFFFF50] =	vst v5;
	v5 =	vld [tilespmem:s13+$0xFFFFFFE0];
	v2 =	vmul.f32 v2, v4  }
0xe0: {  	[tilespmem:s13+$0xFFFFFF40] =	vst v3;
	v4 =	vld [tilespmem:s13+$0xFFFFFFF0];
	v3 =	vmul.f32 v61, v11  }
0xe1: {  	v11 =	vld [tilespmem:s13+$0xFFFFFFD0];
	[tilespmem:s13+$0xFFFFFF70] =	vst v2;
	v2 =	vmul.f32 v61, v7  }
0xe2: {  	[tilespmem:s13+$0xFFFFFF80] =	vst v3;
	v3 =	vmul.f32 v61, v6;
	v6 =	vld [tilespmem:s13+$0x0]  }
0xe3: {  	v1 =	vld.idx.msk [tilespmem:v1+s23+$0x0], $0xffff;
	[tilespmem:s13+$0xFFFFFFA0] =	vst v2;
	v2 =	vmul.f32 v61, v9  }
0xe4: {  	v7 =	vld [tilespmem:s13+$0x10];
	[tilespmem:s13+$0xFFFFFF90] =	vst v3;
	v3 =	vmul.f32 v61, v8  }
0xe5: {  	v5 =	vmul.f32 v61, v5;
	v8 =	vld [tilespmem:s13+$0x20];
	[tilespmem:s13+$0xFFFFFFC0] =	vst v2  }
0xe6: {  	s16 =	simm.s32 $0x4;
	v9 =	vld [tilespmem:s13+$0x30];
	[tilespmem:s13+$0xFFFFFFB0] =	vst v3;
	v3 =	vmul.f32 v61, v11  }
0xe7: {  	s15 =	simm.s32 $0x5;
	v10 =	vmov s16;
	v2 =	vld [tilespmem:s13+$0x40];
	[tilespmem:s13+$0xFFFFFFE0] =	vst v5;
	v11 =	vmul.f32 v61, v4  }
0xe8: {  	v62 =	vmov s15;
	s16 =	simm.s32 $0x6;
	v10 =	vand.u32 $0x7C, v10;
	[tilespmem:s13+$0xFFFFFFD0] =	vst v3;
	v6 =	vmul.f32 v1, v6;
	v3 =	vld [tilespmem:s13+$0x50]  }
0xe9: {  	v5 =	vor.u32 $0x100, v10;
	v10 =	vmov s16;
	v4 =	vld [tilespmem:s13+$0x60];
	v7 =	vmul.f32 v1, v7;
	[tilespmem:s13+$0xFFFFFFF0] =	vst v11  }
0xea: {  	v10 =	vand.u32 $0x7E, v10;
	v11 =	vand.u32 $0x7D, v62;
	v8 =	vmul.f32 v1, v8;
	[tilespmem:s13+$0x0] =	vst v6;
	v6 =	vld [tilespmem:s13+$0x70]  }
0xeb: {  	s15 =	simm.s32 $0x8;
	s14 =	simm.s32 $0x4900;
	s16 =	simm.s32 $0x7;
	v5 =	vbroadcast v5, $0x0;
	v9 =	vmul.f32 v1, v9;
	v11 =	vor.u32 $0x100, v11;
	[tilespmem:s13+$0x10] =	vst v7;
	v7 =	vld [tilespmem:s13+$0x80]  }
.LBB2_5:
0xec: {  	p0 =	slt.u32 s15, $0x74;
	v10 =	vor.u32 $0x100, v10;
	v12 =	vmov s16;
	[tilespmem:s13+$0x20] =	vst v8;
	v2 =	vmul.f32 v1, v2;
	v8 =	vld [tilespmem:s13+$0x90]  }
0xed: {  	v11 =	vbroadcast v11, $0x0;
	v12 =	vand.u32 $0x7F, v12;
	[tilespmem:s13+$0x30] =	vst v9;
	v3 =	vmul.f32 v1, v3;
	v9 =	vld [tilespmem:s13+$0xA0]  }
0xee: {  	v10 =	vbroadcast v10, $0x0;
	v12 =	vor.u32 $0x100, v12;
	[tilespmem:s13+$0x40] =	vst v2;
	v2 =	vmul.f32 v1, v4;
	v4 =	vld [tilespmem:s13+$0xB0]  }
0xef: {  	v12 =	vbroadcast v12, $0x0;
	[tilespmem:s13+$0x50] =	vst v3;
	v1 =	vmul.f32 v1, v6;
	v3 =	vld [tilespmem:s13+$0xC0]  }
0xf0: {  	[tilespmem:s13+$0x60] =	vst v2;
	v2 =	vmul.f32 v0, v7;
	v6 =	vld [tilespmem:s13+$0xD0]  }
0xf1: {  	[tilespmem:s13+$0x70] =	vst v1;
	v1 =	vmul.f32 v0, v8;
	v7 =	vld [tilespmem:s13+$0xE0]  }
0xf2: {  	v5 =	vld.idx.msk [tilespmem:v5+s23+$0x0], $0xffff;
	[tilespmem:s13+$0x80] =	vst v2;
	v2 =	vmul.f32 v0, v9  }
0xf3: {  	v8 =	vld.idx.msk [tilespmem:v11+s23+$0x0], $0xffff;
	[tilespmem:s13+$0x90] =	vst v1;
	v4 =	vmul.f32 v0, v4  }
0xf4: {  	v1 =	vld.idx.msk [tilespmem:v10+s23+$0x0], $0xffff;
	[tilespmem:s13+$0xA0] =	vst v2;
	v2 =	vmul.f32 v0, v3  }
0xf5: {  	s13 =	sadd.s32 $0x200, s13;
	v3 =	vld.idx.msk [tilespmem:v12+s23+$0x0], $0xffff;
	[tilespmem:s14+$0xB0] =	vst v4;
	v4 =	vmul.f32 v0, v6  }
0xf6: {  	v6 =	vld [tilespmem:s13+$0xF0];
	[tilespmem:s14+$0xC0] =	vst v2;
	v0 =	vmul.f32 v0, v7  }
0xf7: {  	v2 =	vld [tilespmem:s13+$0xFFFFFF00];
	[tilespmem:s14+$0xD0] =	vst v4  }
0xf8: {  	v4 =	vld [tilespmem:s13+$0xFFFFFF10];
	[tilespmem:s14+$0xE0] =	vst v0;
	s14 =	smov.u32 s13  }
0xf9: {  	v7 =	vld [tilespmem:s13+$0xFFFFFF20]  }
0xfa: {  	v9 =	vld [tilespmem:s13+$0xFFFFFF30]  }
0xfb: {  	v0 =	vmov v3;
	v10 =	vld [tilespmem:s13+$0xFFFFFF40];
	v6 =	vmul.f32 v3, v6  }
0xfc: {  	v2 =	vmul.f32 v5, v2;
	v3 =	vld [tilespmem:s13+$0xFFFFFF50]  }
0xfd: {  	v4 =	vmul.f32 v5, v4;
	v11 =	vld [tilespmem:s13+$0xFFFFFF60];
	[tilespmem:s13+$0xF0] =	vst v6  }
0xfe: {  	[tilespmem:s13+$0xFFFFFF00] =	vst v2;
	v2 =	vmul.f32 v5, v7;
	v6 =	vld [tilespmem:s13+$0xFFFFFF70]  }
0xff: {  	[tilespmem:s13+$0xFFFFFF10] =	vst v4;
	v4 =	vmul.f32 v5, v9;
	v7 =	vld [tilespmem:s13+$0xFFFFFF80]  }
0x100: {  	[tilespmem:s13+$0xFFFFFF20] =	vst v2;
	v2 =	vmul.f32 v5, v10;
	v9 =	vld [tilespmem:s13+$0xFFFFFF90]  }
0x101: {  	[tilespmem:s13+$0xFFFFFF30] =	vst v4;
	v3 =	vmul.f32 v5, v3;
	v4 =	vld [tilespmem:s13+$0xFFFFFFA0]  }
0x102: {  	[tilespmem:s13+$0xFFFFFF40] =	vst v2;
	v2 =	vmul.f32 v5, v11;
	v10 =	vld [tilespmem:s13+$0xFFFFFFB0]  }
0x103: {  	[tilespmem:s13+$0xFFFFFF50] =	vst v3;
	v3 =	vmul.f32 v5, v6;
	v5 =	vld [tilespmem:s13+$0xFFFFFFC0]  }
0x104: {  	[tilespmem:s13+$0xFFFFFF60] =	vst v2;
	v2 =	vmul.f32 v8, v7;
	v6 =	vld [tilespmem:s13+$0xFFFFFFD0]  }
0x105: {  	[tilespmem:s13+$0xFFFFFF70] =	vst v3;
	v3 =	vmul.f32 v8, v9;
	v7 =	vld [tilespmem:s13+$0xFFFFFFE0]  }
0x106: {  	[tilespmem:s13+$0xFFFFFF80] =	vst v2;
	v2 =	vmul.f32 v8, v4;
	v4 =	vld [tilespmem:s13+$0xFFFFFFF0]  }
0x107: {  	[tilespmem:s13+$0xFFFFFF90] =	vst v3;
	v3 =	vmul.f32 v8, v10;
	v9 =	vld [tilespmem:s13+$0x0]  }
0x108: {  	[tilespmem:s13+$0xFFFFFFA0] =	vst v2;
	v2 =	vmul.f32 v8, v5;
	v5 =	vld [tilespmem:s13+$0x10]  }
0x109: {  	[tilespmem:s13+$0xFFFFFFB0] =	vst v3;
	v3 =	vmul.f32 v8, v6;
	v6 =	vld [tilespmem:s13+$0x20]  }
0x10a: {  	[tilespmem:s13+$0xFFFFFFC0] =	vst v2;
	v7 =	vmul.f32 v8, v7;
	v12 =	vld [tilespmem:s13+$0x30]  }
.Ltmp3:
0x10b: {  	s16 =	sadd.s32 $0x1, s15;
	v10 =	vmov s15;
	[tilespmem:s13+$0xFFFFFFD0] =	vst v3;
	v4 =	vmul.f32 v8, v4;
	v2 =	vld [tilespmem:s13+$0x40];
	(pc) =	sbr.rel @p0 .LBB2_5-.Ltmp3, $4  }
0x10c: {  	v8 =	vand.u32 $0x7C, v10;
	v10 =	vmov s16;
	s16 =	sadd.s32 $0x2, s15;
	[tilespmem:s13+$0xFFFFFFE0] =	vst v7;
	v7 =	vmul.f32 v1, v9;
	v3 =	vld [tilespmem:s13+$0x50]  }
0x10d: {  	v9 =	vor.u32 $0x100, v8;
	v8 =	vmov s16;
	[tilespmem:s13+$0xFFFFFFF0] =	vst v4;
	v13 =	vmul.f32 v1, v5;
	v4 =	vld [tilespmem:s13+$0x60]  }
0x10e: {  	v11 =	vand.u32 $0x7D, v10;
	v10 =	vand.u32 $0x7E, v8;
	[tilespmem:s13+$0x0] =	vst v7;
	v8 =	vmul.f32 v1, v6;
	v6 =	vld [tilespmem:s13+$0x70]  }
0x10f: {  	s16 =	sadd.s32 $0x3, s15;
	s15 =	sadd.s32 $0x4, s15;
	v5 =	vbroadcast v9, $0x0;
	v11 =	vor.u32 $0x100, v11;
	[tilespmem:s13+$0x10] =	vst v13;
	v9 =	vmul.f32 v1, v12;
	v7 =	vld [tilespmem:s13+$0x80]  }
0x110: {  	v13 =	vld [tilespmem:s13+$0x90]  }
0x111: {  	v14 =	vld [tilespmem:s13+$0xA0]  }
0x112: {  	v12 =	vmov s16;
	v10 =	vor.u32 $0x100, v10;
	v11 =	vbroadcast v11, $0x0;
	v15 =	vld [tilespmem:s13+$0xB0]  }
0x113: {  	v16 =	vld [tilespmem:s13+$0xC0];
	[tilespmem:s13+$0x20] =	vst v8;
	v2 =	vmul.f32 v1, v2;
	v12 =	vand.u32 $0x7F, v12;
	v10 =	vbroadcast v10, $0x0  }
0x114: {  	v8 =	vld [tilespmem:s13+$0xD0];
	[tilespmem:s13+$0x30] =	vst v9;
	v3 =	vmul.f32 v1, v3;
	v12 =	vor.u32 $0x100, v12  }
0x115: {  	v9 =	vld [tilespmem:s13+$0xE0];
	[tilespmem:s13+$0x40] =	vst v2;
	v2 =	vmul.f32 v1, v4;
	v12 =	vbroadcast v12, $0x0  }
0x116: {  	s15 =	sadd.s32 $0x200, s13;
	v4 =	vld.idx.msk [tilespmem:v5+s23+$0x0], $0xffff;
	[tilespmem:s13+$0x50] =	vst v3;
	v1 =	vmul.f32 v1, v6  }
0x117: {  	[tilespmem:s13+$0x60] =	vst v2;
	v2 =	vmul.f32 v0, v7;
	v7 =	vld [tilespmem:s15+$0xF0]  }
0x118: {  	[tilespmem:s13+$0x70] =	vst v1;
	v1 =	vmul.f32 v0, v13;
	v3 =	vld.idx.msk [tilespmem:v11+s23+$0x0], $0xffff  }
0x119: {  	[tilespmem:s13+$0x80] =	vst v2;
	v2 =	vmul.f32 v0, v14;
	v5 =	vld.idx.msk [tilespmem:v10+s23+$0x0], $0xffff  }
0x11a: {  	[tilespmem:s13+$0x90] =	vst v1;
	v1 =	vmul.f32 v0, v15;
	v10 =	vld [tilespmem:s15+$0xFFFFFF00]  }
0x11b: {  	[tilespmem:s13+$0xA0] =	vst v2;
	v2 =	vmul.f32 v0, v16;
	v6 =	vld.idx.msk [tilespmem:v12+s23+$0x0], $0xffff  }
0x11c: {  	v11 =	vld [tilespmem:s15+$0xFFFFFF10];
	[tilespmem:s14+$0xB0] =	vst v1;
	v1 =	vmul.f32 v0, v8  }
0x11d: {  	v8 =	vld [tilespmem:s15+$0xFFFFFF20];
	v0 =	vmul.f32 v0, v9;
	[tilespmem:s14+$0xC0] =	vst v2  }
0x11e: {  	v2 =	vld [tilespmem:s15+$0xFFFFFF30];
	[tilespmem:s14+$0xD0] =	vst v1  }
0x11f: {  	v1 =	vld [tilespmem:s15+$0xFFFFFF40];
	[tilespmem:s14+$0xE0] =	vst v0;
	v0 =	vmul.f32 v4, v10  }
0x120: {  	v9 =	vld [tilespmem:s15+$0xFFFFFF50];
	v7 =	vmul.f32 v6, v7  }
0x121: {  	v10 =	vmul.f32 v4, v11;
	v11 =	vld [tilespmem:s15+$0xFFFFFF60];
	[tilespmem:s15+$0xFFFFFF00] =	vst v0  }
0x122: {  	v0 =	vmul.f32 v4, v8;
	[tilespmem:s15+$0xF0] =	vst v7;
	v7 =	vld [tilespmem:s15+$0xFFFFFF70]  }
0x123: {  	[tilespmem:s15+$0xFFFFFF10] =	vst v10;
	v8 =	vld [tilespmem:s15+$0xFFFFFF80];
	v2 =	vmul.f32 v4, v2  }
0x124: {  	[tilespmem:s15+$0xFFFFFF20] =	vst v0;
	v0 =	vmul.f32 v4, v1;
	v1 =	vld [tilespmem:s15+$0xFFFFFF90]  }
0x125: {  	[tilespmem:s15+$0xFFFFFF30] =	vst v2;
	v2 =	vmul.f32 v4, v9;
	v9 =	vld [tilespmem:s15+$0xFFFFFFA0]  }
0x126: {  	v10 =	vld [tilespmem:s15+$0xFFFFFFB0];
	[tilespmem:s15+$0xFFFFFF40] =	vst v0;
	v0 =	vmul.f32 v4, v11  }
0x127: {  	[tilespmem:s15+$0xFFFFFF50] =	vst v2;
	v2 =	vmul.f32 v4, v7;
	v4 =	vld [tilespmem:s15+$0xFFFFFFC0]  }
0x128: {  	[tilespmem:s15+$0xFFFFFF60] =	vst v0;
	v0 =	vmul.f32 v3, v8;
	v7 =	vld [tilespmem:s15+$0xFFFFFFD0]  }
0x129: {  	v1 =	vmul.f32 v3, v1;
	[tilespmem:s15+$0xFFFFFF70] =	vst v2;
	v2 =	vld [tilespmem:s15+$0xFFFFFFE0]  }
0x12a: {  	v8 =	vld [tilespmem:s15+$0xFFFFFFF0];
	[tilespmem:s15+$0xFFFFFF80] =	vst v0;
	v0 =	vmul.f32 v3, v9  }
0x12b: {  	v9 =	vld [tilespmem:s15+$0x0];
	[tilespmem:s15+$0xFFFFFF90] =	vst v1;
	v1 =	vmul.f32 v3, v10  }
0x12c: {  	[tilespmem:s15+$0xFFFFFFA0] =	vst v0;
	v0 =	vmul.f32 v3, v4;
	v4 =	vld [tilespmem:s15+$0x10]  }
0x12d: {  	[tilespmem:s15+$0xFFFFFFB0] =	vst v1;
	v1 =	vmul.f32 v3, v7;
	v7 =	vld [tilespmem:s15+$0x20]  }
0x12e: {  	[tilespmem:s15+$0xFFFFFFC0] =	vst v0;
	v0 =	vmul.f32 v3, v2;
	v2 =	vld [tilespmem:s15+$0x30]  }
0x12f: {  	[tilespmem:s15+$0xFFFFFFD0] =	vst v1;
	v1 =	vmul.f32 v3, v8;
	v3 =	vld [tilespmem:s15+$0x40]  }
0x130: {  	v8 =	vld [tilespmem:s15+$0x50];
	[tilespmem:s15+$0xFFFFFFE0] =	vst v0;
	v0 =	vmul.f32 v5, v9  }
0x131: {  	[tilespmem:s15+$0xFFFFFFF0] =	vst v1;
	v1 =	vmul.f32 v5, v4;
	v4 =	vld [tilespmem:s15+$0x60]  }
0x132: {  	[tilespmem:s15+$0x0] =	vst v0;
	v0 =	vmul.f32 v5, v7;
	v7 =	vld [tilespmem:s15+$0x70]  }
0x133: {  	[tilespmem:s15+$0x10] =	vst v1;
	v1 =	vmul.f32 v5, v2;
	v2 =	vld [tilespmem:s15+$0x80]  }
0x134: {  	[tilespmem:s15+$0x20] =	vst v0;
	v0 =	vmul.f32 v5, v3;
	v3 =	vld [tilespmem:s15+$0x90]  }
0x135: {  	[tilespmem:s15+$0x30] =	vst v1;
	v1 =	vmul.f32 v5, v8;
	v8 =	vld [tilespmem:s15+$0xA0]  }
0x136: {  	[tilespmem:s15+$0x40] =	vst v0;
	v0 =	vmul.f32 v5, v4;
	v4 =	vld [tilespmem:s15+$0xB0]  }
0x137: {  	[tilespmem:s15+$0x50] =	vst v1;
	v1 =	vmul.f32 v5, v7;
	v5 =	vld [tilespmem:s15+$0xC0]  }
0x138: {  	[tilespmem:s15+$0x60] =	vst v0;
	v0 =	vmul.f32 v6, v2;
	v2 =	vld [tilespmem:s15+$0xD0]  }
0x139: {  	[tilespmem:s15+$0x70] =	vst v1;
	v1 =	vmul.f32 v6, v3;
	v3 =	vld [tilespmem:s15+$0xE0]  }
0x13a: {  	[tilespmem:s15+$0x80] =	vst v0;
	v0 =	vmul.f32 v6, v8  }
0x13b: {  	[tilespmem:s15+$0x90] =	vst v1;
	v1 =	vmul.f32 v6, v4  }
0x13c: {  	[tilespmem:s15+$0xA0] =	vst v0;
	v0 =	vmul.f32 v6, v5  }
0x13d: {  	[tilespmem:s15+$0xB0] =	vst v1;
	v1 =	vmul.f32 v6, v2  }
0x13e: {  	[tilespmem:s15+$0xC0] =	vst v0;
	v0 =	vmul.f32 v6, v3  }
0x13f: {  	[tilespmem:s15+$0xD0] =	vst v1  }
0x140: {  	s16 =	simm.s32 $0x280;
	[tilespmem:s15+$0xE0] =	vst v0  }
0x141: {  	[spmem:s4] =	stream.indirect.scatter.add.f32 [tilespmem:s0], [sflag:$0xB], $0x80, s16, s29, $0xb8;
	v63 =	vld [tilespmem:$0x0]  }
0x142: {  	_ =	swait.ge [sflag:s20], $0x3C00  }
0x143: {  	[sflag:s20] =	ssyncset.done $0x0  }
0x144: {  	[sflag:s20] =	ssyncadd.s32 $0xFFFFC400  }
0x145: {  	p0 =	seq.s32 s2, $0xD;
	s14 =	simm.s32 $0x0;
	_ =	swait.ge [sflag:s8], $0x180  }
0x146: {  	v0 =	vmov s14;
	s15 =	simm.s32 $0x3;
	[sflag:s8] =	ssyncset.done $0x0;
	s13 =	rddreg [dreg:$0xc]  }
0x147: {  	v0 =	vand.u32 $0x7C, v0;
	v1 =	vmov s15;
	[sflag:s8] =	ssyncadd.s32 $0xFFFFFE80;
	s13 =	sadd.s32 @!p0 s18, s13  }
0x148: {  	v0 =	vor.u32 $0x100, v0;
	v1 =	vand.u32 $0x7F, v1;
	[tilespmem:s30], [sflag:$0x7] =	stream.indirect.gather [hbm4b:s1+s29], $0x80, s25, s29, $0xb8;
	v63 =	vld [tilespmem:$0x0]  }
0x149: {  	v0 =	vbroadcast v0, $0x0;
	v1 =	vor.u32 $0x100, v1;
	s13 =	sshrl.u32 @!p0 s13, $0x3  }
0x14a: {  	s14 =	simm.s32 @!p0 $0x0;
	v1 =	vbroadcast v1, $0x0;
	s13 =	sadd.s32 @!p0 s6, s13  }
0x14b: {  	[tilespmem:s14], [sflag:$0x1] =	stream.linear.gather @!p0 [hbm4b:s13+s14], $0x180, $0x38;
	v63 =	vld [tilespmem:$0x0]  }
0x14c: {  	_ =	swait.ge [sflag:s28], $0x3C00  }
0x14d: {  	[sflag:s28] =	ssyncset.done $0x0  }
0x14e: {  	[sflag:s28] =	ssyncadd.s32 $0xFFFFC400  }
0x14f: {  	s16 =	simm.s32 $0x1;
	v2 =	vld.idx.msk [tilespmem:v0+s24+$0x0], $0xffff  }
0x150: {  	v3 =	vmov s16;
	s13 =	simm.s32 $0x8500;
	v0 =	vld.idx.msk [tilespmem:v1+s24+$0x0], $0xffff  }
0x151: {  	v1 =	vand.u32 $0x7D, v3;
	v3 =	vld [tilespmem:s13+$0xF0]  }
0x152: {  	v4 =	vld [tilespmem:s13+$0xFFFFFF00]  }
0x153: {  	v5 =	vld [tilespmem:s13+$0xFFFFFF10]  }
0x154: {  	v6 =	vld [tilespmem:s13+$0xFFFFFF20];
	v1 =	vor.u32 $0x100, v1  }
0x155: {  	v7 =	vld [tilespmem:s13+$0xFFFFFF30];
	v1 =	vbroadcast v1, $0x0  }
0x156: {  	v8 =	vld [tilespmem:s13+$0xFFFFFF40]  }
0x157: {  	v9 =	vld [tilespmem:s13+$0xFFFFFF50];
	v4 =	vmul.f32 v2, v4  }
0x158: {  	v10 =	vld [tilespmem:s13+$0xFFFFFF60];
	v3 =	vmul.f32 v0, v3  }
0x159: {  	[tilespmem:s13+$0xFFFFFF00] =	vst v4;
	v4 =	vld [tilespmem:s13+$0xFFFFFF70]  }
0x15a: {  	s15 =	simm.s32 $0x2;
	v5 =	vmul.f32 v2, v5;
	[tilespmem:s13+$0xF0] =	vst v3;
	v3 =	vmul.f32 v2, v6;
	v6 =	vld [tilespmem:s13+$0xFFFFFF90]  }
0x15b: {  	v11 =	vmov s15;
	v61 =	vld.idx.msk [tilespmem:v1+s24+$0x0], $0xffff  }
0x15c: {  	[tilespmem:s13+$0xFFFFFF10] =	vst v5;
	v5 =	vmul.f32 v2, v7;
	v1 =	vand.u32 $0x7E, v11;
	v11 =	vld [tilespmem:s13+$0xFFFFFF80]  }
0x15d: {  	v10 =	vmul.f32 v2, v10;
	v7 =	vld [tilespmem:s13+$0xFFFFFFA0];
	v1 =	vor.u32 $0x100, v1;
	[tilespmem:s13+$0xFFFFFF20] =	vst v3;
	v3 =	vmul.f32 v2, v8  }
0x15e: {  	v8 =	vld [tilespmem:s13+$0xFFFFFFB0];
	[tilespmem:s13+$0xFFFFFF30] =	vst v5;
	v5 =	vmul.f32 v2, v9;
	v1 =	vbroadcast v1, $0x0  }
0x15f: {  	[tilespmem:s13+$0xFFFFFF60] =	vst v10;
	v9 =	vld [tilespmem:s13+$0xFFFFFFC0]  }
0x160: {  	[tilespmem:s13+$0xFFFFFF50] =	vst v5;
	v5 =	vld [tilespmem:s13+$0xFFFFFFE0];
	v2 =	vmul.f32 v2, v4  }
0x161: {  	[tilespmem:s13+$0xFFFFFF40] =	vst v3;
	v4 =	vld [tilespmem:s13+$0xFFFFFFF0];
	v3 =	vmul.f32 v61, v11  }
0x162: {  	v11 =	vld [tilespmem:s13+$0xFFFFFFD0];
	[tilespmem:s13+$0xFFFFFF70] =	vst v2;
	v2 =	vmul.f32 v61, v7  }
0x163: {  	[tilespmem:s13+$0xFFFFFF80] =	vst v3;
	v3 =	vmul.f32 v61, v6;
	v6 =	vld [tilespmem:s13+$0x0]  }
0x164: {  	v1 =	vld.idx.msk [tilespmem:v1+s24+$0x0], $0xffff;
	[tilespmem:s13+$0xFFFFFFA0] =	vst v2;
	v2 =	vmul.f32 v61, v9  }
0x165: {  	v7 =	vld [tilespmem:s13+$0x10];
	[tilespmem:s13+$0xFFFFFF90] =	vst v3;
	v3 =	vmul.f32 v61, v8  }
0x166: {  	v5 =	vmul.f32 v61, v5;
	v8 =	vld [tilespmem:s13+$0x20];
	[tilespmem:s13+$0xFFFFFFC0] =	vst v2  }
0x167: {  	s16 =	simm.s32 $0x4;
	v9 =	vld [tilespmem:s13+$0x30];
	[tilespmem:s13+$0xFFFFFFB0] =	vst v3;
	v3 =	vmul.f32 v61, v11  }
0x168: {  	s15 =	simm.s32 $0x5;
	v10 =	vmov s16;
	v2 =	vld [tilespmem:s13+$0x40];
	[tilespmem:s13+$0xFFFFFFE0] =	vst v5;
	v11 =	vmul.f32 v61, v4  }
0x169: {  	v62 =	vmov s15;
	s16 =	simm.s32 $0x6;
	v10 =	vand.u32 $0x7C, v10;
	[tilespmem:s13+$0xFFFFFFD0] =	vst v3;
	v6 =	vmul.f32 v1, v6;
	v3 =	vld [tilespmem:s13+$0x50]  }
0x16a: {  	v5 =	vor.u32 $0x100, v10;
	v10 =	vmov s16;
	v4 =	vld [tilespmem:s13+$0x60];
	v7 =	vmul.f32 v1, v7;
	[tilespmem:s13+$0xFFFFFFF0] =	vst v11  }
0x16b: {  	v10 =	vand.u32 $0x7E, v10;
	v11 =	vand.u32 $0x7D, v62;
	v8 =	vmul.f32 v1, v8;
	[tilespmem:s13+$0x0] =	vst v6;
	v6 =	vld [tilespmem:s13+$0x70]  }
0x16c: {  	s15 =	simm.s32 $0x8;
	s14 =	simm.s32 $0x8500;
	s16 =	simm.s32 $0x7;
	v5 =	vbroadcast v5, $0x0;
	v9 =	vmul.f32 v1, v9;
	v11 =	vor.u32 $0x100, v11;
	[tilespmem:s13+$0x10] =	vst v7;
	v7 =	vld [tilespmem:s13+$0x80]  }
.LBB2_7:
0x16d: {  	p1 =	slt.u32 s15, $0x74;
	v10 =	vor.u32 $0x100, v10;
	v12 =	vmov s16;
	[tilespmem:s13+$0x20] =	vst v8;
	v2 =	vmul.f32 v1, v2;
	v8 =	vld [tilespmem:s13+$0x90]  }
0x16e: {  	v11 =	vbroadcast v11, $0x0;
	v12 =	vand.u32 $0x7F, v12;
	[tilespmem:s13+$0x30] =	vst v9;
	v3 =	vmul.f32 v1, v3;
	v9 =	vld [tilespmem:s13+$0xA0]  }
0x16f: {  	v10 =	vbroadcast v10, $0x0;
	v12 =	vor.u32 $0x100, v12;
	[tilespmem:s13+$0x40] =	vst v2;
	v2 =	vmul.f32 v1, v4;
	v4 =	vld [tilespmem:s13+$0xB0]  }
0x170: {  	v12 =	vbroadcast v12, $0x0;
	[tilespmem:s13+$0x50] =	vst v3;
	v1 =	vmul.f32 v1, v6;
	v3 =	vld [tilespmem:s13+$0xC0]  }
0x171: {  	[tilespmem:s13+$0x60] =	vst v2;
	v2 =	vmul.f32 v0, v7;
	v6 =	vld [tilespmem:s13+$0xD0]  }
0x172: {  	[tilespmem:s13+$0x70] =	vst v1;
	v1 =	vmul.f32 v0, v8;
	v7 =	vld [tilespmem:s13+$0xE0]  }
0x173: {  	v5 =	vld.idx.msk [tilespmem:v5+s24+$0x0], $0xffff;
	[tilespmem:s13+$0x80] =	vst v2;
	v2 =	vmul.f32 v0, v9  }
0x174: {  	v8 =	vld.idx.msk [tilespmem:v11+s24+$0x0], $0xffff;
	[tilespmem:s13+$0x90] =	vst v1;
	v4 =	vmul.f32 v0, v4  }
0x175: {  	v1 =	vld.idx.msk [tilespmem:v10+s24+$0x0], $0xffff;
	[tilespmem:s13+$0xA0] =	vst v2;
	v2 =	vmul.f32 v0, v3  }
0x176: {  	s13 =	sadd.s32 $0x200, s13;
	v3 =	vld.idx.msk [tilespmem:v12+s24+$0x0], $0xffff;
	[tilespmem:s14+$0xB0] =	vst v4;
	v4 =	vmul.f32 v0, v6  }
0x177: {  	v6 =	vld [tilespmem:s13+$0xF0];
	[tilespmem:s14+$0xC0] =	vst v2;
	v0 =	vmul.f32 v0, v7  }
0x178: {  	v2 =	vld [tilespmem:s13+$0xFFFFFF00];
	[tilespmem:s14+$0xD0] =	vst v4  }
0x179: {  	v4 =	vld [tilespmem:s13+$0xFFFFFF10];
	[tilespmem:s14+$0xE0] =	vst v0;
	s14 =	smov.u32 s13  }
0x17a: {  	v7 =	vld [tilespmem:s13+$0xFFFFFF20]  }
0x17b: {  	v9 =	vld [tilespmem:s13+$0xFFFFFF30]  }
0x17c: {  	v0 =	vmov v3;
	v10 =	vld [tilespmem:s13+$0xFFFFFF40];
	v6 =	vmul.f32 v3, v6  }
0x17d: {  	v2 =	vmul.f32 v5, v2;
	v3 =	vld [tilespmem:s13+$0xFFFFFF50]  }
0x17e: {  	v4 =	vmul.f32 v5, v4;
	v11 =	vld [tilespmem:s13+$0xFFFFFF60];
	[tilespmem:s13+$0xF0] =	vst v6  }
0x17f: {  	[tilespmem:s13+$0xFFFFFF00] =	vst v2;
	v2 =	vmul.f32 v5, v7;
	v6 =	vld [tilespmem:s13+$0xFFFFFF70]  }
0x180: {  	[tilespmem:s13+$0xFFFFFF10] =	vst v4;
	v4 =	vmul.f32 v5, v9;
	v7 =	vld [tilespmem:s13+$0xFFFFFF80]  }
0x181: {  	[tilespmem:s13+$0xFFFFFF20] =	vst v2;
	v2 =	vmul.f32 v5, v10;
	v9 =	vld [tilespmem:s13+$0xFFFFFF90]  }
0x182: {  	[tilespmem:s13+$0xFFFFFF30] =	vst v4;
	v3 =	vmul.f32 v5, v3;
	v4 =	vld [tilespmem:s13+$0xFFFFFFA0]  }
0x183: {  	[tilespmem:s13+$0xFFFFFF40] =	vst v2;
	v2 =	vmul.f32 v5, v11;
	v10 =	vld [tilespmem:s13+$0xFFFFFFB0]  }
0x184: {  	[tilespmem:s13+$0xFFFFFF50] =	vst v3;
	v3 =	vmul.f32 v5, v6;
	v5 =	vld [tilespmem:s13+$0xFFFFFFC0]  }
0x185: {  	[tilespmem:s13+$0xFFFFFF60] =	vst v2;
	v2 =	vmul.f32 v8, v7;
	v6 =	vld [tilespmem:s13+$0xFFFFFFD0]  }
0x186: {  	[tilespmem:s13+$0xFFFFFF70] =	vst v3;
	v3 =	vmul.f32 v8, v9;
	v7 =	vld [tilespmem:s13+$0xFFFFFFE0]  }
0x187: {  	[tilespmem:s13+$0xFFFFFF80] =	vst v2;
	v2 =	vmul.f32 v8, v4;
	v4 =	vld [tilespmem:s13+$0xFFFFFFF0]  }
0x188: {  	[tilespmem:s13+$0xFFFFFF90] =	vst v3;
	v3 =	vmul.f32 v8, v10;
	v9 =	vld [tilespmem:s13+$0x0]  }
0x189: {  	[tilespmem:s13+$0xFFFFFFA0] =	vst v2;
	v2 =	vmul.f32 v8, v5;
	v5 =	vld [tilespmem:s13+$0x10]  }
0x18a: {  	[tilespmem:s13+$0xFFFFFFB0] =	vst v3;
	v3 =	vmul.f32 v8, v6;
	v6 =	vld [tilespmem:s13+$0x20]  }
0x18b: {  	[tilespmem:s13+$0xFFFFFFC0] =	vst v2;
	v7 =	vmul.f32 v8, v7;
	v12 =	vld [tilespmem:s13+$0x30]  }
.Ltmp4:
0x18c: {  	s16 =	sadd.s32 $0x1, s15;
	v10 =	vmov s15;
	[tilespmem:s13+$0xFFFFFFD0] =	vst v3;
	v4 =	vmul.f32 v8, v4;
	v2 =	vld [tilespmem:s13+$0x40];
	(pc) =	sbr.rel @p1 .LBB2_7-.Ltmp4, $4  }
0x18d: {  	v8 =	vand.u32 $0x7C, v10;
	v10 =	vmov s16;
	s16 =	sadd.s32 $0x2, s15;
	[tilespmem:s13+$0xFFFFFFE0] =	vst v7;
	v7 =	vmul.f32 v1, v9;
	v3 =	vld [tilespmem:s13+$0x50]  }
0x18e: {  	v9 =	vor.u32 $0x100, v8;
	v8 =	vmov s16;
	[tilespmem:s13+$0xFFFFFFF0] =	vst v4;
	v13 =	vmul.f32 v1, v5;
	v4 =	vld [tilespmem:s13+$0x60]  }
0x18f: {  	v11 =	vand.u32 $0x7D, v10;
	v10 =	vand.u32 $0x7E, v8;
	[tilespmem:s13+$0x0] =	vst v7;
	v8 =	vmul.f32 v1, v6;
	v6 =	vld [tilespmem:s13+$0x70]  }
0x190: {  	s16 =	sadd.s32 $0x3, s15;
	s15 =	sadd.s32 $0x4, s15;
	v5 =	vbroadcast v9, $0x0;
	v11 =	vor.u32 $0x100, v11;
	[tilespmem:s13+$0x10] =	vst v13;
	v9 =	vmul.f32 v1, v12;
	v7 =	vld [tilespmem:s13+$0x80]  }
0x191: {  	v13 =	vld [tilespmem:s13+$0x90]  }
0x192: {  	v14 =	vld [tilespmem:s13+$0xA0]  }
0x193: {  	v12 =	vmov s16;
	v10 =	vor.u32 $0x100, v10;
	v11 =	vbroadcast v11, $0x0;
	v15 =	vld [tilespmem:s13+$0xB0]  }
0x194: {  	v16 =	vld [tilespmem:s13+$0xC0];
	[tilespmem:s13+$0x20] =	vst v8;
	v2 =	vmul.f32 v1, v2;
	v12 =	vand.u32 $0x7F, v12;
	v10 =	vbroadcast v10, $0x0  }
0x195: {  	v8 =	vld [tilespmem:s13+$0xD0];
	[tilespmem:s13+$0x30] =	vst v9;
	v3 =	vmul.f32 v1, v3;
	v12 =	vor.u32 $0x100, v12  }
0x196: {  	v9 =	vld [tilespmem:s13+$0xE0];
	[tilespmem:s13+$0x40] =	vst v2;
	v2 =	vmul.f32 v1, v4;
	v12 =	vbroadcast v12, $0x0  }
0x197: {  	s15 =	sadd.s32 $0x200, s13;
	v4 =	vld.idx.msk [tilespmem:v5+s24+$0x0], $0xffff;
	[tilespmem:s13+$0x50] =	vst v3;
	v1 =	vmul.f32 v1, v6  }
0x198: {  	[tilespmem:s13+$0x60] =	vst v2;
	v2 =	vmul.f32 v0, v7;
	v7 =	vld [tilespmem:s15+$0xF0]  }
0x199: {  	[tilespmem:s13+$0x70] =	vst v1;
	v1 =	vmul.f32 v0, v13;
	v3 =	vld.idx.msk [tilespmem:v11+s24+$0x0], $0xffff  }
0x19a: {  	[tilespmem:s13+$0x80] =	vst v2;
	v2 =	vmul.f32 v0, v14;
	v5 =	vld.idx.msk [tilespmem:v10+s24+$0x0], $0xffff  }
0x19b: {  	[tilespmem:s13+$0x90] =	vst v1;
	v1 =	vmul.f32 v0, v15;
	v10 =	vld [tilespmem:s15+$0xFFFFFF00]  }
0x19c: {  	[tilespmem:s13+$0xA0] =	vst v2;
	v2 =	vmul.f32 v0, v16;
	v6 =	vld.idx.msk [tilespmem:v12+s24+$0x0], $0xffff  }
0x19d: {  	v11 =	vld [tilespmem:s15+$0xFFFFFF10];
	[tilespmem:s14+$0xB0] =	vst v1;
	v1 =	vmul.f32 v0, v8  }
0x19e: {  	v8 =	vld [tilespmem:s15+$0xFFFFFF20];
	v0 =	vmul.f32 v0, v9;
	[tilespmem:s14+$0xC0] =	vst v2  }
0x19f: {  	v2 =	vld [tilespmem:s15+$0xFFFFFF30];
	[tilespmem:s14+$0xD0] =	vst v1  }
0x1a0: {  	v1 =	vld [tilespmem:s15+$0xFFFFFF40];
	[tilespmem:s14+$0xE0] =	vst v0;
	v0 =	vmul.f32 v4, v10  }
0x1a1: {  	v9 =	vld [tilespmem:s15+$0xFFFFFF50];
	v7 =	vmul.f32 v6, v7  }
0x1a2: {  	v10 =	vmul.f32 v4, v11;
	v11 =	vld [tilespmem:s15+$0xFFFFFF60];
	[tilespmem:s15+$0xFFFFFF00] =	vst v0  }
0x1a3: {  	v0 =	vmul.f32 v4, v8;
	[tilespmem:s15+$0xF0] =	vst v7;
	v7 =	vld [tilespmem:s15+$0xFFFFFF70]  }
0x1a4: {  	[tilespmem:s15+$0xFFFFFF10] =	vst v10;
	v8 =	vld [tilespmem:s15+$0xFFFFFF80];
	v2 =	vmul.f32 v4, v2  }
0x1a5: {  	[tilespmem:s15+$0xFFFFFF20] =	vst v0;
	v0 =	vmul.f32 v4, v1;
	v1 =	vld [tilespmem:s15+$0xFFFFFF90]  }
0x1a6: {  	[tilespmem:s15+$0xFFFFFF30] =	vst v2;
	v2 =	vmul.f32 v4, v9;
	v9 =	vld [tilespmem:s15+$0xFFFFFFA0]  }
0x1a7: {  	v10 =	vld [tilespmem:s15+$0xFFFFFFB0];
	[tilespmem:s15+$0xFFFFFF40] =	vst v0;
	v0 =	vmul.f32 v4, v11  }
0x1a8: {  	[tilespmem:s15+$0xFFFFFF50] =	vst v2;
	v2 =	vmul.f32 v4, v7;
	v4 =	vld [tilespmem:s15+$0xFFFFFFC0]  }
0x1a9: {  	[tilespmem:s15+$0xFFFFFF60] =	vst v0;
	v0 =	vmul.f32 v3, v8;
	v7 =	vld [tilespmem:s15+$0xFFFFFFD0]  }
0x1aa: {  	v1 =	vmul.f32 v3, v1;
	[tilespmem:s15+$0xFFFFFF70] =	vst v2;
	v2 =	vld [tilespmem:s15+$0xFFFFFFE0]  }
0x1ab: {  	v8 =	vld [tilespmem:s15+$0xFFFFFFF0];
	[tilespmem:s15+$0xFFFFFF80] =	vst v0;
	v0 =	vmul.f32 v3, v9  }
0x1ac: {  	v9 =	vld [tilespmem:s15+$0x0];
	[tilespmem:s15+$0xFFFFFF90] =	vst v1;
	v1 =	vmul.f32 v3, v10  }
0x1ad: {  	[tilespmem:s15+$0xFFFFFFA0] =	vst v0;
	v0 =	vmul.f32 v3, v4;
	v4 =	vld [tilespmem:s15+$0x10]  }
0x1ae: {  	[tilespmem:s15+$0xFFFFFFB0] =	vst v1;
	v1 =	vmul.f32 v3, v7;
	v7 =	vld [tilespmem:s15+$0x20]  }
0x1af: {  	[tilespmem:s15+$0xFFFFFFC0] =	vst v0;
	v0 =	vmul.f32 v3, v2;
	v2 =	vld [tilespmem:s15+$0x30]  }
0x1b0: {  	[tilespmem:s15+$0xFFFFFFD0] =	vst v1;
	v1 =	vmul.f32 v3, v8;
	v3 =	vld [tilespmem:s15+$0x40]  }
0x1b1: {  	v8 =	vld [tilespmem:s15+$0x50];
	[tilespmem:s15+$0xFFFFFFE0] =	vst v0;
	v0 =	vmul.f32 v5, v9  }
0x1b2: {  	[tilespmem:s15+$0xFFFFFFF0] =	vst v1;
	v1 =	vmul.f32 v5, v4;
	v4 =	vld [tilespmem:s15+$0x60]  }
0x1b3: {  	[tilespmem:s15+$0x0] =	vst v0;
	v0 =	vmul.f32 v5, v7;
	v7 =	vld [tilespmem:s15+$0x70]  }
0x1b4: {  	[tilespmem:s15+$0x10] =	vst v1;
	v1 =	vmul.f32 v5, v2;
	v2 =	vld [tilespmem:s15+$0x80]  }
0x1b5: {  	[tilespmem:s15+$0x20] =	vst v0;
	v0 =	vmul.f32 v5, v3;
	v3 =	vld [tilespmem:s15+$0x90]  }
0x1b6: {  	[tilespmem:s15+$0x30] =	vst v1;
	v1 =	vmul.f32 v5, v8;
	v8 =	vld [tilespmem:s15+$0xA0]  }
0x1b7: {  	[tilespmem:s15+$0x40] =	vst v0;
	v0 =	vmul.f32 v5, v4;
	v4 =	vld [tilespmem:s15+$0xB0]  }
0x1b8: {  	[tilespmem:s15+$0x50] =	vst v1;
	v1 =	vmul.f32 v5, v7;
	v5 =	vld [tilespmem:s15+$0xC0]  }
0x1b9: {  	[tilespmem:s15+$0x60] =	vst v0;
	v0 =	vmul.f32 v6, v2;
	v2 =	vld [tilespmem:s15+$0xD0]  }
0x1ba: {  	[tilespmem:s15+$0x70] =	vst v1;
	v1 =	vmul.f32 v6, v3;
	v3 =	vld [tilespmem:s15+$0xE0]  }
0x1bb: {  	[tilespmem:s15+$0x80] =	vst v0;
	v0 =	vmul.f32 v6, v8  }
0x1bc: {  	[tilespmem:s15+$0x90] =	vst v1;
	v1 =	vmul.f32 v6, v4  }
0x1bd: {  	[tilespmem:s15+$0xA0] =	vst v0;
	v0 =	vmul.f32 v6, v5  }
0x1be: {  	[tilespmem:s15+$0xB0] =	vst v1;
	v1 =	vmul.f32 v6, v2  }
0x1bf: {  	[tilespmem:s15+$0xC0] =	vst v0;
	v0 =	vmul.f32 v6, v3  }
0x1c0: {  	[tilespmem:s15+$0xD0] =	vst v1  }
0x1c1: {  	s16 =	simm.s32 $0x480;
	[tilespmem:s15+$0xE0] =	vst v0  }
0x1c2: {  	[spmem:s4] =	stream.indirect.scatter.add.f32 [tilespmem:s10], [sflag:$0xC], $0x80, s16, s29, $0xb8;
	v63 =	vld [tilespmem:$0x0]  }
0x1c3: {  	_ =	swait.ge [sflag:s21], $0x3C00  }
0x1c4: {  	[sflag:s21] =	ssyncset.done $0x0  }
0x1c5: {  	[sflag:s21] =	ssyncadd.s32 $0xFFFFC400  }
0x1c6: {  	s14 =	simm.s32 $0x0;
	_ =	swait.ge [sflag:s22], $0x180  }
0x1c7: {  	v0 =	vmov s14;
	s15 =	simm.s32 $0x3;
	[sflag:s22] =	ssyncset.done $0x0;
	s13 =	rddreg [dreg:$0xd]  }
0x1c8: {  	v0 =	vand.u32 $0x7C, v0;
	v1 =	vmov s15;
	[sflag:s22] =	ssyncadd.s32 $0xFFFFFE80;
	s13 =	sadd.s32 @!p0 s18, s13  }
0x1c9: {  	v0 =	vor.u32 $0x100, v0;
	v1 =	vand.u32 $0x7F, v1;
	[tilespmem:s0], [sflag:$0x8] =	stream.indirect.gather [hbm4b:s1+s29], $0x80, s26, s29, $0xb8;
	v63 =	vld [tilespmem:$0x0]  }
0x1ca: {  	v0 =	vbroadcast v0, $0x0;
	v1 =	vor.u32 $0x100, v1;
	s13 =	sshrl.u32 @!p0 s13, $0x3  }
0x1cb: {  	s14 =	simm.s32 @!p0 $0x0;
	s15 =	simm.s32 @!p0 $0x200;
	v1 =	vbroadcast v1, $0x0;
	s13 =	sadd.s32 @!p0 s6, s13  }
0x1cc: {  	[tilespmem:s15], [sflag:$0x2] =	stream.linear.gather @!p0 [hbm4b:s13+s14], $0x180, $0x38;
	v63 =	vld [tilespmem:$0x0]  }
0x1cd: {  	_ =	swait.ge [sflag:s3], $0x3C00  }
0x1ce: {  	[sflag:s3] =	ssyncset.done $0x0  }
0x1cf: {  	[sflag:s3] =	ssyncadd.s32 $0xFFFFC400  }
0x1d0: {  	s16 =	simm.s32 $0x1;
	v2 =	vld.idx.msk [tilespmem:v0+s25+$0x0], $0xffff  }
0x1d1: {  	v3 =	vmov s16;
	s13 =	simm.s32 $0xD00;
	v0 =	vld.idx.msk [tilespmem:v1+s25+$0x0], $0xffff  }
0x1d2: {  	v1 =	vand.u32 $0x7D, v3;
	v3 =	vld [tilespmem:s13+$0xF0]  }
0x1d3: {  	v4 =	vld [tilespmem:s13+$0xFFFFFF00]  }
0x1d4: {  	v5 =	vld [tilespmem:s13+$0xFFFFFF10]  }
0x1d5: {  	v6 =	vld [tilespmem:s13+$0xFFFFFF20];
	v1 =	vor.u32 $0x100, v1  }
0x1d6: {  	v7 =	vld [tilespmem:s13+$0xFFFFFF30];
	v1 =	vbroadcast v1, $0x0  }
0x1d7: {  	v8 =	vld [tilespmem:s13+$0xFFFFFF40]  }
0x1d8: {  	v9 =	vld [tilespmem:s13+$0xFFFFFF50];
	v4 =	vmul.f32 v2, v4  }
0x1d9: {  	v10 =	vld [tilespmem:s13+$0xFFFFFF60];
	v3 =	vmul.f32 v0, v3  }
0x1da: {  	[tilespmem:s13+$0xFFFFFF00] =	vst v4;
	v4 =	vld [tilespmem:s13+$0xFFFFFF70]  }
0x1db: {  	s15 =	simm.s32 $0x2;
	v5 =	vmul.f32 v2, v5;
	[tilespmem:s13+$0xF0] =	vst v3;
	v3 =	vmul.f32 v2, v6;
	v6 =	vld [tilespmem:s13+$0xFFFFFF90]  }
0x1dc: {  	v11 =	vmov s15;
	v61 =	vld.idx.msk [tilespmem:v1+s25+$0x0], $0xffff  }
0x1dd: {  	[tilespmem:s13+$0xFFFFFF10] =	vst v5;
	v5 =	vmul.f32 v2, v7;
	v1 =	vand.u32 $0x7E, v11;
	v11 =	vld [tilespmem:s13+$0xFFFFFF80]  }
0x1de: {  	v10 =	vmul.f32 v2, v10;
	v7 =	vld [tilespmem:s13+$0xFFFFFFA0];
	v1 =	vor.u32 $0x100, v1;
	[tilespmem:s13+$0xFFFFFF20] =	vst v3;
	v3 =	vmul.f32 v2, v8  }
0x1df: {  	v8 =	vld [tilespmem:s13+$0xFFFFFFB0];
	[tilespmem:s13+$0xFFFFFF30] =	vst v5;
	v5 =	vmul.f32 v2, v9;
	v1 =	vbroadcast v1, $0x0  }
0x1e0: {  	[tilespmem:s13+$0xFFFFFF60] =	vst v10;
	v9 =	vld [tilespmem:s13+$0xFFFFFFC0]  }
0x1e1: {  	[tilespmem:s13+$0xFFFFFF50] =	vst v5;
	v5 =	vld [tilespmem:s13+$0xFFFFFFE0];
	v2 =	vmul.f32 v2, v4  }
0x1e2: {  	[tilespmem:s13+$0xFFFFFF40] =	vst v3;
	v4 =	vld [tilespmem:s13+$0xFFFFFFF0];
	v3 =	vmul.f32 v61, v11  }
0x1e3: {  	v11 =	vld [tilespmem:s13+$0xFFFFFFD0];
	[tilespmem:s13+$0xFFFFFF70] =	vst v2;
	v2 =	vmul.f32 v61, v7  }
0x1e4: {  	[tilespmem:s13+$0xFFFFFF80] =	vst v3;
	v3 =	vmul.f32 v61, v6;
	v6 =	vld [tilespmem:s13+$0x0]  }
0x1e5: {  	v1 =	vld.idx.msk [tilespmem:v1+s25+$0x0], $0xffff;
	[tilespmem:s13+$0xFFFFFFA0] =	vst v2;
	v2 =	vmul.f32 v61, v9  }
0x1e6: {  	v7 =	vld [tilespmem:s13+$0x10];
	[tilespmem:s13+$0xFFFFFF90] =	vst v3;
	v3 =	vmul.f32 v61, v8  }
0x1e7: {  	v5 =	vmul.f32 v61, v5;
	v8 =	vld [tilespmem:s13+$0x20];
	[tilespmem:s13+$0xFFFFFFC0] =	vst v2  }
0x1e8: {  	s16 =	simm.s32 $0x4;
	v9 =	vld [tilespmem:s13+$0x30];
	[tilespmem:s13+$0xFFFFFFB0] =	vst v3;
	v3 =	vmul.f32 v61, v11  }
0x1e9: {  	s15 =	simm.s32 $0x5;
	v10 =	vmov s16;
	v2 =	vld [tilespmem:s13+$0x40];
	[tilespmem:s13+$0xFFFFFFE0] =	vst v5;
	v11 =	vmul.f32 v61, v4  }
0x1ea: {  	v62 =	vmov s15;
	s16 =	simm.s32 $0x6;
	v10 =	vand.u32 $0x7C, v10;
	[tilespmem:s13+$0xFFFFFFD0] =	vst v3;
	v6 =	vmul.f32 v1, v6;
	v3 =	vld [tilespmem:s13+$0x50]  }
0x1eb: {  	v5 =	vor.u32 $0x100, v10;
	v10 =	vmov s16;
	v4 =	vld [tilespmem:s13+$0x60];
	v7 =	vmul.f32 v1, v7;
	[tilespmem:s13+$0xFFFFFFF0] =	vst v11  }
0x1ec: {  	v10 =	vand.u32 $0x7E, v10;
	v11 =	vand.u32 $0x7D, v62;
	v8 =	vmul.f32 v1, v8;
	[tilespmem:s13+$0x0] =	vst v6;
	v6 =	vld [tilespmem:s13+$0x70]  }
0x1ed: {  	s14 =	simm.s32 $0xD00;
	s15 =	simm.s32 $0x8;
	s16 =	simm.s32 $0x7;
	v5 =	vbroadcast v5, $0x0;
	v9 =	vmul.f32 v1, v9;
	v11 =	vor.u32 $0x100, v11;
	[tilespmem:s13+$0x10] =	vst v7;
	v7 =	vld [tilespmem:s13+$0x80]  }
.LBB2_9:
0x1ee: {  	p1 =	slt.u32 s15, $0x74;
	v10 =	vor.u32 $0x100, v10;
	v12 =	vmov s16;
	[tilespmem:s13+$0x20] =	vst v8;
	v2 =	vmul.f32 v1, v2;
	v8 =	vld [tilespmem:s13+$0x90]  }
0x1ef: {  	v11 =	vbroadcast v11, $0x0;
	v12 =	vand.u32 $0x7F, v12;
	[tilespmem:s13+$0x30] =	vst v9;
	v3 =	vmul.f32 v1, v3;
	v9 =	vld [tilespmem:s13+$0xA0]  }
0x1f0: {  	v10 =	vbroadcast v10, $0x0;
	v12 =	vor.u32 $0x100, v12;
	[tilespmem:s13+$0x40] =	vst v2;
	v2 =	vmul.f32 v1, v4;
	v4 =	vld [tilespmem:s13+$0xB0]  }
0x1f1: {  	v12 =	vbroadcast v12, $0x0;
	[tilespmem:s13+$0x50] =	vst v3;
	v1 =	vmul.f32 v1, v6;
	v3 =	vld [tilespmem:s13+$0xC0]  }
0x1f2: {  	[tilespmem:s13+$0x60] =	vst v2;
	v2 =	vmul.f32 v0, v7;
	v6 =	vld [tilespmem:s13+$0xD0]  }
0x1f3: {  	[tilespmem:s13+$0x70] =	vst v1;
	v1 =	vmul.f32 v0, v8;
	v7 =	vld [tilespmem:s13+$0xE0]  }
0x1f4: {  	v5 =	vld.idx.msk [tilespmem:v5+s25+$0x0], $0xffff;
	[tilespmem:s13+$0x80] =	vst v2;
	v2 =	vmul.f32 v0, v9  }
0x1f5: {  	v8 =	vld.idx.msk [tilespmem:v11+s25+$0x0], $0xffff;
	[tilespmem:s13+$0x90] =	vst v1;
	v4 =	vmul.f32 v0, v4  }
0x1f6: {  	v1 =	vld.idx.msk [tilespmem:v10+s25+$0x0], $0xffff;
	[tilespmem:s13+$0xA0] =	vst v2;
	v2 =	vmul.f32 v0, v3  }
0x1f7: {  	s13 =	sadd.s32 $0x200, s13;
	v3 =	vld.idx.msk [tilespmem:v12+s25+$0x0], $0xffff;
	[tilespmem:s14+$0xB0] =	vst v4;
	v4 =	vmul.f32 v0, v6  }
0x1f8: {  	v6 =	vld [tilespmem:s13+$0xF0];
	[tilespmem:s14+$0xC0] =	vst v2;
	v0 =	vmul.f32 v0, v7  }
0x1f9: {  	v2 =	vld [tilespmem:s13+$0xFFFFFF00];
	[tilespmem:s14+$0xD0] =	vst v4  }
0x1fa: {  	v4 =	vld [tilespmem:s13+$0xFFFFFF10];
	[tilespmem:s14+$0xE0] =	vst v0;
	s14 =	smov.u32 s13  }
0x1fb: {  	v7 =	vld [tilespmem:s13+$0xFFFFFF20]  }
0x1fc: {  	v9 =	vld [tilespmem:s13+$0xFFFFFF30]  }
0x1fd: {  	v0 =	vmov v3;
	v10 =	vld [tilespmem:s13+$0xFFFFFF40];
	v6 =	vmul.f32 v3, v6  }
0x1fe: {  	v2 =	vmul.f32 v5, v2;
	v3 =	vld [tilespmem:s13+$0xFFFFFF50]  }
0x1ff: {  	v4 =	vmul.f32 v5, v4;
	v11 =	vld [tilespmem:s13+$0xFFFFFF60];
	[tilespmem:s13+$0xF0] =	vst v6  }
0x200: {  	[tilespmem:s13+$0xFFFFFF00] =	vst v2;
	v2 =	vmul.f32 v5, v7;
	v6 =	vld [tilespmem:s13+$0xFFFFFF70]  }
0x201: {  	[tilespmem:s13+$0xFFFFFF10] =	vst v4;
	v4 =	vmul.f32 v5, v9;
	v7 =	vld [tilespmem:s13+$0xFFFFFF80]  }
0x202: {  	[tilespmem:s13+$0xFFFFFF20] =	vst v2;
	v2 =	vmul.f32 v5, v10;
	v9 =	vld [tilespmem:s13+$0xFFFFFF90]  }
0x203: {  	[tilespmem:s13+$0xFFFFFF30] =	vst v4;
	v3 =	vmul.f32 v5, v3;
	v4 =	vld [tilespmem:s13+$0xFFFFFFA0]  }
0x204: {  	[tilespmem:s13+$0xFFFFFF40] =	vst v2;
	v2 =	vmul.f32 v5, v11;
	v10 =	vld [tilespmem:s13+$0xFFFFFFB0]  }
0x205: {  	[tilespmem:s13+$0xFFFFFF50] =	vst v3;
	v3 =	vmul.f32 v5, v6;
	v5 =	vld [tilespmem:s13+$0xFFFFFFC0]  }
0x206: {  	[tilespmem:s13+$0xFFFFFF60] =	vst v2;
	v2 =	vmul.f32 v8, v7;
	v6 =	vld [tilespmem:s13+$0xFFFFFFD0]  }
0x207: {  	[tilespmem:s13+$0xFFFFFF70] =	vst v3;
	v3 =	vmul.f32 v8, v9;
	v7 =	vld [tilespmem:s13+$0xFFFFFFE0]  }
0x208: {  	[tilespmem:s13+$0xFFFFFF80] =	vst v2;
	v2 =	vmul.f32 v8, v4;
	v4 =	vld [tilespmem:s13+$0xFFFFFFF0]  }
0x209: {  	[tilespmem:s13+$0xFFFFFF90] =	vst v3;
	v3 =	vmul.f32 v8, v10;
	v9 =	vld [tilespmem:s13+$0x0]  }
0x20a: {  	[tilespmem:s13+$0xFFFFFFA0] =	vst v2;
	v2 =	vmul.f32 v8, v5;
	v5 =	vld [tilespmem:s13+$0x10]  }
0x20b: {  	[tilespmem:s13+$0xFFFFFFB0] =	vst v3;
	v3 =	vmul.f32 v8, v6;
	v6 =	vld [tilespmem:s13+$0x20]  }
0x20c: {  	[tilespmem:s13+$0xFFFFFFC0] =	vst v2;
	v7 =	vmul.f32 v8, v7;
	v12 =	vld [tilespmem:s13+$0x30]  }
.Ltmp5:
0x20d: {  	s16 =	sadd.s32 $0x1, s15;
	v10 =	vmov s15;
	[tilespmem:s13+$0xFFFFFFD0] =	vst v3;
	v4 =	vmul.f32 v8, v4;
	v2 =	vld [tilespmem:s13+$0x40];
	(pc) =	sbr.rel @p1 .LBB2_9-.Ltmp5, $4  }
0x20e: {  	v8 =	vand.u32 $0x7C, v10;
	v10 =	vmov s16;
	s16 =	sadd.s32 $0x2, s15;
	[tilespmem:s13+$0xFFFFFFE0] =	vst v7;
	v7 =	vmul.f32 v1, v9;
	v3 =	vld [tilespmem:s13+$0x50]  }
0x20f: {  	v9 =	vor.u32 $0x100, v8;
	v8 =	vmov s16;
	[tilespmem:s13+$0xFFFFFFF0] =	vst v4;
	v13 =	vmul.f32 v1, v5;
	v4 =	vld [tilespmem:s13+$0x60]  }
0x210: {  	v11 =	vand.u32 $0x7D, v10;
	v10 =	vand.u32 $0x7E, v8;
	[tilespmem:s13+$0x0] =	vst v7;
	v8 =	vmul.f32 v1, v6;
	v6 =	vld [tilespmem:s13+$0x70]  }
0x211: {  	s16 =	sadd.s32 $0x3, s15;
	s15 =	sadd.s32 $0x4, s15;
	v5 =	vbroadcast v9, $0x0;
	v11 =	vor.u32 $0x100, v11;
	[tilespmem:s13+$0x10] =	vst v13;
	v9 =	vmul.f32 v1, v12;
	v7 =	vld [tilespmem:s13+$0x80]  }
0x212: {  	v13 =	vld [tilespmem:s13+$0x90]  }
0x213: {  	v14 =	vld [tilespmem:s13+$0xA0]  }
0x214: {  	v12 =	vmov s16;
	v10 =	vor.u32 $0x100, v10;
	v11 =	vbroadcast v11, $0x0;
	v15 =	vld [tilespmem:s13+$0xB0]  }
0x215: {  	v16 =	vld [tilespmem:s13+$0xC0];
	[tilespmem:s13+$0x20] =	vst v8;
	v2 =	vmul.f32 v1, v2;
	v12 =	vand.u32 $0x7F, v12;
	v10 =	vbroadcast v10, $0x0  }
0x216: {  	v8 =	vld [tilespmem:s13+$0xD0];
	[tilespmem:s13+$0x30] =	vst v9;
	v3 =	vmul.f32 v1, v3;
	v12 =	vor.u32 $0x100, v12  }
0x217: {  	v9 =	vld [tilespmem:s13+$0xE0];
	[tilespmem:s13+$0x40] =	vst v2;
	v2 =	vmul.f32 v1, v4;
	v12 =	vbroadcast v12, $0x0  }
0x218: {  	s15 =	sadd.s32 $0x200, s13;
	v4 =	vld.idx.msk [tilespmem:v5+s25+$0x0], $0xffff;
	[tilespmem:s13+$0x50] =	vst v3;
	v1 =	vmul.f32 v1, v6  }
0x219: {  	[tilespmem:s13+$0x60] =	vst v2;
	v2 =	vmul.f32 v0, v7;
	v7 =	vld [tilespmem:s15+$0xF0]  }
0x21a: {  	[tilespmem:s13+$0x70] =	vst v1;
	v1 =	vmul.f32 v0, v13;
	v3 =	vld.idx.msk [tilespmem:v11+s25+$0x0], $0xffff  }
0x21b: {  	[tilespmem:s13+$0x80] =	vst v2;
	v2 =	vmul.f32 v0, v14;
	v5 =	vld.idx.msk [tilespmem:v10+s25+$0x0], $0xffff  }
0x21c: {  	[tilespmem:s13+$0x90] =	vst v1;
	v1 =	vmul.f32 v0, v15;
	v10 =	vld [tilespmem:s15+$0xFFFFFF00]  }
0x21d: {  	[tilespmem:s13+$0xA0] =	vst v2;
	v2 =	vmul.f32 v0, v16;
	v6 =	vld.idx.msk [tilespmem:v12+s25+$0x0], $0xffff  }
0x21e: {  	v11 =	vld [tilespmem:s15+$0xFFFFFF10];
	[tilespmem:s14+$0xB0] =	vst v1;
	v1 =	vmul.f32 v0, v8  }
0x21f: {  	v8 =	vld [tilespmem:s15+$0xFFFFFF20];
	v0 =	vmul.f32 v0, v9;
	[tilespmem:s14+$0xC0] =	vst v2  }
0x220: {  	v2 =	vld [tilespmem:s15+$0xFFFFFF30];
	[tilespmem:s14+$0xD0] =	vst v1  }
0x221: {  	v1 =	vld [tilespmem:s15+$0xFFFFFF40];
	[tilespmem:s14+$0xE0] =	vst v0;
	v0 =	vmul.f32 v4, v10  }
0x222: {  	v9 =	vld [tilespmem:s15+$0xFFFFFF50];
	v7 =	vmul.f32 v6, v7  }
0x223: {  	v10 =	vmul.f32 v4, v11;
	v11 =	vld [tilespmem:s15+$0xFFFFFF60];
	[tilespmem:s15+$0xFFFFFF00] =	vst v0  }
0x224: {  	v0 =	vmul.f32 v4, v8;
	[tilespmem:s15+$0xF0] =	vst v7;
	v7 =	vld [tilespmem:s15+$0xFFFFFF70]  }
0x225: {  	[tilespmem:s15+$0xFFFFFF10] =	vst v10;
	v8 =	vld [tilespmem:s15+$0xFFFFFF80];
	v2 =	vmul.f32 v4, v2  }
0x226: {  	[tilespmem:s15+$0xFFFFFF20] =	vst v0;
	v0 =	vmul.f32 v4, v1;
	v1 =	vld [tilespmem:s15+$0xFFFFFF90]  }
0x227: {  	[tilespmem:s15+$0xFFFFFF30] =	vst v2;
	v2 =	vmul.f32 v4, v9;
	v9 =	vld [tilespmem:s15+$0xFFFFFFA0]  }
0x228: {  	v10 =	vld [tilespmem:s15+$0xFFFFFFB0];
	[tilespmem:s15+$0xFFFFFF40] =	vst v0;
	v0 =	vmul.f32 v4, v11  }
0x229: {  	[tilespmem:s15+$0xFFFFFF50] =	vst v2;
	v2 =	vmul.f32 v4, v7;
	v4 =	vld [tilespmem:s15+$0xFFFFFFC0]  }
0x22a: {  	[tilespmem:s15+$0xFFFFFF60] =	vst v0;
	v0 =	vmul.f32 v3, v8;
	v7 =	vld [tilespmem:s15+$0xFFFFFFD0]  }
0x22b: {  	v1 =	vmul.f32 v3, v1;
	[tilespmem:s15+$0xFFFFFF70] =	vst v2;
	v2 =	vld [tilespmem:s15+$0xFFFFFFE0]  }
0x22c: {  	v8 =	vld [tilespmem:s15+$0xFFFFFFF0];
	[tilespmem:s15+$0xFFFFFF80] =	vst v0;
	v0 =	vmul.f32 v3, v9  }
0x22d: {  	v9 =	vld [tilespmem:s15+$0x0];
	[tilespmem:s15+$0xFFFFFF90] =	vst v1;
	v1 =	vmul.f32 v3, v10  }
0x22e: {  	[tilespmem:s15+$0xFFFFFFA0] =	vst v0;
	v0 =	vmul.f32 v3, v4;
	v4 =	vld [tilespmem:s15+$0x10]  }
0x22f: {  	[tilespmem:s15+$0xFFFFFFB0] =	vst v1;
	v1 =	vmul.f32 v3, v7;
	v7 =	vld [tilespmem:s15+$0x20]  }
0x230: {  	[tilespmem:s15+$0xFFFFFFC0] =	vst v0;
	v0 =	vmul.f32 v3, v2;
	v2 =	vld [tilespmem:s15+$0x30]  }
0x231: {  	[tilespmem:s15+$0xFFFFFFD0] =	vst v1;
	v1 =	vmul.f32 v3, v8;
	v3 =	vld [tilespmem:s15+$0x40]  }
0x232: {  	v8 =	vld [tilespmem:s15+$0x50];
	[tilespmem:s15+$0xFFFFFFE0] =	vst v0;
	v0 =	vmul.f32 v5, v9  }
0x233: {  	[tilespmem:s15+$0xFFFFFFF0] =	vst v1;
	v1 =	vmul.f32 v5, v4;
	v4 =	vld [tilespmem:s15+$0x60]  }
0x234: {  	[tilespmem:s15+$0x0] =	vst v0;
	v0 =	vmul.f32 v5, v7;
	v7 =	vld [tilespmem:s15+$0x70]  }
0x235: {  	[tilespmem:s15+$0x10] =	vst v1;
	v1 =	vmul.f32 v5, v2;
	v2 =	vld [tilespmem:s15+$0x80]  }
0x236: {  	[tilespmem:s15+$0x20] =	vst v0;
	v0 =	vmul.f32 v5, v3;
	v3 =	vld [tilespmem:s15+$0x90]  }
0x237: {  	[tilespmem:s15+$0x30] =	vst v1;
	v1 =	vmul.f32 v5, v8;
	v8 =	vld [tilespmem:s15+$0xA0]  }
0x238: {  	[tilespmem:s15+$0x40] =	vst v0;
	v0 =	vmul.f32 v5, v4;
	v4 =	vld [tilespmem:s15+$0xB0]  }
0x239: {  	[tilespmem:s15+$0x50] =	vst v1;
	v1 =	vmul.f32 v5, v7;
	v5 =	vld [tilespmem:s15+$0xC0]  }
0x23a: {  	[tilespmem:s15+$0x60] =	vst v0;
	v0 =	vmul.f32 v6, v2;
	v2 =	vld [tilespmem:s15+$0xD0]  }
0x23b: {  	[tilespmem:s15+$0x70] =	vst v1;
	v1 =	vmul.f32 v6, v3;
	v3 =	vld [tilespmem:s15+$0xE0]  }
0x23c: {  	[tilespmem:s15+$0x80] =	vst v0;
	v0 =	vmul.f32 v6, v8  }
0x23d: {  	[tilespmem:s15+$0x90] =	vst v1;
	v1 =	vmul.f32 v6, v4  }
0x23e: {  	[tilespmem:s15+$0xA0] =	vst v0;
	v0 =	vmul.f32 v6, v5  }
0x23f: {  	[tilespmem:s15+$0xB0] =	vst v1;
	v1 =	vmul.f32 v6, v2  }
0x240: {  	[tilespmem:s15+$0xC0] =	vst v0;
	v0 =	vmul.f32 v6, v3  }
0x241: {  	[tilespmem:s15+$0xD0] =	vst v1  }
0x242: {  	s16 =	simm.s32 $0x680;
	[tilespmem:s15+$0xE0] =	vst v0  }
0x243: {  	[spmem:s4] =	stream.indirect.scatter.add.f32 [tilespmem:s30], [sflag:$0xA], $0x80, s16, s29, $0xb8;
	v63 =	vld [tilespmem:$0x0]  }
0x244: {  	_ =	swait.ge [sflag:s19], $0x3C00  }
0x245: {  	[sflag:s19] =	ssyncset.done $0x0  }
0x246: {  	[sflag:s19] =	ssyncadd.s32 $0xFFFFC400  }
0x247: {  	s14 =	simm.s32 $0x0;
	_ =	swait.ge [sflag:s7], $0x180  }
0x248: {  	v0 =	vmov s14;
	s15 =	simm.s32 $0x3;
	[sflag:s7] =	ssyncset.done $0x0;
	s13 =	rddreg [dreg:$0xe]  }
0x249: {  	v0 =	vand.u32 $0x7C, v0;
	v1 =	vmov s15;
	[sflag:s7] =	ssyncadd.s32 $0xFFFFFE80;
	s13 =	sadd.s32 @!p0 s18, s13  }
0x24a: {  	v0 =	vor.u32 $0x100, v0;
	v1 =	vand.u32 $0x7F, v1;
	[tilespmem:s10], [sflag:$0x9] =	stream.indirect.gather [hbm4b:s1+s29], $0x80, s11, s29, $0xb8;
	v63 =	vld [tilespmem:$0x0]  }
0x24b: {  	v0 =	vbroadcast v0, $0x0;
	v1 =	vor.u32 $0x100, v1;
	s13 =	sshrl.u32 @!p0 s13, $0x3  }
0x24c: {  	s14 =	simm.s32 @!p0 $0x0;
	s15 =	simm.s32 @!p0 $0x400;
	v1 =	vbroadcast v1, $0x0;
	s13 =	sadd.s32 @!p0 s6, s13  }
0x24d: {  	[tilespmem:s15], [sflag:$0x3] =	stream.linear.gather @!p0 [hbm4b:s13+s14], $0x180, $0x38;
	v63 =	vld [tilespmem:$0x0]  }
0x24e: {  	_ =	swait.ge [sflag:s12], $0x3C00  }
0x24f: {  	[sflag:s12] =	ssyncset.done $0x0  }
0x250: {  	[sflag:s12] =	ssyncadd.s32 $0xFFFFC400  }
0x251: {  	s16 =	simm.s32 $0x1;
	v2 =	vld.idx.msk [tilespmem:v0+s26+$0x0], $0xffff  }
0x252: {  	v3 =	vmov s16;
	s13 =	simm.s32 $0x4900;
	v0 =	vld.idx.msk [tilespmem:v1+s26+$0x0], $0xffff  }
0x253: {  	v1 =	vand.u32 $0x7D, v3;
	v3 =	vld [tilespmem:s13+$0xF0]  }
0x254: {  	v4 =	vld [tilespmem:s13+$0xFFFFFF00]  }
0x255: {  	v5 =	vld [tilespmem:s13+$0xFFFFFF10]  }
0x256: {  	v6 =	vld [tilespmem:s13+$0xFFFFFF20];
	v1 =	vor.u32 $0x100, v1  }
0x257: {  	v7 =	vld [tilespmem:s13+$0xFFFFFF30];
	v1 =	vbroadcast v1, $0x0  }
0x258: {  	v8 =	vld [tilespmem:s13+$0xFFFFFF40]  }
0x259: {  	v9 =	vld [tilespmem:s13+$0xFFFFFF50];
	v4 =	vmul.f32 v2, v4  }
0x25a: {  	v10 =	vld [tilespmem:s13+$0xFFFFFF60];
	v3 =	vmul.f32 v0, v3  }
0x25b: {  	[tilespmem:s13+$0xFFFFFF00] =	vst v4;
	v4 =	vld [tilespmem:s13+$0xFFFFFF70]  }
0x25c: {  	s15 =	simm.s32 $0x2;
	v5 =	vmul.f32 v2, v5;
	[tilespmem:s13+$0xF0] =	vst v3;
	v3 =	vmul.f32 v2, v6;
	v6 =	vld [tilespmem:s13+$0xFFFFFF90]  }
0x25d: {  	v11 =	vmov s15;
	v61 =	vld.idx.msk [tilespmem:v1+s26+$0x0], $0xffff  }
0x25e: {  	[tilespmem:s13+$0xFFFFFF10] =	vst v5;
	v5 =	vmul.f32 v2, v7;
	v1 =	vand.u32 $0x7E, v11;
	v11 =	vld [tilespmem:s13+$0xFFFFFF80]  }
0x25f: {  	v10 =	vmul.f32 v2, v10;
	v7 =	vld [tilespmem:s13+$0xFFFFFFA0];
	v1 =	vor.u32 $0x100, v1;
	[tilespmem:s13+$0xFFFFFF20] =	vst v3;
	v3 =	vmul.f32 v2, v8  }
0x260: {  	v8 =	vld [tilespmem:s13+$0xFFFFFFB0];
	[tilespmem:s13+$0xFFFFFF30] =	vst v5;
	v5 =	vmul.f32 v2, v9;
	v1 =	vbroadcast v1, $0x0  }
0x261: {  	[tilespmem:s13+$0xFFFFFF60] =	vst v10;
	v9 =	vld [tilespmem:s13+$0xFFFFFFC0]  }
0x262: {  	[tilespmem:s13+$0xFFFFFF50] =	vst v5;
	v5 =	vld [tilespmem:s13+$0xFFFFFFE0];
	v2 =	vmul.f32 v2, v4  }
0x263: {  	[tilespmem:s13+$0xFFFFFF40] =	vst v3;
	v4 =	vld [tilespmem:s13+$0xFFFFFFF0];
	v3 =	vmul.f32 v61, v11  }
0x264: {  	v11 =	vld [tilespmem:s13+$0xFFFFFFD0];
	[tilespmem:s13+$0xFFFFFF70] =	vst v2;
	v2 =	vmul.f32 v61, v7  }
0x265: {  	[tilespmem:s13+$0xFFFFFF80] =	vst v3;
	v3 =	vmul.f32 v61, v6;
	v6 =	vld [tilespmem:s13+$0x0]  }
0x266: {  	v1 =	vld.idx.msk [tilespmem:v1+s26+$0x0], $0xffff;
	[tilespmem:s13+$0xFFFFFFA0] =	vst v2;
	v2 =	vmul.f32 v61, v9  }
0x267: {  	v7 =	vld [tilespmem:s13+$0x10];
	[tilespmem:s13+$0xFFFFFF90] =	vst v3;
	v3 =	vmul.f32 v61, v8  }
0x268: {  	v5 =	vmul.f32 v61, v5;
	v8 =	vld [tilespmem:s13+$0x20];
	[tilespmem:s13+$0xFFFFFFC0] =	vst v2  }
0x269: {  	s16 =	simm.s32 $0x4;
	v9 =	vld [tilespmem:s13+$0x30];
	[tilespmem:s13+$0xFFFFFFB0] =	vst v3;
	v3 =	vmul.f32 v61, v11  }
0x26a: {  	s15 =	simm.s32 $0x5;
	v10 =	vmov s16;
	v2 =	vld [tilespmem:s13+$0x40];
	[tilespmem:s13+$0xFFFFFFE0] =	vst v5;
	v11 =	vmul.f32 v61, v4  }
0x26b: {  	v62 =	vmov s15;
	s16 =	simm.s32 $0x6;
	v10 =	vand.u32 $0x7C, v10;
	[tilespmem:s13+$0xFFFFFFD0] =	vst v3;
	v6 =	vmul.f32 v1, v6;
	v3 =	vld [tilespmem:s13+$0x50]  }
0x26c: {  	v5 =	vor.u32 $0x100, v10;
	v10 =	vmov s16;
	v4 =	vld [tilespmem:s13+$0x60];
	v7 =	vmul.f32 v1, v7;
	[tilespmem:s13+$0xFFFFFFF0] =	vst v11  }
0x26d: {  	v10 =	vand.u32 $0x7E, v10;
	v11 =	vand.u32 $0x7D, v62;
	v8 =	vmul.f32 v1, v8;
	[tilespmem:s13+$0x0] =	vst v6;
	v6 =	vld [tilespmem:s13+$0x70]  }
0x26e: {  	s14 =	simm.s32 $0x4900;
	s15 =	simm.s32 $0x8;
	s16 =	simm.s32 $0x7;
	v5 =	vbroadcast v5, $0x0;
	v9 =	vmul.f32 v1, v9;
	v11 =	vor.u32 $0x100, v11;
	[tilespmem:s13+$0x10] =	vst v7;
	v7 =	vld [tilespmem:s13+$0x80]  }
.LBB2_11:
0x26f: {  	p1 =	slt.u32 s15, $0x74;
	v10 =	vor.u32 $0x100, v10;
	v12 =	vmov s16;
	[tilespmem:s13+$0x20] =	vst v8;
	v2 =	vmul.f32 v1, v2;
	v8 =	vld [tilespmem:s13+$0x90]  }
0x270: {  	v11 =	vbroadcast v11, $0x0;
	v12 =	vand.u32 $0x7F, v12;
	[tilespmem:s13+$0x30] =	vst v9;
	v3 =	vmul.f32 v1, v3;
	v9 =	vld [tilespmem:s13+$0xA0]  }
0x271: {  	v10 =	vbroadcast v10, $0x0;
	v12 =	vor.u32 $0x100, v12;
	[tilespmem:s13+$0x40] =	vst v2;
	v2 =	vmul.f32 v1, v4;
	v4 =	vld [tilespmem:s13+$0xB0]  }
0x272: {  	v12 =	vbroadcast v12, $0x0;
	[tilespmem:s13+$0x50] =	vst v3;
	v1 =	vmul.f32 v1, v6;
	v3 =	vld [tilespmem:s13+$0xC0]  }
0x273: {  	[tilespmem:s13+$0x60] =	vst v2;
	v2 =	vmul.f32 v0, v7;
	v6 =	vld [tilespmem:s13+$0xD0]  }
0x274: {  	[tilespmem:s13+$0x70] =	vst v1;
	v1 =	vmul.f32 v0, v8;
	v7 =	vld [tilespmem:s13+$0xE0]  }
0x275: {  	v5 =	vld.idx.msk [tilespmem:v5+s26+$0x0], $0xffff;
	[tilespmem:s13+$0x80] =	vst v2;
	v2 =	vmul.f32 v0, v9  }
0x276: {  	v8 =	vld.idx.msk [tilespmem:v11+s26+$0x0], $0xffff;
	[tilespmem:s13+$0x90] =	vst v1;
	v4 =	vmul.f32 v0, v4  }
0x277: {  	v1 =	vld.idx.msk [tilespmem:v10+s26+$0x0], $0xffff;
	[tilespmem:s13+$0xA0] =	vst v2;
	v2 =	vmul.f32 v0, v3  }
0x278: {  	s13 =	sadd.s32 $0x200, s13;
	v3 =	vld.idx.msk [tilespmem:v12+s26+$0x0], $0xffff;
	[tilespmem:s14+$0xB0] =	vst v4;
	v4 =	vmul.f32 v0, v6  }
0x279: {  	v6 =	vld [tilespmem:s13+$0xF0];
	[tilespmem:s14+$0xC0] =	vst v2;
	v0 =	vmul.f32 v0, v7  }
0x27a: {  	v2 =	vld [tilespmem:s13+$0xFFFFFF00];
	[tilespmem:s14+$0xD0] =	vst v4  }
0x27b: {  	v4 =	vld [tilespmem:s13+$0xFFFFFF10];
	[tilespmem:s14+$0xE0] =	vst v0;
	s14 =	smov.u32 s13  }
0x27c: {  	v7 =	vld [tilespmem:s13+$0xFFFFFF20]  }
0x27d: {  	v9 =	vld [tilespmem:s13+$0xFFFFFF30]  }
0x27e: {  	v0 =	vmov v3;
	v10 =	vld [tilespmem:s13+$0xFFFFFF40];
	v6 =	vmul.f32 v3, v6  }
0x27f: {  	v2 =	vmul.f32 v5, v2;
	v3 =	vld [tilespmem:s13+$0xFFFFFF50]  }
0x280: {  	v4 =	vmul.f32 v5, v4;
	v11 =	vld [tilespmem:s13+$0xFFFFFF60];
	[tilespmem:s13+$0xF0] =	vst v6  }
0x281: {  	[tilespmem:s13+$0xFFFFFF00] =	vst v2;
	v2 =	vmul.f32 v5, v7;
	v6 =	vld [tilespmem:s13+$0xFFFFFF70]  }
0x282: {  	[tilespmem:s13+$0xFFFFFF10] =	vst v4;
	v4 =	vmul.f32 v5, v9;
	v7 =	vld [tilespmem:s13+$0xFFFFFF80]  }
0x283: {  	[tilespmem:s13+$0xFFFFFF20] =	vst v2;
	v2 =	vmul.f32 v5, v10;
	v9 =	vld [tilespmem:s13+$0xFFFFFF90]  }
0x284: {  	[tilespmem:s13+$0xFFFFFF30] =	vst v4;
	v3 =	vmul.f32 v5, v3;
	v4 =	vld [tilespmem:s13+$0xFFFFFFA0]  }
0x285: {  	[tilespmem:s13+$0xFFFFFF40] =	vst v2;
	v2 =	vmul.f32 v5, v11;
	v10 =	vld [tilespmem:s13+$0xFFFFFFB0]  }
0x286: {  	[tilespmem:s13+$0xFFFFFF50] =	vst v3;
	v3 =	vmul.f32 v5, v6;
	v5 =	vld [tilespmem:s13+$0xFFFFFFC0]  }
0x287: {  	[tilespmem:s13+$0xFFFFFF60] =	vst v2;
	v2 =	vmul.f32 v8, v7;
	v6 =	vld [tilespmem:s13+$0xFFFFFFD0]  }
0x288: {  	[tilespmem:s13+$0xFFFFFF70] =	vst v3;
	v3 =	vmul.f32 v8, v9;
	v7 =	vld [tilespmem:s13+$0xFFFFFFE0]  }
0x289: {  	[tilespmem:s13+$0xFFFFFF80] =	vst v2;
	v2 =	vmul.f32 v8, v4;
	v4 =	vld [tilespmem:s13+$0xFFFFFFF0]  }
0x28a: {  	[tilespmem:s13+$0xFFFFFF90] =	vst v3;
	v3 =	vmul.f32 v8, v10;
	v9 =	vld [tilespmem:s13+$0x0]  }
0x28b: {  	[tilespmem:s13+$0xFFFFFFA0] =	vst v2;
	v2 =	vmul.f32 v8, v5;
	v5 =	vld [tilespmem:s13+$0x10]  }
0x28c: {  	[tilespmem:s13+$0xFFFFFFB0] =	vst v3;
	v3 =	vmul.f32 v8, v6;
	v6 =	vld [tilespmem:s13+$0x20]  }
0x28d: {  	[tilespmem:s13+$0xFFFFFFC0] =	vst v2;
	v7 =	vmul.f32 v8, v7;
	v12 =	vld [tilespmem:s13+$0x30]  }
.Ltmp6:
0x28e: {  	s16 =	sadd.s32 $0x1, s15;
	v10 =	vmov s15;
	[tilespmem:s13+$0xFFFFFFD0] =	vst v3;
	v4 =	vmul.f32 v8, v4;
	v2 =	vld [tilespmem:s13+$0x40];
	(pc) =	sbr.rel @p1 .LBB2_11-.Ltmp6, $4  }
0x28f: {  	v8 =	vand.u32 $0x7C, v10;
	v10 =	vmov s16;
	s16 =	sadd.s32 $0x2, s15;
	[tilespmem:s13+$0xFFFFFFE0] =	vst v7;
	v7 =	vmul.f32 v1, v9;
	v3 =	vld [tilespmem:s13+$0x50]  }
0x290: {  	v9 =	vor.u32 $0x100, v8;
	v8 =	vmov s16;
	[tilespmem:s13+$0xFFFFFFF0] =	vst v4;
	v13 =	vmul.f32 v1, v5;
	v4 =	vld [tilespmem:s13+$0x60]  }
0x291: {  	v11 =	vand.u32 $0x7D, v10;
	v10 =	vand.u32 $0x7E, v8;
	[tilespmem:s13+$0x0] =	vst v7;
	v8 =	vmul.f32 v1, v6;
	v6 =	vld [tilespmem:s13+$0x70]  }
0x292: {  	s16 =	sadd.s32 $0x3, s15;
	s15 =	sadd.s32 $0x4, s15;
	v5 =	vbroadcast v9, $0x0;
	v11 =	vor.u32 $0x100, v11;
	[tilespmem:s13+$0x10] =	vst v13;
	v9 =	vmul.f32 v1, v12;
	v7 =	vld [tilespmem:s13+$0x80]  }
0x293: {  	v13 =	vld [tilespmem:s13+$0x90]  }
0x294: {  	v14 =	vld [tilespmem:s13+$0xA0]  }
0x295: {  	v12 =	vmov s16;
	v10 =	vor.u32 $0x100, v10;
	v11 =	vbroadcast v11, $0x0;
	v15 =	vld [tilespmem:s13+$0xB0]  }
0x296: {  	v16 =	vld [tilespmem:s13+$0xC0];
	[tilespmem:s13+$0x20] =	vst v8;
	v2 =	vmul.f32 v1, v2;
	v12 =	vand.u32 $0x7F, v12;
	v10 =	vbroadcast v10, $0x0  }
0x297: {  	v8 =	vld [tilespmem:s13+$0xD0];
	[tilespmem:s13+$0x30] =	vst v9;
	v3 =	vmul.f32 v1, v3;
	v12 =	vor.u32 $0x100, v12  }
0x298: {  	v9 =	vld [tilespmem:s13+$0xE0];
	[tilespmem:s13+$0x40] =	vst v2;
	v2 =	vmul.f32 v1, v4;
	v12 =	vbroadcast v12, $0x0  }
0x299: {  	s15 =	sadd.s32 $0x200, s13;
	v4 =	vld.idx.msk [tilespmem:v5+s26+$0x0], $0xffff;
	[tilespmem:s13+$0x50] =	vst v3;
	v1 =	vmul.f32 v1, v6  }
0x29a: {  	[tilespmem:s13+$0x60] =	vst v2;
	v2 =	vmul.f32 v0, v7;
	v7 =	vld [tilespmem:s15+$0xF0]  }
0x29b: {  	[tilespmem:s13+$0x70] =	vst v1;
	v1 =	vmul.f32 v0, v13;
	v3 =	vld.idx.msk [tilespmem:v11+s26+$0x0], $0xffff  }
0x29c: {  	[tilespmem:s13+$0x80] =	vst v2;
	v2 =	vmul.f32 v0, v14;
	v5 =	vld.idx.msk [tilespmem:v10+s26+$0x0], $0xffff  }
0x29d: {  	[tilespmem:s13+$0x90] =	vst v1;
	v1 =	vmul.f32 v0, v15;
	v10 =	vld [tilespmem:s15+$0xFFFFFF00]  }
0x29e: {  	[tilespmem:s13+$0xA0] =	vst v2;
	v2 =	vmul.f32 v0, v16;
	v6 =	vld.idx.msk [tilespmem:v12+s26+$0x0], $0xffff  }
0x29f: {  	v11 =	vld [tilespmem:s15+$0xFFFFFF10];
	[tilespmem:s14+$0xB0] =	vst v1;
	v1 =	vmul.f32 v0, v8  }
0x2a0: {  	v8 =	vld [tilespmem:s15+$0xFFFFFF20];
	v0 =	vmul.f32 v0, v9;
	[tilespmem:s14+$0xC0] =	vst v2  }
0x2a1: {  	v2 =	vld [tilespmem:s15+$0xFFFFFF30];
	[tilespmem:s14+$0xD0] =	vst v1  }
0x2a2: {  	v1 =	vld [tilespmem:s15+$0xFFFFFF40];
	[tilespmem:s14+$0xE0] =	vst v0;
	v0 =	vmul.f32 v4, v10  }
0x2a3: {  	v9 =	vld [tilespmem:s15+$0xFFFFFF50];
	v7 =	vmul.f32 v6, v7  }
0x2a4: {  	v10 =	vmul.f32 v4, v11;
	v11 =	vld [tilespmem:s15+$0xFFFFFF60];
	[tilespmem:s15+$0xFFFFFF00] =	vst v0  }
0x2a5: {  	v0 =	vmul.f32 v4, v8;
	[tilespmem:s15+$0xF0] =	vst v7;
	v7 =	vld [tilespmem:s15+$0xFFFFFF70]  }
0x2a6: {  	[tilespmem:s15+$0xFFFFFF10] =	vst v10;
	v8 =	vld [tilespmem:s15+$0xFFFFFF80];
	v2 =	vmul.f32 v4, v2  }
0x2a7: {  	[tilespmem:s15+$0xFFFFFF20] =	vst v0;
	v0 =	vmul.f32 v4, v1;
	v1 =	vld [tilespmem:s15+$0xFFFFFF90]  }
0x2a8: {  	[tilespmem:s15+$0xFFFFFF30] =	vst v2;
	v2 =	vmul.f32 v4, v9;
	v9 =	vld [tilespmem:s15+$0xFFFFFFA0]  }
0x2a9: {  	v10 =	vld [tilespmem:s15+$0xFFFFFFB0];
	[tilespmem:s15+$0xFFFFFF40] =	vst v0;
	v0 =	vmul.f32 v4, v11  }
0x2aa: {  	[tilespmem:s15+$0xFFFFFF50] =	vst v2;
	v2 =	vmul.f32 v4, v7;
	v4 =	vld [tilespmem:s15+$0xFFFFFFC0]  }
0x2ab: {  	[tilespmem:s15+$0xFFFFFF60] =	vst v0;
	v0 =	vmul.f32 v3, v8;
	v7 =	vld [tilespmem:s15+$0xFFFFFFD0]  }
0x2ac: {  	v1 =	vmul.f32 v3, v1;
	[tilespmem:s15+$0xFFFFFF70] =	vst v2;
	v2 =	vld [tilespmem:s15+$0xFFFFFFE0]  }
0x2ad: {  	v8 =	vld [tilespmem:s15+$0xFFFFFFF0];
	[tilespmem:s15+$0xFFFFFF80] =	vst v0;
	v0 =	vmul.f32 v3, v9  }
0x2ae: {  	v9 =	vld [tilespmem:s15+$0x0];
	[tilespmem:s15+$0xFFFFFF90] =	vst v1;
	v1 =	vmul.f32 v3, v10  }
0x2af: {  	[tilespmem:s15+$0xFFFFFFA0] =	vst v0;
	v0 =	vmul.f32 v3, v4;
	v4 =	vld [tilespmem:s15+$0x10]  }
0x2b0: {  	[tilespmem:s15+$0xFFFFFFB0] =	vst v1;
	v1 =	vmul.f32 v3, v7;
	v7 =	vld [tilespmem:s15+$0x20]  }
0x2b1: {  	[tilespmem:s15+$0xFFFFFFC0] =	vst v0;
	v0 =	vmul.f32 v3, v2;
	v2 =	vld [tilespmem:s15+$0x30]  }
0x2b2: {  	[tilespmem:s15+$0xFFFFFFD0] =	vst v1;
	v1 =	vmul.f32 v3, v8;
	v3 =	vld [tilespmem:s15+$0x40]  }
0x2b3: {  	v8 =	vld [tilespmem:s15+$0x50];
	[tilespmem:s15+$0xFFFFFFE0] =	vst v0;
	v0 =	vmul.f32 v5, v9  }
0x2b4: {  	[tilespmem:s15+$0xFFFFFFF0] =	vst v1;
	v1 =	vmul.f32 v5, v4;
	v4 =	vld [tilespmem:s15+$0x60]  }
0x2b5: {  	[tilespmem:s15+$0x0] =	vst v0;
	v0 =	vmul.f32 v5, v7;
	v7 =	vld [tilespmem:s15+$0x70]  }
0x2b6: {  	[tilespmem:s15+$0x10] =	vst v1;
	v1 =	vmul.f32 v5, v2;
	v2 =	vld [tilespmem:s15+$0x80]  }
0x2b7: {  	[tilespmem:s15+$0x20] =	vst v0;
	v0 =	vmul.f32 v5, v3;
	v3 =	vld [tilespmem:s15+$0x90]  }
0x2b8: {  	[tilespmem:s15+$0x30] =	vst v1;
	v1 =	vmul.f32 v5, v8;
	v8 =	vld [tilespmem:s15+$0xA0]  }
0x2b9: {  	[tilespmem:s15+$0x40] =	vst v0;
	v0 =	vmul.f32 v5, v4;
	v4 =	vld [tilespmem:s15+$0xB0]  }
0x2ba: {  	[tilespmem:s15+$0x50] =	vst v1;
	v1 =	vmul.f32 v5, v7;
	v5 =	vld [tilespmem:s15+$0xC0]  }
0x2bb: {  	[tilespmem:s15+$0x60] =	vst v0;
	v0 =	vmul.f32 v6, v2;
	v2 =	vld [tilespmem:s15+$0xD0]  }
0x2bc: {  	[tilespmem:s15+$0x70] =	vst v1;
	v1 =	vmul.f32 v6, v3;
	v3 =	vld [tilespmem:s15+$0xE0]  }
0x2bd: {  	[tilespmem:s15+$0x80] =	vst v0;
	v0 =	vmul.f32 v6, v8  }
0x2be: {  	[tilespmem:s15+$0x90] =	vst v1;
	v1 =	vmul.f32 v6, v4  }
0x2bf: {  	[tilespmem:s15+$0xA0] =	vst v0;
	v0 =	vmul.f32 v6, v5  }
0x2c0: {  	[tilespmem:s15+$0xB0] =	vst v1;
	v1 =	vmul.f32 v6, v2  }
0x2c1: {  	[tilespmem:s15+$0xC0] =	vst v0;
	v0 =	vmul.f32 v6, v3  }
0x2c2: {  	[tilespmem:s15+$0xD0] =	vst v1  }
0x2c3: {  	[tilespmem:s15+$0xE0] =	vst v0;
	s15 =	simm.s32 $0x880  }
0x2c4: {  	[spmem:s4] =	stream.indirect.scatter.add.f32 [tilespmem:s0], [sflag:$0xB], $0x80, s15, s29, $0xb8;
	v63 =	vld [tilespmem:$0x0]  }
0x2c5: {  	_ =	swait.ge [sflag:s20], $0x3C00  }
0x2c6: {  	[sflag:s20] =	ssyncset.done $0x0  }
0x2c7: {  	s13 =	simm.s32 @!p0 $0x1;
	[sflag:s20] =	ssyncadd.s32 $0xFFFFC400  }
0x2c8: {  	s14 =	simm.s32 $0x0;
	_ =	swait.ge @!p0 [sflag:s13], $0x180  }
0x2c9: {  	s16 =	simm.s32 @!p0 $0xC00;
	v0 =	vmov s14;
	s14 =	simm.s32 $0x3;
	[sflag:s13] =	ssyncset.done @!p0 $0x0  }
0x2ca: {  	s15 =	simm.s32 @!p0 $0x0;
	[sflag:s13] =	ssyncadd.s32 @!p0 $0xFFFFFE80;
	s13 =	simm.s32 @!p0 $0x78  }
0x2cb: {  	v0 =	vand.u32 $0x7C, v0;
	v1 =	vmov s14;
	[tilespmem:s16], [sflag:$0x7] =	stream.indirect.gather @!p0 [hbm4b:s1+s13], $0x80, s15, s13, $0xb8;
	v63 =	vld [tilespmem:$0x0]  }
0x2cc: {  	v0 =	vor.u32 $0x100, v0;
	v1 =	vand.u32 $0x7F, v1;
	s13 =	sadd.s32 @!p0 s18, s17  }
0x2cd: {  	v0 =	vbroadcast v0, $0x0;
	v1 =	vor.u32 $0x100, v1;
	s13 =	sshrl.u32 @!p0 s13, $0x3  }
0x2ce: {  	s14 =	simm.s32 @!p0 $0x600;
	v1 =	vbroadcast v1, $0x0;
	s13 =	sadd.s32 @!p0 s6, s13  }
0x2cf: {  	[tilespmem:s14], [sflag:$0x4] =	stream.linear.gather @!p0 [hbm4b:s13+s15], $0x180, $0x38;
	v63 =	vld [tilespmem:$0x0]  }
0x2d0: {  	_ =	swait.ge [sflag:s28], $0x3C00  }
0x2d1: {  	[sflag:s28] =	ssyncset.done $0x0  }
0x2d2: {  	[sflag:s28] =	ssyncadd.s32 $0xFFFFC400  }
0x2d3: {  	s16 =	simm.s32 $0x1;
	v2 =	vld.idx.msk [tilespmem:v0+s11+$0x0], $0xffff  }
0x2d4: {  	v3 =	vmov s16;
	s13 =	simm.s32 $0x8500;
	v0 =	vld.idx.msk [tilespmem:v1+s11+$0x0], $0xffff  }
0x2d5: {  	v1 =	vand.u32 $0x7D, v3;
	v3 =	vld [tilespmem:s13+$0xF0]  }
0x2d6: {  	v4 =	vld [tilespmem:s13+$0xFFFFFF00]  }
0x2d7: {  	v5 =	vld [tilespmem:s13+$0xFFFFFF10]  }
0x2d8: {  	v6 =	vld [tilespmem:s13+$0xFFFFFF20];
	v1 =	vor.u32 $0x100, v1  }
0x2d9: {  	v7 =	vld [tilespmem:s13+$0xFFFFFF30];
	v1 =	vbroadcast v1, $0x0  }
0x2da: {  	v8 =	vld [tilespmem:s13+$0xFFFFFF40]  }
0x2db: {  	v9 =	vld [tilespmem:s13+$0xFFFFFF50];
	v4 =	vmul.f32 v2, v4  }
0x2dc: {  	v10 =	vld [tilespmem:s13+$0xFFFFFF60];
	v3 =	vmul.f32 v0, v3  }
0x2dd: {  	[tilespmem:s13+$0xFFFFFF00] =	vst v4;
	v4 =	vld [tilespmem:s13+$0xFFFFFF70]  }
0x2de: {  	s15 =	simm.s32 $0x2;
	v5 =	vmul.f32 v2, v5;
	[tilespmem:s13+$0xF0] =	vst v3;
	v3 =	vmul.f32 v2, v6;
	v6 =	vld [tilespmem:s13+$0xFFFFFF90]  }
0x2df: {  	v11 =	vmov s15;
	v61 =	vld.idx.msk [tilespmem:v1+s11+$0x0], $0xffff  }
0x2e0: {  	[tilespmem:s13+$0xFFFFFF10] =	vst v5;
	v5 =	vmul.f32 v2, v7;
	v1 =	vand.u32 $0x7E, v11;
	v11 =	vld [tilespmem:s13+$0xFFFFFF80]  }
0x2e1: {  	v10 =	vmul.f32 v2, v10;
	v7 =	vld [tilespmem:s13+$0xFFFFFFA0];
	v1 =	vor.u32 $0x100, v1;
	[tilespmem:s13+$0xFFFFFF20] =	vst v3;
	v3 =	vmul.f32 v2, v8  }
0x2e2: {  	v8 =	vld [tilespmem:s13+$0xFFFFFFB0];
	[tilespmem:s13+$0xFFFFFF30] =	vst v5;
	v5 =	vmul.f32 v2, v9;
	v1 =	vbroadcast v1, $0x0  }
0x2e3: {  	[tilespmem:s13+$0xFFFFFF60] =	vst v10;
	v9 =	vld [tilespmem:s13+$0xFFFFFFC0]  }
0x2e4: {  	[tilespmem:s13+$0xFFFFFF50] =	vst v5;
	v5 =	vld [tilespmem:s13+$0xFFFFFFE0];
	v2 =	vmul.f32 v2, v4  }
0x2e5: {  	[tilespmem:s13+$0xFFFFFF40] =	vst v3;
	v4 =	vld [tilespmem:s13+$0xFFFFFFF0];
	v3 =	vmul.f32 v61, v11  }
0x2e6: {  	v11 =	vld [tilespmem:s13+$0xFFFFFFD0];
	[tilespmem:s13+$0xFFFFFF70] =	vst v2;
	v2 =	vmul.f32 v61, v7  }
0x2e7: {  	[tilespmem:s13+$0xFFFFFF80] =	vst v3;
	v3 =	vmul.f32 v61, v6;
	v6 =	vld [tilespmem:s13+$0x0]  }
0x2e8: {  	v1 =	vld.idx.msk [tilespmem:v1+s11+$0x0], $0xffff;
	[tilespmem:s13+$0xFFFFFFA0] =	vst v2;
	v2 =	vmul.f32 v61, v9  }
0x2e9: {  	v7 =	vld [tilespmem:s13+$0x10];
	[tilespmem:s13+$0xFFFFFF90] =	vst v3;
	v3 =	vmul.f32 v61, v8  }
0x2ea: {  	v5 =	vmul.f32 v61, v5;
	v8 =	vld [tilespmem:s13+$0x20];
	[tilespmem:s13+$0xFFFFFFC0] =	vst v2  }
0x2eb: {  	s16 =	simm.s32 $0x4;
	v9 =	vld [tilespmem:s13+$0x30];
	[tilespmem:s13+$0xFFFFFFB0] =	vst v3;
	v3 =	vmul.f32 v61, v11  }
0x2ec: {  	s15 =	simm.s32 $0x5;
	v10 =	vmov s16;
	v2 =	vld [tilespmem:s13+$0x40];
	[tilespmem:s13+$0xFFFFFFE0] =	vst v5;
	v11 =	vmul.f32 v61, v4  }
0x2ed: {  	v62 =	vmov s15;
	s16 =	simm.s32 $0x6;
	v10 =	vand.u32 $0x7C, v10;
	[tilespmem:s13+$0xFFFFFFD0] =	vst v3;
	v6 =	vmul.f32 v1, v6;
	v3 =	vld [tilespmem:s13+$0x50]  }
0x2ee: {  	v5 =	vor.u32 $0x100, v10;
	v10 =	vmov s16;
	v4 =	vld [tilespmem:s13+$0x60];
	v7 =	vmul.f32 v1, v7;
	[tilespmem:s13+$0xFFFFFFF0] =	vst v11  }
0x2ef: {  	v10 =	vand.u32 $0x7E, v10;
	v11 =	vand.u32 $0x7D, v62;
	v8 =	vmul.f32 v1, v8;
	[tilespmem:s13+$0x0] =	vst v6;
	v6 =	vld [tilespmem:s13+$0x70]  }
0x2f0: {  	s14 =	simm.s32 $0x8500;
	s15 =	simm.s32 $0x8;
	s16 =	simm.s32 $0x7;
	v5 =	vbroadcast v5, $0x0;
	v9 =	vmul.f32 v1, v9;
	v11 =	vor.u32 $0x100, v11;
	[tilespmem:s13+$0x10] =	vst v7;
	v7 =	vld [tilespmem:s13+$0x80]  }
.LBB2_13:
0x2f1: {  	p1 =	slt.u32 s15, $0x74;
	v10 =	vor.u32 $0x100, v10;
	v12 =	vmov s16;
	[tilespmem:s13+$0x20] =	vst v8;
	v2 =	vmul.f32 v1, v2;
	v8 =	vld [tilespmem:s13+$0x90]  }
0x2f2: {  	v11 =	vbroadcast v11, $0x0;
	v12 =	vand.u32 $0x7F, v12;
	[tilespmem:s13+$0x30] =	vst v9;
	v3 =	vmul.f32 v1, v3;
	v9 =	vld [tilespmem:s13+$0xA0]  }
0x2f3: {  	v10 =	vbroadcast v10, $0x0;
	v12 =	vor.u32 $0x100, v12;
	[tilespmem:s13+$0x40] =	vst v2;
	v2 =	vmul.f32 v1, v4;
	v4 =	vld [tilespmem:s13+$0xB0]  }
0x2f4: {  	v12 =	vbroadcast v12, $0x0;
	[tilespmem:s13+$0x50] =	vst v3;
	v1 =	vmul.f32 v1, v6;
	v3 =	vld [tilespmem:s13+$0xC0]  }
0x2f5: {  	[tilespmem:s13+$0x60] =	vst v2;
	v2 =	vmul.f32 v0, v7;
	v6 =	vld [tilespmem:s13+$0xD0]  }
0x2f6: {  	[tilespmem:s13+$0x70] =	vst v1;
	v1 =	vmul.f32 v0, v8;
	v7 =	vld [tilespmem:s13+$0xE0]  }
0x2f7: {  	v5 =	vld.idx.msk [tilespmem:v5+s11+$0x0], $0xffff;
	[tilespmem:s13+$0x80] =	vst v2;
	v2 =	vmul.f32 v0, v9  }
0x2f8: {  	v8 =	vld.idx.msk [tilespmem:v11+s11+$0x0], $0xffff;
	[tilespmem:s13+$0x90] =	vst v1;
	v4 =	vmul.f32 v0, v4  }
0x2f9: {  	v1 =	vld.idx.msk [tilespmem:v10+s11+$0x0], $0xffff;
	[tilespmem:s13+$0xA0] =	vst v2;
	v2 =	vmul.f32 v0, v3  }
0x2fa: {  	s13 =	sadd.s32 $0x200, s13;
	v3 =	vld.idx.msk [tilespmem:v12+s11+$0x0], $0xffff;
	[tilespmem:s14+$0xB0] =	vst v4;
	v4 =	vmul.f32 v0, v6  }
0x2fb: {  	v6 =	vld [tilespmem:s13+$0xF0];
	[tilespmem:s14+$0xC0] =	vst v2;
	v0 =	vmul.f32 v0, v7  }
0x2fc: {  	v2 =	vld [tilespmem:s13+$0xFFFFFF00];
	[tilespmem:s14+$0xD0] =	vst v4  }
0x2fd: {  	v4 =	vld [tilespmem:s13+$0xFFFFFF10];
	[tilespmem:s14+$0xE0] =	vst v0;
	s14 =	smov.u32 s13  }
0x2fe: {  	v7 =	vld [tilespmem:s13+$0xFFFFFF20]  }
0x2ff: {  	v9 =	vld [tilespmem:s13+$0xFFFFFF30]  }
0x300: {  	v0 =	vmov v3;
	v10 =	vld [tilespmem:s13+$0xFFFFFF40];
	v6 =	vmul.f32 v3, v6  }
0x301: {  	v2 =	vmul.f32 v5, v2;
	v3 =	vld [tilespmem:s13+$0xFFFFFF50]  }
0x302: {  	v4 =	vmul.f32 v5, v4;
	v11 =	vld [tilespmem:s13+$0xFFFFFF60];
	[tilespmem:s13+$0xF0] =	vst v6  }
0x303: {  	[tilespmem:s13+$0xFFFFFF00] =	vst v2;
	v2 =	vmul.f32 v5, v7;
	v6 =	vld [tilespmem:s13+$0xFFFFFF70]  }
0x304: {  	[tilespmem:s13+$0xFFFFFF10] =	vst v4;
	v4 =	vmul.f32 v5, v9;
	v7 =	vld [tilespmem:s13+$0xFFFFFF80]  }
0x305: {  	[tilespmem:s13+$0xFFFFFF20] =	vst v2;
	v2 =	vmul.f32 v5, v10;
	v9 =	vld [tilespmem:s13+$0xFFFFFF90]  }
0x306: {  	[tilespmem:s13+$0xFFFFFF30] =	vst v4;
	v3 =	vmul.f32 v5, v3;
	v4 =	vld [tilespmem:s13+$0xFFFFFFA0]  }
0x307: {  	[tilespmem:s13+$0xFFFFFF40] =	vst v2;
	v2 =	vmul.f32 v5, v11;
	v10 =	vld [tilespmem:s13+$0xFFFFFFB0]  }
0x308: {  	[tilespmem:s13+$0xFFFFFF50] =	vst v3;
	v3 =	vmul.f32 v5, v6;
	v5 =	vld [tilespmem:s13+$0xFFFFFFC0]  }
0x309: {  	[tilespmem:s13+$0xFFFFFF60] =	vst v2;
	v2 =	vmul.f32 v8, v7;
	v6 =	vld [tilespmem:s13+$0xFFFFFFD0]  }
0x30a: {  	[tilespmem:s13+$0xFFFFFF70] =	vst v3;
	v3 =	vmul.f32 v8, v9;
	v7 =	vld [tilespmem:s13+$0xFFFFFFE0]  }
0x30b: {  	[tilespmem:s13+$0xFFFFFF80] =	vst v2;
	v2 =	vmul.f32 v8, v4;
	v4 =	vld [tilespmem:s13+$0xFFFFFFF0]  }
0x30c: {  	[tilespmem:s13+$0xFFFFFF90] =	vst v3;
	v3 =	vmul.f32 v8, v10;
	v9 =	vld [tilespmem:s13+$0x0]  }
0x30d: {  	[tilespmem:s13+$0xFFFFFFA0] =	vst v2;
	v2 =	vmul.f32 v8, v5;
	v5 =	vld [tilespmem:s13+$0x10]  }
0x30e: {  	[tilespmem:s13+$0xFFFFFFB0] =	vst v3;
	v3 =	vmul.f32 v8, v6;
	v6 =	vld [tilespmem:s13+$0x20]  }
0x30f: {  	[tilespmem:s13+$0xFFFFFFC0] =	vst v2;
	v7 =	vmul.f32 v8, v7;
	v12 =	vld [tilespmem:s13+$0x30]  }
.Ltmp7:
0x310: {  	s16 =	sadd.s32 $0x1, s15;
	v10 =	vmov s15;
	[tilespmem:s13+$0xFFFFFFD0] =	vst v3;
	v4 =	vmul.f32 v8, v4;
	v2 =	vld [tilespmem:s13+$0x40];
	(pc) =	sbr.rel @p1 .LBB2_13-.Ltmp7, $4  }
0x311: {  	v8 =	vand.u32 $0x7C, v10;
	v10 =	vmov s16;
	s16 =	sadd.s32 $0x2, s15;
	[tilespmem:s13+$0xFFFFFFE0] =	vst v7;
	v7 =	vmul.f32 v1, v9;
	v3 =	vld [tilespmem:s13+$0x50]  }
0x312: {  	v9 =	vor.u32 $0x100, v8;
	v8 =	vmov s16;
	[tilespmem:s13+$0xFFFFFFF0] =	vst v4;
	v13 =	vmul.f32 v1, v5;
	v4 =	vld [tilespmem:s13+$0x60]  }
0x313: {  	v11 =	vand.u32 $0x7D, v10;
	v10 =	vand.u32 $0x7E, v8;
	[tilespmem:s13+$0x0] =	vst v7;
	v8 =	vmul.f32 v1, v6;
	v6 =	vld [tilespmem:s13+$0x70]  }
0x314: {  	s16 =	sadd.s32 $0x3, s15;
	s15 =	sadd.s32 $0x4, s15;
	v5 =	vbroadcast v9, $0x0;
	v11 =	vor.u32 $0x100, v11;
	[tilespmem:s13+$0x10] =	vst v13;
	v9 =	vmul.f32 v1, v12;
	v7 =	vld [tilespmem:s13+$0x80]  }
0x315: {  	v13 =	vld [tilespmem:s13+$0x90]  }
0x316: {  	v14 =	vld [tilespmem:s13+$0xA0]  }
0x317: {  	v15 =	vld [tilespmem:s13+$0xB0]  }
0x318: {  	v16 =	vld [tilespmem:s13+$0xC0]  }
0x319: {  	[tilespmem:s13+$0x20] =	vst v8;
	v2 =	vmul.f32 v1, v2;
	v40 =	vld [tilespmem:s13+$0xD0]  }
0x31a: {  	v41 =	vld [tilespmem:s13+$0xE0];
	[tilespmem:s13+$0x30] =	vst v9;
	v3 =	vmul.f32 v1, v3  }
0x31b: {  	s15 =	sadd.s32 $0x200, s13;
	v43 =	vld.idx.msk [tilespmem:v5+s11+$0x0], $0xffff;
	[tilespmem:s13+$0x40] =	vst v2;
	v42 =	vmul.f32 v1, v4  }
0x31c: {  	v51 =	vld [tilespmem:s15+$0xFFFFFF00];
	[tilespmem:s13+$0x50] =	vst v3;
	v44 =	vmul.f32 v1, v6  }
0x31d: {  	v53 =	vld [tilespmem:s15+$0xFFFFFF10];
	[tilespmem:s13+$0x60] =	vst v42;
	v46 =	vmul.f32 v0, v7  }
0x31e: {  	v55 =	vld [tilespmem:s15+$0xFFFFFF20];
	[tilespmem:s13+$0x70] =	vst v44;
	v47 =	vmul.f32 v0, v13  }
0x31f: {  	v57 =	vld [tilespmem:s15+$0xFFFFFF30];
	v48 =	vmul.f32 v0, v14;
	[tilespmem:s13+$0x80] =	vst v46  }
0x320: {  	v58 =	vld [tilespmem:s15+$0xFFFFFF40];
	v50 =	vmul.f32 v0, v15;
	[tilespmem:s13+$0x90] =	vst v47  }
0x321: {  	v12 =	vmov s16;
	v11 =	vbroadcast v11, $0x0;
	v60 =	vld [tilespmem:s15+$0xFFFFFF50];
	v52 =	vmul.f32 v0, v16;
	[tilespmem:s13+$0xA0] =	vst v48  }
0x322: {  	v12 =	vand.u32 $0x7F, v12;
	v62 =	vld [tilespmem:s15+$0xFFFFFF60];
	v54 =	vmul.f32 v0, v40;
	[tilespmem:s14+$0xB0] =	vst v50  }
0x323: {  	v18 =	vld [tilespmem:s15+$0xFFFFFFA0];
	v12 =	vor.u32 $0x100, v12;
	v56 =	vmul.f32 v0, v41;
	[tilespmem:s14+$0xC0] =	vst v52  }
0x324: {  	v20 =	vld [tilespmem:s15+$0xFFFFFFB0];
	v12 =	vbroadcast v12, $0x0;
	v59 =	vmul.f32 v43, v51;
	[tilespmem:s14+$0xD0] =	vst v54  }
0x325: {  	v13 =	vld [tilespmem:s15+$0xFFFFFF70];
	v61 =	vmul.f32 v43, v53;
	[tilespmem:s14+$0xE0] =	vst v56  }
0x326: {  	v14 =	vld [tilespmem:s15+$0xFFFFFF80];
	v2 =	vmul.f32 v43, v57;
	[tilespmem:s15+$0xFFFFFF00] =	vst v59  }
0x327: {  	v45 =	vld.idx.msk [tilespmem:v11+s11+$0x0], $0xffff;
	v15 =	vmul.f32 v43, v58;
	[tilespmem:s15+$0xFFFFFF10] =	vst v61  }
0x328: {  	v10 =	vor.u32 $0x100, v10;
	v16 =	vld [tilespmem:s15+$0xFFFFFF90];
	v17 =	vmul.f32 v43, v60;
	[tilespmem:s15+$0xFFFFFF30] =	vst v2  }
0x329: {  	v10 =	vbroadcast v10, $0x0;
	v22 =	vld [tilespmem:s15+$0xFFFFFFC0];
	v19 =	vmul.f32 v43, v62;
	[tilespmem:s15+$0xFFFFFF40] =	vst v15  }
0x32a: {  	[tilespmem:s15+$0xFFFFFF50] =	vst v17;
	v6 =	vld.idx.msk [tilespmem:v12+s11+$0x0], $0xffff;
	v12 =	vmul.f32 v43, v55  }
0x32b: {  	v24 =	vld [tilespmem:s15+$0xFFFFFFD0];
	[tilespmem:s15+$0xFFFFFF60] =	vst v19;
	v21 =	vmul.f32 v43, v13  }
0x32c: {  	v25 =	vld [tilespmem:s15+$0xFFFFFFE0];
	[tilespmem:s15+$0xFFFFFF20] =	vst v12;
	v23 =	vmul.f32 v45, v14  }
0x32d: {  	v27 =	vld [tilespmem:s15+$0xFFFFFFF0];
	v1 =	vmul.f32 v45, v16;
	[tilespmem:s15+$0xFFFFFF70] =	vst v21  }
0x32e: {  	v29 =	vld [tilespmem:s15+$0x0];
	v26 =	vmul.f32 v45, v18;
	[tilespmem:s15+$0xFFFFFF80] =	vst v23  }
0x32f: {  	v5 =	vld.idx.msk [tilespmem:v10+s11+$0x0], $0xffff;
	v28 =	vmul.f32 v45, v20;
	[tilespmem:s15+$0xFFFFFF90] =	vst v1  }
0x330: {  	v31 =	vld [tilespmem:s15+$0x10];
	v30 =	vmul.f32 v45, v22;
	[tilespmem:s15+$0xFFFFFFA0] =	vst v26  }
0x331: {  	v33 =	vld [tilespmem:s15+$0x20];
	v32 =	vmul.f32 v45, v24;
	[tilespmem:s15+$0xFFFFFFB0] =	vst v28  }
0x332: {  	v35 =	vld [tilespmem:s15+$0x30];
	v34 =	vmul.f32 v45, v25;
	[tilespmem:s15+$0xFFFFFFC0] =	vst v30  }
0x333: {  	v37 =	vld [tilespmem:s15+$0x40];
	v36 =	vmul.f32 v45, v27;
	[tilespmem:s15+$0xFFFFFFD0] =	vst v32  }
0x334: {  	v39 =	vld [tilespmem:s15+$0x50];
	v38 =	vmul.f32 v5, v29;
	[tilespmem:s15+$0xFFFFFFE0] =	vst v34  }
0x335: {  	v41 =	vld [tilespmem:s15+$0x60];
	v40 =	vmul.f32 v5, v31;
	[tilespmem:s15+$0xFFFFFFF0] =	vst v36  }
0x336: {  	v49 =	vld [tilespmem:s15+$0xF0];
	v42 =	vmul.f32 v5, v33;
	[tilespmem:s15+$0x0] =	vst v38  }
0x337: {  	v47 =	vld [tilespmem:s15+$0x90];
	v44 =	vmul.f32 v5, v35;
	[tilespmem:s15+$0x10] =	vst v40  }
0x338: {  	v51 =	vld [tilespmem:s15+$0xB0];
	v46 =	vmul.f32 v5, v37;
	[tilespmem:s15+$0x20] =	vst v42  }
0x339: {  	v53 =	vld [tilespmem:s15+$0xC0];
	v48 =	vmul.f32 v5, v39;
	[tilespmem:s15+$0x30] =	vst v44  }
0x33a: {  	v55 =	vld [tilespmem:s15+$0xD0];
	v50 =	vmul.f32 v5, v41;
	[tilespmem:s15+$0x40] =	vst v46  }
0x33b: {  	v57 =	vld [tilespmem:s15+$0xE0];
	v7 =	vmul.f32 v6, v49;
	[tilespmem:s15+$0x50] =	vst v48  }
0x33c: {  	v43 =	vld [tilespmem:s15+$0x70];
	[tilespmem:s15+$0x60] =	vst v50;
	v56 =	vmul.f32 v6, v47  }
0x33d: {  	v45 =	vld [tilespmem:s15+$0x80];
	v59 =	vmul.f32 v6, v51;
	[tilespmem:s15+$0xF0] =	vst v7  }
0x33e: {  	v49 =	vld [tilespmem:s15+$0xA0];
	v60 =	vmul.f32 v6, v53;
	[tilespmem:s15+$0x90] =	vst v56  }
0x33f: {  	v61 =	vmul.f32 v6, v55;
	[tilespmem:s15+$0xB0] =	vst v59  }
0x340: {  	v62 =	vmul.f32 v6, v57;
	[tilespmem:s15+$0xC0] =	vst v60  }
0x341: {  	v52 =	vmul.f32 v5, v43;
	[tilespmem:s15+$0xD0] =	vst v61  }
0x342: {  	v54 =	vmul.f32 v6, v45;
	[tilespmem:s15+$0xE0] =	vst v62  }
0x343: {  	[tilespmem:s15+$0x70] =	vst v52;
	v58 =	vmul.f32 v6, v49  }
0x344: {  	[tilespmem:s15+$0x80] =	vst v54  }
.Ltmp8:
0x345: {  	s16 =	simm.s32 $0xA80;
	[tilespmem:s15+$0xA0] =	vst v58;
	(pc) =	sbr.rel @p0 .LBB2_16-.Ltmp8, $4  }
0x346: {  	[spmem:s4] =	stream.indirect.scatter.add.f32 [tilespmem:s10], [sflag:$0xC], $0x80, s16, s29, $0xb8;
	v63 =	vld [tilespmem:$0x0]  }
0x347: {  	_ =	swait.ge [sflag:s21], $0x3C00  }
0x348: {  	[sflag:s21] =	ssyncset.done $0x0  }
0x349: {  	[sflag:s21] =	ssyncadd.s32 $0xFFFFC400  }
0x34a: {  	_ =	swait.ge [sflag:s31], $0x180  }
0x34b: {  	[sflag:s31] =	ssyncset.done $0x0;
	s13 =	rddreg [dreg:$0xf]  }
.Ltmp9:
0x34c: {  	[sflag:s31] =	ssyncadd.s32 $0xFFFFFE80;
	s13 =	sadd.s32 s18, s13;
	(pc) =	sbr.rel .LBB2_2-.Ltmp9, $4  }
0x34d: {  	[tilespmem:s0], [sflag:$0x8] =	stream.indirect.gather [hbm4b:s1+s29], $0x80, s23, s29, $0xb8;
	v63 =	vld [tilespmem:$0x0]  }
0x34e: {  	s13 =	sshrl.u32 s13, $0x3  }
0x34f: {  	s2 =	sadd.s32 $0x1, s2;
	s13 =	sadd.s32 s6, s13  }
0x350: {  	[tilespmem:s26], [sflag:$0x5] =	stream.linear.gather [hbm4b:s13+s5], $0x180, $0x38;
	v63 =	vld [tilespmem:$0x0]  }
.LBB2_17:
0x351: {  	_ =	sfence.sel $0x180000  }
0x352: {  	[bflag:$0x0] =	sbarrier.arrive $0xFFFF  }
0x353: {  	_ =	strace $0x90000047  }
0x354: {  	s0 =	stileid.u32;
	[bflag:$0x2] =	sbarrier.arrive $0xFFFF  }
0x355: {  	p0 =	sne.s32 s0, $0x0;
	s0 =	rddreg [dreg:$0x4]  }
0x356: {  	s0 =	sadd.s32 @!p0 $0x100000, s0  }
0x357: {  	[sflag:s0] =	ssyncadd.tile.s32 @!p0 $0x1;
	_ =	shalt  }
.Lfunc_end2:
_tile_overlayer_lowered:
.L_overlay_start_2:
0x358: {  	(tag) =	ssettag $0x2  }
0x359: {  	s0 =	rddreg [dreg:$0x0];
	s2 =	stileid.u32  }
0x35a: {  	s1 =	rddreg [dreg:$0x1];
	p0 =	sne.s32 s2, $0x0  }
0x35b: {  	s3 =	rddreg [dreg:$0x2];
	[bflag:$0x3] =	sbarrier.arrive $0xFFFF;
	s2 =	simm.s32 @!p0 $0x1C0D  }
0x35c: {  	[timem:s3], [sflag:s2] =	dma.local @!p0 [hbm:s0], s1  }
0x35d: {  	s0 =	simm.s32 @!p0 $0xD  }
0x35e: {  	_ =	swait.ge @!p0 [sflag:s0], s1  }
0x35f: {  	s1 =	ssub.s32 @!p0 $0x0, s1;
	[sflag:s0] =	ssyncset.done @!p0 $0x0  }
0x360: {  	[sflag:s0] =	ssyncadd.s32 @!p0 s1  }
0x361: {  	[bflag:$0x3] =	sbarrier.arrive $0xFFFF  }
0x362: {  	_ =	shalt  }

// kernel: kernel.9.cloned.1.call-start
scs
__scs_entry_jumppad:
0x0: {  	(pc) =	sbr.rel $0x88, $3  }
0x1: {  	(tag) =	ssettag $0x0;
	lr =	simm.s32 $0x1  }
0x2: {  	[smem:$0x3F90] =	sst lr;
	_ =	strace $0xD0000000  }
0x3: {  	_ = 	snop  }
0x4: {  	_ = 	snop  }
0x5: {  	_ = 	snop  }
0x6: {  	_ = 	snop  }
0x7: {  	_ = 	snop  }
__scs_overlays_trampoline_lowered:
0x8: {  	[smem:$0x3F9F] =	sst s0  }
0x9: {  	[smem:$0x3FA0] =	sst s1  }
0xa: {  	[smem:$0x3FA1] =	sst s2  }
0xb: {  	[smem:$0x3FA2] =	sst s3  }
0xc: {  	[smem:$0x3FA3] =	sst s4  }
0xd: {  	[smem:$0x3FA4] =	sst s5  }
0xe: {  	[smem:$0x3FA5] =	sst s6  }
0xf: {  	[smem:$0x3FA6] =	sst s7  }
0x10: {  	[smem:$0x3FA7] =	sst s8  }
0x11: {  	[smem:$0x3FA8] =	sst s9;
	s0 =	simm.s32 @!p0 $0x0  }
0x12: {  	s1 =	sld [smem:$0x3F8E];
	s0 =	simm.s32 @p0 $0x1  }
0x13: {  	[smem:$0x3FA9] =	sst s0;
	s0 =	simm.s32 @!p1 $0x0  }
0x14: {  	s2 =	sld [smem:$0x3F8D];
	s0 =	simm.s32 @p1 $0x1  }
0x15: {  	[smem:$0x3FAA] =	sst s0;
	s0 =	simm.s32 @!p2 $0x0  }
0x16: {  	s3 =	sld [smem:$0x3FDB];
	s0 =	simm.s32 @p2 $0x1  }
0x17: {  	s4 =	simm.s32 $0x1BF5;
	[smem:$0x3FAC] =	sst s0  }
0x18: {  	s0 =	sld [smem:$0x3F8F];
	_ =	swait.ge [sflag:s4], $0x0  }
0x19: {  	s7 =	sld [smem:$0x3F90]  }
0x1a: {  	s8 =	sadd.s32 $0xFFFFE003, lr  }
0x1b: {  	s9 =	sadd.s32 $0xFFFFFEF7, lr;
	s5 =	simm.s32 $0xFFFFFFFF;
	p2 =	slt.u32 s8, $0xFFFFF086  }
0x1c: {  	p1 =	slt.u32 s9, $0xF7A;
	s5 =	simm.s32 @!p2 $0x0  }
0x1d: {  	s5 =	simm.s32 @p1 $0x1;
	p0 =	seq.s32 s7, s2  }
0x1e: {  	s7 =	smul.u32 @!p0 $0xF7A, s2;
	p2 =	seq.s32 @!p0 s5, $0x0  }
0x1f: {  	s9 =	smul.u32 $0xF7A, s1;
	s8 =	simm.s32 @!p0 $0x1BF5;
	p2 =	por !p2, p0  }
0x20: {  	[sflag:s8] =	ssyncset.s32 @!p0 $0xFFFFF086;
	s6 =	sadd.s32 @!p0 s3, s7;
	s7 =	simm.s32 @!p0 $0x108  }
0x21: {  	s3 =	sadd.s32 s3, s9;
	s6 =	sadd.s32 @!p0 $0x88, s6;
	s7 =	simm.s32 @p2 $0x1082  }
0x22: {  	[simem:s7], [sflag:s8] =	dma.local @!p0 [hbm:s6], $0xF7A  }
0x23: {  	s9 =	sor.u32 $0xD0000000, s2;
	s6 =	simm.s32 $0x108;
	_ =	swait.ge @!p0 [sflag:s8], $0x0  }
0x24: {  	s3 =	sadd.s32 $0x88, s3;
	s6 =	simm.s32 @!p1 $0x1082;
	[sflag:s4] =	ssyncset.s32 $0xFFFFF086  }
0x25: {  	[simem:s6], [sflag:s4] =	dma.local [hbm:s3], $0xF7A  }
0x26: {  	[smem:$0x3F90] =	sst s1;
	(tag) =	ssettag s2;
	_ =	strace s9  }
0x27: {  	s1 =	sld [smem:$0x3FA0]  }
0x28: {  	s2 =	sld [smem:$0x3FA1]  }
0x29: {  	s4 =	sld [smem:$0x3FA3]  }
0x2a: {  	p0 =	seq.s32 s5, $0x0;
	s5 =	sld [smem:$0x3FA4]  }
0x2b: {  	s6 =	sld [smem:$0x3FA5]  }
0x2c: {  	s7 =	sld [smem:$0x3FA6]  }
0x2d: {  	s3 =	simm.s32 $0x108;
	s8 =	sld [smem:$0x3FA7]  }
0x2e: {  	s3 =	simm.s32 @!p0 $0x1082;
	s9 =	sld [smem:$0x3FA8]  }
0x2f: {  	lr =	sadd.s32 s0, s3;
	s0 =	sld [smem:$0x3F9F]  }
0x30: {  	s3 =	sld [smem:$0x3FA2]  }
0x31: {  	[smem:$0x3FAB] =	sst s10  }
0x32: {  	s10 =	sld [smem:$0x3FA9];
	_ =	sdelay $0x3  }
0x33: {  	p0 =	seq.s32 s10, $0x1;
	s10 =	sld [smem:$0x3FAB];
	_ =	sdelay $0x3  }
0x34: {  	[smem:$0x3FAB] =	sst s10  }
0x35: {  	s10 =	sld [smem:$0x3FAA];
	_ =	sdelay $0x3  }
0x36: {  	p1 =	seq.s32 s10, $0x1;
	s10 =	sld [smem:$0x3FAB];
	_ =	sdelay $0x3  }
0x37: {  	[smem:$0x3FAB] =	sst s10  }
0x38: {  	s10 =	sld [smem:$0x3FAC]  }
0x39: {  	_ = 	snop;
	(pc) =	sbr.ind lr, $3  }
0x3a: {  	_ = 	snop  }
0x3b: {  	_ = 	snop  }
0x3c: {  	p2 =	seq.s32 s10, $0x1;
	s10 =	sld [smem:$0x3FAB]  }
0x3d: {  	_ =	shalt  }
0x3e: {  	_ =	shalt  }
0x3f: {  	_ =	shalt  }
0x40: {  	_ =	shalt  }
0x41: {  	_ =	shalt  }
0x42: {  	_ =	shalt  }
0x43: {  	_ =	shalt  }
0x44: {  	_ =	shalt  }
0x45: {  	_ =	shalt  }
0x46: {  	_ =	shalt  }
0x47: {  	_ =	shalt  }
0x48: {  	_ =	shalt  }
0x49: {  	_ =	shalt  }
0x4a: {  	_ =	shalt  }
0x4b: {  	_ =	shalt  }
0x4c: {  	_ =	shalt  }
0x4d: {  	_ =	shalt  }
0x4e: {  	_ =	shalt  }
0x4f: {  	_ =	shalt  }
0x50: {  	_ =	shalt  }
0x51: {  	_ =	shalt  }
0x52: {  	_ =	shalt  }
0x53: {  	_ =	shalt  }
0x54: {  	_ =	shalt  }
0x55: {  	_ =	shalt  }
0x56: {  	_ =	shalt  }
0x57: {  	_ =	shalt  }
0x58: {  	_ =	shalt  }
0x59: {  	_ =	shalt  }
0x5a: {  	_ =	shalt  }
0x5b: {  	_ =	shalt  }
0x5c: {  	_ =	shalt  }
0x5d: {  	_ =	shalt  }
0x5e: {  	_ =	shalt  }
0x5f: {  	_ =	shalt  }
0x60: {  	_ =	shalt  }
0x61: {  	_ =	shalt  }
0x62: {  	_ =	shalt  }
0x63: {  	_ =	shalt  }
0x64: {  	_ =	shalt  }
0x65: {  	_ =	shalt  }
0x66: {  	_ =	shalt  }
0x67: {  	_ =	shalt  }
0x68: {  	_ =	shalt  }
0x69: {  	_ =	shalt  }
0x6a: {  	_ =	shalt  }
0x6b: {  	_ =	shalt  }
0x6c: {  	_ =	shalt  }
0x6d: {  	_ =	shalt  }
0x6e: {  	_ =	shalt  }
0x6f: {  	_ =	shalt  }
0x70: {  	_ =	shalt  }
0x71: {  	_ =	shalt  }
0x72: {  	_ =	shalt  }
0x73: {  	_ =	shalt  }
0x74: {  	_ =	shalt  }
0x75: {  	_ =	shalt  }
0x76: {  	_ =	shalt  }
0x77: {  	_ =	shalt  }
0x78: {  	_ =	shalt  }
0x79: {  	_ =	shalt  }
0x7a: {  	_ =	shalt  }
0x7b: {  	_ =	shalt  }
0x7c: {  	_ =	shalt  }
0x7d: {  	_ =	shalt  }
0x7e: {  	_ =	shalt  }
0x7f: {  	_ =	shalt  }
0x80: {  	_ =	shalt  }
0x81: {  	_ =	shalt  }
0x82: {  	_ =	shalt  }
0x83: {  	_ =	shalt  }
0x84: {  	_ =	shalt  }
0x85: {  	_ =	shalt  }
0x86: {  	_ =	shalt  }
0x87: {  	_ =	shalt  }
.Lfunc_end0:
.L_simem_size_0:
called_computation.1_lowered:
.L_overlay_start_0:
0x88: {  	s2 =	sld [smem:$0x3FD9]  }
0x89: {  	s3 =	sld [smem:$0x3FFE];
	_ =	sdelay $0x1  }
0x8a: {  	s1 =	srdreg.scid  }
0x8b: {  	s0 =	sand.u32 $0x1, s1  }
0x8c: {  	s14 =	sshll.u32 s0, $0xA;
	s2 =	sadd.s32 s3, s2  }
0x8d: {  	s2 =	sadd.s32 s2, s14  }
0x8e: {  	[smem:$0x3FB7] =	sst s2  }
0x8f: {  	_ = 	snop  }
0x90: {  	s2 =	sld [smem:$0x3FD0];
	_ =	sdelay $0x2  }
0x91: {  	s15 =	simm.s32 $0xA;
	s4 =	simm.s32 $0x10  }
0x92: {  	[smem:s4], [sflag:s15] =	dma.local [hbm:s2], $0x1  }
0x93: {  	_ =	swait.eq [sflag:s15], $0x1  }
0x94: {  	[sflag:s15] =	ssyncset.done $0x0  }
0x95: {  	s16 =	sld [smem:$0x11];
	[sflag:s15] =	ssyncadd.s32 $0xFFFFFFFF  }
0x96: {  	s17 =	sld [smem:$0x12];
	(tm) =	ssettm $0x1  }
0x97: {  	s18 =	sld [smem:$0x3FFB];
	_ =	sdelay $0x3  }
0x98: {  	_ =	strace s18  }
0x99: {  	s4 =	sld [smem:$0x3FFC];
	_ =	sdelay $0x3  }
0x9a: {  	_ =	strace s4  }
0x9b: {  	s4 =	sld [smem:$0x3FFD];
	_ =	sdelay $0x3  }
0x9c: {  	_ =	strace s4  }
0x9d: {  	_ =	strace $0x8FFFFFFF  }
0x9e: {  	s19 =	sld [smem:$0x3FDB];
	_ =	sdelay $0x1  }
0x9f: {  	s5 =	simm.s32 $_scs_section_size  }
0xa0: {  	s6 =	simm.s32 $_size__tile_overlayer_lowered;
	s7 =	simm.s32 $_tile_overlayer_lowered  }
0xa1: {  	s22 =	simm.s32 $0x1BFF;
	s21 =	sshll.u32 s7, $0x1;
	s4 =	sadd.s32 s5, s19  }
0xa2: {  	s8 =	simm.s32 $0x0;
	s20 =	sshll.u32 s6, $0x1;
	s6 =	sadd.s32 s21, s4  }
0xa3: {  	[timem:s8], [sflag:s22] =	dma.local [hbm:s6], s20  }
0xa4: {  	_ =	swait.ge [sflag:s22], s20  }
0xa5: {  	s5 =	ssub.s32 $0x0, s20;
	[sflag:s22] =	ssyncset.done $0x0  }
0xa6: {  	[sflag:s22] =	ssyncadd.s32 s5;
	_ =	sdelay $0x1  }
0xa7: {  	s23 =	simm.s32 $0x1B8B  }
0xa8: {  	_ =	swait.ge [sflag:s23], $0x1  }
0xa9: {  	[sflag:s23] =	ssyncset.done $0x0  }
0xaa: {  	s25 =	simm.s32 $0x1B8E;
	s24 =	sld [smem:$0x3FFE];
	[sflag:s23] =	ssyncadd.s32 $0xFFFFFFFF  }
0xab: {  	s26 =	simm.s32 $execute0_lowered;
	[smem:$0x3FD2] =	sst s25  }
0xac: {  	s6 =	sshll.u32 s26, $0x1;
	_ =	strace $0x80000049;
	[dreg:$0x1] =	wrdreg $0xFFFFFFFF  }
0xad: {  	s28 =	simm.s32 $_size_execute0_lowered;
	s4 =	sadd.s32 s4, s6;
	[dreg:$0x0] =	wrdreg $0x0  }
0xae: {  	s6 =	sshll.u32 s28, $0x1;
	[dreg:$0x2] =	wrdreg s4  }
0xaf: {  	[dreg:$0x3] =	wrdreg s6  }
0xb0: {  	[dreg:$0x4] =	wrdreg $0xC0  }
0xb1: {  	_ =	task [dreg:s8], $0x5FFFF  }
0xb2: {  	[dreg:$0x1] =	wrdreg $0xFFFFFFFF  }
0xb3: {  	[dreg:$0x0] =	wrdreg $0x60  }
0xb4: {  	[dreg:$0x2] =	wrdreg s24  }
0xb5: {  	[dreg:$0x3] =	wrdreg s17  }
0xb6: {  	[dreg:$0x4] =	wrdreg s16  }
0xb7: {  	[dreg:$0x5] =	wrdreg $0xC0000  }
0xb8: {  	[dreg:$0x6] =	wrdreg $0x9  }
0xb9: {  	_ =	task.clear_ibuf [dreg:s8], $0x7FFFF;
	_ =	strace $0x90000049  }
0xba: {  	s29 =	simm.s32 $0x9;
	_ =	strace $0x8000004B  }
0xbb: {  	_ =	swait.ge [sflag:s29], $0x1  }
0xbc: {  	[sflag:s29] =	ssyncadd.s32 $0xFFFFFFFF  }
0xbd: {  	_ =	strace $0x9000004B  }
0xbe: {  	_ =	sfence  }
0xbf: {  	s30 =	sld [smem:$0x0];
	_ =	sdelay $0x2  }
0xc0: {  	s31 =	sshll.u32 s1, $0xD;
	s1 =	sshrl.u32 s1, $0x2  }
0xc1: {  	s3 =	sand.u32 $0x4000, s31;
	s1 =	sadd.s32 s1, s30  }
0xc2: {  	s0 =	sor.u32 s3, s0;
	s1 =	sshll.u32 s1, $0x11  }
0xc3: {  	s0 =	sor.u32 s1, s0  }
0xc4: {  	s0 =	sadd.s32 $0x8F2B, s0  }
0xc5: {  	[sflag:s0] =	ssyncadd.remote.s32 $0x1  }
0xc6: {  	_ =	sfence.sel $0xFFFF  }
0xc7: {  	[dreg:$0x0] =	wrdreg $0xFFFFFFFF;
	(pc) =	sbr.abs _section_cstart, $3  }
0xc8: {  	[dreg:$0x1] =	wrdreg $0xFFFFFFFF  }
0xc9: {  	_ =	task.clear_ibuf [dreg:s8], $0x2FFFF;
	_ =	strace $0x9FFFFFFF  }
0xca: {  	(tm) =	ssettm $0x7FFFFFFF  }
0xcb: {  	_ =	shalt  }
tec
execute0_lowered:
.L_overlay_start_1:
0x0: {  	(tag) =	ssettag $0x1  }
0x1: {  	s0 =	rddreg [dreg:$0x0]  }
0x2: {  	s1 =	rddreg [dreg:$0x1]  }
0x3: {  	s4 =	rddreg [dreg:$0x3];
	s5 =	simm.s32 $0x0;
	s2 =	srdreg.scid  }
0x4: {  	s10 =	stileid.u32;
	s29 =	simm.s32 $0x78;
	s30 =	simm.s32 $0xC00  }
0x5: {  	s31 =	simm.s32 $0x2;
	s11 =	simm.s32 $0xA00;
	s12 =	simm.s32 $0x8  }
0x6: {  	s28 =	simm.s32 $0x9;
	[smem:$0x7FF] =	sst s5;
	s3 =	smul.u32 $0x2800, s10  }
0x7: {  	s2 =	sand.u32 $0x1, s2;
	s7 =	sshll.u32 s10, $0x1;
	s15 =	smul.u32 $0x50000, s10  }
0x8: {  	s17 =	sshll.u32 s10, $0x6;
	s10 =	simm.s32 $0x8400;
	_ =	strace $0x8000004A  }
0x9: {  	s6 =	smul.u32 $0x28000, s2;
	s8 =	ssub.s32 $0x2, s2;
	s2 =	sor.u32 s2, s7  }
0xa: {  	s13 =	sor.u32 $0x1C0D, s17;
	s9 =	sshrl.u32 s8, $0x1;
	s2 =	smul.u32 $0xA800, s2  }
0xb: {  	s7 =	sshrl.u32 s15, $0x2;
	s15 =	simm.s32 $0xD;
	[dreg:$0x5] =	wrdreg s13  }
0xc: {  	s3 =	sadd.s32 s3, s6;
	s6 =	sadd.s32 $0x3000, s0;
	s16 =	ssub.s32 s8, s9  }
0xd: {  	s7 =	sadd.s32 s7, s4;
	s0 =	sadd.s32 s3, s0;
	s22 =	sadd.s32 $0xA00, s2  }
0xe: {  	s18 =	sshrl.u32 s2, $0x3;
	s23 =	sadd.s32 $0xC00, s2;
	[dreg:$0xb] =	wrdreg s22  }
0xf: {  	s24 =	sadd.s32 $0xE00, s2;
	s25 =	sadd.s32 $0x1000, s2;
	[dreg:$0xc] =	wrdreg s23  }
0x10: {  	s17 =	sadd.s32 $0x1200, s2;
	s2 =	sadd.s32 $0x1400, s2;
	[dreg:$0xd] =	wrdreg s24  }
0x11: {  	s26 =	smax.u32 s16, $0x1;
	s14 =	sshrl.u32 s7, $0x3;
	[dreg:$0xe] =	wrdreg s25  }
0x12: {  	s3 =	simm.s32 $0x7;
	s7 =	simm.s32 $0x6;
	[dreg:$0xf] =	wrdreg s2  }
0x13: {  	s16 =	simm.s32 $0x0;
	s19 =	sadd.s32 s6, s18;
	[dreg:$0x11] =	wrdreg s26  }
0x14: {  	s0 =	sadd.s32 $0x2D000, s0;
	s23 =	simm.s32 $0x200;
	[dreg:$0x12] =	wrdreg s14  }
0x15: {  	s24 =	simm.s32 $0x400;
	s25 =	simm.s32 $0x600;
	[dreg:$0x6] =	wrdreg s19  }
0x16: {  	s26 =	simm.s32 $0x800;
	s9 =	sadd.s32 $0x40, s19;
	[dreg:$0x10] =	wrdreg s0  }
.Ltmp0:
0x17: {  	s20 =	sadd.s32 $0x80, s19;
	[dreg:$0x7] =	wrdreg s9;
	(pc) =	sbr.rel .LBB2_1-.Ltmp0, $4  }
0x18: {  	s22 =	simm.s32 $0x5;
	s21 =	sadd.s32 $0xC0, s19;
	[dreg:$0x8] =	wrdreg s20  }
0x19: {  	s8 =	sadd.s32 $0x100, s19;
	s0 =	simm.s32 $0x4800;
	[dreg:$0x9] =	wrdreg s21  }
0x1a: {  	s19 =	simm.s32 $0xC;
	[dreg:$0xa] =	wrdreg s8;
	s9 =	simm.s32 $0x3  }
0x1b: {  	s20 =	simm.s32 $0xA;
	s8 =	simm.s32 $0x4;
	s21 =	simm.s32 $0xB  }
.LBB2_16:
0x1c: {  	_ =	swait.ge [sflag:s19], $0x3C00  }
0x1d: {  	[sflag:s19] =	ssyncset.done $0x0  }
0x1e: {  	[sflag:s19] =	ssyncadd.s32 $0xFFFFC400  }
0x1f: {  	[bflag:$0x0] =	sbarrier.arrive $0xFFFF  }
0x20: {  	s13 =	rddreg [dreg:$0x5]  }
0x21: {  	s2 =	rddreg [dreg:$0x10]  }
0x22: {  	s15 =	simm.s32 $0xD;
	s14 =	rddreg [dreg:$0x12]  }
0x23: {  	[hbm:s2], [sflag:s13] =	dma.local [spmem:s14], $0x2800  }
0x24: {  	_ =	swait.ge [sflag:s15], $0x2800  }
0x25: {  	s16 =	rddreg [dreg:$0x13]  }
0x26: {  	s18 =	rddreg [dreg:$0x11];
	s16 =	sadd.s32 $0x1, s16  }
0x27: {  	p0 =	sne.s32 s16, s18  }
.Ltmp1:
0x28: {  	_ = 	snop;
	(pc) =	sbr.rel @!p0 .LBB2_17-.Ltmp1, $3  }
0x29: {  	_ =	sdelay $0x1  }
0x2a: {  	[sflag:s15] =	ssyncset.done $0x0  }
0x2b: {  	[sflag:s15] =	ssyncadd.s32 $0xFFFFD800  }
.LBB2_1:
0x2c: {  	[dreg:$0x13] =	wrdreg s16  }
0x2d: {  	s2 =	rddreg [dreg:$0x2]  }
0x2e: {  	[spmem:s14], [sflag:s13] =	dma.local [hbm:s2], $0x2800  }
0x2f: {  	_ =	swait.ge [sflag:s15], $0x2800  }
0x30: {  	[sflag:s15] =	ssyncset.done $0x0  }
0x31: {  	[sflag:s15] =	ssyncadd.s32 $0xFFFFD800  }
0x32: {  	[bflag:$0x0] =	sbarrier.arrive $0xFFFF  }
0x33: {  	s18 =	rddreg [dreg:$0x6]  }
0x34: {  	[tilespmem:s5], [sflag:$0x1] =	stream.linear.gather [hbm4b:s18+s5], $0x180, $0x38;
	v63 =	vld [tilespmem:$0x0]  }
0x35: {  	s13 =	rddreg [dreg:$0x7]  }
0x36: {  	[tilespmem:s23], [sflag:$0x2] =	stream.linear.gather [hbm4b:s13+s5], $0x180, $0x38;
	v63 =	vld [tilespmem:$0x0]  }
0x37: {  	s14 =	rddreg [dreg:$0x8]  }
0x38: {  	[tilespmem:s24], [sflag:$0x3] =	stream.linear.gather [hbm4b:s14+s5], $0x180, $0x38;
	v63 =	vld [tilespmem:$0x0]  }
0x39: {  	s15 =	rddreg [dreg:$0x9]  }
0x3a: {  	[tilespmem:s25], [sflag:$0x4] =	stream.linear.gather [hbm4b:s15+s5], $0x180, $0x38;
	v63 =	vld [tilespmem:$0x0]  }
0x3b: {  	s16 =	rddreg [dreg:$0xa];
	s18 =	simm.s32 $0x1  }
0x3c: {  	[tilespmem:s26], [sflag:$0x5] =	stream.linear.gather [hbm4b:s16+s5], $0x180, $0x38;
	v63 =	vld [tilespmem:$0x0]  }
0x3d: {  	_ =	swait.ge [sflag:s18], $0x180  }
0x3e: {  	[sflag:s18] =	ssyncset.done $0x0  }
0x3f: {  	[sflag:s18] =	ssyncadd.s32 $0xFFFFFE80  }
0x40: {  	[tilespmem:s30], [sflag:$0x7] =	stream.indirect.gather [hbm4b:s1+s29], $0x80, s5, s29, $0xb8;
	v63 =	vld [tilespmem:$0x0]  }
0x41: {  	_ =	swait.ge [sflag:s31], $0x180  }
0x42: {  	[sflag:s31] =	ssyncset.done $0x0  }
0x43: {  	s2 =	simm.s32 $0x0;
	[sflag:s31] =	ssyncadd.s32 $0xFFFFFE80  }
0x44: {  	[tilespmem:s0], [sflag:$0x8] =	stream.indirect.gather [hbm4b:s1+s29], $0x80, s23, s29, $0xb8;
	v63 =	vld [tilespmem:$0x0]  }
.LBB2_2:
0x45: {  	s13 =	simm.s32 $0x0  }
0x46: {  	s14 =	simm.s32 $0x3;
	v0 =	vmov s13  }
0x47: {  	v1 =	vmov s14;
	v0 =	vand.u32 $0x7C, v0  }
0x48: {  	v1 =	vand.u32 $0x7F, v1;
	v0 =	vor.u32 $0x100, v0  }
0x49: {  	v1 =	vor.u32 $0x100, v1;
	v0 =	vbroadcast v0, $0x0  }
0x4a: {  	_ =	swait.ge [sflag:s3], $0x3C00;
	v1 =	vbroadcast v1, $0x0  }
0x4b: {  	[sflag:s3] =	ssyncset.done $0x0  }
0x4c: {  	s18 =	simm.s32 $0xD00;
	[sflag:s3] =	ssyncadd.s32 $0xFFFFC400  }
0x4d: {  	v4 =	vld [tilespmem:s18+$0xFFFFFF00]  }
0x4e: {  	s15 =	simm.s32 $0x1;
	v5 =	vld [tilespmem:s18+$0xFFFFFF10]  }
0x4f: {  	v3 =	vmov s15;
	v2 =	vld.idx.msk [tilespmem:v0+s5+$0x0], $0xffff  }
0x50: {  	v0 =	vld.idx.msk [tilespmem:v1+s5+$0x0], $0xffff;
	v1 =	vand.u32 $0x7D, v3  }
0x51: {  	v6 =	vld [tilespmem:s18+$0xFFFFFF20];
	v1 =	vor.u32 $0x100, v1  }
0x52: {  	v3 =	vld [tilespmem:s18+$0xF0];
	v1 =	vbroadcast v1, $0x0  }
0x53: {  	v7 =	vld [tilespmem:s18+$0xFFFFFF30]  }
0x54: {  	v8 =	vld [tilespmem:s18+$0xFFFFFF40]  }
0x55: {  	v9 =	vld [tilespmem:s18+$0xFFFFFF50];
	v4 =	vmul.f32 v2, v4  }
0x56: {  	v10 =	vld [tilespmem:s18+$0xFFFFFF60]  }
0x57: {  	s16 =	simm.s32 $0x2;
	v3 =	vmul.f32 v0, v3;
	[tilespmem:s18+$0xFFFFFF00] =	vst v4;
	v4 =	vld [tilespmem:s18+$0xFFFFFF70]  }
0x58: {  	v11 =	vmov s16;
	v5 =	vmul.f32 v2, v5;
	v12 =	vld.idx.msk [tilespmem:v1+s5+$0x0], $0xffff  }
0x59: {  	[tilespmem:s18+$0xF0] =	vst v3;
	v3 =	vmul.f32 v2, v6;
	v1 =	vand.u32 $0x7E, v11;
	v11 =	vld [tilespmem:s18+$0xFFFFFF80]  }
0x5a: {  	v6 =	vld [tilespmem:s18+$0xFFFFFF90];
	[tilespmem:s18+$0xFFFFFF10] =	vst v5;
	v5 =	vmul.f32 v2, v7;
	v1 =	vor.u32 $0x100, v1  }
0x5b: {  	v7 =	vld [tilespmem:s18+$0xFFFFFFA0];
	[tilespmem:s18+$0xFFFFFF20] =	vst v3;
	v3 =	vmul.f32 v2, v8;
	v1 =	vbroadcast v1, $0x0  }
0x5c: {  	v8 =	vld [tilespmem:s18+$0xFFFFFFB0];
	[tilespmem:s18+$0xFFFFFF30] =	vst v5;
	v5 =	vmul.f32 v2, v9  }
0x5d: {  	v10 =	vmul.f32 v2, v10;
	v9 =	vld [tilespmem:s18+$0xFFFFFFC0];
	[tilespmem:s18+$0xFFFFFF40] =	vst v3;
	v2 =	vmul.f32 v2, v4  }
0x5e: {  	[tilespmem:s18+$0xFFFFFF50] =	vst v5;
	v5 =	vld [tilespmem:s18+$0xFFFFFFE0];
	v3 =	vmul.f32 v12, v11  }
0x5f: {  	v11 =	vld [tilespmem:s18+$0xFFFFFFD0];
	[tilespmem:s18+$0xFFFFFF70] =	vst v2  }
0x60: {  	v2 =	vmul.f32 v12, v7;
	[tilespmem:s18+$0xFFFFFF80] =	vst v3;
	v3 =	vmul.f32 v12, v6;
	v6 =	vld [tilespmem:s18+$0x0]  }
0x61: {  	[tilespmem:s18+$0xFFFFFF60] =	vst v10;
	v1 =	vld.idx.msk [tilespmem:v1+s5+$0x0], $0xffff  }
0x62: {  	v4 =	vld [tilespmem:s18+$0xFFFFFFF0];
	[tilespmem:s18+$0xFFFFFFA0] =	vst v2;
	v2 =	vmul.f32 v12, v9  }
0x63: {  	v7 =	vld [tilespmem:s18+$0x10];
	[tilespmem:s18+$0xFFFFFF90] =	vst v3;
	v3 =	vmul.f32 v12, v8  }
0x64: {  	v5 =	vmul.f32 v12, v5;
	v8 =	vld [tilespmem:s18+$0x20];
	[tilespmem:s18+$0xFFFFFFC0] =	vst v2  }
0x65: {  	s14 =	simm.s32 $0x4;
	v9 =	vld [tilespmem:s18+$0x30];
	[tilespmem:s18+$0xFFFFFFB0] =	vst v3;
	v3 =	vmul.f32 v12, v11  }
0x66: {  	s15 =	simm.s32 $0x5;
	v10 =	vmov s14;
	v2 =	vld [tilespmem:s18+$0x40];
	[tilespmem:s18+$0xFFFFFFE0] =	vst v5;
	v6 =	vmul.f32 v1, v6  }
0x67: {  	s16 =	simm.s32 $0x6;
	v62 =	vmov s15;
	v10 =	vand.u32 $0x7C, v10;
	v11 =	vmul.f32 v12, v4;
	[tilespmem:s18+$0xFFFFFFD0] =	vst v3;
	v3 =	vld [tilespmem:s18+$0x50]  }
0x68: {  	v5 =	vor.u32 $0x100, v10;
	v4 =	vld [tilespmem:s18+$0x60];
	v7 =	vmul.f32 v1, v7;
	[tilespmem:s18+$0x0] =	vst v6;
	v6 =	vmov s16  }
0x69: {  	[tilespmem:s18+$0xFFFFFFF0] =	vst v11;
	v11 =	vand.u32 $0x7D, v62;
	v8 =	vmul.f32 v1, v8;
	v10 =	vand.u32 $0x7E, v6;
	v6 =	vld [tilespmem:s18+$0x70]  }
0x6a: {  	s13 =	simm.s32 $0xD00;
	s15 =	simm.s32 $0x7;
	s14 =	simm.s32 $0x8;
	v5 =	vbroadcast v5, $0x0;
	v9 =	vmul.f32 v1, v9;
	v11 =	vor.u32 $0x100, v11;
	[tilespmem:s18+$0x10] =	vst v7;
	v7 =	vld [tilespmem:s18+$0x80]  }
.LBB2_3:
0x6b: {  	p0 =	slt.u32 s14, $0x74;
	v10 =	vor.u32 $0x100, v10;
	v12 =	vmov s15;
	[tilespmem:s18+$0x20] =	vst v8;
	v2 =	vmul.f32 v1, v2;
	v8 =	vld [tilespmem:s18+$0x90]  }
0x6c: {  	v11 =	vbroadcast v11, $0x0;
	v12 =	vand.u32 $0x7F, v12;
	[tilespmem:s18+$0x30] =	vst v9;
	v3 =	vmul.f32 v1, v3;
	v9 =	vld [tilespmem:s18+$0xA0]  }
0x6d: {  	v10 =	vbroadcast v10, $0x0;
	v12 =	vor.u32 $0x100, v12;
	[tilespmem:s18+$0x40] =	vst v2;
	v2 =	vmul.f32 v1, v4;
	v4 =	vld [tilespmem:s18+$0xB0]  }
0x6e: {  	v12 =	vbroadcast v12, $0x0;
	[tilespmem:s18+$0x50] =	vst v3;
	v1 =	vmul.f32 v1, v6;
	v3 =	vld [tilespmem:s18+$0xC0]  }
0x6f: {  	[tilespmem:s18+$0x60] =	vst v2;
	v2 =	vmul.f32 v0, v7;
	v6 =	vld [tilespmem:s18+$0xD0]  }
0x70: {  	[tilespmem:s18+$0x70] =	vst v1;
	v1 =	vmul.f32 v0, v8;
	v7 =	vld [tilespmem:s18+$0xE0]  }
0x71: {  	v5 =	vld.idx.msk [tilespmem:v5+s5+$0x0], $0xffff;
	[tilespmem:s18+$0x80] =	vst v2;
	v2 =	vmul.f32 v0, v9  }
0x72: {  	v8 =	vld.idx.msk [tilespmem:v11+s5+$0x0], $0xffff;
	[tilespmem:s18+$0x90] =	vst v1;
	v4 =	vmul.f32 v0, v4  }
0x73: {  	v1 =	vld.idx.msk [tilespmem:v10+s5+$0x0], $0xffff;
	[tilespmem:s18+$0xA0] =	vst v2;
	v2 =	vmul.f32 v0, v3  }
0x74: {  	s18 =	sadd.s32 $0x200, s18;
	v3 =	vld.idx.msk [tilespmem:v12+s5+$0x0], $0xffff;
	[tilespmem:s13+$0xB0] =	vst v4;
	v4 =	vmul.f32 v0, v6  }
0x75: {  	v6 =	vld [tilespmem:s18+$0xF0];
	[tilespmem:s13+$0xC0] =	vst v2;
	v0 =	vmul.f32 v0, v7  }
0x76: {  	v2 =	vld [tilespmem:s18+$0xFFFFFF00];
	[tilespmem:s13+$0xD0] =	vst v4  }
0x77: {  	v4 =	vld [tilespmem:s18+$0xFFFFFF10];
	[tilespmem:s13+$0xE0] =	vst v0;
	s13 =	smov.u32 s18  }
0x78: {  	v7 =	vld [tilespmem:s18+$0xFFFFFF20]  }
0x79: {  	v9 =	vld [tilespmem:s18+$0xFFFFFF30]  }
0x7a: {  	v0 =	vmov v3;
	v10 =	vld [tilespmem:s18+$0xFFFFFF40];
	v6 =	vmul.f32 v3, v6  }
0x7b: {  	v2 =	vmul.f32 v5, v2;
	v3 =	vld [tilespmem:s18+$0xFFFFFF50]  }
0x7c: {  	v4 =	vmul.f32 v5, v4;
	v11 =	vld [tilespmem:s18+$0xFFFFFF60];
	[tilespmem:s18+$0xF0] =	vst v6  }
0x7d: {  	[tilespmem:s18+$0xFFFFFF00] =	vst v2;
	v2 =	vmul.f32 v5, v7;
	v6 =	vld [tilespmem:s18+$0xFFFFFF70]  }
0x7e: {  	[tilespmem:s18+$0xFFFFFF10] =	vst v4;
	v4 =	vmul.f32 v5, v9;
	v7 =	vld [tilespmem:s18+$0xFFFFFF80]  }
0x7f: {  	[tilespmem:s18+$0xFFFFFF20] =	vst v2;
	v2 =	vmul.f32 v5, v10;
	v9 =	vld [tilespmem:s18+$0xFFFFFF90]  }
0x80: {  	[tilespmem:s18+$0xFFFFFF30] =	vst v4;
	v3 =	vmul.f32 v5, v3;
	v4 =	vld [tilespmem:s18+$0xFFFFFFA0]  }
0x81: {  	[tilespmem:s18+$0xFFFFFF40] =	vst v2;
	v2 =	vmul.f32 v5, v11;
	v10 =	vld [tilespmem:s18+$0xFFFFFFB0]  }
0x82: {  	[tilespmem:s18+$0xFFFFFF50] =	vst v3;
	v3 =	vmul.f32 v5, v6;
	v5 =	vld [tilespmem:s18+$0xFFFFFFC0]  }
0x83: {  	[tilespmem:s18+$0xFFFFFF60] =	vst v2;
	v2 =	vmul.f32 v8, v7;
	v6 =	vld [tilespmem:s18+$0xFFFFFFD0]  }
0x84: {  	[tilespmem:s18+$0xFFFFFF70] =	vst v3;
	v3 =	vmul.f32 v8, v9;
	v7 =	vld [tilespmem:s18+$0xFFFFFFE0]  }
0x85: {  	[tilespmem:s18+$0xFFFFFF80] =	vst v2;
	v2 =	vmul.f32 v8, v4;
	v4 =	vld [tilespmem:s18+$0xFFFFFFF0]  }
0x86: {  	[tilespmem:s18+$0xFFFFFF90] =	vst v3;
	v3 =	vmul.f32 v8, v10;
	v9 =	vld [tilespmem:s18+$0x0]  }
0x87: {  	[tilespmem:s18+$0xFFFFFFA0] =	vst v2;
	v2 =	vmul.f32 v8, v5;
	v5 =	vld [tilespmem:s18+$0x10]  }
0x88: {  	[tilespmem:s18+$0xFFFFFFB0] =	vst v3;
	v3 =	vmul.f32 v8, v6;
	v6 =	vld [tilespmem:s18+$0x20]  }
0x89: {  	[tilespmem:s18+$0xFFFFFFC0] =	vst v2;
	v7 =	vmul.f32 v8, v7;
	v12 =	vld [tilespmem:s18+$0x30]  }
.Ltmp2:
0x8a: {  	s15 =	sadd.s32 $0x1, s14;
	v10 =	vmov s14;
	[tilespmem:s18+$0xFFFFFFD0] =	vst v3;
	v4 =	vmul.f32 v8, v4;
	v2 =	vld [tilespmem:s18+$0x40];
	(pc) =	sbr.rel @p0 .LBB2_3-.Ltmp2, $4  }
0x8b: {  	v8 =	vand.u32 $0x7C, v10;
	v10 =	vmov s15;
	s15 =	sadd.s32 $0x2, s14;
	[tilespmem:s18+$0xFFFFFFE0] =	vst v7;
	v7 =	vmul.f32 v1, v9;
	v3 =	vld [tilespmem:s18+$0x50]  }
0x8c: {  	v9 =	vor.u32 $0x100, v8;
	v8 =	vmov s15;
	[tilespmem:s18+$0xFFFFFFF0] =	vst v4;
	v13 =	vmul.f32 v1, v5;
	v4 =	vld [tilespmem:s18+$0x60]  }
0x8d: {  	v11 =	vand.u32 $0x7D, v10;
	v10 =	vand.u32 $0x7E, v8;
	[tilespmem:s18+$0x0] =	vst v7;
	v8 =	vmul.f32 v1, v6;
	v6 =	vld [tilespmem:s18+$0x70]  }
0x8e: {  	s15 =	sadd.s32 $0x3, s14;
	s14 =	sadd.s32 $0x4, s14;
	v5 =	vbroadcast v9, $0x0;
	v11 =	vor.u32 $0x100, v11;
	[tilespmem:s18+$0x10] =	vst v13;
	v9 =	vmul.f32 v1, v12;
	v7 =	vld [tilespmem:s18+$0x80]  }
0x8f: {  	v13 =	vld [tilespmem:s18+$0x90]  }
0x90: {  	v14 =	vld [tilespmem:s18+$0xA0]  }
0x91: {  	v12 =	vmov s15;
	v10 =	vor.u32 $0x100, v10;
	v11 =	vbroadcast v11, $0x0;
	v15 =	vld [tilespmem:s18+$0xB0]  }
0x92: {  	v16 =	vld [tilespmem:s18+$0xC0];
	[tilespmem:s18+$0x20] =	vst v8;
	v2 =	vmul.f32 v1, v2;
	v12 =	vand.u32 $0x7F, v12;
	v10 =	vbroadcast v10, $0x0  }
0x93: {  	v8 =	vld [tilespmem:s18+$0xD0];
	[tilespmem:s18+$0x30] =	vst v9;
	v3 =	vmul.f32 v1, v3;
	v12 =	vor.u32 $0x100, v12  }
0x94: {  	v9 =	vld [tilespmem:s18+$0xE0];
	[tilespmem:s18+$0x40] =	vst v2;
	v2 =	vmul.f32 v1, v4;
	v12 =	vbroadcast v12, $0x0  }
0x95: {  	s14 =	sadd.s32 $0x200, s18;
	v4 =	vld.idx.msk [tilespmem:v5+s5+$0x0], $0xffff;
	[tilespmem:s18+$0x50] =	vst v3;
	v1 =	vmul.f32 v1, v6  }
0x96: {  	[tilespmem:s18+$0x60] =	vst v2;
	v2 =	vmul.f32 v0, v7;
	v7 =	vld [tilespmem:s14+$0xF0]  }
0x97: {  	[tilespmem:s18+$0x70] =	vst v1;
	v1 =	vmul.f32 v0, v13;
	v3 =	vld.idx.msk [tilespmem:v11+s5+$0x0], $0xffff  }
0x98: {  	[tilespmem:s18+$0x80] =	vst v2;
	v2 =	vmul.f32 v0, v14;
	v5 =	vld.idx.msk [tilespmem:v10+s5+$0x0], $0xffff  }
0x99: {  	[tilespmem:s18+$0x90] =	vst v1;
	v1 =	vmul.f32 v0, v15;
	v10 =	vld [tilespmem:s14+$0xFFFFFF00]  }
0x9a: {  	[tilespmem:s18+$0xA0] =	vst v2;
	v2 =	vmul.f32 v0, v16;
	v6 =	vld.idx.msk [tilespmem:v12+s5+$0x0], $0xffff  }
0x9b: {  	v11 =	vld [tilespmem:s14+$0xFFFFFF10];
	[tilespmem:s13+$0xB0] =	vst v1;
	v1 =	vmul.f32 v0, v8  }
0x9c: {  	v8 =	vld [tilespmem:s14+$0xFFFFFF20];
	v0 =	vmul.f32 v0, v9;
	[tilespmem:s13+$0xC0] =	vst v2  }
0x9d: {  	v2 =	vld [tilespmem:s14+$0xFFFFFF30];
	[tilespmem:s13+$0xD0] =	vst v1  }
0x9e: {  	v1 =	vld [tilespmem:s14+$0xFFFFFF40];
	[tilespmem:s13+$0xE0] =	vst v0;
	v0 =	vmul.f32 v4, v10  }
0x9f: {  	v9 =	vld [tilespmem:s14+$0xFFFFFF50];
	v7 =	vmul.f32 v6, v7  }
0xa0: {  	v10 =	vmul.f32 v4, v11;
	v11 =	vld [tilespmem:s14+$0xFFFFFF60];
	[tilespmem:s14+$0xFFFFFF00] =	vst v0  }
0xa1: {  	v0 =	vmul.f32 v4, v8;
	[tilespmem:s14+$0xF0] =	vst v7;
	v7 =	vld [tilespmem:s14+$0xFFFFFF70]  }
0xa2: {  	[tilespmem:s14+$0xFFFFFF10] =	vst v10;
	v8 =	vld [tilespmem:s14+$0xFFFFFF80];
	v2 =	vmul.f32 v4, v2  }
0xa3: {  	[tilespmem:s14+$0xFFFFFF20] =	vst v0;
	v0 =	vmul.f32 v4, v1;
	v1 =	vld [tilespmem:s14+$0xFFFFFF90]  }
0xa4: {  	[tilespmem:s14+$0xFFFFFF30] =	vst v2;
	v2 =	vmul.f32 v4, v9;
	v9 =	vld [tilespmem:s14+$0xFFFFFFA0]  }
0xa5: {  	v10 =	vld [tilespmem:s14+$0xFFFFFFB0];
	[tilespmem:s14+$0xFFFFFF40] =	vst v0;
	v0 =	vmul.f32 v4, v11  }
0xa6: {  	[tilespmem:s14+$0xFFFFFF50] =	vst v2;
	v2 =	vmul.f32 v4, v7;
	v4 =	vld [tilespmem:s14+$0xFFFFFFC0]  }
0xa7: {  	[tilespmem:s14+$0xFFFFFF60] =	vst v0;
	v0 =	vmul.f32 v3, v8;
	v7 =	vld [tilespmem:s14+$0xFFFFFFD0]  }
0xa8: {  	v1 =	vmul.f32 v3, v1;
	[tilespmem:s14+$0xFFFFFF70] =	vst v2;
	v2 =	vld [tilespmem:s14+$0xFFFFFFE0]  }
0xa9: {  	v8 =	vld [tilespmem:s14+$0xFFFFFFF0];
	[tilespmem:s14+$0xFFFFFF80] =	vst v0;
	v0 =	vmul.f32 v3, v9  }
0xaa: {  	v9 =	vld [tilespmem:s14+$0x0];
	[tilespmem:s14+$0xFFFFFF90] =	vst v1;
	v1 =	vmul.f32 v3, v10  }
0xab: {  	[tilespmem:s14+$0xFFFFFFA0] =	vst v0;
	v0 =	vmul.f32 v3, v4;
	v4 =	vld [tilespmem:s14+$0x10]  }
0xac: {  	[tilespmem:s14+$0xFFFFFFB0] =	vst v1;
	v1 =	vmul.f32 v3, v7;
	v7 =	vld [tilespmem:s14+$0x20]  }
0xad: {  	[tilespmem:s14+$0xFFFFFFC0] =	vst v0;
	v0 =	vmul.f32 v3, v2;
	v2 =	vld [tilespmem:s14+$0x30]  }
0xae: {  	[tilespmem:s14+$0xFFFFFFD0] =	vst v1;
	v1 =	vmul.f32 v3, v8;
	v3 =	vld [tilespmem:s14+$0x40]  }
0xaf: {  	v8 =	vld [tilespmem:s14+$0x50];
	[tilespmem:s14+$0xFFFFFFE0] =	vst v0;
	v0 =	vmul.f32 v5, v9  }
0xb0: {  	[tilespmem:s14+$0xFFFFFFF0] =	vst v1;
	v1 =	vmul.f32 v5, v4;
	v4 =	vld [tilespmem:s14+$0x60]  }
0xb1: {  	[tilespmem:s14+$0x0] =	vst v0;
	v0 =	vmul.f32 v5, v7;
	v7 =	vld [tilespmem:s14+$0x70]  }
0xb2: {  	[tilespmem:s14+$0x10] =	vst v1;
	v1 =	vmul.f32 v5, v2;
	v2 =	vld [tilespmem:s14+$0x80]  }
0xb3: {  	[tilespmem:s14+$0x20] =	vst v0;
	v0 =	vmul.f32 v5, v3;
	v3 =	vld [tilespmem:s14+$0x90]  }
0xb4: {  	[tilespmem:s14+$0x30] =	vst v1;
	v1 =	vmul.f32 v5, v8;
	v8 =	vld [tilespmem:s14+$0xA0]  }
0xb5: {  	[tilespmem:s14+$0x40] =	vst v0;
	v0 =	vmul.f32 v5, v4;
	v4 =	vld [tilespmem:s14+$0xB0]  }
0xb6: {  	[tilespmem:s14+$0x50] =	vst v1;
	v1 =	vmul.f32 v5, v7;
	v5 =	vld [tilespmem:s14+$0xC0]  }
0xb7: {  	[tilespmem:s14+$0x60] =	vst v0;
	v0 =	vmul.f32 v6, v2;
	v2 =	vld [tilespmem:s14+$0xD0]  }
0xb8: {  	[tilespmem:s14+$0x70] =	vst v1;
	v1 =	vmul.f32 v6, v3;
	v3 =	vld [tilespmem:s14+$0xE0]  }
0xb9: {  	[tilespmem:s14+$0x80] =	vst v0;
	v0 =	vmul.f32 v6, v8  }
0xba: {  	[tilespmem:s14+$0x90] =	vst v1;
	v1 =	vmul.f32 v6, v4  }
0xbb: {  	[tilespmem:s14+$0xA0] =	vst v0;
	v0 =	vmul.f32 v6, v5  }
0xbc: {  	[tilespmem:s14+$0xB0] =	vst v1;
	v1 =	vmul.f32 v6, v2  }
0xbd: {  	[tilespmem:s14+$0xC0] =	vst v0;
	v0 =	vmul.f32 v6, v3  }
0xbe: {  	p0 =	seq.s32 s2, $0x0;
	[tilespmem:s14+$0xD0] =	vst v1  }
0xbf: {  	s15 =	simm.s32 $0x80;
	s13 =	simm.s32 @!p0 $0xC;
	[tilespmem:s14+$0xE0] =	vst v0  }
0xc0: {  	[spmem:s4] =	stream.indirect.scatter.add.f32 [tilespmem:s30], [sflag:$0xA], $0x80, s15, s29, $0xb8;
	v63 =	vld [tilespmem:$0x0]  }
0xc1: {  	_ =	swait.ge @!p0 [sflag:s13], $0x3C00  }
0xc2: {  	[sflag:s13] =	ssyncset.done @!p0 $0x0  }
0xc3: {  	[sflag:s13] =	ssyncadd.s32 @!p0 $0xFFFFC400  }
0xc4: {  	s18 =	smul.u32 $0xC00, s2;
	s13 =	simm.s32 $0x0;
	_ =	swait.ge [sflag:s9], $0x180  }
0xc5: {  	s16 =	simm.s32 $0x3;
	v0 =	vmov s13;
	[sflag:s9] =	ssyncset.done $0x0;
	s15 =	rddreg [dreg:$0xb]  }
0xc6: {  	v1 =	vmov s16;
	v0 =	vand.u32 $0x7C, v0;
	[sflag:s9] =	ssyncadd.s32 $0xFFFFFE80;
	s14 =	sadd.s32 s18, s15  }
0xc7: {  	v1 =	vand.u32 $0x7F, v1;
	v0 =	vor.u32 $0x100, v0;
	[tilespmem:s10], [sflag:$0x9] =	stream.indirect.gather [hbm4b:s1+s29], $0x80, s24, s29, $0xb8;
	v63 =	vld [tilespmem:$0x0]  }
0xc8: {  	v1 =	vor.u32 $0x100, v1;
	s14 =	sshrl.u32 s14, $0x3;
	v0 =	vbroadcast v0, $0x0  }
0xc9: {  	v1 =	vbroadcast v1, $0x0;
	s14 =	sadd.s32 s6, s14  }
0xca: {  	[tilespmem:s11], [sflag:$0x6] =	stream.linear.gather [hbm4b:s14+s13], $0x180, $0x38;
	v63 =	vld [tilespmem:$0x0]  }
0xcb: {  	_ =	swait.ge [sflag:s12], $0x3C00  }
0xcc: {  	[sflag:s12] =	ssyncset.done $0x0  }
0xcd: {  	[sflag:s12] =	ssyncadd.s32 $0xFFFFC400  }
0xce: {  	s16 =	simm.s32 $0x1;
	v2 =	vld.idx.msk [tilespmem:v0+s23+$0x0], $0xffff  }
0xcf: {  	v3 =	vmov s16;
	s13 =	simm.s32 $0x4900;
	v0 =	vld.idx.msk [tilespmem:v1+s23+$0x0], $0xffff  }
0xd0: {  	v1 =	vand.u32 $0x7D, v3;
	v3 =	vld [tilespmem:s13+$0xF0]  }
0xd1: {  	v4 =	vld [tilespmem:s13+$0xFFFFFF00]  }
0xd2: {  	v5 =	vld [tilespmem:s13+$0xFFFFFF10]  }
0xd3: {  	v6 =	vld [tilespmem:s13+$0xFFFFFF20];
	v1 =	vor.u32 $0x100, v1  }
0xd4: {  	v7 =	vld [tilespmem:s13+$0xFFFFFF30];
	v1 =	vbroadcast v1, $0x0  }
0xd5: {  	v8 =	vld [tilespmem:s13+$0xFFFFFF40]  }
0xd6: {  	v9 =	vld [tilespmem:s13+$0xFFFFFF50];
	v4 =	vmul.f32 v2, v4  }
0xd7: {  	v10 =	vld [tilespmem:s13+$0xFFFFFF60];
	v3 =	vmul.f32 v0, v3  }
0xd8: {  	[tilespmem:s13+$0xFFFFFF00] =	vst v4;
	v4 =	vld [tilespmem:s13+$0xFFFFFF70]  }
0xd9: {  	s15 =	simm.s32 $0x2;
	v5 =	vmul.f32 v2, v5;
	[tilespmem:s13+$0xF0] =	vst v3;
	v3 =	vmul.f32 v2, v6;
	v6 =	vld [tilespmem:s13+$0xFFFFFF90]  }
0xda: {  	v11 =	vmov s15;
	v61 =	vld.idx.msk [tilespmem:v1+s23+$0x0], $0xffff  }
0xdb: {  	[tilespmem:s13+$0xFFFFFF10] =	vst v5;
	v5 =	vmul.f32 v2, v7;
	v1 =	vand.u32 $0x7E, v11;
	v11 =	vld [tilespmem:s13+$0xFFFFFF80]  }
0xdc: {  	v10 =	vmul.f32 v2, v10;
	v7 =	vld [tilespmem:s13+$0xFFFFFFA0];
	v1 =	vor.u32 $0x100, v1;
	[tilespmem:s13+$0xFFFFFF20] =	vst v3;
	v3 =	vmul.f32 v2, v8  }
0xdd: {  	v8 =	vld [tilespmem:s13+$0xFFFFFFB0];
	[tilespmem:s13+$0xFFFFFF30] =	vst v5;
	v5 =	vmul.f32 v2, v9;
	v1 =	vbroadcast v1, $0x0  }
0xde: {  	[tilespmem:s13+$0xFFFFFF60] =	vst v10;
	v9 =	vld [tilespmem:s13+$0xFFFFFFC0]  }
0xdf: {  	[tilespmem:s13+$0xFFFFFF50] =	vst v5;
	v5 =	vld [tilespmem:s13+$0xFFFFFFE0];
	v2 =	vmul.f32 v2, v4  }
0xe0: {  	[tilespmem:s13+$0xFFFFFF40] =	vst v3;
	v4 =	vld [tilespmem:s13+$0xFFFFFFF0];
	v3 =	vmul.f32 v61, v11  }
0xe1: {  	v11 =	vld [tilespmem:s13+$0xFFFFFFD0];
	[tilespmem:s13+$0xFFFFFF70] =	vst v2;
	v2 =	vmul.f32 v61, v7  }
0xe2: {  	[tilespmem:s13+$0xFFFFFF80] =	vst v3;
	v3 =	vmul.f32 v61, v6;
	v6 =	vld [tilespmem:s13+$0x0]  }
0xe3: {  	v1 =	vld.idx.msk [tilespmem:v1+s23+$0x0], $0xffff;
	[tilespmem:s13+$0xFFFFFFA0] =	vst v2;
	v2 =	vmul.f32 v61, v9  }
0xe4: {  	v7 =	vld [tilespmem:s13+$0x10];
	[tilespmem:s13+$0xFFFFFF90] =	vst v3;
	v3 =	vmul.f32 v61, v8  }
0xe5: {  	v5 =	vmul.f32 v61, v5;
	v8 =	vld [tilespmem:s13+$0x20];
	[tilespmem:s13+$0xFFFFFFC0] =	vst v2  }
0xe6: {  	s16 =	simm.s32 $0x4;
	v9 =	vld [tilespmem:s13+$0x30];
	[tilespmem:s13+$0xFFFFFFB0] =	vst v3;
	v3 =	vmul.f32 v61, v11  }
0xe7: {  	s15 =	simm.s32 $0x5;
	v10 =	vmov s16;
	v2 =	vld [tilespmem:s13+$0x40];
	[tilespmem:s13+$0xFFFFFFE0] =	vst v5;
	v11 =	vmul.f32 v61, v4  }
0xe8: {  	v62 =	vmov s15;
	s16 =	simm.s32 $0x6;
	v10 =	vand.u32 $0x7C, v10;
	[tilespmem:s13+$0xFFFFFFD0] =	vst v3;
	v6 =	vmul.f32 v1, v6;
	v3 =	vld [tilespmem:s13+$0x50]  }
0xe9: {  	v5 =	vor.u32 $0x100, v10;
	v10 =	vmov s16;
	v4 =	vld [tilespmem:s13+$0x60];
	v7 =	vmul.f32 v1, v7;
	[tilespmem:s13+$0xFFFFFFF0] =	vst v11  }
0xea: {  	v10 =	vand.u32 $0x7E, v10;
	v11 =	vand.u32 $0x7D, v62;
	v8 =	vmul.f32 v1, v8;
	[tilespmem:s13+$0x0] =	vst v6;
	v6 =	vld [tilespmem:s13+$0x70]  }
0xeb: {  	s15 =	simm.s32 $0x8;
	s14 =	simm.s32 $0x4900;
	s16 =	simm.s32 $0x7;
	v5 =	vbroadcast v5, $0x0;
	v9 =	vmul.f32 v1, v9;
	v11 =	vor.u32 $0x100, v11;
	[tilespmem:s13+$0x10] =	vst v7;
	v7 =	vld [tilespmem:s13+$0x80]  }
.LBB2_5:
0xec: {  	p0 =	slt.u32 s15, $0x74;
	v10 =	vor.u32 $0x100, v10;
	v12 =	vmov s16;
	[tilespmem:s13+$0x20] =	vst v8;
	v2 =	vmul.f32 v1, v2;
	v8 =	vld [tilespmem:s13+$0x90]  }
0xed: {  	v11 =	vbroadcast v11, $0x0;
	v12 =	vand.u32 $0x7F, v12;
	[tilespmem:s13+$0x30] =	vst v9;
	v3 =	vmul.f32 v1, v3;
	v9 =	vld [tilespmem:s13+$0xA0]  }
0xee: {  	v10 =	vbroadcast v10, $0x0;
	v12 =	vor.u32 $0x100, v12;
	[tilespmem:s13+$0x40] =	vst v2;
	v2 =	vmul.f32 v1, v4;
	v4 =	vld [tilespmem:s13+$0xB0]  }
0xef: {  	v12 =	vbroadcast v12, $0x0;
	[tilespmem:s13+$0x50] =	vst v3;
	v1 =	vmul.f32 v1, v6;
	v3 =	vld [tilespmem:s13+$0xC0]  }
0xf0: {  	[tilespmem:s13+$0x60] =	vst v2;
	v2 =	vmul.f32 v0, v7;
	v6 =	vld [tilespmem:s13+$0xD0]  }
0xf1: {  	[tilespmem:s13+$0x70] =	vst v1;
	v1 =	vmul.f32 v0, v8;
	v7 =	vld [tilespmem:s13+$0xE0]  }
0xf2: {  	v5 =	vld.idx.msk [tilespmem:v5+s23+$0x0], $0xffff;
	[tilespmem:s13+$0x80] =	vst v2;
	v2 =	vmul.f32 v0, v9  }
0xf3: {  	v8 =	vld.idx.msk [tilespmem:v11+s23+$0x0], $0xffff;
	[tilespmem:s13+$0x90] =	vst v1;
	v4 =	vmul.f32 v0, v4  }
0xf4: {  	v1 =	vld.idx.msk [tilespmem:v10+s23+$0x0], $0xffff;
	[tilespmem:s13+$0xA0] =	vst v2;
	v2 =	vmul.f32 v0, v3  }
0xf5: {  	s13 =	sadd.s32 $0x200, s13;
	v3 =	vld.idx.msk [tilespmem:v12+s23+$0x0], $0xffff;
	[tilespmem:s14+$0xB0] =	vst v4;
	v4 =	vmul.f32 v0, v6  }
0xf6: {  	v6 =	vld [tilespmem:s13+$0xF0];
	[tilespmem:s14+$0xC0] =	vst v2;
	v0 =	vmul.f32 v0, v7  }
0xf7: {  	v2 =	vld [tilespmem:s13+$0xFFFFFF00];
	[tilespmem:s14+$0xD0] =	vst v4  }
0xf8: {  	v4 =	vld [tilespmem:s13+$0xFFFFFF10];
	[tilespmem:s14+$0xE0] =	vst v0;
	s14 =	smov.u32 s13  }
0xf9: {  	v7 =	vld [tilespmem:s13+$0xFFFFFF20]  }
0xfa: {  	v9 =	vld [tilespmem:s13+$0xFFFFFF30]  }
0xfb: {  	v0 =	vmov v3;
	v10 =	vld [tilespmem:s13+$0xFFFFFF40];
	v6 =	vmul.f32 v3, v6  }
0xfc: {  	v2 =	vmul.f32 v5, v2;
	v3 =	vld [tilespmem:s13+$0xFFFFFF50]  }
0xfd: {  	v4 =	vmul.f32 v5, v4;
	v11 =	vld [tilespmem:s13+$0xFFFFFF60];
	[tilespmem:s13+$0xF0] =	vst v6  }
0xfe: {  	[tilespmem:s13+$0xFFFFFF00] =	vst v2;
	v2 =	vmul.f32 v5, v7;
	v6 =	vld [tilespmem:s13+$0xFFFFFF70]  }
0xff: {  	[tilespmem:s13+$0xFFFFFF10] =	vst v4;
	v4 =	vmul.f32 v5, v9;
	v7 =	vld [tilespmem:s13+$0xFFFFFF80]  }
0x100: {  	[tilespmem:s13+$0xFFFFFF20] =	vst v2;
	v2 =	vmul.f32 v5, v10;
	v9 =	vld [tilespmem:s13+$0xFFFFFF90]  }
0x101: {  	[tilespmem:s13+$0xFFFFFF30] =	vst v4;
	v3 =	vmul.f32 v5, v3;
	v4 =	vld [tilespmem:s13+$0xFFFFFFA0]  }
0x102: {  	[tilespmem:s13+$0xFFFFFF40] =	vst v2;
	v2 =	vmul.f32 v5, v11;
	v10 =	vld [tilespmem:s13+$0xFFFFFFB0]  }
0x103: {  	[tilespmem:s13+$0xFFFFFF50] =	vst v3;
	v3 =	vmul.f32 v5, v6;
	v5 =	vld [tilespmem:s13+$0xFFFFFFC0]  }
0x104: {  	[tilespmem:s13+$0xFFFFFF60] =	vst v2;
	v2 =	vmul.f32 v8, v7;
	v6 =	vld [tilespmem:s13+$0xFFFFFFD0]  }
0x105: {  	[tilespmem:s13+$0xFFFFFF70] =	vst v3;
	v3 =	vmul.f32 v8, v9;
	v7 =	vld [tilespmem:s13+$0xFFFFFFE0]  }
0x106: {  	[tilespmem:s13+$0xFFFFFF80] =	vst v2;
	v2 =	vmul.f32 v8, v4;
	v4 =	vld [tilespmem:s13+$0xFFFFFFF0]  }
0x107: {  	[tilespmem:s13+$0xFFFFFF90] =	vst v3;
	v3 =	vmul.f32 v8, v10;
	v9 =	vld [tilespmem:s13+$0x0]  }
0x108: {  	[tilespmem:s13+$0xFFFFFFA0] =	vst v2;
	v2 =	vmul.f32 v8, v5;
	v5 =	vld [tilespmem:s13+$0x10]  }
0x109: {  	[tilespmem:s13+$0xFFFFFFB0] =	vst v3;
	v3 =	vmul.f32 v8, v6;
	v6 =	vld [tilespmem:s13+$0x20]  }
0x10a: {  	[tilespmem:s13+$0xFFFFFFC0] =	vst v2;
	v7 =	vmul.f32 v8, v7;
	v12 =	vld [tilespmem:s13+$0x30]  }
.Ltmp3:
0x10b: {  	s16 =	sadd.s32 $0x1, s15;
	v10 =	vmov s15;
	[tilespmem:s13+$0xFFFFFFD0] =	vst v3;
	v4 =	vmul.f32 v8, v4;
	v2 =	vld [tilespmem:s13+$0x40];
	(pc) =	sbr.rel @p0 .LBB2_5-.Ltmp3, $4  }
0x10c: {  	v8 =	vand.u32 $0x7C, v10;
	v10 =	vmov s16;
	s16 =	sadd.s32 $0x2, s15;
	[tilespmem:s13+$0xFFFFFFE0] =	vst v7;
	v7 =	vmul.f32 v1, v9;
	v3 =	vld [tilespmem:s13+$0x50]  }
0x10d: {  	v9 =	vor.u32 $0x100, v8;
	v8 =	vmov s16;
	[tilespmem:s13+$0xFFFFFFF0] =	vst v4;
	v13 =	vmul.f32 v1, v5;
	v4 =	vld [tilespmem:s13+$0x60]  }
0x10e: {  	v11 =	vand.u32 $0x7D, v10;
	v10 =	vand.u32 $0x7E, v8;
	[tilespmem:s13+$0x0] =	vst v7;
	v8 =	vmul.f32 v1, v6;
	v6 =	vld [tilespmem:s13+$0x70]  }
0x10f: {  	s16 =	sadd.s32 $0x3, s15;
	s15 =	sadd.s32 $0x4, s15;
	v5 =	vbroadcast v9, $0x0;
	v11 =	vor.u32 $0x100, v11;
	[tilespmem:s13+$0x10] =	vst v13;
	v9 =	vmul.f32 v1, v12;
	v7 =	vld [tilespmem:s13+$0x80]  }
0x110: {  	v13 =	vld [tilespmem:s13+$0x90]  }
0x111: {  	v14 =	vld [tilespmem:s13+$0xA0]  }
0x112: {  	v12 =	vmov s16;
	v10 =	vor.u32 $0x100, v10;
	v11 =	vbroadcast v11, $0x0;
	v15 =	vld [tilespmem:s13+$0xB0]  }
0x113: {  	v16 =	vld [tilespmem:s13+$0xC0];
	[tilespmem:s13+$0x20] =	vst v8;
	v2 =	vmul.f32 v1, v2;
	v12 =	vand.u32 $0x7F, v12;
	v10 =	vbroadcast v10, $0x0  }
0x114: {  	v8 =	vld [tilespmem:s13+$0xD0];
	[tilespmem:s13+$0x30] =	vst v9;
	v3 =	vmul.f32 v1, v3;
	v12 =	vor.u32 $0x100, v12  }
0x115: {  	v9 =	vld [tilespmem:s13+$0xE0];
	[tilespmem:s13+$0x40] =	vst v2;
	v2 =	vmul.f32 v1, v4;
	v12 =	vbroadcast v12, $0x0  }
0x116: {  	s15 =	sadd.s32 $0x200, s13;
	v4 =	vld.idx.msk [tilespmem:v5+s23+$0x0], $0xffff;
	[tilespmem:s13+$0x50] =	vst v3;
	v1 =	vmul.f32 v1, v6  }
0x117: {  	[tilespmem:s13+$0x60] =	vst v2;
	v2 =	vmul.f32 v0, v7;
	v7 =	vld [tilespmem:s15+$0xF0]  }
0x118: {  	[tilespmem:s13+$0x70] =	vst v1;
	v1 =	vmul.f32 v0, v13;
	v3 =	vld.idx.msk [tilespmem:v11+s23+$0x0], $0xffff  }
0x119: {  	[tilespmem:s13+$0x80] =	vst v2;
	v2 =	vmul.f32 v0, v14;
	v5 =	vld.idx.msk [tilespmem:v10+s23+$0x0], $0xffff  }
0x11a: {  	[tilespmem:s13+$0x90] =	vst v1;
	v1 =	vmul.f32 v0, v15;
	v10 =	vld [tilespmem:s15+$0xFFFFFF00]  }
0x11b: {  	[tilespmem:s13+$0xA0] =	vst v2;
	v2 =	vmul.f32 v0, v16;
	v6 =	vld.idx.msk [tilespmem:v12+s23+$0x0], $0xffff  }
0x11c: {  	v11 =	vld [tilespmem:s15+$0xFFFFFF10];
	[tilespmem:s14+$0xB0] =	vst v1;
	v1 =	vmul.f32 v0, v8  }
0x11d: {  	v8 =	vld [tilespmem:s15+$0xFFFFFF20];
	v0 =	vmul.f32 v0, v9;
	[tilespmem:s14+$0xC0] =	vst v2  }
0x11e: {  	v2 =	vld [tilespmem:s15+$0xFFFFFF30];
	[tilespmem:s14+$0xD0] =	vst v1  }
0x11f: {  	v1 =	vld [tilespmem:s15+$0xFFFFFF40];
	[tilespmem:s14+$0xE0] =	vst v0;
	v0 =	vmul.f32 v4, v10  }
0x120: {  	v9 =	vld [tilespmem:s15+$0xFFFFFF50];
	v7 =	vmul.f32 v6, v7  }
0x121: {  	v10 =	vmul.f32 v4, v11;
	v11 =	vld [tilespmem:s15+$0xFFFFFF60];
	[tilespmem:s15+$0xFFFFFF00] =	vst v0  }
0x122: {  	v0 =	vmul.f32 v4, v8;
	[tilespmem:s15+$0xF0] =	vst v7;
	v7 =	vld [tilespmem:s15+$0xFFFFFF70]  }
0x123: {  	[tilespmem:s15+$0xFFFFFF10] =	vst v10;
	v8 =	vld [tilespmem:s15+$0xFFFFFF80];
	v2 =	vmul.f32 v4, v2  }
0x124: {  	[tilespmem:s15+$0xFFFFFF20] =	vst v0;
	v0 =	vmul.f32 v4, v1;
	v1 =	vld [tilespmem:s15+$0xFFFFFF90]  }
0x125: {  	[tilespmem:s15+$0xFFFFFF30] =	vst v2;
	v2 =	vmul.f32 v4, v9;
	v9 =	vld [tilespmem:s15+$0xFFFFFFA0]  }
0x126: {  	v10 =	vld [tilespmem:s15+$0xFFFFFFB0];
	[tilespmem:s15+$0xFFFFFF40] =	vst v0;
	v0 =	vmul.f32 v4, v11  }
0x127: {  	[tilespmem:s15+$0xFFFFFF50] =	vst v2;
	v2 =	vmul.f32 v4, v7;
	v4 =	vld [tilespmem:s15+$0xFFFFFFC0]  }
0x128: {  	[tilespmem:s15+$0xFFFFFF60] =	vst v0;
	v0 =	vmul.f32 v3, v8;
	v7 =	vld [tilespmem:s15+$0xFFFFFFD0]  }
0x129: {  	v1 =	vmul.f32 v3, v1;
	[tilespmem:s15+$0xFFFFFF70] =	vst v2;
	v2 =	vld [tilespmem:s15+$0xFFFFFFE0]  }
0x12a: {  	v8 =	vld [tilespmem:s15+$0xFFFFFFF0];
	[tilespmem:s15+$0xFFFFFF80] =	vst v0;
	v0 =	vmul.f32 v3, v9  }
0x12b: {  	v9 =	vld [tilespmem:s15+$0x0];
	[tilespmem:s15+$0xFFFFFF90] =	vst v1;
	v1 =	vmul.f32 v3, v10  }
0x12c: {  	[tilespmem:s15+$0xFFFFFFA0] =	vst v0;
	v0 =	vmul.f32 v3, v4;
	v4 =	vld [tilespmem:s15+$0x10]  }
0x12d: {  	[tilespmem:s15+$0xFFFFFFB0] =	vst v1;
	v1 =	vmul.f32 v3, v7;
	v7 =	vld [tilespmem:s15+$0x20]  }
0x12e: {  	[tilespmem:s15+$0xFFFFFFC0] =	vst v0;
	v0 =	vmul.f32 v3, v2;
	v2 =	vld [tilespmem:s15+$0x30]  }
0x12f: {  	[tilespmem:s15+$0xFFFFFFD0] =	vst v1;
	v1 =	vmul.f32 v3, v8;
	v3 =	vld [tilespmem:s15+$0x40]  }
0x130: {  	v8 =	vld [tilespmem:s15+$0x50];
	[tilespmem:s15+$0xFFFFFFE0] =	vst v0;
	v0 =	vmul.f32 v5, v9  }
0x131: {  	[tilespmem:s15+$0xFFFFFFF0] =	vst v1;
	v1 =	vmul.f32 v5, v4;
	v4 =	vld [tilespmem:s15+$0x60]  }
0x132: {  	[tilespmem:s15+$0x0] =	vst v0;
	v0 =	vmul.f32 v5, v7;
	v7 =	vld [tilespmem:s15+$0x70]  }
0x133: {  	[tilespmem:s15+$0x10] =	vst v1;
	v1 =	vmul.f32 v5, v2;
	v2 =	vld [tilespmem:s15+$0x80]  }
0x134: {  	[tilespmem:s15+$0x20] =	vst v0;
	v0 =	vmul.f32 v5, v3;
	v3 =	vld [tilespmem:s15+$0x90]  }
0x135: {  	[tilespmem:s15+$0x30] =	vst v1;
	v1 =	vmul.f32 v5, v8;
	v8 =	vld [tilespmem:s15+$0xA0]  }
0x136: {  	[tilespmem:s15+$0x40] =	vst v0;
	v0 =	vmul.f32 v5, v4;
	v4 =	vld [tilespmem:s15+$0xB0]  }
0x137: {  	[tilespmem:s15+$0x50] =	vst v1;
	v1 =	vmul.f32 v5, v7;
	v5 =	vld [tilespmem:s15+$0xC0]  }
0x138: {  	[tilespmem:s15+$0x60] =	vst v0;
	v0 =	vmul.f32 v6, v2;
	v2 =	vld [tilespmem:s15+$0xD0]  }
0x139: {  	[tilespmem:s15+$0x70] =	vst v1;
	v1 =	vmul.f32 v6, v3;
	v3 =	vld [tilespmem:s15+$0xE0]  }
0x13a: {  	[tilespmem:s15+$0x80] =	vst v0;
	v0 =	vmul.f32 v6, v8  }
0x13b: {  	[tilespmem:s15+$0x90] =	vst v1;
	v1 =	vmul.f32 v6, v4  }
0x13c: {  	[tilespmem:s15+$0xA0] =	vst v0;
	v0 =	vmul.f32 v6, v5  }
0x13d: {  	[tilespmem:s15+$0xB0] =	vst v1;
	v1 =	vmul.f32 v6, v2  }
0x13e: {  	[tilespmem:s15+$0xC0] =	vst v0;
	v0 =	vmul.f32 v6, v3  }
0x13f: {  	[tilespmem:s15+$0xD0] =	vst v1  }
0x140: {  	s16 =	simm.s32 $0x280;
	[tilespmem:s15+$0xE0] =	vst v0  }
0x141: {  	[spmem:s4] =	stream.indirect.scatter.add.f32 [tilespmem:s0], [sflag:$0xB], $0x80, s16, s29, $0xb8;
	v63 =	vld [tilespmem:$0x0]  }
0x142: {  	_ =	swait.ge [sflag:s20], $0x3C00  }
0x143: {  	[sflag:s20] =	ssyncset.done $0x0  }
0x144: {  	[sflag:s20] =	ssyncadd.s32 $0xFFFFC400  }
0x145: {  	p0 =	seq.s32 s2, $0xD;
	s14 =	simm.s32 $0x0;
	_ =	swait.ge [sflag:s8], $0x180  }
0x146: {  	v0 =	vmov s14;
	s15 =	simm.s32 $0x3;
	[sflag:s8] =	ssyncset.done $0x0;
	s13 =	rddreg [dreg:$0xc]  }
0x147: {  	v0 =	vand.u32 $0x7C, v0;
	v1 =	vmov s15;
	[sflag:s8] =	ssyncadd.s32 $0xFFFFFE80;
	s13 =	sadd.s32 @!p0 s18, s13  }
0x148: {  	v0 =	vor.u32 $0x100, v0;
	v1 =	vand.u32 $0x7F, v1;
	[tilespmem:s30], [sflag:$0x7] =	stream.indirect.gather [hbm4b:s1+s29], $0x80, s25, s29, $0xb8;
	v63 =	vld [tilespmem:$0x0]  }
0x149: {  	v0 =	vbroadcast v0, $0x0;
	v1 =	vor.u32 $0x100, v1;
	s13 =	sshrl.u32 @!p0 s13, $0x3  }
0x14a: {  	s14 =	simm.s32 @!p0 $0x0;
	v1 =	vbroadcast v1, $0x0;
	s13 =	sadd.s32 @!p0 s6, s13  }
0x14b: {  	[tilespmem:s14], [sflag:$0x1] =	stream.linear.gather @!p0 [hbm4b:s13+s14], $0x180, $0x38;
	v63 =	vld [tilespmem:$0x0]  }
0x14c: {  	_ =	swait.ge [sflag:s28], $0x3C00  }
0x14d: {  	[sflag:s28] =	ssyncset.done $0x0  }
0x14e: {  	[sflag:s28] =	ssyncadd.s32 $0xFFFFC400  }
0x14f: {  	s16 =	simm.s32 $0x1;
	v2 =	vld.idx.msk [tilespmem:v0+s24+$0x0], $0xffff  }
0x150: {  	v3 =	vmov s16;
	s13 =	simm.s32 $0x8500;
	v0 =	vld.idx.msk [tilespmem:v1+s24+$0x0], $0xffff  }
0x151: {  	v1 =	vand.u32 $0x7D, v3;
	v3 =	vld [tilespmem:s13+$0xF0]  }
0x152: {  	v4 =	vld [tilespmem:s13+$0xFFFFFF00]  }
0x153: {  	v5 =	vld [tilespmem:s13+$0xFFFFFF10]  }
0x154: {  	v6 =	vld [tilespmem:s13+$0xFFFFFF20];
	v1 =	vor.u32 $0x100, v1  }
0x155: {  	v7 =	vld [tilespmem:s13+$0xFFFFFF30];
	v1 =	vbroadcast v1, $0x0  }
0x156: {  	v8 =	vld [tilespmem:s13+$0xFFFFFF40]  }
0x157: {  	v9 =	vld [tilespmem:s13+$0xFFFFFF50];
	v4 =	vmul.f32 v2, v4  }
0x158: {  	v10 =	vld [tilespmem:s13+$0xFFFFFF60];
	v3 =	vmul.f32 v0, v3  }
0x159: {  	[tilespmem:s13+$0xFFFFFF00] =	vst v4;
	v4 =	vld [tilespmem:s13+$0xFFFFFF70]  }
0x15a: {  	s15 =	simm.s32 $0x2;
	v5 =	vmul.f32 v2, v5;
	[tilespmem:s13+$0xF0] =	vst v3;
	v3 =	vmul.f32 v2, v6;
	v6 =	vld [tilespmem:s13+$0xFFFFFF90]  }
0x15b: {  	v11 =	vmov s15;
	v61 =	vld.idx.msk [tilespmem:v1+s24+$0x0], $0xffff  }
0x15c: {  	[tilespmem:s13+$0xFFFFFF10] =	vst v5;
	v5 =	vmul.f32 v2, v7;
	v1 =	vand.u32 $0x7E, v11;
	v11 =	vld [tilespmem:s13+$0xFFFFFF80]  }
0x15d: {  	v10 =	vmul.f32 v2, v10;
	v7 =	vld [tilespmem:s13+$0xFFFFFFA0];
	v1 =	vor.u32 $0x100, v1;
	[tilespmem:s13+$0xFFFFFF20] =	vst v3;
	v3 =	vmul.f32 v2, v8  }
0x15e: {  	v8 =	vld [tilespmem:s13+$0xFFFFFFB0];
	[tilespmem:s13+$0xFFFFFF30] =	vst v5;
	v5 =	vmul.f32 v2, v9;
	v1 =	vbroadcast v1, $0x0  }
0x15f: {  	[tilespmem:s13+$0xFFFFFF60] =	vst v10;
	v9 =	vld [tilespmem:s13+$0xFFFFFFC0]  }
0x160: {  	[tilespmem:s13+$0xFFFFFF50] =	vst v5;
	v5 =	vld [tilespmem:s13+$0xFFFFFFE0];
	v2 =	vmul.f32 v2, v4  }
0x161: {  	[tilespmem:s13+$0xFFFFFF40] =	vst v3;
	v4 =	vld [tilespmem:s13+$0xFFFFFFF0];
	v3 =	vmul.f32 v61, v11  }
0x162: {  	v11 =	vld [tilespmem:s13+$0xFFFFFFD0];
	[tilespmem:s13+$0xFFFFFF70] =	vst v2;
	v2 =	vmul.f32 v61, v7  }
0x163: {  	[tilespmem:s13+$0xFFFFFF80] =	vst v3;
	v3 =	vmul.f32 v61, v6;
	v6 =	vld [tilespmem:s13+$0x0]  }
0x164: {  	v1 =	vld.idx.msk [tilespmem:v1+s24+$0x0], $0xffff;
	[tilespmem:s13+$0xFFFFFFA0] =	vst v2;
	v2 =	vmul.f32 v61, v9  }
0x165: {  	v7 =	vld [tilespmem:s13+$0x10];
	[tilespmem:s13+$0xFFFFFF90] =	vst v3;
	v3 =	vmul.f32 v61, v8  }
0x166: {  	v5 =	vmul.f32 v61, v5;
	v8 =	vld [tilespmem:s13+$0x20];
	[tilespmem:s13+$0xFFFFFFC0] =	vst v2  }
0x167: {  	s16 =	simm.s32 $0x4;
	v9 =	vld [tilespmem:s13+$0x30];
	[tilespmem:s13+$0xFFFFFFB0] =	vst v3;
	v3 =	vmul.f32 v61, v11  }
0x168: {  	s15 =	simm.s32 $0x5;
	v10 =	vmov s16;
	v2 =	vld [tilespmem:s13+$0x40];
	[tilespmem:s13+$0xFFFFFFE0] =	vst v5;
	v11 =	vmul.f32 v61, v4  }
0x169: {  	v62 =	vmov s15;
	s16 =	simm.s32 $0x6;
	v10 =	vand.u32 $0x7C, v10;
	[tilespmem:s13+$0xFFFFFFD0] =	vst v3;
	v6 =	vmul.f32 v1, v6;
	v3 =	vld [tilespmem:s13+$0x50]  }
0x16a: {  	v5 =	vor.u32 $0x100, v10;
	v10 =	vmov s16;
	v4 =	vld [tilespmem:s13+$0x60];
	v7 =	vmul.f32 v1, v7;
	[tilespmem:s13+$0xFFFFFFF0] =	vst v11  }
0x16b: {  	v10 =	vand.u32 $0x7E, v10;
	v11 =	vand.u32 $0x7D, v62;
	v8 =	vmul.f32 v1, v8;
	[tilespmem:s13+$0x0] =	vst v6;
	v6 =	vld [tilespmem:s13+$0x70]  }
0x16c: {  	s15 =	simm.s32 $0x8;
	s14 =	simm.s32 $0x8500;
	s16 =	simm.s32 $0x7;
	v5 =	vbroadcast v5, $0x0;
	v9 =	vmul.f32 v1, v9;
	v11 =	vor.u32 $0x100, v11;
	[tilespmem:s13+$0x10] =	vst v7;
	v7 =	vld [tilespmem:s13+$0x80]  }
.LBB2_7:
0x16d: {  	p1 =	slt.u32 s15, $0x74;
	v10 =	vor.u32 $0x100, v10;
	v12 =	vmov s16;
	[tilespmem:s13+$0x20] =	vst v8;
	v2 =	vmul.f32 v1, v2;
	v8 =	vld [tilespmem:s13+$0x90]  }
0x16e: {  	v11 =	vbroadcast v11, $0x0;
	v12 =	vand.u32 $0x7F, v12;
	[tilespmem:s13+$0x30] =	vst v9;
	v3 =	vmul.f32 v1, v3;
	v9 =	vld [tilespmem:s13+$0xA0]  }
0x16f: {  	v10 =	vbroadcast v10, $0x0;
	v12 =	vor.u32 $0x100, v12;
	[tilespmem:s13+$0x40] =	vst v2;
	v2 =	vmul.f32 v1, v4;
	v4 =	vld [tilespmem:s13+$0xB0]  }
0x170: {  	v12 =	vbroadcast v12, $0x0;
	[tilespmem:s13+$0x50] =	vst v3;
	v1 =	vmul.f32 v1, v6;
	v3 =	vld [tilespmem:s13+$0xC0]  }
0x171: {  	[tilespmem:s13+$0x60] =	vst v2;
	v2 =	vmul.f32 v0, v7;
	v6 =	vld [tilespmem:s13+$0xD0]  }
0x172: {  	[tilespmem:s13+$0x70] =	vst v1;
	v1 =	vmul.f32 v0, v8;
	v7 =	vld [tilespmem:s13+$0xE0]  }
0x173: {  	v5 =	vld.idx.msk [tilespmem:v5+s24+$0x0], $0xffff;
	[tilespmem:s13+$0x80] =	vst v2;
	v2 =	vmul.f32 v0, v9  }
0x174: {  	v8 =	vld.idx.msk [tilespmem:v11+s24+$0x0], $0xffff;
	[tilespmem:s13+$0x90] =	vst v1;
	v4 =	vmul.f32 v0, v4  }
0x175: {  	v1 =	vld.idx.msk [tilespmem:v10+s24+$0x0], $0xffff;
	[tilespmem:s13+$0xA0] =	vst v2;
	v2 =	vmul.f32 v0, v3  }
0x176: {  	s13 =	sadd.s32 $0x200, s13;
	v3 =	vld.idx.msk [tilespmem:v12+s24+$0x0], $0xffff;
	[tilespmem:s14+$0xB0] =	vst v4;
	v4 =	vmul.f32 v0, v6  }
0x177: {  	v6 =	vld [tilespmem:s13+$0xF0];
	[tilespmem:s14+$0xC0] =	vst v2;
	v0 =	vmul.f32 v0, v7  }
0x178: {  	v2 =	vld [tilespmem:s13+$0xFFFFFF00];
	[tilespmem:s14+$0xD0] =	vst v4  }
0x179: {  	v4 =	vld [tilespmem:s13+$0xFFFFFF10];
	[tilespmem:s14+$0xE0] =	vst v0;
	s14 =	smov.u32 s13  }
0x17a: {  	v7 =	vld [tilespmem:s13+$0xFFFFFF20]  }
0x17b: {  	v9 =	vld [tilespmem:s13+$0xFFFFFF30]  }
0x17c: {  	v0 =	vmov v3;
	v10 =	vld [tilespmem:s13+$0xFFFFFF40];
	v6 =	vmul.f32 v3, v6  }
0x17d: {  	v2 =	vmul.f32 v5, v2;
	v3 =	vld [tilespmem:s13+$0xFFFFFF50]  }
0x17e: {  	v4 =	vmul.f32 v5, v4;
	v11 =	vld [tilespmem:s13+$0xFFFFFF60];
	[tilespmem:s13+$0xF0] =	vst v6  }
0x17f: {  	[tilespmem:s13+$0xFFFFFF00] =	vst v2;
	v2 =	vmul.f32 v5, v7;
	v6 =	vld [tilespmem:s13+$0xFFFFFF70]  }
0x180: {  	[tilespmem:s13+$0xFFFFFF10] =	vst v4;
	v4 =	vmul.f32 v5, v9;
	v7 =	vld [tilespmem:s13+$0xFFFFFF80]  }
0x181: {  	[tilespmem:s13+$0xFFFFFF20] =	vst v2;
	v2 =	vmul.f32 v5, v10;
	v9 =	vld [tilespmem:s13+$0xFFFFFF90]  }
0x182: {  	[tilespmem:s13+$0xFFFFFF30] =	vst v4;
	v3 =	vmul.f32 v5, v3;
	v4 =	vld [tilespmem:s13+$0xFFFFFFA0]  }
0x183: {  	[tilespmem:s13+$0xFFFFFF40] =	vst v2;
	v2 =	vmul.f32 v5, v11;
	v10 =	vld [tilespmem:s13+$0xFFFFFFB0]  }
0x184: {  	[tilespmem:s13+$0xFFFFFF50] =	vst v3;
	v3 =	vmul.f32 v5, v6;
	v5 =	vld [tilespmem:s13+$0xFFFFFFC0]  }
0x185: {  	[tilespmem:s13+$0xFFFFFF60] =	vst v2;
	v2 =	vmul.f32 v8, v7;
	v6 =	vld [tilespmem:s13+$0xFFFFFFD0]  }
0x186: {  	[tilespmem:s13+$0xFFFFFF70] =	vst v3;
	v3 =	vmul.f32 v8, v9;
	v7 =	vld [tilespmem:s13+$0xFFFFFFE0]  }
0x187: {  	[tilespmem:s13+$0xFFFFFF80] =	vst v2;
	v2 =	vmul.f32 v8, v4;
	v4 =	vld [tilespmem:s13+$0xFFFFFFF0]  }
0x188: {  	[tilespmem:s13+$0xFFFFFF90] =	vst v3;
	v3 =	vmul.f32 v8, v10;
	v9 =	vld [tilespmem:s13+$0x0]  }
0x189: {  	[tilespmem:s13+$0xFFFFFFA0] =	vst v2;
	v2 =	vmul.f32 v8, v5;
	v5 =	vld [tilespmem:s13+$0x10]  }
0x18a: {  	[tilespmem:s13+$0xFFFFFFB0] =	vst v3;
	v3 =	vmul.f32 v8, v6;
	v6 =	vld [tilespmem:s13+$0x20]  }
0x18b: {  	[tilespmem:s13+$0xFFFFFFC0] =	vst v2;
	v7 =	vmul.f32 v8, v7;
	v12 =	vld [tilespmem:s13+$0x30]  }
.Ltmp4:
0x18c: {  	s16 =	sadd.s32 $0x1, s15;
	v10 =	vmov s15;
	[tilespmem:s13+$0xFFFFFFD0] =	vst v3;
	v4 =	vmul.f32 v8, v4;
	v2 =	vld [tilespmem:s13+$0x40];
	(pc) =	sbr.rel @p1 .LBB2_7-.Ltmp4, $4  }
0x18d: {  	v8 =	vand.u32 $0x7C, v10;
	v10 =	vmov s16;
	s16 =	sadd.s32 $0x2, s15;
	[tilespmem:s13+$0xFFFFFFE0] =	vst v7;
	v7 =	vmul.f32 v1, v9;
	v3 =	vld [tilespmem:s13+$0x50]  }
0x18e: {  	v9 =	vor.u32 $0x100, v8;
	v8 =	vmov s16;
	[tilespmem:s13+$0xFFFFFFF0] =	vst v4;
	v13 =	vmul.f32 v1, v5;
	v4 =	vld [tilespmem:s13+$0x60]  }
0x18f: {  	v11 =	vand.u32 $0x7D, v10;
	v10 =	vand.u32 $0x7E, v8;
	[tilespmem:s13+$0x0] =	vst v7;
	v8 =	vmul.f32 v1, v6;
	v6 =	vld [tilespmem:s13+$0x70]  }
0x190: {  	s16 =	sadd.s32 $0x3, s15;
	s15 =	sadd.s32 $0x4, s15;
	v5 =	vbroadcast v9, $0x0;
	v11 =	vor.u32 $0x100, v11;
	[tilespmem:s13+$0x10] =	vst v13;
	v9 =	vmul.f32 v1, v12;
	v7 =	vld [tilespmem:s13+$0x80]  }
0x191: {  	v13 =	vld [tilespmem:s13+$0x90]  }
0x192: {  	v14 =	vld [tilespmem:s13+$0xA0]  }
0x193: {  	v12 =	vmov s16;
	v10 =	vor.u32 $0x100, v10;
	v11 =	vbroadcast v11, $0x0;
	v15 =	vld [tilespmem:s13+$0xB0]  }
0x194: {  	v16 =	vld [tilespmem:s13+$0xC0];
	[tilespmem:s13+$0x20] =	vst v8;
	v2 =	vmul.f32 v1, v2;
	v12 =	vand.u32 $0x7F, v12;
	v10 =	vbroadcast v10, $0x0  }
0x195: {  	v8 =	vld [tilespmem:s13+$0xD0];
	[tilespmem:s13+$0x30] =	vst v9;
	v3 =	vmul.f32 v1, v3;
	v12 =	vor.u32 $0x100, v12  }
0x196: {  	v9 =	vld [tilespmem:s13+$0xE0];
	[tilespmem:s13+$0x40] =	vst v2;
	v2 =	vmul.f32 v1, v4;
	v12 =	vbroadcast v12, $0x0  }
0x197: {  	s15 =	sadd.s32 $0x200, s13;
	v4 =	vld.idx.msk [tilespmem:v5+s24+$0x0], $0xffff;
	[tilespmem:s13+$0x50] =	vst v3;
	v1 =	vmul.f32 v1, v6  }
0x198: {  	[tilespmem:s13+$0x60] =	vst v2;
	v2 =	vmul.f32 v0, v7;
	v7 =	vld [tilespmem:s15+$0xF0]  }
0x199: {  	[tilespmem:s13+$0x70] =	vst v1;
	v1 =	vmul.f32 v0, v13;
	v3 =	vld.idx.msk [tilespmem:v11+s24+$0x0], $0xffff  }
0x19a: {  	[tilespmem:s13+$0x80] =	vst v2;
	v2 =	vmul.f32 v0, v14;
	v5 =	vld.idx.msk [tilespmem:v10+s24+$0x0], $0xffff  }
0x19b: {  	[tilespmem:s13+$0x90] =	vst v1;
	v1 =	vmul.f32 v0, v15;
	v10 =	vld [tilespmem:s15+$0xFFFFFF00]  }
0x19c: {  	[tilespmem:s13+$0xA0] =	vst v2;
	v2 =	vmul.f32 v0, v16;
	v6 =	vld.idx.msk [tilespmem:v12+s24+$0x0], $0xffff  }
0x19d: {  	v11 =	vld [tilespmem:s15+$0xFFFFFF10];
	[tilespmem:s14+$0xB0] =	vst v1;
	v1 =	vmul.f32 v0, v8  }
0x19e: {  	v8 =	vld [tilespmem:s15+$0xFFFFFF20];
	v0 =	vmul.f32 v0, v9;
	[tilespmem:s14+$0xC0] =	vst v2  }
0x19f: {  	v2 =	vld [tilespmem:s15+$0xFFFFFF30];
	[tilespmem:s14+$0xD0] =	vst v1  }
0x1a0: {  	v1 =	vld [tilespmem:s15+$0xFFFFFF40];
	[tilespmem:s14+$0xE0] =	vst v0;
	v0 =	vmul.f32 v4, v10  }
0x1a1: {  	v9 =	vld [tilespmem:s15+$0xFFFFFF50];
	v7 =	vmul.f32 v6, v7  }
0x1a2: {  	v10 =	vmul.f32 v4, v11;
	v11 =	vld [tilespmem:s15+$0xFFFFFF60];
	[tilespmem:s15+$0xFFFFFF00] =	vst v0  }
0x1a3: {  	v0 =	vmul.f32 v4, v8;
	[tilespmem:s15+$0xF0] =	vst v7;
	v7 =	vld [tilespmem:s15+$0xFFFFFF70]  }
0x1a4: {  	[tilespmem:s15+$0xFFFFFF10] =	vst v10;
	v8 =	vld [tilespmem:s15+$0xFFFFFF80];
	v2 =	vmul.f32 v4, v2  }
0x1a5: {  	[tilespmem:s15+$0xFFFFFF20] =	vst v0;
	v0 =	vmul.f32 v4, v1;
	v1 =	vld [tilespmem:s15+$0xFFFFFF90]  }
0x1a6: {  	[tilespmem:s15+$0xFFFFFF30] =	vst v2;
	v2 =	vmul.f32 v4, v9;
	v9 =	vld [tilespmem:s15+$0xFFFFFFA0]  }
0x1a7: {  	v10 =	vld [tilespmem:s15+$0xFFFFFFB0];
	[tilespmem:s15+$0xFFFFFF40] =	vst v0;
	v0 =	vmul.f32 v4, v11  }
0x1a8: {  	[tilespmem:s15+$0xFFFFFF50] =	vst v2;
	v2 =	vmul.f32 v4, v7;
	v4 =	vld [tilespmem:s15+$0xFFFFFFC0]  }
0x1a9: {  	[tilespmem:s15+$0xFFFFFF60] =	vst v0;
	v0 =	vmul.f32 v3, v8;
	v7 =	vld [tilespmem:s15+$0xFFFFFFD0]  }
0x1aa: {  	v1 =	vmul.f32 v3, v1;
	[tilespmem:s15+$0xFFFFFF70] =	vst v2;
	v2 =	vld [tilespmem:s15+$0xFFFFFFE0]  }
0x1ab: {  	v8 =	vld [tilespmem:s15+$0xFFFFFFF0];
	[tilespmem:s15+$0xFFFFFF80] =	vst v0;
	v0 =	vmul.f32 v3, v9  }
0x1ac: {  	v9 =	vld [tilespmem:s15+$0x0];
	[tilespmem:s15+$0xFFFFFF90] =	vst v1;
	v1 =	vmul.f32 v3, v10  }
0x1ad: {  	[tilespmem:s15+$0xFFFFFFA0] =	vst v0;
	v0 =	vmul.f32 v3, v4;
	v4 =	vld [tilespmem:s15+$0x10]  }
0x1ae: {  	[tilespmem:s15+$0xFFFFFFB0] =	vst v1;
	v1 =	vmul.f32 v3, v7;
	v7 =	vld [tilespmem:s15+$0x20]  }
0x1af: {  	[tilespmem:s15+$0xFFFFFFC0] =	vst v0;
	v0 =	vmul.f32 v3, v2;
	v2 =	vld [tilespmem:s15+$0x30]  }
0x1b0: {  	[tilespmem:s15+$0xFFFFFFD0] =	vst v1;
	v1 =	vmul.f32 v3, v8;
	v3 =	vld [tilespmem:s15+$0x40]  }
0x1b1: {  	v8 =	vld [tilespmem:s15+$0x50];
	[tilespmem:s15+$0xFFFFFFE0] =	vst v0;
	v0 =	vmul.f32 v5, v9  }
0x1b2: {  	[tilespmem:s15+$0xFFFFFFF0] =	vst v1;
	v1 =	vmul.f32 v5, v4;
	v4 =	vld [tilespmem:s15+$0x60]  }
0x1b3: {  	[tilespmem:s15+$0x0] =	vst v0;
	v0 =	vmul.f32 v5, v7;
	v7 =	vld [tilespmem:s15+$0x70]  }
0x1b4: {  	[tilespmem:s15+$0x10] =	vst v1;
	v1 =	vmul.f32 v5, v2;
	v2 =	vld [tilespmem:s15+$0x80]  }
0x1b5: {  	[tilespmem:s15+$0x20] =	vst v0;
	v0 =	vmul.f32 v5, v3;
	v3 =	vld [tilespmem:s15+$0x90]  }
0x1b6: {  	[tilespmem:s15+$0x30] =	vst v1;
	v1 =	vmul.f32 v5, v8;
	v8 =	vld [tilespmem:s15+$0xA0]  }
0x1b7: {  	[tilespmem:s15+$0x40] =	vst v0;
	v0 =	vmul.f32 v5, v4;
	v4 =	vld [tilespmem:s15+$0xB0]  }
0x1b8: {  	[tilespmem:s15+$0x50] =	vst v1;
	v1 =	vmul.f32 v5, v7;
	v5 =	vld [tilespmem:s15+$0xC0]  }
0x1b9: {  	[tilespmem:s15+$0x60] =	vst v0;
	v0 =	vmul.f32 v6, v2;
	v2 =	vld [tilespmem:s15+$0xD0]  }
0x1ba: {  	[tilespmem:s15+$0x70] =	vst v1;
	v1 =	vmul.f32 v6, v3;
	v3 =	vld [tilespmem:s15+$0xE0]  }
0x1bb: {  	[tilespmem:s15+$0x80] =	vst v0;
	v0 =	vmul.f32 v6, v8  }
0x1bc: {  	[tilespmem:s15+$0x90] =	vst v1;
	v1 =	vmul.f32 v6, v4  }
0x1bd: {  	[tilespmem:s15+$0xA0] =	vst v0;
	v0 =	vmul.f32 v6, v5  }
0x1be: {  	[tilespmem:s15+$0xB0] =	vst v1;
	v1 =	vmul.f32 v6, v2  }
0x1bf: {  	[tilespmem:s15+$0xC0] =	vst v0;
	v0 =	vmul.f32 v6, v3  }
0x1c0: {  	[tilespmem:s15+$0xD0] =	vst v1  }
0x1c1: {  	s16 =	simm.s32 $0x480;
	[tilespmem:s15+$0xE0] =	vst v0  }
0x1c2: {  	[spmem:s4] =	stream.indirect.scatter.add.f32 [tilespmem:s10], [sflag:$0xC], $0x80, s16, s29, $0xb8;
	v63 =	vld [tilespmem:$0x0]  }
0x1c3: {  	_ =	swait.ge [sflag:s21], $0x3C00  }
0x1c4: {  	[sflag:s21] =	ssyncset.done $0x0  }
0x1c5: {  	[sflag:s21] =	ssyncadd.s32 $0xFFFFC400  }
0x1c6: {  	s14 =	simm.s32 $0x0;
	_ =	swait.ge [sflag:s22], $0x180  }
0x1c7: {  	v0 =	vmov s14;
	s15 =	simm.s32 $0x3;
	[sflag:s22] =	ssyncset.done $0x0;
	s13 =	rddreg [dreg:$0xd]  }
0x1c8: {  	v0 =	vand.u32 $0x7C, v0;
	v1 =	vmov s15;
	[sflag:s22] =	ssyncadd.s32 $0xFFFFFE80;
	s13 =	sadd.s32 @!p0 s18, s13  }
0x1c9: {  	v0 =	vor.u32 $0x100, v0;
	v1 =	vand.u32 $0x7F, v1;
	[tilespmem:s0], [sflag:$0x8] =	stream.indirect.gather [hbm4b:s1+s29], $0x80, s26, s29, $0xb8;
	v63 =	vld [tilespmem:$0x0]  }
0x1ca: {  	v0 =	vbroadcast v0, $0x0;
	v1 =	vor.u32 $0x100, v1;
	s13 =	sshrl.u32 @!p0 s13, $0x3  }
0x1cb: {  	s14 =	simm.s32 @!p0 $0x0;
	s15 =	simm.s32 @!p0 $0x200;
	v1 =	vbroadcast v1, $0x0;
	s13 =	sadd.s32 @!p0 s6, s13  }
0x1cc: {  	[tilespmem:s15], [sflag:$0x2] =	stream.linear.gather @!p0 [hbm4b:s13+s14], $0x180, $0x38;
	v63 =	vld [tilespmem:$0x0]  }
0x1cd: {  	_ =	swait.ge [sflag:s3], $0x3C00  }
0x1ce: {  	[sflag:s3] =	ssyncset.done $0x0  }
0x1cf: {  	[sflag:s3] =	ssyncadd.s32 $0xFFFFC400  }
0x1d0: {  	s16 =	simm.s32 $0x1;
	v2 =	vld.idx.msk [tilespmem:v0+s25+$0x0], $0xffff  }
0x1d1: {  	v3 =	vmov s16;
	s13 =	simm.s32 $0xD00;
	v0 =	vld.idx.msk [tilespmem:v1+s25+$0x0], $0xffff  }
0x1d2: {  	v1 =	vand.u32 $0x7D, v3;
	v3 =	vld [tilespmem:s13+$0xF0]  }
0x1d3: {  	v4 =	vld [tilespmem:s13+$0xFFFFFF00]  }
0x1d4: {  	v5 =	vld [tilespmem:s13+$0xFFFFFF10]  }
0x1d5: {  	v6 =	vld [tilespmem:s13+$0xFFFFFF20];
	v1 =	vor.u32 $0x100, v1  }
0x1d6: {  	v7 =	vld [tilespmem:s13+$0xFFFFFF30];
	v1 =	vbroadcast v1, $0x0  }
0x1d7: {  	v8 =	vld [tilespmem:s13+$0xFFFFFF40]  }
0x1d8: {  	v9 =	vld [tilespmem:s13+$0xFFFFFF50];
	v4 =	vmul.f32 v2, v4  }
0x1d9: {  	v10 =	vld [tilespmem:s13+$0xFFFFFF60];
	v3 =	vmul.f32 v0, v3  }
0x1da: {  	[tilespmem:s13+$0xFFFFFF00] =	vst v4;
	v4 =	vld [tilespmem:s13+$0xFFFFFF70]  }
0x1db: {  	s15 =	simm.s32 $0x2;
	v5 =	vmul.f32 v2, v5;
	[tilespmem:s13+$0xF0] =	vst v3;
	v3 =	vmul.f32 v2, v6;
	v6 =	vld [tilespmem:s13+$0xFFFFFF90]  }
0x1dc: {  	v11 =	vmov s15;
	v61 =	vld.idx.msk [tilespmem:v1+s25+$0x0], $0xffff  }
0x1dd: {  	[tilespmem:s13+$0xFFFFFF10] =	vst v5;
	v5 =	vmul.f32 v2, v7;
	v1 =	vand.u32 $0x7E, v11;
	v11 =	vld [tilespmem:s13+$0xFFFFFF80]  }
0x1de: {  	v10 =	vmul.f32 v2, v10;
	v7 =	vld [tilespmem:s13+$0xFFFFFFA0];
	v1 =	vor.u32 $0x100, v1;
	[tilespmem:s13+$0xFFFFFF20] =	vst v3;
	v3 =	vmul.f32 v2, v8  }
0x1df: {  	v8 =	vld [tilespmem:s13+$0xFFFFFFB0];
	[tilespmem:s13+$0xFFFFFF30] =	vst v5;
	v5 =	vmul.f32 v2, v9;
	v1 =	vbroadcast v1, $0x0  }
0x1e0: {  	[tilespmem:s13+$0xFFFFFF60] =	vst v10;
	v9 =	vld [tilespmem:s13+$0xFFFFFFC0]  }
0x1e1: {  	[tilespmem:s13+$0xFFFFFF50] =	vst v5;
	v5 =	vld [tilespmem:s13+$0xFFFFFFE0];
	v2 =	vmul.f32 v2, v4  }
0x1e2: {  	[tilespmem:s13+$0xFFFFFF40] =	vst v3;
	v4 =	vld [tilespmem:s13+$0xFFFFFFF0];
	v3 =	vmul.f32 v61, v11  }
0x1e3: {  	v11 =	vld [tilespmem:s13+$0xFFFFFFD0];
	[tilespmem:s13+$0xFFFFFF70] =	vst v2;
	v2 =	vmul.f32 v61, v7  }
0x1e4: {  	[tilespmem:s13+$0xFFFFFF80] =	vst v3;
	v3 =	vmul.f32 v61, v6;
	v6 =	vld [tilespmem:s13+$0x0]  }
0x1e5: {  	v1 =	vld.idx.msk [tilespmem:v1+s25+$0x0], $0xffff;
	[tilespmem:s13+$0xFFFFFFA0] =	vst v2;
	v2 =	vmul.f32 v61, v9  }
0x1e6: {  	v7 =	vld [tilespmem:s13+$0x10];
	[tilespmem:s13+$0xFFFFFF90] =	vst v3;
	v3 =	vmul.f32 v61, v8  }
0x1e7: {  	v5 =	vmul.f32 v61, v5;
	v8 =	vld [tilespmem:s13+$0x20];
	[tilespmem:s13+$0xFFFFFFC0] =	vst v2  }
0x1e8: {  	s16 =	simm.s32 $0x4;
	v9 =	vld [tilespmem:s13+$0x30];
	[tilespmem:s13+$0xFFFFFFB0] =	vst v3;
	v3 =	vmul.f32 v61, v11  }
0x1e9: {  	s15 =	simm.s32 $0x5;
	v10 =	vmov s16;
	v2 =	vld [tilespmem:s13+$0x40];
	[tilespmem:s13+$0xFFFFFFE0] =	vst v5;
	v11 =	vmul.f32 v61, v4  }
0x1ea: {  	v62 =	vmov s15;
	s16 =	simm.s32 $0x6;
	v10 =	vand.u32 $0x7C, v10;
	[tilespmem:s13+$0xFFFFFFD0] =	vst v3;
	v6 =	vmul.f32 v1, v6;
	v3 =	vld [tilespmem:s13+$0x50]  }
0x1eb: {  	v5 =	vor.u32 $0x100, v10;
	v10 =	vmov s16;
	v4 =	vld [tilespmem:s13+$0x60];
	v7 =	vmul.f32 v1, v7;
	[tilespmem:s13+$0xFFFFFFF0] =	vst v11  }
0x1ec: {  	v10 =	vand.u32 $0x7E, v10;
	v11 =	vand.u32 $0x7D, v62;
	v8 =	vmul.f32 v1, v8;
	[tilespmem:s13+$0x0] =	vst v6;
	v6 =	vld [tilespmem:s13+$0x70]  }
0x1ed: {  	s14 =	simm.s32 $0xD00;
	s15 =	simm.s32 $0x8;
	s16 =	simm.s32 $0x7;
	v5 =	vbroadcast v5, $0x0;
	v9 =	vmul.f32 v1, v9;
	v11 =	vor.u32 $0x100, v11;
	[tilespmem:s13+$0x10] =	vst v7;
	v7 =	vld [tilespmem:s13+$0x80]  }
.LBB2_9:
0x1ee: {  	p1 =	slt.u32 s15, $0x74;
	v10 =	vor.u32 $0x100, v10;
	v12 =	vmov s16;
	[tilespmem:s13+$0x20] =	vst v8;
	v2 =	vmul.f32 v1, v2;
	v8 =	vld [tilespmem:s13+$0x90]  }
0x1ef: {  	v11 =	vbroadcast v11, $0x0;
	v12 =	vand.u32 $0x7F, v12;
	[tilespmem:s13+$0x30] =	vst v9;
	v3 =	vmul.f32 v1, v3;
	v9 =	vld [tilespmem:s13+$0xA0]  }
0x1f0: {  	v10 =	vbroadcast v10, $0x0;
	v12 =	vor.u32 $0x100, v12;
	[tilespmem:s13+$0x40] =	vst v2;
	v2 =	vmul.f32 v1, v4;
	v4 =	vld [tilespmem:s13+$0xB0]  }
0x1f1: {  	v12 =	vbroadcast v12, $0x0;
	[tilespmem:s13+$0x50] =	vst v3;
	v1 =	vmul.f32 v1, v6;
	v3 =	vld [tilespmem:s13+$0xC0]  }
0x1f2: {  	[tilespmem:s13+$0x60] =	vst v2;
	v2 =	vmul.f32 v0, v7;
	v6 =	vld [tilespmem:s13+$0xD0]  }
0x1f3: {  	[tilespmem:s13+$0x70] =	vst v1;
	v1 =	vmul.f32 v0, v8;
	v7 =	vld [tilespmem:s13+$0xE0]  }
0x1f4: {  	v5 =	vld.idx.msk [tilespmem:v5+s25+$0x0], $0xffff;
	[tilespmem:s13+$0x80] =	vst v2;
	v2 =	vmul.f32 v0, v9  }
0x1f5: {  	v8 =	vld.idx.msk [tilespmem:v11+s25+$0x0], $0xffff;
	[tilespmem:s13+$0x90] =	vst v1;
	v4 =	vmul.f32 v0, v4  }
0x1f6: {  	v1 =	vld.idx.msk [tilespmem:v10+s25+$0x0], $0xffff;
	[tilespmem:s13+$0xA0] =	vst v2;
	v2 =	vmul.f32 v0, v3  }
0x1f7: {  	s13 =	sadd.s32 $0x200, s13;
	v3 =	vld.idx.msk [tilespmem:v12+s25+$0x0], $0xffff;
	[tilespmem:s14+$0xB0] =	vst v4;
	v4 =	vmul.f32 v0, v6  }
0x1f8: {  	v6 =	vld [tilespmem:s13+$0xF0];
	[tilespmem:s14+$0xC0] =	vst v2;
	v0 =	vmul.f32 v0, v7  }
0x1f9: {  	v2 =	vld [tilespmem:s13+$0xFFFFFF00];
	[tilespmem:s14+$0xD0] =	vst v4  }
0x1fa: {  	v4 =	vld [tilespmem:s13+$0xFFFFFF10];
	[tilespmem:s14+$0xE0] =	vst v0;
	s14 =	smov.u32 s13  }
0x1fb: {  	v7 =	vld [tilespmem:s13+$0xFFFFFF20]  }
0x1fc: {  	v9 =	vld [tilespmem:s13+$0xFFFFFF30]  }
0x1fd: {  	v0 =	vmov v3;
	v10 =	vld [tilespmem:s13+$0xFFFFFF40];
	v6 =	vmul.f32 v3, v6  }
0x1fe: {  	v2 =	vmul.f32 v5, v2;
	v3 =	vld [tilespmem:s13+$0xFFFFFF50]  }
0x1ff: {  	v4 =	vmul.f32 v5, v4;
	v11 =	vld [tilespmem:s13+$0xFFFFFF60];
	[tilespmem:s13+$0xF0] =	vst v6  }
0x200: {  	[tilespmem:s13+$0xFFFFFF00] =	vst v2;
	v2 =	vmul.f32 v5, v7;
	v6 =	vld [tilespmem:s13+$0xFFFFFF70]  }
0x201: {  	[tilespmem:s13+$0xFFFFFF10] =	vst v4;
	v4 =	vmul.f32 v5, v9;
	v7 =	vld [tilespmem:s13+$0xFFFFFF80]  }
0x202: {  	[tilespmem:s13+$0xFFFFFF20] =	vst v2;
	v2 =	vmul.f32 v5, v10;
	v9 =	vld [tilespmem:s13+$0xFFFFFF90]  }
0x203: {  	[tilespmem:s13+$0xFFFFFF30] =	vst v4;
	v3 =	vmul.f32 v5, v3;
	v4 =	vld [tilespmem:s13+$0xFFFFFFA0]  }
0x204: {  	[tilespmem:s13+$0xFFFFFF40] =	vst v2;
	v2 =	vmul.f32 v5, v11;
	v10 =	vld [tilespmem:s13+$0xFFFFFFB0]  }
0x205: {  	[tilespmem:s13+$0xFFFFFF50] =	vst v3;
	v3 =	vmul.f32 v5, v6;
	v5 =	vld [tilespmem:s13+$0xFFFFFFC0]  }
0x206: {  	[tilespmem:s13+$0xFFFFFF60] =	vst v2;
	v2 =	vmul.f32 v8, v7;
	v6 =	vld [tilespmem:s13+$0xFFFFFFD0]  }
0x207: {  	[tilespmem:s13+$0xFFFFFF70] =	vst v3;
	v3 =	vmul.f32 v8, v9;
	v7 =	vld [tilespmem:s13+$0xFFFFFFE0]  }
0x208: {  	[tilespmem:s13+$0xFFFFFF80] =	vst v2;
	v2 =	vmul.f32 v8, v4;
	v4 =	vld [tilespmem:s13+$0xFFFFFFF0]  }
0x209: {  	[tilespmem:s13+$0xFFFFFF90] =	vst v3;
	v3 =	vmul.f32 v8, v10;
	v9 =	vld [tilespmem:s13+$0x0]  }
0x20a: {  	[tilespmem:s13+$0xFFFFFFA0] =	vst v2;
	v2 =	vmul.f32 v8, v5;
	v5 =	vld [tilespmem:s13+$0x10]  }
0x20b: {  	[tilespmem:s13+$0xFFFFFFB0] =	vst v3;
	v3 =	vmul.f32 v8, v6;
	v6 =	vld [tilespmem:s13+$0x20]  }
0x20c: {  	[tilespmem:s13+$0xFFFFFFC0] =	vst v2;
	v7 =	vmul.f32 v8, v7;
	v12 =	vld [tilespmem:s13+$0x30]  }
.Ltmp5:
0x20d: {  	s16 =	sadd.s32 $0x1, s15;
	v10 =	vmov s15;
	[tilespmem:s13+$0xFFFFFFD0] =	vst v3;
	v4 =	vmul.f32 v8, v4;
	v2 =	vld [tilespmem:s13+$0x40];
	(pc) =	sbr.rel @p1 .LBB2_9-.Ltmp5, $4  }
0x20e: {  	v8 =	vand.u32 $0x7C, v10;
	v10 =	vmov s16;
	s16 =	sadd.s32 $0x2, s15;
	[tilespmem:s13+$0xFFFFFFE0] =	vst v7;
	v7 =	vmul.f32 v1, v9;
	v3 =	vld [tilespmem:s13+$0x50]  }
0x20f: {  	v9 =	vor.u32 $0x100, v8;
	v8 =	vmov s16;
	[tilespmem:s13+$0xFFFFFFF0] =	vst v4;
	v13 =	vmul.f32 v1, v5;
	v4 =	vld [tilespmem:s13+$0x60]  }
0x210: {  	v11 =	vand.u32 $0x7D, v10;
	v10 =	vand.u32 $0x7E, v8;
	[tilespmem:s13+$0x0] =	vst v7;
	v8 =	vmul.f32 v1, v6;
	v6 =	vld [tilespmem:s13+$0x70]  }
0x211: {  	s16 =	sadd.s32 $0x3, s15;
	s15 =	sadd.s32 $0x4, s15;
	v5 =	vbroadcast v9, $0x0;
	v11 =	vor.u32 $0x100, v11;
	[tilespmem:s13+$0x10] =	vst v13;
	v9 =	vmul.f32 v1, v12;
	v7 =	vld [tilespmem:s13+$0x80]  }
0x212: {  	v13 =	vld [tilespmem:s13+$0x90]  }
0x213: {  	v14 =	vld [tilespmem:s13+$0xA0]  }
0x214: {  	v12 =	vmov s16;
	v10 =	vor.u32 $0x100, v10;
	v11 =	vbroadcast v11, $0x0;
	v15 =	vld [tilespmem:s13+$0xB0]  }
0x215: {  	v16 =	vld [tilespmem:s13+$0xC0];
	[tilespmem:s13+$0x20] =	vst v8;
	v2 =	vmul.f32 v1, v2;
	v12 =	vand.u32 $0x7F, v12;
	v10 =	vbroadcast v10, $0x0  }
0x216: {  	v8 =	vld [tilespmem:s13+$0xD0];
	[tilespmem:s13+$0x30] =	vst v9;
	v3 =	vmul.f32 v1, v3;
	v12 =	vor.u32 $0x100, v12  }
0x217: {  	v9 =	vld [tilespmem:s13+$0xE0];
	[tilespmem:s13+$0x40] =	vst v2;
	v2 =	vmul.f32 v1, v4;
	v12 =	vbroadcast v12, $0x0  }
0x218: {  	s15 =	sadd.s32 $0x200, s13;
	v4 =	vld.idx.msk [tilespmem:v5+s25+$0x0], $0xffff;
	[tilespmem:s13+$0x50] =	vst v3;
	v1 =	vmul.f32 v1, v6  }
0x219: {  	[tilespmem:s13+$0x60] =	vst v2;
	v2 =	vmul.f32 v0, v7;
	v7 =	vld [tilespmem:s15+$0xF0]  }
0x21a: {  	[tilespmem:s13+$0x70] =	vst v1;
	v1 =	vmul.f32 v0, v13;
	v3 =	vld.idx.msk [tilespmem:v11+s25+$0x0], $0xffff  }
0x21b: {  	[tilespmem:s13+$0x80] =	vst v2;
	v2 =	vmul.f32 v0, v14;
	v5 =	vld.idx.msk [tilespmem:v10+s25+$0x0], $0xffff  }
0x21c: {  	[tilespmem:s13+$0x90] =	vst v1;
	v1 =	vmul.f32 v0, v15;
	v10 =	vld [tilespmem:s15+$0xFFFFFF00]  }
0x21d: {  	[tilespmem:s13+$0xA0] =	vst v2;
	v2 =	vmul.f32 v0, v16;
	v6 =	vld.idx.msk [tilespmem:v12+s25+$0x0], $0xffff  }
0x21e: {  	v11 =	vld [tilespmem:s15+$0xFFFFFF10];
	[tilespmem:s14+$0xB0] =	vst v1;
	v1 =	vmul.f32 v0, v8  }
0x21f: {  	v8 =	vld [tilespmem:s15+$0xFFFFFF20];
	v0 =	vmul.f32 v0, v9;
	[tilespmem:s14+$0xC0] =	vst v2  }
0x220: {  	v2 =	vld [tilespmem:s15+$0xFFFFFF30];
	[tilespmem:s14+$0xD0] =	vst v1  }
0x221: {  	v1 =	vld [tilespmem:s15+$0xFFFFFF40];
	[tilespmem:s14+$0xE0] =	vst v0;
	v0 =	vmul.f32 v4, v10  }
0x222: {  	v9 =	vld [tilespmem:s15+$0xFFFFFF50];
	v7 =	vmul.f32 v6, v7  }
0x223: {  	v10 =	vmul.f32 v4, v11;
	v11 =	vld [tilespmem:s15+$0xFFFFFF60];
	[tilespmem:s15+$0xFFFFFF00] =	vst v0  }
0x224: {  	v0 =	vmul.f32 v4, v8;
	[tilespmem:s15+$0xF0] =	vst v7;
	v7 =	vld [tilespmem:s15+$0xFFFFFF70]  }
0x225: {  	[tilespmem:s15+$0xFFFFFF10] =	vst v10;
	v8 =	vld [tilespmem:s15+$0xFFFFFF80];
	v2 =	vmul.f32 v4, v2  }
0x226: {  	[tilespmem:s15+$0xFFFFFF20] =	vst v0;
	v0 =	vmul.f32 v4, v1;
	v1 =	vld [tilespmem:s15+$0xFFFFFF90]  }
0x227: {  	[tilespmem:s15+$0xFFFFFF30] =	vst v2;
	v2 =	vmul.f32 v4, v9;
	v9 =	vld [tilespmem:s15+$0xFFFFFFA0]  }
0x228: {  	v10 =	vld [tilespmem:s15+$0xFFFFFFB0];
	[tilespmem:s15+$0xFFFFFF40] =	vst v0;
	v0 =	vmul.f32 v4, v11  }
0x229: {  	[tilespmem:s15+$0xFFFFFF50] =	vst v2;
	v2 =	vmul.f32 v4, v7;
	v4 =	vld [tilespmem:s15+$0xFFFFFFC0]  }
0x22a: {  	[tilespmem:s15+$0xFFFFFF60] =	vst v0;
	v0 =	vmul.f32 v3, v8;
	v7 =	vld [tilespmem:s15+$0xFFFFFFD0]  }
0x22b: {  	v1 =	vmul.f32 v3, v1;
	[tilespmem:s15+$0xFFFFFF70] =	vst v2;
	v2 =	vld [tilespmem:s15+$0xFFFFFFE0]  }
0x22c: {  	v8 =	vld [tilespmem:s15+$0xFFFFFFF0];
	[tilespmem:s15+$0xFFFFFF80] =	vst v0;
	v0 =	vmul.f32 v3, v9  }
0x22d: {  	v9 =	vld [tilespmem:s15+$0x0];
	[tilespmem:s15+$0xFFFFFF90] =	vst v1;
	v1 =	vmul.f32 v3, v10  }
0x22e: {  	[tilespmem:s15+$0xFFFFFFA0] =	vst v0;
	v0 =	vmul.f32 v3, v4;
	v4 =	vld [tilespmem:s15+$0x10]  }
0x22f: {  	[tilespmem:s15+$0xFFFFFFB0] =	vst v1;
	v1 =	vmul.f32 v3, v7;
	v7 =	vld [tilespmem:s15+$0x20]  }
0x230: {  	[tilespmem:s15+$0xFFFFFFC0] =	vst v0;
	v0 =	vmul.f32 v3, v2;
	v2 =	vld [tilespmem:s15+$0x30]  }
0x231: {  	[tilespmem:s15+$0xFFFFFFD0] =	vst v1;
	v1 =	vmul.f32 v3, v8;
	v3 =	vld [tilespmem:s15+$0x40]  }
0x232: {  	v8 =	vld [tilespmem:s15+$0x50];
	[tilespmem:s15+$0xFFFFFFE0] =	vst v0;
	v0 =	vmul.f32 v5, v9  }
0x233: {  	[tilespmem:s15+$0xFFFFFFF0] =	vst v1;
	v1 =	vmul.f32 v5, v4;
	v4 =	vld [tilespmem:s15+$0x60]  }
0x234: {  	[tilespmem:s15+$0x0] =	vst v0;
	v0 =	vmul.f32 v5, v7;
	v7 =	vld [tilespmem:s15+$0x70]  }
0x235: {  	[tilespmem:s15+$0x10] =	vst v1;
	v1 =	vmul.f32 v5, v2;
	v2 =	vld [tilespmem:s15+$0x80]  }
0x236: {  	[tilespmem:s15+$0x20] =	vst v0;
	v0 =	vmul.f32 v5, v3;
	v3 =	vld [tilespmem:s15+$0x90]  }
0x237: {  	[tilespmem:s15+$0x30] =	vst v1;
	v1 =	vmul.f32 v5, v8;
	v8 =	vld [tilespmem:s15+$0xA0]  }
0x238: {  	[tilespmem:s15+$0x40] =	vst v0;
	v0 =	vmul.f32 v5, v4;
	v4 =	vld [tilespmem:s15+$0xB0]  }
0x239: {  	[tilespmem:s15+$0x50] =	vst v1;
	v1 =	vmul.f32 v5, v7;
	v5 =	vld [tilespmem:s15+$0xC0]  }
0x23a: {  	[tilespmem:s15+$0x60] =	vst v0;
	v0 =	vmul.f32 v6, v2;
	v2 =	vld [tilespmem:s15+$0xD0]  }
0x23b: {  	[tilespmem:s15+$0x70] =	vst v1;
	v1 =	vmul.f32 v6, v3;
	v3 =	vld [tilespmem:s15+$0xE0]  }
0x23c: {  	[tilespmem:s15+$0x80] =	vst v0;
	v0 =	vmul.f32 v6, v8  }
0x23d: {  	[tilespmem:s15+$0x90] =	vst v1;
	v1 =	vmul.f32 v6, v4  }
0x23e: {  	[tilespmem:s15+$0xA0] =	vst v0;
	v0 =	vmul.f32 v6, v5  }
0x23f: {  	[tilespmem:s15+$0xB0] =	vst v1;
	v1 =	vmul.f32 v6, v2  }
0x240: {  	[tilespmem:s15+$0xC0] =	vst v0;
	v0 =	vmul.f32 v6, v3  }
0x241: {  	[tilespmem:s15+$0xD0] =	vst v1  }
0x242: {  	s16 =	simm.s32 $0x680;
	[tilespmem:s15+$0xE0] =	vst v0  }
0x243: {  	[spmem:s4] =	stream.indirect.scatter.add.f32 [tilespmem:s30], [sflag:$0xA], $0x80, s16, s29, $0xb8;
	v63 =	vld [tilespmem:$0x0]  }
0x244: {  	_ =	swait.ge [sflag:s19], $0x3C00  }
0x245: {  	[sflag:s19] =	ssyncset.done $0x0  }
0x246: {  	[sflag:s19] =	ssyncadd.s32 $0xFFFFC400  }
0x247: {  	s14 =	simm.s32 $0x0;
	_ =	swait.ge [sflag:s7], $0x180  }
0x248: {  	v0 =	vmov s14;
	s15 =	simm.s32 $0x3;
	[sflag:s7] =	ssyncset.done $0x0;
	s13 =	rddreg [dreg:$0xe]  }
0x249: {  	v0 =	vand.u32 $0x7C, v0;
	v1 =	vmov s15;
	[sflag:s7] =	ssyncadd.s32 $0xFFFFFE80;
	s13 =	sadd.s32 @!p0 s18, s13  }
0x24a: {  	v0 =	vor.u32 $0x100, v0;
	v1 =	vand.u32 $0x7F, v1;
	[tilespmem:s10], [sflag:$0x9] =	stream.indirect.gather [hbm4b:s1+s29], $0x80, s11, s29, $0xb8;
	v63 =	vld [tilespmem:$0x0]  }
0x24b: {  	v0 =	vbroadcast v0, $0x0;
	v1 =	vor.u32 $0x100, v1;
	s13 =	sshrl.u32 @!p0 s13, $0x3  }
0x24c: {  	s14 =	simm.s32 @!p0 $0x0;
	s15 =	simm.s32 @!p0 $0x400;
	v1 =	vbroadcast v1, $0x0;
	s13 =	sadd.s32 @!p0 s6, s13  }
0x24d: {  	[tilespmem:s15], [sflag:$0x3] =	stream.linear.gather @!p0 [hbm4b:s13+s14], $0x180, $0x38;
	v63 =	vld [tilespmem:$0x0]  }
0x24e: {  	_ =	swait.ge [sflag:s12], $0x3C00  }
0x24f: {  	[sflag:s12] =	ssyncset.done $0x0  }
0x250: {  	[sflag:s12] =	ssyncadd.s32 $0xFFFFC400  }
0x251: {  	s16 =	simm.s32 $0x1;
	v2 =	vld.idx.msk [tilespmem:v0+s26+$0x0], $0xffff  }
0x252: {  	v3 =	vmov s16;
	s13 =	simm.s32 $0x4900;
	v0 =	vld.idx.msk [tilespmem:v1+s26+$0x0], $0xffff  }
0x253: {  	v1 =	vand.u32 $0x7D, v3;
	v3 =	vld [tilespmem:s13+$0xF0]  }
0x254: {  	v4 =	vld [tilespmem:s13+$0xFFFFFF00]  }
0x255: {  	v5 =	vld [tilespmem:s13+$0xFFFFFF10]  }
0x256: {  	v6 =	vld [tilespmem:s13+$0xFFFFFF20];
	v1 =	vor.u32 $0x100, v1  }
0x257: {  	v7 =	vld [tilespmem:s13+$0xFFFFFF30];
	v1 =	vbroadcast v1, $0x0  }
0x258: {  	v8 =	vld [tilespmem:s13+$0xFFFFFF40]  }
0x259: {  	v9 =	vld [tilespmem:s13+$0xFFFFFF50];
	v4 =	vmul.f32 v2, v4  }
0x25a: {  	v10 =	vld [tilespmem:s13+$0xFFFFFF60];
	v3 =	vmul.f32 v0, v3  }
0x25b: {  	[tilespmem:s13+$0xFFFFFF00] =	vst v4;
	v4 =	vld [tilespmem:s13+$0xFFFFFF70]  }
0x25c: {  	s15 =	simm.s32 $0x2;
	v5 =	vmul.f32 v2, v5;
	[tilespmem:s13+$0xF0] =	vst v3;
	v3 =	vmul.f32 v2, v6;
	v6 =	vld [tilespmem:s13+$0xFFFFFF90]  }
0x25d: {  	v11 =	vmov s15;
	v61 =	vld.idx.msk [tilespmem:v1+s26+$0x0], $0xffff  }
0x25e: {  	[tilespmem:s13+$0xFFFFFF10] =	vst v5;
	v5 =	vmul.f32 v2, v7;
	v1 =	vand.u32 $0x7E, v11;
	v11 =	vld [tilespmem:s13+$0xFFFFFF80]  }
0x25f: {  	v10 =	vmul.f32 v2, v10;
	v7 =	vld [tilespmem:s13+$0xFFFFFFA0];
	v1 =	vor.u32 $0x100, v1;
	[tilespmem:s13+$0xFFFFFF20] =	vst v3;
	v3 =	vmul.f32 v2, v8  }
0x260: {  	v8 =	vld [tilespmem:s13+$0xFFFFFFB0];
	[tilespmem:s13+$0xFFFFFF30] =	vst v5;
	v5 =	vmul.f32 v2, v9;
	v1 =	vbroadcast v1, $0x0  }
0x261: {  	[tilespmem:s13+$0xFFFFFF60] =	vst v10;
	v9 =	vld [tilespmem:s13+$0xFFFFFFC0]  }
0x262: {  	[tilespmem:s13+$0xFFFFFF50] =	vst v5;
	v5 =	vld [tilespmem:s13+$0xFFFFFFE0];
	v2 =	vmul.f32 v2, v4  }
0x263: {  	[tilespmem:s13+$0xFFFFFF40] =	vst v3;
	v4 =	vld [tilespmem:s13+$0xFFFFFFF0];
	v3 =	vmul.f32 v61, v11  }
0x264: {  	v11 =	vld [tilespmem:s13+$0xFFFFFFD0];
	[tilespmem:s13+$0xFFFFFF70] =	vst v2;
	v2 =	vmul.f32 v61, v7  }
0x265: {  	[tilespmem:s13+$0xFFFFFF80] =	vst v3;
	v3 =	vmul.f32 v61, v6;
	v6 =	vld [tilespmem:s13+$0x0]  }
0x266: {  	v1 =	vld.idx.msk [tilespmem:v1+s26+$0x0], $0xffff;
	[tilespmem:s13+$0xFFFFFFA0] =	vst v2;
	v2 =	vmul.f32 v61, v9  }
0x267: {  	v7 =	vld [tilespmem:s13+$0x10];
	[tilespmem:s13+$0xFFFFFF90] =	vst v3;
	v3 =	vmul.f32 v61, v8  }
0x268: {  	v5 =	vmul.f32 v61, v5;
	v8 =	vld [tilespmem:s13+$0x20];
	[tilespmem:s13+$0xFFFFFFC0] =	vst v2  }
0x269: {  	s16 =	simm.s32 $0x4;
	v9 =	vld [tilespmem:s13+$0x30];
	[tilespmem:s13+$0xFFFFFFB0] =	vst v3;
	v3 =	vmul.f32 v61, v11  }
0x26a: {  	s15 =	simm.s32 $0x5;
	v10 =	vmov s16;
	v2 =	vld [tilespmem:s13+$0x40];
	[tilespmem:s13+$0xFFFFFFE0] =	vst v5;
	v11 =	vmul.f32 v61, v4  }
0x26b: {  	v62 =	vmov s15;
	s16 =	simm.s32 $0x6;
	v10 =	vand.u32 $0x7C, v10;
	[tilespmem:s13+$0xFFFFFFD0] =	vst v3;
	v6 =	vmul.f32 v1, v6;
	v3 =	vld [tilespmem:s13+$0x50]  }
0x26c: {  	v5 =	vor.u32 $0x100, v10;
	v10 =	vmov s16;
	v4 =	vld [tilespmem:s13+$0x60];
	v7 =	vmul.f32 v1, v7;
	[tilespmem:s13+$0xFFFFFFF0] =	vst v11  }
0x26d: {  	v10 =	vand.u32 $0x7E, v10;
	v11 =	vand.u32 $0x7D, v62;
	v8 =	vmul.f32 v1, v8;
	[tilespmem:s13+$0x0] =	vst v6;
	v6 =	vld [tilespmem:s13+$0x70]  }
0x26e: {  	s14 =	simm.s32 $0x4900;
	s15 =	simm.s32 $0x8;
	s16 =	simm.s32 $0x7;
	v5 =	vbroadcast v5, $0x0;
	v9 =	vmul.f32 v1, v9;
	v11 =	vor.u32 $0x100, v11;
	[tilespmem:s13+$0x10] =	vst v7;
	v7 =	vld [tilespmem:s13+$0x80]  }
.LBB2_11:
0x26f: {  	p1 =	slt.u32 s15, $0x74;
	v10 =	vor.u32 $0x100, v10;
	v12 =	vmov s16;
	[tilespmem:s13+$0x20] =	vst v8;
	v2 =	vmul.f32 v1, v2;
	v8 =	vld [tilespmem:s13+$0x90]  }
0x270: {  	v11 =	vbroadcast v11, $0x0;
	v12 =	vand.u32 $0x7F, v12;
	[tilespmem:s13+$0x30] =	vst v9;
	v3 =	vmul.f32 v1, v3;
	v9 =	vld [tilespmem:s13+$0xA0]  }
0x271: {  	v10 =	vbroadcast v10, $0x0;
	v12 =	vor.u32 $0x100, v12;
	[tilespmem:s13+$0x40] =	vst v2;
	v2 =	vmul.f32 v1, v4;
	v4 =	vld [tilespmem:s13+$0xB0]  }
0x272: {  	v12 =	vbroadcast v12, $0x0;
	[tilespmem:s13+$0x50] =	vst v3;
	v1 =	vmul.f32 v1, v6;
	v3 =	vld [tilespmem:s13+$0xC0]  }
0x273: {  	[tilespmem:s13+$0x60] =	vst v2;
	v2 =	vmul.f32 v0, v7;
	v6 =	vld [tilespmem:s13+$0xD0]  }
0x274: {  	[tilespmem:s13+$0x70] =	vst v1;
	v1 =	vmul.f32 v0, v8;
	v7 =	vld [tilespmem:s13+$0xE0]  }
0x275: {  	v5 =	vld.idx.msk [tilespmem:v5+s26+$0x0], $0xffff;
	[tilespmem:s13+$0x80] =	vst v2;
	v2 =	vmul.f32 v0, v9  }
0x276: {  	v8 =	vld.idx.msk [tilespmem:v11+s26+$0x0], $0xffff;
	[tilespmem:s13+$0x90] =	vst v1;
	v4 =	vmul.f32 v0, v4  }
0x277: {  	v1 =	vld.idx.msk [tilespmem:v10+s26+$0x0], $0xffff;
	[tilespmem:s13+$0xA0] =	vst v2;
	v2 =	vmul.f32 v0, v3  }
0x278: {  	s13 =	sadd.s32 $0x200, s13;
	v3 =	vld.idx.msk [tilespmem:v12+s26+$0x0], $0xffff;
	[tilespmem:s14+$0xB0] =	vst v4;
	v4 =	vmul.f32 v0, v6  }
0x279: {  	v6 =	vld [tilespmem:s13+$0xF0];
	[tilespmem:s14+$0xC0] =	vst v2;
	v0 =	vmul.f32 v0, v7  }
0x27a: {  	v2 =	vld [tilespmem:s13+$0xFFFFFF00];
	[tilespmem:s14+$0xD0] =	vst v4  }
0x27b: {  	v4 =	vld [tilespmem:s13+$0xFFFFFF10];
	[tilespmem:s14+$0xE0] =	vst v0;
	s14 =	smov.u32 s13  }
0x27c: {  	v7 =	vld [tilespmem:s13+$0xFFFFFF20]  }
0x27d: {  	v9 =	vld [tilespmem:s13+$0xFFFFFF30]  }
0x27e: {  	v0 =	vmov v3;
	v10 =	vld [tilespmem:s13+$0xFFFFFF40];
	v6 =	vmul.f32 v3, v6  }
0x27f: {  	v2 =	vmul.f32 v5, v2;
	v3 =	vld [tilespmem:s13+$0xFFFFFF50]  }
0x280: {  	v4 =	vmul.f32 v5, v4;
	v11 =	vld [tilespmem:s13+$0xFFFFFF60];
	[tilespmem:s13+$0xF0] =	vst v6  }
0x281: {  	[tilespmem:s13+$0xFFFFFF00] =	vst v2;
	v2 =	vmul.f32 v5, v7;
	v6 =	vld [tilespmem:s13+$0xFFFFFF70]  }
0x282: {  	[tilespmem:s13+$0xFFFFFF10] =	vst v4;
	v4 =	vmul.f32 v5, v9;
	v7 =	vld [tilespmem:s13+$0xFFFFFF80]  }
0x283: {  	[tilespmem:s13+$0xFFFFFF20] =	vst v2;
	v2 =	vmul.f32 v5, v10;
	v9 =	vld [tilespmem:s13+$0xFFFFFF90]  }
0x284: {  	[tilespmem:s13+$0xFFFFFF30] =	vst v4;
	v3 =	vmul.f32 v5, v3;
	v4 =	vld [tilespmem:s13+$0xFFFFFFA0]  }
0x285: {  	[tilespmem:s13+$0xFFFFFF40] =	vst v2;
	v2 =	vmul.f32 v5, v11;
	v10 =	vld [tilespmem:s13+$0xFFFFFFB0]  }
0x286: {  	[tilespmem:s13+$0xFFFFFF50] =	vst v3;
	v3 =	vmul.f32 v5, v6;
	v5 =	vld [tilespmem:s13+$0xFFFFFFC0]  }
0x287: {  	[tilespmem:s13+$0xFFFFFF60] =	vst v2;
	v2 =	vmul.f32 v8, v7;
	v6 =	vld [tilespmem:s13+$0xFFFFFFD0]  }
0x288: {  	[tilespmem:s13+$0xFFFFFF70] =	vst v3;
	v3 =	vmul.f32 v8, v9;
	v7 =	vld [tilespmem:s13+$0xFFFFFFE0]  }
0x289: {  	[tilespmem:s13+$0xFFFFFF80] =	vst v2;
	v2 =	vmul.f32 v8, v4;
	v4 =	vld [tilespmem:s13+$0xFFFFFFF0]  }
0x28a: {  	[tilespmem:s13+$0xFFFFFF90] =	vst v3;
	v3 =	vmul.f32 v8, v10;
	v9 =	vld [tilespmem:s13+$0x0]  }
0x28b: {  	[tilespmem:s13+$0xFFFFFFA0] =	vst v2;
	v2 =	vmul.f32 v8, v5;
	v5 =	vld [tilespmem:s13+$0x10]  }
0x28c: {  	[tilespmem:s13+$0xFFFFFFB0] =	vst v3;
	v3 =	vmul.f32 v8, v6;
	v6 =	vld [tilespmem:s13+$0x20]  }
0x28d: {  	[tilespmem:s13+$0xFFFFFFC0] =	vst v2;
	v7 =	vmul.f32 v8, v7;
	v12 =	vld [tilespmem:s13+$0x30]  }
.Ltmp6:
0x28e: {  	s16 =	sadd.s32 $0x1, s15;
	v10 =	vmov s15;
	[tilespmem:s13+$0xFFFFFFD0] =	vst v3;
	v4 =	vmul.f32 v8, v4;
	v2 =	vld [tilespmem:s13+$0x40];
	(pc) =	sbr.rel @p1 .LBB2_11-.Ltmp6, $4  }
0x28f: {  	v8 =	vand.u32 $0x7C, v10;
	v10 =	vmov s16;
	s16 =	sadd.s32 $0x2, s15;
	[tilespmem:s13+$0xFFFFFFE0] =	vst v7;
	v7 =	vmul.f32 v1, v9;
	v3 =	vld [tilespmem:s13+$0x50]  }
0x290: {  	v9 =	vor.u32 $0x100, v8;
	v8 =	vmov s16;
	[tilespmem:s13+$0xFFFFFFF0] =	vst v4;
	v13 =	vmul.f32 v1, v5;
	v4 =	vld [tilespmem:s13+$0x60]  }
0x291: {  	v11 =	vand.u32 $0x7D, v10;
	v10 =	vand.u32 $0x7E, v8;
	[tilespmem:s13+$0x0] =	vst v7;
	v8 =	vmul.f32 v1, v6;
	v6 =	vld [tilespmem:s13+$0x70]  }
0x292: {  	s16 =	sadd.s32 $0x3, s15;
	s15 =	sadd.s32 $0x4, s15;
	v5 =	vbroadcast v9, $0x0;
	v11 =	vor.u32 $0x100, v11;
	[tilespmem:s13+$0x10] =	vst v13;
	v9 =	vmul.f32 v1, v12;
	v7 =	vld [tilespmem:s13+$0x80]  }
0x293: {  	v13 =	vld [tilespmem:s13+$0x90]  }
0x294: {  	v14 =	vld [tilespmem:s13+$0xA0]  }
0x295: {  	v12 =	vmov s16;
	v10 =	vor.u32 $0x100, v10;
	v11 =	vbroadcast v11, $0x0;
	v15 =	vld [tilespmem:s13+$0xB0]  }
0x296: {  	v16 =	vld [tilespmem:s13+$0xC0];
	[tilespmem:s13+$0x20] =	vst v8;
	v2 =	vmul.f32 v1, v2;
	v12 =	vand.u32 $0x7F, v12;
	v10 =	vbroadcast v10, $0x0  }
0x297: {  	v8 =	vld [tilespmem:s13+$0xD0];
	[tilespmem:s13+$0x30] =	vst v9;
	v3 =	vmul.f32 v1, v3;
	v12 =	vor.u32 $0x100, v12  }
0x298: {  	v9 =	vld [tilespmem:s13+$0xE0];
	[tilespmem:s13+$0x40] =	vst v2;
	v2 =	vmul.f32 v1, v4;
	v12 =	vbroadcast v12, $0x0  }
0x299: {  	s15 =	sadd.s32 $0x200, s13;
	v4 =	vld.idx.msk [tilespmem:v5+s26+$0x0], $0xffff;
	[tilespmem:s13+$0x50] =	vst v3;
	v1 =	vmul.f32 v1, v6  }
0x29a: {  	[tilespmem:s13+$0x60] =	vst v2;
	v2 =	vmul.f32 v0, v7;
	v7 =	vld [tilespmem:s15+$0xF0]  }
0x29b: {  	[tilespmem:s13+$0x70] =	vst v1;
	v1 =	vmul.f32 v0, v13;
	v3 =	vld.idx.msk [tilespmem:v11+s26+$0x0], $0xffff  }
0x29c: {  	[tilespmem:s13+$0x80] =	vst v2;
	v2 =	vmul.f32 v0, v14;
	v5 =	vld.idx.msk [tilespmem:v10+s26+$0x0], $0xffff  }
0x29d: {  	[tilespmem:s13+$0x90] =	vst v1;
	v1 =	vmul.f32 v0, v15;
	v10 =	vld [tilespmem:s15+$0xFFFFFF00]  }
0x29e: {  	[tilespmem:s13+$0xA0] =	vst v2;
	v2 =	vmul.f32 v0, v16;
	v6 =	vld.idx.msk [tilespmem:v12+s26+$0x0], $0xffff  }
0x29f: {  	v11 =	vld [tilespmem:s15+$0xFFFFFF10];
	[tilespmem:s14+$0xB0] =	vst v1;
	v1 =	vmul.f32 v0, v8  }
0x2a0: {  	v8 =	vld [tilespmem:s15+$0xFFFFFF20];
	v0 =	vmul.f32 v0, v9;
	[tilespmem:s14+$0xC0] =	vst v2  }
0x2a1: {  	v2 =	vld [tilespmem:s15+$0xFFFFFF30];
	[tilespmem:s14+$0xD0] =	vst v1  }
0x2a2: {  	v1 =	vld [tilespmem:s15+$0xFFFFFF40];
	[tilespmem:s14+$0xE0] =	vst v0;
	v0 =	vmul.f32 v4, v10  }
0x2a3: {  	v9 =	vld [tilespmem:s15+$0xFFFFFF50];
	v7 =	vmul.f32 v6, v7  }
0x2a4: {  	v10 =	vmul.f32 v4, v11;
	v11 =	vld [tilespmem:s15+$0xFFFFFF60];
	[tilespmem:s15+$0xFFFFFF00] =	vst v0  }
0x2a5: {  	v0 =	vmul.f32 v4, v8;
	[tilespmem:s15+$0xF0] =	vst v7;
	v7 =	vld [tilespmem:s15+$0xFFFFFF70]  }
0x2a6: {  	[tilespmem:s15+$0xFFFFFF10] =	vst v10;
	v8 =	vld [tilespmem:s15+$0xFFFFFF80];
	v2 =	vmul.f32 v4, v2  }
0x2a7: {  	[tilespmem:s15+$0xFFFFFF20] =	vst v0;
	v0 =	vmul.f32 v4, v1;
	v1 =	vld [tilespmem:s15+$0xFFFFFF90]  }
0x2a8: {  	[tilespmem:s15+$0xFFFFFF30] =	vst v2;
	v2 =	vmul.f32 v4, v9;
	v9 =	vld [tilespmem:s15+$0xFFFFFFA0]  }
0x2a9: {  	v10 =	vld [tilespmem:s15+$0xFFFFFFB0];
	[tilespmem:s15+$0xFFFFFF40] =	vst v0;
	v0 =	vmul.f32 v4, v11  }
0x2aa: {  	[tilespmem:s15+$0xFFFFFF50] =	vst v2;
	v2 =	vmul.f32 v4, v7;
	v4 =	vld [tilespmem:s15+$0xFFFFFFC0]  }
0x2ab: {  	[tilespmem:s15+$0xFFFFFF60] =	vst v0;
	v0 =	vmul.f32 v3, v8;
	v7 =	vld [tilespmem:s15+$0xFFFFFFD0]  }
0x2ac: {  	v1 =	vmul.f32 v3, v1;
	[tilespmem:s15+$0xFFFFFF70] =	vst v2;
	v2 =	vld [tilespmem:s15+$0xFFFFFFE0]  }
0x2ad: {  	v8 =	vld [tilespmem:s15+$0xFFFFFFF0];
	[tilespmem:s15+$0xFFFFFF80] =	vst v0;
	v0 =	vmul.f32 v3, v9  }
0x2ae: {  	v9 =	vld [tilespmem:s15+$0x0];
	[tilespmem:s15+$0xFFFFFF90] =	vst v1;
	v1 =	vmul.f32 v3, v10  }
0x2af: {  	[tilespmem:s15+$0xFFFFFFA0] =	vst v0;
	v0 =	vmul.f32 v3, v4;
	v4 =	vld [tilespmem:s15+$0x10]  }
0x2b0: {  	[tilespmem:s15+$0xFFFFFFB0] =	vst v1;
	v1 =	vmul.f32 v3, v7;
	v7 =	vld [tilespmem:s15+$0x20]  }
0x2b1: {  	[tilespmem:s15+$0xFFFFFFC0] =	vst v0;
	v0 =	vmul.f32 v3, v2;
	v2 =	vld [tilespmem:s15+$0x30]  }
0x2b2: {  	[tilespmem:s15+$0xFFFFFFD0] =	vst v1;
	v1 =	vmul.f32 v3, v8;
	v3 =	vld [tilespmem:s15+$0x40]  }
0x2b3: {  	v8 =	vld [tilespmem:s15+$0x50];
	[tilespmem:s15+$0xFFFFFFE0] =	vst v0;
	v0 =	vmul.f32 v5, v9  }
0x2b4: {  	[tilespmem:s15+$0xFFFFFFF0] =	vst v1;
	v1 =	vmul.f32 v5, v4;
	v4 =	vld [tilespmem:s15+$0x60]  }
0x2b5: {  	[tilespmem:s15+$0x0] =	vst v0;
	v0 =	vmul.f32 v5, v7;
	v7 =	vld [tilespmem:s15+$0x70]  }
0x2b6: {  	[tilespmem:s15+$0x10] =	vst v1;
	v1 =	vmul.f32 v5, v2;
	v2 =	vld [tilespmem:s15+$0x80]  }
0x2b7: {  	[tilespmem:s15+$0x20] =	vst v0;
	v0 =	vmul.f32 v5, v3;
	v3 =	vld [tilespmem:s15+$0x90]  }
0x2b8: {  	[tilespmem:s15+$0x30] =	vst v1;
	v1 =	vmul.f32 v5, v8;
	v8 =	vld [tilespmem:s15+$0xA0]  }
0x2b9: {  	[tilespmem:s15+$0x40] =	vst v0;
	v0 =	vmul.f32 v5, v4;
	v4 =	vld [tilespmem:s15+$0xB0]  }
0x2ba: {  	[tilespmem:s15+$0x50] =	vst v1;
	v1 =	vmul.f32 v5, v7;
	v5 =	vld [tilespmem:s15+$0xC0]  }
0x2bb: {  	[tilespmem:s15+$0x60] =	vst v0;
	v0 =	vmul.f32 v6, v2;
	v2 =	vld [tilespmem:s15+$0xD0]  }
0x2bc: {  	[tilespmem:s15+$0x70] =	vst v1;
	v1 =	vmul.f32 v6, v3;
	v3 =	vld [tilespmem:s15+$0xE0]  }
0x2bd: {  	[tilespmem:s15+$0x80] =	vst v0;
	v0 =	vmul.f32 v6, v8  }
0x2be: {  	[tilespmem:s15+$0x90] =	vst v1;
	v1 =	vmul.f32 v6, v4  }
0x2bf: {  	[tilespmem:s15+$0xA0] =	vst v0;
	v0 =	vmul.f32 v6, v5  }
0x2c0: {  	[tilespmem:s15+$0xB0] =	vst v1;
	v1 =	vmul.f32 v6, v2  }
0x2c1: {  	[tilespmem:s15+$0xC0] =	vst v0;
	v0 =	vmul.f32 v6, v3  }
0x2c2: {  	[tilespmem:s15+$0xD0] =	vst v1  }
0x2c3: {  	[tilespmem:s15+$0xE0] =	vst v0;
	s15 =	simm.s32 $0x880  }
0x2c4: {  	[spmem:s4] =	stream.indirect.scatter.add.f32 [tilespmem:s0], [sflag:$0xB], $0x80, s15, s29, $0xb8;
	v63 =	vld [tilespmem:$0x0]  }
0x2c5: {  	_ =	swait.ge [sflag:s20], $0x3C00  }
0x2c6: {  	[sflag:s20] =	ssyncset.done $0x0  }
0x2c7: {  	s13 =	simm.s32 @!p0 $0x1;
	[sflag:s20] =	ssyncadd.s32 $0xFFFFC400  }
0x2c8: {  	s14 =	simm.s32 $0x0;
	_ =	swait.ge @!p0 [sflag:s13], $0x180  }
0x2c9: {  	s16 =	simm.s32 @!p0 $0xC00;
	v0 =	vmov s14;
	s14 =	simm.s32 $0x3;
	[sflag:s13] =	ssyncset.done @!p0 $0x0  }
0x2ca: {  	s15 =	simm.s32 @!p0 $0x0;
	[sflag:s13] =	ssyncadd.s32 @!p0 $0xFFFFFE80;
	s13 =	simm.s32 @!p0 $0x78  }
0x2cb: {  	v0 =	vand.u32 $0x7C, v0;
	v1 =	vmov s14;
	[tilespmem:s16], [sflag:$0x7] =	stream.indirect.gather @!p0 [hbm4b:s1+s13], $0x80, s15, s13, $0xb8;
	v63 =	vld [tilespmem:$0x0]  }
0x2cc: {  	v0 =	vor.u32 $0x100, v0;
	v1 =	vand.u32 $0x7F, v1;
	s13 =	sadd.s32 @!p0 s18, s17  }
0x2cd: {  	v0 =	vbroadcast v0, $0x0;
	v1 =	vor.u32 $0x100, v1;
	s13 =	sshrl.u32 @!p0 s13, $0x3  }
0x2ce: {  	s14 =	simm.s32 @!p0 $0x600;
	v1 =	vbroadcast v1, $0x0;
	s13 =	sadd.s32 @!p0 s6, s13  }
0x2cf: {  	[tilespmem:s14], [sflag:$0x4] =	stream.linear.gather @!p0 [hbm4b:s13+s15], $0x180, $0x38;
	v63 =	vld [tilespmem:$0x0]  }
0x2d0: {  	_ =	swait.ge [sflag:s28], $0x3C00  }
0x2d1: {  	[sflag:s28] =	ssyncset.done $0x0  }
0x2d2: {  	[sflag:s28] =	ssyncadd.s32 $0xFFFFC400  }
0x2d3: {  	s16 =	simm.s32 $0x1;
	v2 =	vld.idx.msk [tilespmem:v0+s11+$0x0], $0xffff  }
0x2d4: {  	v3 =	vmov s16;
	s13 =	simm.s32 $0x8500;
	v0 =	vld.idx.msk [tilespmem:v1+s11+$0x0], $0xffff  }
0x2d5: {  	v1 =	vand.u32 $0x7D, v3;
	v3 =	vld [tilespmem:s13+$0xF0]  }
0x2d6: {  	v4 =	vld [tilespmem:s13+$0xFFFFFF00]  }
0x2d7: {  	v5 =	vld [tilespmem:s13+$0xFFFFFF10]  }
0x2d8: {  	v6 =	vld [tilespmem:s13+$0xFFFFFF20];
	v1 =	vor.u32 $0x100, v1  }
0x2d9: {  	v7 =	vld [tilespmem:s13+$0xFFFFFF30];
	v1 =	vbroadcast v1, $0x0  }
0x2da: {  	v8 =	vld [tilespmem:s13+$0xFFFFFF40]  }
0x2db: {  	v9 =	vld [tilespmem:s13+$0xFFFFFF50];
	v4 =	vmul.f32 v2, v4  }
0x2dc: {  	v10 =	vld [tilespmem:s13+$0xFFFFFF60];
	v3 =	vmul.f32 v0, v3  }
0x2dd: {  	[tilespmem:s13+$0xFFFFFF00] =	vst v4;
	v4 =	vld [tilespmem:s13+$0xFFFFFF70]  }
0x2de: {  	s15 =	simm.s32 $0x2;
	v5 =	vmul.f32 v2, v5;
	[tilespmem:s13+$0xF0] =	vst v3;
	v3 =	vmul.f32 v2, v6;
	v6 =	vld [tilespmem:s13+$0xFFFFFF90]  }
0x2df: {  	v11 =	vmov s15;
	v61 =	vld.idx.msk [tilespmem:v1+s11+$0x0], $0xffff  }
0x2e0: {  	[tilespmem:s13+$0xFFFFFF10] =	vst v5;
	v5 =	vmul.f32 v2, v7;
	v1 =	vand.u32 $0x7E, v11;
	v11 =	vld [tilespmem:s13+$0xFFFFFF80]  }
0x2e1: {  	v10 =	vmul.f32 v2, v10;
	v7 =	vld [tilespmem:s13+$0xFFFFFFA0];
	v1 =	vor.u32 $0x100, v1;
	[tilespmem:s13+$0xFFFFFF20] =	vst v3;
	v3 =	vmul.f32 v2, v8  }
0x2e2: {  	v8 =	vld [tilespmem:s13+$0xFFFFFFB0];
	[tilespmem:s13+$0xFFFFFF30] =	vst v5;
	v5 =	vmul.f32 v2, v9;
	v1 =	vbroadcast v1, $0x0  }
0x2e3: {  	[tilespmem:s13+$0xFFFFFF60] =	vst v10;
	v9 =	vld [tilespmem:s13+$0xFFFFFFC0]  }
0x2e4: {  	[tilespmem:s13+$0xFFFFFF50] =	vst v5;
	v5 =	vld [tilespmem:s13+$0xFFFFFFE0];
	v2 =	vmul.f32 v2, v4  }
0x2e5: {  	[tilespmem:s13+$0xFFFFFF40] =	vst v3;
	v4 =	vld [tilespmem:s13+$0xFFFFFFF0];
	v3 =	vmul.f32 v61, v11  }
0x2e6: {  	v11 =	vld [tilespmem:s13+$0xFFFFFFD0];
	[tilespmem:s13+$0xFFFFFF70] =	vst v2;
	v2 =	vmul.f32 v61, v7  }
0x2e7: {  	[tilespmem:s13+$0xFFFFFF80] =	vst v3;
	v3 =	vmul.f32 v61, v6;
	v6 =	vld [tilespmem:s13+$0x0]  }
0x2e8: {  	v1 =	vld.idx.msk [tilespmem:v1+s11+$0x0], $0xffff;
	[tilespmem:s13+$0xFFFFFFA0] =	vst v2;
	v2 =	vmul.f32 v61, v9  }
0x2e9: {  	v7 =	vld [tilespmem:s13+$0x10];
	[tilespmem:s13+$0xFFFFFF90] =	vst v3;
	v3 =	vmul.f32 v61, v8  }
0x2ea: {  	v5 =	vmul.f32 v61, v5;
	v8 =	vld [tilespmem:s13+$0x20];
	[tilespmem:s13+$0xFFFFFFC0] =	vst v2  }
0x2eb: {  	s16 =	simm.s32 $0x4;
	v9 =	vld [tilespmem:s13+$0x30];
	[tilespmem:s13+$0xFFFFFFB0] =	vst v3;
	v3 =	vmul.f32 v61, v11  }
0x2ec: {  	s15 =	simm.s32 $0x5;
	v10 =	vmov s16;
	v2 =	vld [tilespmem:s13+$0x40];
	[tilespmem:s13+$0xFFFFFFE0] =	vst v5;
	v11 =	vmul.f32 v61, v4  }
0x2ed: {  	v62 =	vmov s15;
	s16 =	simm.s32 $0x6;
	v10 =	vand.u32 $0x7C, v10;
	[tilespmem:s13+$0xFFFFFFD0] =	vst v3;
	v6 =	vmul.f32 v1, v6;
	v3 =	vld [tilespmem:s13+$0x50]  }
0x2ee: {  	v5 =	vor.u32 $0x100, v10;
	v10 =	vmov s16;
	v4 =	vld [tilespmem:s13+$0x60];
	v7 =	vmul.f32 v1, v7;
	[tilespmem:s13+$0xFFFFFFF0] =	vst v11  }
0x2ef: {  	v10 =	vand.u32 $0x7E, v10;
	v11 =	vand.u32 $0x7D, v62;
	v8 =	vmul.f32 v1, v8;
	[tilespmem:s13+$0x0] =	vst v6;
	v6 =	vld [tilespmem:s13+$0x70]  }
0x2f0: {  	s14 =	simm.s32 $0x8500;
	s15 =	simm.s32 $0x8;
	s16 =	simm.s32 $0x7;
	v5 =	vbroadcast v5, $0x0;
	v9 =	vmul.f32 v1, v9;
	v11 =	vor.u32 $0x100, v11;
	[tilespmem:s13+$0x10] =	vst v7;
	v7 =	vld [tilespmem:s13+$0x80]  }
.LBB2_13:
0x2f1: {  	p1 =	slt.u32 s15, $0x74;
	v10 =	vor.u32 $0x100, v10;
	v12 =	vmov s16;
	[tilespmem:s13+$0x20] =	vst v8;
	v2 =	vmul.f32 v1, v2;
	v8 =	vld [tilespmem:s13+$0x90]  }
0x2f2: {  	v11 =	vbroadcast v11, $0x0;
	v12 =	vand.u32 $0x7F, v12;
	[tilespmem:s13+$0x30] =	vst v9;
	v3 =	vmul.f32 v1, v3;
	v9 =	vld [tilespmem:s13+$0xA0]  }
0x2f3: {  	v10 =	vbroadcast v10, $0x0;
	v12 =	vor.u32 $0x100, v12;
	[tilespmem:s13+$0x40] =	vst v2;
	v2 =	vmul.f32 v1, v4;
	v4 =	vld [tilespmem:s13+$0xB0]  }
0x2f4: {  	v12 =	vbroadcast v12, $0x0;
	[tilespmem:s13+$0x50] =	vst v3;
	v1 =	vmul.f32 v1, v6;
	v3 =	vld [tilespmem:s13+$0xC0]  }
0x2f5: {  	[tilespmem:s13+$0x60] =	vst v2;
	v2 =	vmul.f32 v0, v7;
	v6 =	vld [tilespmem:s13+$0xD0]  }
0x2f6: {  	[tilespmem:s13+$0x70] =	vst v1;
	v1 =	vmul.f32 v0, v8;
	v7 =	vld [tilespmem:s13+$0xE0]  }
0x2f7: {  	v5 =	vld.idx.msk [tilespmem:v5+s11+$0x0], $0xffff;
	[tilespmem:s13+$0x80] =	vst v2;
	v2 =	vmul.f32 v0, v9  }
0x2f8: {  	v8 =	vld.idx.msk [tilespmem:v11+s11+$0x0], $0xffff;
	[tilespmem:s13+$0x90] =	vst v1;
	v4 =	vmul.f32 v0, v4  }
0x2f9: {  	v1 =	vld.idx.msk [tilespmem:v10+s11+$0x0], $0xffff;
	[tilespmem:s13+$0xA0] =	vst v2;
	v2 =	vmul.f32 v0, v3  }
0x2fa: {  	s13 =	sadd.s32 $0x200, s13;
	v3 =	vld.idx.msk [tilespmem:v12+s11+$0x0], $0xffff;
	[tilespmem:s14+$0xB0] =	vst v4;
	v4 =	vmul.f32 v0, v6  }
0x2fb: {  	v6 =	vld [tilespmem:s13+$0xF0];
	[tilespmem:s14+$0xC0] =	vst v2;
	v0 =	vmul.f32 v0, v7  }
0x2fc: {  	v2 =	vld [tilespmem:s13+$0xFFFFFF00];
	[tilespmem:s14+$0xD0] =	vst v4  }
0x2fd: {  	v4 =	vld [tilespmem:s13+$0xFFFFFF10];
	[tilespmem:s14+$0xE0] =	vst v0;
	s14 =	smov.u32 s13  }
0x2fe: {  	v7 =	vld [tilespmem:s13+$0xFFFFFF20]  }
0x2ff: {  	v9 =	vld [tilespmem:s13+$0xFFFFFF30]  }
0x300: {  	v0 =	vmov v3;
	v10 =	vld [tilespmem:s13+$0xFFFFFF40];
	v6 =	vmul.f32 v3, v6  }
0x301: {  	v2 =	vmul.f32 v5, v2;
	v3 =	vld [tilespmem:s13+$0xFFFFFF50]  }
0x302: {  	v4 =	vmul.f32 v5, v4;
	v11 =	vld [tilespmem:s13+$0xFFFFFF60];
	[tilespmem:s13+$0xF0] =	vst v6  }
0x303: {  	[tilespmem:s13+$0xFFFFFF00] =	vst v2;
	v2 =	vmul.f32 v5, v7;
	v6 =	vld [tilespmem:s13+$0xFFFFFF70]  }
0x304: {  	[tilespmem:s13+$0xFFFFFF10] =	vst v4;
	v4 =	vmul.f32 v5, v9;
	v7 =	vld [tilespmem:s13+$0xFFFFFF80]  }
0x305: {  	[tilespmem:s13+$0xFFFFFF20] =	vst v2;
	v2 =	vmul.f32 v5, v10;
	v9 =	vld [tilespmem:s13+$0xFFFFFF90]  }
0x306: {  	[tilespmem:s13+$0xFFFFFF30] =	vst v4;
	v3 =	vmul.f32 v5, v3;
	v4 =	vld [tilespmem:s13+$0xFFFFFFA0]  }
0x307: {  	[tilespmem:s13+$0xFFFFFF40] =	vst v2;
	v2 =	vmul.f32 v5, v11;
	v10 =	vld [tilespmem:s13+$0xFFFFFFB0]  }
0x308: {  	[tilespmem:s13+$0xFFFFFF50] =	vst v3;
	v3 =	vmul.f32 v5, v6;
	v5 =	vld [tilespmem:s13+$0xFFFFFFC0]  }
0x309: {  	[tilespmem:s13+$0xFFFFFF60] =	vst v2;
	v2 =	vmul.f32 v8, v7;
	v6 =	vld [tilespmem:s13+$0xFFFFFFD0]  }
0x30a: {  	[tilespmem:s13+$0xFFFFFF70] =	vst v3;
	v3 =	vmul.f32 v8, v9;
	v7 =	vld [tilespmem:s13+$0xFFFFFFE0]  }
0x30b: {  	[tilespmem:s13+$0xFFFFFF80] =	vst v2;
	v2 =	vmul.f32 v8, v4;
	v4 =	vld [tilespmem:s13+$0xFFFFFFF0]  }
0x30c: {  	[tilespmem:s13+$0xFFFFFF90] =	vst v3;
	v3 =	vmul.f32 v8, v10;
	v9 =	vld [tilespmem:s13+$0x0]  }
0x30d: {  	[tilespmem:s13+$0xFFFFFFA0] =	vst v2;
	v2 =	vmul.f32 v8, v5;
	v5 =	vld [tilespmem:s13+$0x10]  }
0x30e: {  	[tilespmem:s13+$0xFFFFFFB0] =	vst v3;
	v3 =	vmul.f32 v8, v6;
	v6 =	vld [tilespmem:s13+$0x20]  }
0x30f: {  	[tilespmem:s13+$0xFFFFFFC0] =	vst v2;
	v7 =	vmul.f32 v8, v7;
	v12 =	vld [tilespmem:s13+$0x30]  }
.Ltmp7:
0x310: {  	s16 =	sadd.s32 $0x1, s15;
	v10 =	vmov s15;
	[tilespmem:s13+$0xFFFFFFD0] =	vst v3;
	v4 =	vmul.f32 v8, v4;
	v2 =	vld [tilespmem:s13+$0x40];
	(pc) =	sbr.rel @p1 .LBB2_13-.Ltmp7, $4  }
0x311: {  	v8 =	vand.u32 $0x7C, v10;
	v10 =	vmov s16;
	s16 =	sadd.s32 $0x2, s15;
	[tilespmem:s13+$0xFFFFFFE0] =	vst v7;
	v7 =	vmul.f32 v1, v9;
	v3 =	vld [tilespmem:s13+$0x50]  }
0x312: {  	v9 =	vor.u32 $0x100, v8;
	v8 =	vmov s16;
	[tilespmem:s13+$0xFFFFFFF0] =	vst v4;
	v13 =	vmul.f32 v1, v5;
	v4 =	vld [tilespmem:s13+$0x60]  }
0x313: {  	v11 =	vand.u32 $0x7D, v10;
	v10 =	vand.u32 $0x7E, v8;
	[tilespmem:s13+$0x0] =	vst v7;
	v8 =	vmul.f32 v1, v6;
	v6 =	vld [tilespmem:s13+$0x70]  }
0x314: {  	s16 =	sadd.s32 $0x3, s15;
	s15 =	sadd.s32 $0x4, s15;
	v5 =	vbroadcast v9, $0x0;
	v11 =	vor.u32 $0x100, v11;
	[tilespmem:s13+$0x10] =	vst v13;
	v9 =	vmul.f32 v1, v12;
	v7 =	vld [tilespmem:s13+$0x80]  }
0x315: {  	v13 =	vld [tilespmem:s13+$0x90]  }
0x316: {  	v14 =	vld [tilespmem:s13+$0xA0]  }
0x317: {  	v15 =	vld [tilespmem:s13+$0xB0]  }
0x318: {  	v16 =	vld [tilespmem:s13+$0xC0]  }
0x319: {  	[tilespmem:s13+$0x20] =	vst v8;
	v2 =	vmul.f32 v1, v2;
	v40 =	vld [tilespmem:s13+$0xD0]  }
0x31a: {  	v41 =	vld [tilespmem:s13+$0xE0];
	[tilespmem:s13+$0x30] =	vst v9;
	v3 =	vmul.f32 v1, v3  }
0x31b: {  	s15 =	sadd.s32 $0x200, s13;
	v43 =	vld.idx.msk [tilespmem:v5+s11+$0x0], $0xffff;
	[tilespmem:s13+$0x40] =	vst v2;
	v42 =	vmul.f32 v1, v4  }
0x31c: {  	v51 =	vld [tilespmem:s15+$0xFFFFFF00];
	[tilespmem:s13+$0x50] =	vst v3;
	v44 =	vmul.f32 v1, v6  }
0x31d: {  	v53 =	vld [tilespmem:s15+$0xFFFFFF10];
	[tilespmem:s13+$0x60] =	vst v42;
	v46 =	vmul.f32 v0, v7  }
0x31e: {  	v55 =	vld [tilespmem:s15+$0xFFFFFF20];
	[tilespmem:s13+$0x70] =	vst v44;
	v47 =	vmul.f32 v0, v13  }
0x31f: {  	v57 =	vld [tilespmem:s15+$0xFFFFFF30];
	v48 =	vmul.f32 v0, v14;
	[tilespmem:s13+$0x80] =	vst v46  }
0x320: {  	v58 =	vld [tilespmem:s15+$0xFFFFFF40];
	v50 =	vmul.f32 v0, v15;
	[tilespmem:s13+$0x90] =	vst v47  }
0x321: {  	v12 =	vmov s16;
	v11 =	vbroadcast v11, $0x0;
	v60 =	vld [tilespmem:s15+$0xFFFFFF50];
	v52 =	vmul.f32 v0, v16;
	[tilespmem:s13+$0xA0] =	vst v48  }
0x322: {  	v12 =	vand.u32 $0x7F, v12;
	v62 =	vld [tilespmem:s15+$0xFFFFFF60];
	v54 =	vmul.f32 v0, v40;
	[tilespmem:s14+$0xB0] =	vst v50  }
0x323: {  	v18 =	vld [tilespmem:s15+$0xFFFFFFA0];
	v12 =	vor.u32 $0x100, v12;
	v56 =	vmul.f32 v0, v41;
	[tilespmem:s14+$0xC0] =	vst v52  }
0x324: {  	v20 =	vld [tilespmem:s15+$0xFFFFFFB0];
	v12 =	vbroadcast v12, $0x0;
	v59 =	vmul.f32 v43, v51;
	[tilespmem:s14+$0xD0] =	vst v54  }
0x325: {  	v13 =	vld [tilespmem:s15+$0xFFFFFF70];
	v61 =	vmul.f32 v43, v53;
	[tilespmem:s14+$0xE0] =	vst v56  }
0x326: {  	v14 =	vld [tilespmem:s15+$0xFFFFFF80];
	v2 =	vmul.f32 v43, v57;
	[tilespmem:s15+$0xFFFFFF00] =	vst v59  }
0x327: {  	v45 =	vld.idx.msk [tilespmem:v11+s11+$0x0], $0xffff;
	v15 =	vmul.f32 v43, v58;
	[tilespmem:s15+$0xFFFFFF10] =	vst v61  }
0x328: {  	v10 =	vor.u32 $0x100, v10;
	v16 =	vld [tilespmem:s15+$0xFFFFFF90];
	v17 =	vmul.f32 v43, v60;
	[tilespmem:s15+$0xFFFFFF30] =	vst v2  }
0x329: {  	v10 =	vbroadcast v10, $0x0;
	v22 =	vld [tilespmem:s15+$0xFFFFFFC0];
	v19 =	vmul.f32 v43, v62;
	[tilespmem:s15+$0xFFFFFF40] =	vst v15  }
0x32a: {  	[tilespmem:s15+$0xFFFFFF50] =	vst v17;
	v6 =	vld.idx.msk [tilespmem:v12+s11+$0x0], $0xffff;
	v12 =	vmul.f32 v43, v55  }
0x32b: {  	v24 =	vld [tilespmem:s15+$0xFFFFFFD0];
	[tilespmem:s15+$0xFFFFFF60] =	vst v19;
	v21 =	vmul.f32 v43, v13  }
0x32c: {  	v25 =	vld [tilespmem:s15+$0xFFFFFFE0];
	[tilespmem:s15+$0xFFFFFF20] =	vst v12;
	v23 =	vmul.f32 v45, v14  }
0x32d: {  	v27 =	vld [tilespmem:s15+$0xFFFFFFF0];
	v1 =	vmul.f32 v45, v16;
	[tilespmem:s15+$0xFFFFFF70] =	vst v21  }
0x32e: {  	v29 =	vld [tilespmem:s15+$0x0];
	v26 =	vmul.f32 v45, v18;
	[tilespmem:s15+$0xFFFFFF80] =	vst v23  }
0x32f: {  	v5 =	vld.idx.msk [tilespmem:v10+s11+$0x0], $0xffff;
	v28 =	vmul.f32 v45, v20;
	[tilespmem:s15+$0xFFFFFF90] =	vst v1  }
0x330: {  	v31 =	vld [tilespmem:s15+$0x10];
	v30 =	vmul.f32 v45, v22;
	[tilespmem:s15+$0xFFFFFFA0] =	vst v26  }
0x331: {  	v33 =	vld [tilespmem:s15+$0x20];
	v32 =	vmul.f32 v45, v24;
	[tilespmem:s15+$0xFFFFFFB0] =	vst v28  }
0x332: {  	v35 =	vld [tilespmem:s15+$0x30];
	v34 =	vmul.f32 v45, v25;
	[tilespmem:s15+$0xFFFFFFC0] =	vst v30  }
0x333: {  	v37 =	vld [tilespmem:s15+$0x40];
	v36 =	vmul.f32 v45, v27;
	[tilespmem:s15+$0xFFFFFFD0] =	vst v32  }
0x334: {  	v39 =	vld [tilespmem:s15+$0x50];
	v38 =	vmul.f32 v5, v29;
	[tilespmem:s15+$0xFFFFFFE0] =	vst v34  }
0x335: {  	v41 =	vld [tilespmem:s15+$0x60];
	v40 =	vmul.f32 v5, v31;
	[tilespmem:s15+$0xFFFFFFF0] =	vst v36  }
0x336: {  	v49 =	vld [tilespmem:s15+$0xF0];
	v42 =	vmul.f32 v5, v33;
	[tilespmem:s15+$0x0] =	vst v38  }
0x337: {  	v47 =	vld [tilespmem:s15+$0x90];
	v44 =	vmul.f32 v5, v35;
	[tilespmem:s15+$0x10] =	vst v40  }
0x338: {  	v51 =	vld [tilespmem:s15+$0xB0];
	v46 =	vmul.f32 v5, v37;
	[tilespmem:s15+$0x20] =	vst v42  }
0x339: {  	v53 =	vld [tilespmem:s15+$0xC0];
	v48 =	vmul.f32 v5, v39;
	[tilespmem:s15+$0x30] =	vst v44  }
0x33a: {  	v55 =	vld [tilespmem:s15+$0xD0];
	v50 =	vmul.f32 v5, v41;
	[tilespmem:s15+$0x40] =	vst v46  }
0x33b: {  	v57 =	vld [tilespmem:s15+$0xE0];
	v7 =	vmul.f32 v6, v49;
	[tilespmem:s15+$0x50] =	vst v48  }
0x33c: {  	v43 =	vld [tilespmem:s15+$0x70];
	[tilespmem:s15+$0x60] =	vst v50;
	v56 =	vmul.f32 v6, v47  }
0x33d: {  	v45 =	vld [tilespmem:s15+$0x80];
	v59 =	vmul.f32 v6, v51;
	[tilespmem:s15+$0xF0] =	vst v7  }
0x33e: {  	v49 =	vld [tilespmem:s15+$0xA0];
	v60 =	vmul.f32 v6, v53;
	[tilespmem:s15+$0x90] =	vst v56  }
0x33f: {  	v61 =	vmul.f32 v6, v55;
	[tilespmem:s15+$0xB0] =	vst v59  }
0x340: {  	v62 =	vmul.f32 v6, v57;
	[tilespmem:s15+$0xC0] =	vst v60  }
0x341: {  	v52 =	vmul.f32 v5, v43;
	[tilespmem:s15+$0xD0] =	vst v61  }
0x342: {  	v54 =	vmul.f32 v6, v45;
	[tilespmem:s15+$0xE0] =	vst v62  }
0x343: {  	[tilespmem:s15+$0x70] =	vst v52;
	v58 =	vmul.f32 v6, v49  }
0x344: {  	[tilespmem:s15+$0x80] =	vst v54  }
.Ltmp8:
0x345: {  	s16 =	simm.s32 $0xA80;
	[tilespmem:s15+$0xA0] =	vst v58;
	(pc) =	sbr.rel @p0 .LBB2_16-.Ltmp8, $4  }
0x346: {  	[spmem:s4] =	stream.indirect.scatter.add.f32 [tilespmem:s10], [sflag:$0xC], $0x80, s16, s29, $0xb8;
	v63 =	vld [tilespmem:$0x0]  }
0x347: {  	_ =	swait.ge [sflag:s21], $0x3C00  }
0x348: {  	[sflag:s21] =	ssyncset.done $0x0  }
0x349: {  	[sflag:s21] =	ssyncadd.s32 $0xFFFFC400  }
0x34a: {  	_ =	swait.ge [sflag:s31], $0x180  }
0x34b: {  	[sflag:s31] =	ssyncset.done $0x0;
	s13 =	rddreg [dreg:$0xf]  }
.Ltmp9:
0x34c: {  	[sflag:s31] =	ssyncadd.s32 $0xFFFFFE80;
	s13 =	sadd.s32 s18, s13;
	(pc) =	sbr.rel .LBB2_2-.Ltmp9, $4  }
0x34d: {  	[tilespmem:s0], [sflag:$0x8] =	stream.indirect.gather [hbm4b:s1+s29], $0x80, s23, s29, $0xb8;
	v63 =	vld [tilespmem:$0x0]  }
0x34e: {  	s13 =	sshrl.u32 s13, $0x3  }
0x34f: {  	s2 =	sadd.s32 $0x1, s2;
	s13 =	sadd.s32 s6, s13  }
0x350: {  	[tilespmem:s26], [sflag:$0x5] =	stream.linear.gather [hbm4b:s13+s5], $0x180, $0x38;
	v63 =	vld [tilespmem:$0x0]  }
.LBB2_17:
0x351: {  	_ =	sfence.sel $0x180000  }
0x352: {  	[bflag:$0x0] =	sbarrier.arrive $0xFFFF  }
0x353: {  	_ =	strace $0x9000004A  }
0x354: {  	s0 =	stileid.u32;
	[bflag:$0x2] =	sbarrier.arrive $0xFFFF  }
0x355: {  	p0 =	sne.s32 s0, $0x0;
	s0 =	rddreg [dreg:$0x4]  }
0x356: {  	s0 =	sadd.s32 @!p0 $0x100000, s0  }
0x357: {  	[sflag:s0] =	ssyncadd.tile.s32 @!p0 $0x1;
	_ =	shalt  }
.Lfunc_end2:
_tile_overlayer_lowered:
.L_overlay_start_2:
0x358: {  	(tag) =	ssettag $0x2  }
0x359: {  	s0 =	rddreg [dreg:$0x0];
	s2 =	stileid.u32  }
0x35a: {  	s1 =	rddreg [dreg:$0x1];
	p0 =	sne.s32 s2, $0x0  }
0x35b: {  	s3 =	rddreg [dreg:$0x2];
	[bflag:$0x3] =	sbarrier.arrive $0xFFFF;
	s2 =	simm.s32 @!p0 $0x1C0D  }
0x35c: {  	[timem:s3], [sflag:s2] =	dma.local @!p0 [hbm:s0], s1  }
0x35d: {  	s0 =	simm.s32 @!p0 $0xD  }
0x35e: {  	_ =	swait.ge @!p0 [sflag:s0], s1  }
0x35f: {  	s1 =	ssub.s32 @!p0 $0x0, s1;
	[sflag:s0] =	ssyncset.done @!p0 $0x0  }
0x360: {  	[sflag:s0] =	ssyncadd.s32 @!p0 s1  }
0x361: {  	[bflag:$0x3] =	sbarrier.arrive $0xFFFF  }
0x362: {  	_ =	shalt  }

</sc_bundles>
